<compile_context>
chip_gen: v7x
topology: tpu7x:2x2x1
jax: 0.10.2.dev20260603
libtpu: 0.0.44.dev20260713+nightly
codegen_flags: <defaults>
</compile_context>

<pallas_src>
import functools

import jax
import jax.numpy as jnp
from jax import lax
from jax.experimental import pallas as pl
from jax.experimental.pallas import tpu as pltpu
from jax.experimental.pallas import tpu_sc as plsc

N_NODES = 10000
D = 128
DH = D // 2
NC = 2
NS = 16
CHUNK = 64
NB = 8
CPT = 320
EPT = CHUNK * CPT
E_PAD = NS * EPT
NPAD = 10240
RPT = NPAD // NS


def _sc_segment_sum(xf, srcs, dsts):
    mesh = plsc.VectorSubcoreMesh(core_axis_name="c", subcore_axis_name="s")

    @functools.partial(
        pl.kernel,
        mesh=mesh,
        compiler_params=pltpu.CompilerParams(use_tc_tiling_on_sc=False),
        out_type=jax.ShapeDtypeStruct((NC, NPAD, DH), jnp.float32),
        scratch_types=[
            pltpu.VMEM((CPT * CHUNK,), jnp.int32),
            pltpu.VMEM((CPT, CHUNK), jnp.int32),
            [pltpu.VMEM((CHUNK, DH), jnp.float32)] * NB,
            pltpu.VMEM((CHUNK, DH), jnp.float32),
            pltpu.VMEM_SHARED((NPAD, DH), jnp.float32),
            [pltpu.SemaphoreType.DMA] * NB,
            [pltpu.SemaphoreType.DMA] * NB,
        ],
    )
    def k(x_hbm, src_hbm, dst_hbm, out_hbm,
          src_v, dst_v, bufs, zbuf, acc, gsem, ssem):
        c = lax.axis_index("c")
        s = lax.axis_index("s")
        pltpu.sync_copy(src_hbm.at[s], src_v)
        pltpu.sync_copy(dst_hbm.at[s], dst_v)

        def prep(cc):
            base = cc * CHUNK
            for j in range(CHUNK // 16):
                sl = pl.ds(base + j * 16, 16)
                src_v[sl] = src_v[sl] * 2 + c
        zv = jnp.zeros((16,), jnp.float32)
        for r in range(CHUNK):
            for j in range(DH // 16):
                zbuf[r, pl.ds(j * 16, 16)] = zv
        for t in range(RPT // CHUNK):
            pltpu.sync_copy(zbuf, acc.at[pl.ds(s * RPT + t * CHUNK, CHUNK)])
        plsc.subcore_barrier()

        for b in range(NB):
            prep(b)
            pltpu.async_copy(
                x_hbm.at[src_v.at[pl.ds(b * CHUNK, CHUNK)]], bufs[b], gsem[b])

        def step(g, carry):
            base = NB * g
            for b in range(NB):
                pltpu.make_async_copy(
                    x_hbm.at[src_v.at[pl.ds((base + b) * CHUNK, CHUNK)]],
                    bufs[b], gsem[b]).wait()
                pltpu.async_copy(
                    bufs[b], acc.at[dst_v.at[base + b]], ssem[b], add=True)
            for b in range(NB):
                @pl.when(base + b + NB < CPT)
                def _(b=b):
                    pltpu.make_async_copy(
                        bufs[b], acc.at[dst_v.at[base + b]], ssem[b]).wait()
                    prep(base + b + NB)
                    pltpu.async_copy(
                        x_hbm.at[src_v.at[pl.ds((base + b + NB) * CHUNK,
                                                CHUNK)]],
                        bufs[b], gsem[b])
            return carry

        lax.fori_loop(0, CPT // NB, step, 0)
        for b in range(NB):
            pltpu.make_async_copy(
                bufs[b], acc.at[dst_v.at[CPT - NB + b]], ssem[b]).wait()
        plsc.subcore_barrier()
        pltpu.sync_copy(acc.at[pl.ds(s * RPT, RPT)],
                        out_hbm.at[c, pl.ds(s * RPT, RPT)])

    return k(xf, srcs, dsts)


def _tc_finish(parts, w):
    blk = 2000

    def body(p_ref, w_ref, o_ref):
        a = jnp.concatenate([p_ref[0], p_ref[1]], axis=1)
        h = lax.dot_general(a, w_ref[...], (((1,), (1,)), ((), ())),
                            preferred_element_type=jnp.float32,
                            precision=lax.Precision.HIGHEST)
        o_ref[...] = jnp.maximum(h, 0.0)

    return pl.pallas_call(
        body,
        grid=(N_NODES // blk,),
        in_specs=[
            pl.BlockSpec((NC, blk, DH), lambda i: (0, i, 0)),
            pl.BlockSpec((D, D), lambda i: (0, 0)),
        ],
        out_specs=pl.BlockSpec((blk, D), lambda i: (i, 0)),
        out_shape=jax.ShapeDtypeStruct((N_NODES, D), jnp.float32),
    )(parts, w)


def kernel(x, edge_index, W):
    src = edge_index[0]
    dst = edge_index[1]
    e = src.shape[0]
    pad = E_PAD - e
    pad_src = (jnp.arange(pad, dtype=jnp.int32) * 131) % N_NODES
    pad_dst = N_NODES + (jnp.arange(pad, dtype=jnp.int32) % (NPAD - N_NODES))
    x2 = x.reshape(2 * N_NODES, DH)
    srcs = jnp.concatenate([src, pad_src]).reshape(NS, CPT * CHUNK)
    dsts = jnp.concatenate([dst, pad_dst]).reshape(NS, CPT, CHUNK)
    parts = _sc_segment_sum(x2, srcs, dsts)
    return _tc_finish(parts, W)

# --- scband reference (transcript-rebuilt; emitter-appended) ---
"""Pipeline reference for scband-combined-model-25563645346362 (READ-ONLY COPY).

The authoritative reference and input builder live on the scoring server;
editing this copy changes nothing except your own understanding.
"""

import jax, jax.numpy as jnp
import numpy as np

N_NODES = 10000
N_EDGES = 320000
D_FEAT = 128

def setup_inputs(seed: int = 0) -> dict:
    key = jax.random.key(seed)
    k1, k2, k3 = jax.random.split(key, 3)
    x = jax.random.normal(k1, (N_NODES, D_FEAT), dtype=jnp.float32)
    edge_index = jax.random.randint(k2, (2, N_EDGES), 0, N_NODES, dtype=jnp.int32)
    # learned parameter: MLPUpdate's Linear(in_channels=128, out_channels=128, bias=False)
    W = jax.random.normal(k3, (D_FEAT, D_FEAT), dtype=jnp.float32) * (1.0 / np.sqrt(D_FEAT))
    return {"x": x, "edge_index": edge_index, "W": W}

def reference(x, edge_index, W):
    # Pipeline: MLPUpdate -> MessageGeneration -> MessageAggregation
    # MLPUpdate: x = Linear(x) (no bias); torch Linear computes x @ W^T
    h = x @ W.T
    # MessageGeneration: gather source-node features as messages
    src = edge_index[0]
    messages = h[src]
    # MessageAggregation: scatter_add messages by destination index, then relu (update)
    dst = edge_index[1]
    agg = jax.ops.segment_sum(messages, dst, num_segments=h.shape[0])
    out = jax.nn.relu(agg)
    return out

if __name__ == "__main__":
    import jax
    _d = setup_inputs()
    print(jax.jit(kernel)(*tuple(_d.values())))

</pallas_src>

<mosaic_0001>
#map = affine_map<(d0, d1) -> (0, 0)>
#map1 = affine_map<(d0, d1) -> (0, 0, 0)>
module attributes {stable_mosaic.version = 14 : i64} {
  func.func @k(%arg0: i32, %arg1: i32, %arg2: memref<20000x64xf32, #tpu.memory_space<hbm>>, %arg3: memref<16x20480xi32, #tpu.memory_space<hbm>>, %arg4: memref<16x320x64xi32, #tpu.memory_space<hbm>>, %arg5: memref<2x10240x64xf32, #tpu.memory_space<hbm>>, %arg6: memref<20480xi32, #tpu.memory_space<vmem>>, %arg7: memref<320x64xi32, #tpu.memory_space<vmem>>, %arg8: memref<64x64xf32, #tpu.memory_space<vmem>>, %arg9: memref<64x64xf32, #tpu.memory_space<vmem>>, %arg10: memref<64x64xf32, #tpu.memory_space<vmem>>, %arg11: memref<64x64xf32, #tpu.memory_space<vmem>>, %arg12: memref<64x64xf32, #tpu.memory_space<vmem>>, %arg13: memref<64x64xf32, #tpu.memory_space<vmem>>, %arg14: memref<64x64xf32, #tpu.memory_space<vmem>>, %arg15: memref<64x64xf32, #tpu.memory_space<vmem>>, %arg16: memref<64x64xf32, #tpu.memory_space<vmem>>, %arg17: memref<10240x64xf32, #tpu.memory_space<vmem_shared>>, %arg18: memref<!tpu.dma_semaphore, #tpu.memory_space<semaphore_mem>>, %arg19: memref<!tpu.dma_semaphore, #tpu.memory_space<semaphore_mem>>, %arg20: memref<!tpu.dma_semaphore, #tpu.memory_space<semaphore_mem>>, %arg21: memref<!tpu.dma_semaphore, #tpu.memory_space<semaphore_mem>>, %arg22: memref<!tpu.dma_semaphore, #tpu.memory_space<semaphore_mem>>, %arg23: memref<!tpu.dma_semaphore, #tpu.memory_space<semaphore_mem>>, %arg24: memref<!tpu.dma_semaphore, #tpu.memory_space<semaphore_mem>>, %arg25: memref<!tpu.dma_semaphore, #tpu.memory_space<semaphore_mem>>, %arg26: memref<!tpu.dma_semaphore, #tpu.memory_space<semaphore_mem>>, %arg27: memref<!tpu.dma_semaphore, #tpu.memory_space<semaphore_mem>>, %arg28: memref<!tpu.dma_semaphore, #tpu.memory_space<semaphore_mem>>, %arg29: memref<!tpu.dma_semaphore, #tpu.memory_space<semaphore_mem>>, %arg30: memref<!tpu.dma_semaphore, #tpu.memory_space<semaphore_mem>>, %arg31: memref<!tpu.dma_semaphore, #tpu.memory_space<semaphore_mem>>, %arg32: memref<!tpu.dma_semaphore, #tpu.memory_space<semaphore_mem>>, %arg33: memref<!tpu.dma_semaphore, #tpu.memory_space<semaphore_mem>>) attributes {dimension_semantics = [#tpu.dimension_semantics<core_parallel>, #tpu.dimension_semantics<subcore_parallel>], iteration_bounds = array<i64: 2, 16>, scalar_prefetch = 0 : i64, scratch_operands = 28 : i64, tpu.core_type = #tpu.core_type<sc_vector_subcore>, window_params = [{transform_indices = #map}, {transform_indices = #map}, {transform_indices = #map1}, {transform_indices = #map1}]} {
    "tpu.region"() ({
      %run_scoped3A = tpu.sem_alloc : memref<!tpu.dma_semaphore, #tpu.memory_space<semaphore_mem>>
      %dma_start3A_2061 = arith.constant 0 : i32
      %dma_start3A_2062 = tpu.memref_slice %arg3[%arg1, %dma_start3A_2061] : memref<16x20480xi32, #tpu.memory_space<hbm>> -> memref<1x20480xi32, #tpu.memory_space<hbm>>
      %dma_start3A_2063 = tpu.memref_squeeze %dma_start3A_2062 : memref<1x20480xi32, #tpu.memory_space<hbm>> -> memref<20480xi32, #tpu.memory_space<hbm>>
      %dma_start3A_2064 = arith.constant 0 : i32
      %dma_start3A_2065 = tpu.memref_slice %arg3[%arg1, %dma_start3A_2064] : memref<16x20480xi32, #tpu.memory_space<hbm>> -> memref<1x20480xi32, #tpu.memory_space<hbm>>
      %dma_start3A_2066 = tpu.memref_squeeze %dma_start3A_2065 : memref<1x20480xi32, #tpu.memory_space<hbm>> -> memref<20480xi32, #tpu.memory_space<hbm>>
      tpu.enqueue_dma source(%dma_start3A_2066 : memref<20480xi32, #tpu.memory_space<hbm>>) target(%arg6 : memref<20480xi32, #tpu.memory_space<vmem>>) target_semaphore(%run_scoped3A : memref<!tpu.dma_semaphore, #tpu.memory_space<semaphore_mem>>)
      %dma_wait3A_2067 = arith.constant 0 : i32
      %dma_wait3A_2068 = tpu.memref_slice %arg3[%arg1, %dma_wait3A_2067] : memref<16x20480xi32, #tpu.memory_space<hbm>> -> memref<1x20480xi32, #tpu.memory_space<hbm>>
      %dma_wait3A_2069 = tpu.memref_squeeze %dma_wait3A_2068 : memref<1x20480xi32, #tpu.memory_space<hbm>> -> memref<20480xi32, #tpu.memory_space<hbm>>
      %dma_wait3A_2070 = arith.constant 0 : i32
      %dma_wait3A_2071 = tpu.memref_slice %arg3[%arg1, %dma_wait3A_2070] : memref<16x20480xi32, #tpu.memory_space<hbm>> -> memref<1x20480xi32, #tpu.memory_space<hbm>>
      %dma_wait3A_2072 = tpu.memref_squeeze %dma_wait3A_2071 : memref<1x20480xi32, #tpu.memory_space<hbm>> -> memref<20480xi32, #tpu.memory_space<hbm>>
      tpu.wait_dma2 semaphore(%run_scoped3A : memref<!tpu.dma_semaphore, #tpu.memory_space<semaphore_mem>>) src(%dma_wait3A_2072 : memref<20480xi32, #tpu.memory_space<hbm>>) dst(%arg6 : memref<20480xi32, #tpu.memory_space<vmem>>)
      tpu.yield
    }) : () -> ()
    "tpu.region"() ({
      %run_scoped3A = tpu.sem_alloc : memref<!tpu.dma_semaphore, #tpu.memory_space<semaphore_mem>>
      %dma_start3A_2061 = arith.constant 0 : i32
      %dma_start3A_2062 = arith.constant 0 : i32
      %dma_start3A_2063 = tpu.memref_slice %arg4[%arg1, %dma_start3A_2061, %dma_start3A_2062] : memref<16x320x64xi32, #tpu.memory_space<hbm>> -> memref<1x320x64xi32, #tpu.memory_space<hbm>>
      %dma_start3A_2064 = tpu.memref_squeeze %dma_start3A_2063 : memref<1x320x64xi32, #tpu.memory_space<hbm>> -> memref<320x64xi32, #tpu.memory_space<hbm>>
      %dma_start3A_2065 = arith.constant 0 : i32
      %dma_start3A_2066 = arith.constant 0 : i32
      %dma_start3A_2067 = tpu.memref_slice %arg4[%arg1, %dma_start3A_2065, %dma_start3A_2066] : memref<16x320x64xi32, #tpu.memory_space<hbm>> -> memref<1x320x64xi32, #tpu.memory_space<hbm>>
      %dma_start3A_2068 = tpu.memref_squeeze %dma_start3A_2067 : memref<1x320x64xi32, #tpu.memory_space<hbm>> -> memref<320x64xi32, #tpu.memory_space<hbm>>
      tpu.enqueue_dma source(%dma_start3A_2068 : memref<320x64xi32, #tpu.memory_space<hbm>>) target(%arg7 : memref<320x64xi32, #tpu.memory_space<vmem>>) target_semaphore(%run_scoped3A : memref<!tpu.dma_semaphore, #tpu.memory_space<semaphore_mem>>)
      %dma_wait3A_2069 = arith.constant 0 : i32
      %dma_wait3A_2070 = arith.constant 0 : i32
      %dma_wait3A_2071 = tpu.memref_slice %arg4[%arg1, %dma_wait3A_2069, %dma_wait3A_2070] : memref<16x320x64xi32, #tpu.memory_space<hbm>> -> memref<1x320x64xi32, #tpu.memory_space<hbm>>
      %dma_wait3A_2072 = tpu.memref_squeeze %dma_wait3A_2071 : memref<1x320x64xi32, #tpu.memory_space<hbm>> -> memref<320x64xi32, #tpu.memory_space<hbm>>
      %dma_wait3A_2073 = arith.constant 0 : i32
      %dma_wait3A_2074 = arith.constant 0 : i32
      %dma_wait3A_2075 = tpu.memref_slice %arg4[%arg1, %dma_wait3A_2073, %dma_wait3A_2074] : memref<16x320x64xi32, #tpu.memory_space<hbm>> -> memref<1x320x64xi32, #tpu.memory_space<hbm>>
      %dma_wait3A_2076 = tpu.memref_squeeze %dma_wait3A_2075 : memref<1x320x64xi32, #tpu.memory_space<hbm>> -> memref<320x64xi32, #tpu.memory_space<hbm>>
      tpu.wait_dma2 semaphore(%run_scoped3A : memref<!tpu.dma_semaphore, #tpu.memory_space<semaphore_mem>>) src(%dma_wait3A_2076 : memref<320x64xi32, #tpu.memory_space<hbm>>) dst(%arg7 : memref<320x64xi32, #tpu.memory_space<vmem>>)
      tpu.yield
    }) : () -> ()
    %broadcast_in_dim3A = arith.constant 0.000000e+00 : f32
    %broadcast_in_dim3A_0 = vector.broadcast %broadcast_in_dim3A : f32 to vector<16xf32>
    %swap3A = arith.constant 0 : i32
    %swap3A_1 = arith.index_cast %swap3A : i32 to index
    %swap3A_2 = arith.constant 0 : index
    %swap3A_3 = tpu.vector_load %arg16[%swap3A_1, %swap3A_2] {strides = array<i32>} : memref<64x64xf32, #tpu.memory_space<vmem>>, vector<1x16xf32>,
    %swap3A_4 = vector.shape_cast %swap3A_3 : vector<1x16xf32> to vector<16xf32>
    %swap3A_5 = vector.shape_cast %broadcast_in_dim3A_0 : vector<16xf32> to vector<1x16xf32>
    tpu.vector_store %arg16[%swap3A_1, %swap3A_2], %swap3A_5 {strides = array<i32>} : memref<64x64xf32, #tpu.memory_space<vmem>>, vector<1x16xf32>,
    %swap3A_6 = arith.constant 0 : i32
    %swap3A_7 = arith.index_cast %swap3A_6 : i32 to index
    %swap3A_8 = arith.constant 16 : index
    %swap3A_9 = tpu.vector_load %arg16[%swap3A_7, %swap3A_8] {strides = array<i32>} : memref<64x64xf32, #tpu.memory_space<vmem>>, vector<1x16xf32>,
    %swap3A_10 = vector.shape_cast %swap3A_9 : vector<1x16xf32> to vector<16xf32>
    %swap3A_11 = vector.shape_cast %broadcast_in_dim3A_0 : vector<16xf32> to vector<1x16xf32>
    tpu.vector_store %arg16[%swap3A_7, %swap3A_8], %swap3A_11 {strides = array<i32>} : memref<64x64xf32, #tpu.memory_space<vmem>>, vector<1x16xf32>,
    %swap3A_12 = arith.constant 0 : i32
    %swap3A_13 = arith.index_cast %swap3A_12 : i32 to index
    %swap3A_14 = arith.constant 32 : index
    %swap3A_15 = tpu.vector_load %arg16[%swap3A_13, %swap3A_14] {strides = array<i32>} : memref<64x64xf32, #tpu.memory_space<vmem>>, vector<1x16xf32>,
    %swap3A_16 = vector.shape_cast %swap3A_15 : vector<1x16xf32> to vector<16xf32>
    %swap3A_17 = vector.shape_cast %broadcast_in_dim3A_0 : vector<16xf32> to vector<1x16xf32>
    tpu.vector_store %arg16[%swap3A_13, %swap3A_14], %swap3A_17 {strides = array<i32>} : memref<64x64xf32, #tpu.memory_space<vmem>>, vector<1x16xf32>,
    %swap3A_18 = arith.constant 0 : i32
    %swap3A_19 = arith.index_cast %swap3A_18 : i32 to index
    %swap3A_20 = arith.constant 48 : index
    %swap3A_21 = tpu.vector_load %arg16[%swap3A_19, %swap3A_20] {strides = array<i32>} : memref<64x64xf32, #tpu.memory_space<vmem>>, vector<1x16xf32>,
    %swap3A_22 = vector.shape_cast %swap3A_21 : vector<1x16xf32> to vector<16xf32>
    %swap3A_23 = vector.shape_cast %broadcast_in_dim3A_0 : vector<16xf32> to vector<1x16xf32>
    tpu.vector_store %arg16[%swap3A_19, %swap3A_20], %swap3A_23 {strides = array<i32>} : memref<64x64xf32, #tpu.memory_space<vmem>>, vector<1x16xf32>,
    %swap3A_24 = arith.constant 1 : i32
    %swap3A_25 = arith.index_cast %swap3A_24 : i32 to index
    %swap3A_26 = arith.constant 0 : index
    %swap3A_27 = tpu.vector_load %arg16[%swap3A_25, %swap3A_26] {strides = array<i32>} : memref<64x64xf32, #tpu.memory_space<vmem>>, vector<1x16xf32>,
    %swap3A_28 = vector.shape_cast %swap3A_27 : vector<1x16xf32> to vector<16xf32>
    %swap3A_29 = vector.shape_cast %broadcast_in_dim3A_0 : vector<16xf32> to vector<1x16xf32>
    tpu.vector_store %arg16[%swap3A_25, %swap3A_26], %swap3A_29 {strides = array<i32>} : memref<64x64xf32, #tpu.memory_space<vmem>>, vector<1x16xf32>,
    %swap3A_30 = arith.constant 1 : i32
    %swap3A_31 = arith.index_cast %swap3A_30 : i32 to index
    %swap3A_32 = arith.constant 16 : index
    %swap3A_33 = tpu.vector_load %arg16[%swap3A_31, %swap3A_32] {strides = array<i32>} : memref<64x64xf32, #tpu.memory_space<vmem>>, vector<1x16xf32>,
    %swap3A_34 = vector.shape_cast %swap3A_33 : vector<1x16xf32> to vector<16xf32>
    %swap3A_35 = vector.shape_cast %broadcast_in_dim3A_0 : vector<16xf32> to vector<1x16xf32>
    tpu.vector_store %arg16[%swap3A_31, %swap3A_32], %swap3A_35 {strides = array<i32>} : memref<64x64xf32, #tpu.memory_space<vmem>>, vector<1x16xf32>,
    %swap3A_36 = arith.constant 1 : i32
    %swap3A_37 = arith.index_cast %swap3A_36 : i32 to index
    %swap3A_38 = arith.constant 32 : index
    %swap3A_39 = tpu.vector_load %arg16[%swap3A_37, %swap3A_38] {strides = array<i32>} : memref<64x64xf32, #tpu.memory_space<vmem>>, vector<1x16xf32>,
    %swap3A_40 = vector.shape_cast %swap3A_39 : vector<1x16xf32> to vector<16xf32>
    %swap3A_41 = vector.shape_cast %broadcast_in_dim3A_0 : vector<16xf32> to vector<1x16xf32>
    tpu.vector_store %arg16[%swap3A_37, %swap3A_38], %swap3A_41 {strides = array<i32>} : memref<64x64xf32, #tpu.memory_space<vmem>>, vector<1x16xf32>,
    %swap3A_42 = arith.constant 1 : i32
    %swap3A_43 = arith.index_cast %swap3A_42 : i32 to index
    %swap3A_44 = arith.constant 48 : index
    %swap3A_45 = tpu.vector_load %arg16[%swap3A_43, %swap3A_44] {strides = array<i32>} : memref<64x64xf32, #tpu.memory_space<vmem>>, vector<1x16xf32>,
    %swap3A_46 = vector.shape_cast %swap3A_45 : vector<1x16xf32> to vector<16xf32>
    %swap3A_47 = vector.shape_cast %broadcast_in_dim3A_0 : vector<16xf32> to vector<1x16xf32>
    tpu.vector_store %arg16[%swap3A_43, %swap3A_44], %swap3A_47 {strides = array<i32>} : memref<64x64xf32, #tpu.memory_space<vmem>>, vector<1x16xf32>,
    %swap3A_48 = arith.constant 2 : i32
    %swap3A_49 = arith.index_cast %swap3A_48 : i32 to index
    %swap3A_50 = arith.constant 0 : index
    %swap3A_51 = tpu.vector_load %arg16[%swap3A_49, %swap3A_50] {strides = array<i32>} : memref<64x64xf32, #tpu.memory_space<vmem>>, vector<1x16xf32>,
    %swap3A_52 = vector.shape_cast %swap3A_51 : vector<1x16xf32> to vector<16xf32>
    %swap3A_53 = vector.shape_cast %broadcast_in_dim3A_0 : vector<16xf32> to vector<1x16xf32>
    tpu.vector_store %arg16[%swap3A_49, %swap3A_50], %swap3A_53 {strides = array<i32>} : memref<64x64xf32, #tpu.memory_space<vmem>>, vector<1x16xf32>,
    %swap3A_54 = arith.constant 2 : i32
    %swap3A_55 = arith.index_cast %swap3A_54 : i32 to index
    %swap3A_56 = arith.constant 16 : index
    %swap3A_57 = tpu.vector_load %arg16[%swap3A_55, %swap3A_56] {strides = array<i32>} : memref<64x64xf32, #tpu.memory_space<vmem>>, vector<1x16xf32>,
    %swap3A_58 = vector.shape_cast %swap3A_57 : vector<1x16xf32> to vector<16xf32>
    %swap3A_59 = vector.shape_cast %broadcast_in_dim3A_0 : vector<16xf32> to vector<1x16xf32>
    tpu.vector_store %arg16[%swap3A_55, %swap3A_56], %swap3A_59 {strides = array<i32>} : memref<64x64xf32, #tpu.memory_space<vmem>>, vector<1x16xf32>,
    %swap3A_60 = arith.constant 2 : i32
    %swap3A_61 = arith.index_cast %swap3A_60 : i32 to index
    %swap3A_62 = arith.constant 32 : index
    %swap3A_63 = tpu.vector_load %arg16[%swap3A_61, %swap3A_62] {strides = array<i32>} : memref<64x64xf32, #tpu.memory_space<vmem>>, vector<1x16xf32>,
    %swap3A_64 = vector.shape_cast %swap3A_63 : vector<1x16xf32> to vector<16xf32>
    %swap3A_65 = vector.shape_cast %broadcast_in_dim3A_0 : vector<16xf32> to vector<1x16xf32>
    tpu.vector_store %arg16[%swap3A_61, %swap3A_62], %swap3A_65 {strides = array<i32>} : memref<64x64xf32, #tpu.memory_space<vmem>>, vector<1x16xf32>,
    %swap3A_66 = arith.constant 2 : i32
    %swap3A_67 = arith.index_cast %swap3A_66 : i32 to index
    %swap3A_68 = arith.constant 48 : index
    %swap3A_69 = tpu.vector_load %arg16[%swap3A_67, %swap3A_68] {strides = array<i32>} : memref<64x64xf32, #tpu.memory_space<vmem>>, vector<1x16xf32>,
    %swap3A_70 = vector.shape_cast %swap3A_69 : vector<1x16xf32> to vector<16xf32>
    %swap3A_71 = vector.shape_cast %broadcast_in_dim3A_0 : vector<16xf32> to vector<1x16xf32>
    tpu.vector_store %arg16[%swap3A_67, %swap3A_68], %swap3A_71 {strides = array<i32>} : memref<64x64xf32, #tpu.memory_space<vmem>>, vector<1x16xf32>,
    %swap3A_72 = arith.constant 3 : i32
    %swap3A_73 = arith.index_cast %swap3A_72 : i32 to index
    %swap3A_74 = arith.constant 0 : index
    %swap3A_75 = tpu.vector_load %arg16[%swap3A_73, %swap3A_74] {strides = array<i32>} : memref<64x64xf32, #tpu.memory_space<vmem>>, vector<1x16xf32>,
    %swap3A_76 = vector.shape_cast %swap3A_75 : vector<1x16xf32> to vector<16xf32>
    %swap3A_77 = vector.shape_cast %broadcast_in_dim3A_0 : vector<16xf32> to vector<1x16xf32>
    tpu.vector_store %arg16[%swap3A_73, %swap3A_74], %swap3A_77 {strides = array<i32>} : memref<64x64xf32, #tpu.memory_space<vmem>>, vector<1x16xf32>,
    %swap3A_78 = arith.constant 3 : i32
    %swap3A_79 = arith.index_cast %swap3A_78 : i32 to index
    %swap3A_80 = arith.constant 16 : index
    %swap3A_81 = tpu.vector_load %arg16[%swap3A_79, %swap3A_80] {strides = array<i32>} : memref<64x64xf32, #tpu.memory_space<vmem>>, vector<1x16xf32>,
    %swap3A_82 = vector.shape_cast %swap3A_81 : vector<1x16xf32> to vector<16xf32>
    %swap3A_83 = vector.shape_cast %broadcast_in_dim3A_0 : vector<16xf32> to vector<1x16xf32>
    tpu.vector_store %arg16[%swap3A_79, %swap3A_80], %swap3A_83 {strides = array<i32>} : memref<64x64xf32, #tpu.memory_space<vmem>>, vector<1x16xf32>,
    %swap3A_84 = arith.constant 3 : i32
    %swap3A_85 = arith.index_cast %swap3A_84 : i32 to index
    %swap3A_86 = arith.constant 32 : index
    %swap3A_87 = tpu.vector_load %arg16[%swap3A_85, %swap3A_86] {strides = array<i32>} : memref<64x64xf32, #tpu.memory_space<vmem>>, vector<1x16xf32>,
    %swap3A_88 = vector.shape_cast %swap3A_87 : vector<1x16xf32> to vector<16xf32>
    %swap3A_89 = vector.shape_cast %broadcast_in_dim3A_0 : vector<16xf32> to vector<1x16xf32>
    tpu.vector_store %arg16[%swap3A_85, %swap3A_86], %swap3A_89 {strides = array<i32>} : memref<64x64xf32, #tpu.memory_space<vmem>>, vector<1x16xf32>,
    %swap3A_90 = arith.constant 3 : i32
    %swap3A_91 = arith.index_cast %swap3A_90 : i32 to index
    %swap3A_92 = arith.constant 48 : index
    %swap3A_93 = tpu.vector_load %arg16[%swap3A_91, %swap3A_92] {strides = array<i32>} : memref<64x64xf32, #tpu.memory_space<vmem>>, vector<1x16xf32>,
    %swap3A_94 = vector.shape_cast %swap3A_93 : vector<1x16xf32> to vector<16xf32>
    %swap3A_95 = vector.shape_cast %broadcast_in_dim3A_0 : vector<16xf32> to vector<1x16xf32>
    tpu.vector_store %arg16[%swap3A_91, %swap3A_92], %swap3A_95 {strides = array<i32>} : memref<64x64xf32, #tpu.memory_space<vmem>>, vector<1x16xf32>,
    %swap3A_96 = arith.constant 4 : i32
    %swap3A_97 = arith.index_cast %swap3A_96 : i32 to index
    %swap3A_98 = arith.constant 0 : index
    %swap3A_99 = tpu.vector_load %arg16[%swap3A_97, %swap3A_98] {strides = array<i32>} : memref<64x64xf32, #tpu.memory_space<vmem>>, vector<1x16xf32>,
    %swap3A_100 = vector.shape_cast %swap3A_99 : vector<1x16xf32> to vector<16xf32>
    %swap3A_101 = vector.shape_cast %broadcast_in_dim3A_0 : vector<16xf32> to vector<1x16xf32>
    tpu.vector_store %arg16[%swap3A_97, %swap3A_98], %swap3A_101 {strides = array<i32>} : memref<64x64xf32, #tpu.memory_space<vmem>>, vector<1x16xf32>,
    %swap3A_102 = arith.constant 4 : i32
    %swap3A_103 = arith.index_cast %swap3A_102 : i32 to index
    %swap3A_104 = arith.constant 16 : index
    %swap3A_105 = tpu.vector_load %arg16[%swap3A_103, %swap3A_104] {strides = array<i32>} : memref<64x64xf32, #tpu.memory_space<vmem>>, vector<1x16xf32>,
    %swap3A_106 = vector.shape_cast %swap3A_105 : vector<1x16xf32> to vector<16xf32>
    %swap3A_107 = vector.shape_cast %broadcast_in_dim3A_0 : vector<16xf32> to vector<1x16xf32>
    tpu.vector_store %arg16[%swap3A_103, %swap3A_104], %swap3A_107 {strides = array<i32>} : memref<64x64xf32, #tpu.memory_space<vmem>>, vector<1x16xf32>,
    %swap3A_108 = arith.constant 4 : i32
    %swap3A_109 = arith.index_cast %swap3A_108 : i32 to index
    %swap3A_110 = arith.constant 32 : index
    %swap3A_111 = tpu.vector_load %arg16[%swap3A_109, %swap3A_110] {strides = array<i32>} : memref<64x64xf32, #tpu.memory_space<vmem>>, vector<1x16xf32>,
    %swap3A_112 = vector.shape_cast %swap3A_111 : vector<1x16xf32> to vector<16xf32>
    %swap3A_113 = vector.shape_cast %broadcast_in_dim3A_0 : vector<16xf32> to vector<1x16xf32>
    tpu.vector_store %arg16[%swap3A_109, %swap3A_110], %swap3A_113 {strides = array<i32>} : memref<64x64xf32, #tpu.memory_space<vmem>>, vector<1x16xf32>,
    %swap3A_114 = arith.constant 4 : i32
    %swap3A_115 = arith.index_cast %swap3A_114 : i32 to index
    %swap3A_116 = arith.constant 48 : index
    %swap3A_117 = tpu.vector_load %arg16[%swap3A_115, %swap3A_116] {strides = array<i32>} : memref<64x64xf32, #tpu.memory_space<vmem>>, vector<1x16xf32>,
    %swap3A_118 = vector.shape_cast %swap3A_117 : vector<1x16xf32> to vector<16xf32>
    %swap3A_119 = vector.shape_cast %broadcast_in_dim3A_0 : vector<16xf32> to vector<1x16xf32>
    tpu.vector_store %arg16[%swap3A_115, %swap3A_116], %swap3A_119 {strides = array<i32>} : memref<64x64xf32, #tpu.memory_space<vmem>>, vector<1x16xf32>,
    %swap3A_120 = arith.constant 5 : i32
    %swap3A_121 = arith.index_cast %swap3A_120 : i32 to index
    %swap3A_122 = arith.constant 0 : index
    %swap3A_123 = tpu.vector_load %arg16[%swap3A_121, %swap3A_122] {strides = array<i32>} : memref<64x64xf32, #tpu.memory_space<vmem>>, vector<1x16xf32>,
    %swap3A_124 = vector.shape_cast %swap3A_123 : vector<1x16xf32> to vector<16xf32>
    %swap3A_125 = vector.shape_cast %broadcast_in_dim3A_0 : vector<16xf32> to vector<1x16xf32>
    tpu.vector_store %arg16[%swap3A_121, %swap3A_122], %swap3A_125 {strides = array<i32>} : memref<64x64xf32, #tpu.memory_space<vmem>>, vector<1x16xf32>,
    %swap3A_126 = arith.constant 5 : i32
    %swap3A_127 = arith.index_cast %swap3A_126 : i32 to index
    %swap3A_128 = arith.constant 16 : index
    %swap3A_129 = tpu.vector_load %arg16[%swap3A_127, %swap3A_128] {strides = array<i32>} : memref<64x64xf32, #tpu.memory_space<vmem>>, vector<1x16xf32>,
    %swap3A_130 = vector.shape_cast %swap3A_129 : vector<1x16xf32> to vector<16xf32>
    %swap3A_131 = vector.shape_cast %broadcast_in_dim3A_0 : vector<16xf32> to vector<1x16xf32>
    tpu.vector_store %arg16[%swap3A_127, %swap3A_128], %swap3A_131 {strides = array<i32>} : memref<64x64xf32, #tpu.memory_space<vmem>>, vector<1x16xf32>,
    %swap3A_132 = arith.constant 5 : i32
    %swap3A_133 = arith.index_cast %swap3A_132 : i32 to index
    %swap3A_134 = arith.constant 32 : index
    %swap3A_135 = tpu.vector_load %arg16[%swap3A_133, %swap3A_134] {strides = array<i32>} : memref<64x64xf32, #tpu.memory_space<vmem>>, vector<1x16xf32>,
    %swap3A_136 = vector.shape_cast %swap3A_135 : vector<1x16xf32> to vector<16xf32>
    %swap3A_137 = vector.shape_cast %broadcast_in_dim3A_0 : vector<16xf32> to vector<1x16xf32>
    tpu.vector_store %arg16[%swap3A_133, %swap3A_134], %swap3A_137 {strides = array<i32>} : memref<64x64xf32, #tpu.memory_space<vmem>>, vector<1x16xf32>,
    %swap3A_138 = arith.constant 5 : i32
    %swap3A_139 = arith.index_cast %swap3A_138 : i32 to index
    %swap3A_140 = arith.constant 48 : index
    %swap3A_141 = tpu.vector_load %arg16[%swap3A_139, %swap3A_140] {strides = array<i32>} : memref<64x64xf32, #tpu.memory_space<vmem>>, vector<1x16xf32>,
    %swap3A_142 = vector.shape_cast %swap3A_141 : vector<1x16xf32> to vector<16xf32>
    %swap3A_143 = vector.shape_cast %broadcast_in_dim3A_0 : vector<16xf32> to vector<1x16xf32>
    tpu.vector_store %arg16[%swap3A_139, %swap3A_140], %swap3A_143 {strides = array<i32>} : memref<64x64xf32, #tpu.memory_space<vmem>>, vector<1x16xf32>,
    %swap3A_144 = arith.constant 6 : i32
    %swap3A_145 = arith.index_cast %swap3A_144 : i32 to index
    %swap3A_146 = arith.constant 0 : index
    %swap3A_147 = tpu.vector_load %arg16[%swap3A_145, %swap3A_146] {strides = array<i32>} : memref<64x64xf32, #tpu.memory_space<vmem>>, vector<1x16xf32>,
    %swap3A_148 = vector.shape_cast %swap3A_147 : vector<1x16xf32> to vector<16xf32>
    %swap3A_149 = vector.shape_cast %broadcast_in_dim3A_0 : vector<16xf32> to vector<1x16xf32>
    tpu.vector_store %arg16[%swap3A_145, %swap3A_146], %swap3A_149 {strides = array<i32>} : memref<64x64xf32, #tpu.memory_space<vmem>>, vector<1x16xf32>,
    %swap3A_150 = arith.constant 6 : i32
    %swap3A_151 = arith.index_cast %swap3A_150 : i32 to index
    %swap3A_152 = arith.constant 16 : index
    %swap3A_153 = tpu.vector_load %arg16[%swap3A_151, %swap3A_152] {strides = array<i32>} : memref<64x64xf32, #tpu.memory_space<vmem>>, vector<1x16xf32>,
    %swap3A_154 = vector.shape_cast %swap3A_153 : vector<1x16xf32> to vector<16xf32>
    %swap3A_155 = vector.shape_cast %broadcast_in_dim3A_0 : vector<16xf32> to vector<1x16xf32>
    tpu.vector_store %arg16[%swap3A_151, %swap3A_152], %swap3A_155 {strides = array<i32>} : memref<64x64xf32, #tpu.memory_space<vmem>>, vector<1x16xf32>,
    %swap3A_156 = arith.constant 6 : i32
    %swap3A_157 = arith.index_cast %swap3A_156 : i32 to index
    %swap3A_158 = arith.constant 32 : index
    %swap3A_159 = tpu.vector_load %arg16[%swap3A_157, %swap3A_158] {strides = array<i32>} : memref<64x64xf32, #tpu.memory_space<vmem>>, vector<1x16xf32>,
    %swap3A_160 = vector.shape_cast %swap3A_159 : vector<1x16xf32> to vector<16xf32>
    %swap3A_161 = vector.shape_cast %broadcast_in_dim3A_0 : vector<16xf32> to vector<1x16xf32>
    tpu.vector_store %arg16[%swap3A_157, %swap3A_158], %swap3A_161 {strides = array<i32>} : memref<64x64xf32, #tpu.memory_space<vmem>>, vector<1x16xf32>,
    %swap3A_162 = arith.constant 6 : i32
    %swap3A_163 = arith.index_cast %swap3A_162 : i32 to index
    %swap3A_164 = arith.constant 48 : index
    %swap3A_165 = tpu.vector_load %arg16[%swap3A_163, %swap3A_164] {strides = array<i32>} : memref<64x64xf32, #tpu.memory_space<vmem>>, vector<1x16xf32>,
    %swap3A_166 = vector.shape_cast %swap3A_165 : vector<1x16xf32> to vector<16xf32>
    %swap3A_167 = vector.shape_cast %broadcast_in_dim3A_0 : vector<16xf32> to vector<1x16xf32>
    tpu.vector_store %arg16[%swap3A_163, %swap3A_164], %swap3A_167 {strides = array<i32>} : memref<64x64xf32, #tpu.memory_space<vmem>>, vector<1x16xf32>,
    %swap3A_168 = arith.constant 7 : i32
    %swap3A_169 = arith.index_cast %swap3A_168 : i32 to index
    %swap3A_170 = arith.constant 0 : index
    %swap3A_171 = tpu.vector_load %arg16[%swap3A_169, %swap3A_170] {strides = array<i32>} : memref<64x64xf32, #tpu.memory_space<vmem>>, vector<1x16xf32>,
    %swap3A_172 = vector.shape_cast %swap3A_171 : vector<1x16xf32> to vector<16xf32>
    %swap3A_173 = vector.shape_cast %broadcast_in_dim3A_0 : vector<16xf32> to vector<1x16xf32>
    tpu.vector_store %arg16[%swap3A_169, %swap3A_170], %swap3A_173 {strides = array<i32>} : memref<64x64xf32, #tpu.memory_space<vmem>>, vector<1x16xf32>,
    %swap3A_174 = arith.constant 7 : i32
    %swap3A_175 = arith.index_cast %swap3A_174 : i32 to index
    %swap3A_176 = arith.constant 16 : index
    %swap3A_177 = tpu.vector_load %arg16[%swap3A_175, %swap3A_176] {strides = array<i32>} : memref<64x64xf32, #tpu.memory_space<vmem>>, vector<1x16xf32>,
    %swap3A_178 = vector.shape_cast %swap3A_177 : vector<1x16xf32> to vector<16xf32>
    %swap3A_179 = vector.shape_cast %broadcast_in_dim3A_0 : vector<16xf32> to vector<1x16xf32>
    tpu.vector_store %arg16[%swap3A_175, %swap3A_176], %swap3A_179 {strides = array<i32>} : memref<64x64xf32, #tpu.memory_space<vmem>>, vector<1x16xf32>,
    %swap3A_180 = arith.constant 7 : i32
    %swap3A_181 = arith.index_cast %swap3A_180 : i32 to index
    %swap3A_182 = arith.constant 32 : index
    %swap3A_183 = tpu.vector_load %arg16[%swap3A_181, %swap3A_182] {strides = array<i32>} : memref<64x64xf32, #tpu.memory_space<vmem>>, vector<1x16xf32>,
    %swap3A_184 = vector.shape_cast %swap3A_183 : vector<1x16xf32> to vector<16xf32>
    %swap3A_185 = vector.shape_cast %broadcast_in_dim3A_0 : vector<16xf32> to vector<1x16xf32>
    tpu.vector_store %arg16[%swap3A_181, %swap3A_182], %swap3A_185 {strides = array<i32>} : memref<64x64xf32, #tpu.memory_space<vmem>>, vector<1x16xf32>,
    %swap3A_186 = arith.constant 7 : i32
    %swap3A_187 = arith.index_cast %swap3A_186 : i32 to index
    %swap3A_188 = arith.constant 48 : index
    %swap3A_189 = tpu.vector_load %arg16[%swap3A_187, %swap3A_188] {strides = array<i32>} : memref<64x64xf32, #tpu.memory_space<vmem>>, vector<1x16xf32>,
    %swap3A_190 = vector.shape_cast %swap3A_189 : vector<1x16xf32> to vector<16xf32>
    %swap3A_191 = vector.shape_cast %broadcast_in_dim3A_0 : vector<16xf32> to vector<1x16xf32>
    tpu.vector_store %arg16[%swap3A_187, %swap3A_188], %swap3A_191 {strides = array<i32>} : memref<64x64xf32, #tpu.memory_space<vmem>>, vector<1x16xf32>,
    %swap3A_192 = arith.constant 8 : i32
    %swap3A_193 = arith.index_cast %swap3A_192 : i32 to index
    %swap3A_194 = arith.constant 0 : index
    %swap3A_195 = tpu.vector_load %arg16[%swap3A_193, %swap3A_194] {strides = array<i32>} : memref<64x64xf32, #tpu.memory_space<vmem>>, vector<1x16xf32>,
    %swap3A_196 = vector.shape_cast %swap3A_195 : vector<1x16xf32> to vector<16xf32>
    %swap3A_197 = vector.shape_cast %broadcast_in_dim3A_0 : vector<16xf32> to vector<1x16xf32>
    tpu.vector_store %arg16[%swap3A_193, %swap3A_194], %swap3A_197 {strides = array<i32>} : memref<64x64xf32, #tpu.memory_space<vmem>>, vector<1x16xf32>,
    %swap3A_198 = arith.constant 8 : i32
    %swap3A_199 = arith.index_cast %swap3A_198 : i32 to index
    %swap3A_200 = arith.constant 16 : index
    %swap3A_201 = tpu.vector_load %arg16[%swap3A_199, %swap3A_200] {strides = array<i32>} : memref<64x64xf32, #tpu.memory_space<vmem>>, vector<1x16xf32>,
    %swap3A_202 = vector.shape_cast %swap3A_201 : vector<1x16xf32> to vector<16xf32>
    %swap3A_203 = vector.shape_cast %broadcast_in_dim3A_0 : vector<16xf32> to vector<1x16xf32>
    tpu.vector_store %arg16[%swap3A_199, %swap3A_200], %swap3A_203 {strides = array<i32>} : memref<64x64xf32, #tpu.memory_space<vmem>>, vector<1x16xf32>,
    %swap3A_204 = arith.constant 8 : i32
    %swap3A_205 = arith.index_cast %swap3A_204 : i32 to index
    %swap3A_206 = arith.constant 32 : index
    %swap3A_207 = tpu.vector_load %arg16[%swap3A_205, %swap3A_206] {strides = array<i32>} : memref<64x64xf32, #tpu.memory_space<vmem>>, vector<1x16xf32>,
    %swap3A_208 = vector.shape_cast %swap3A_207 : vector<1x16xf32> to vector<16xf32>
    %swap3A_209 = vector.shape_cast %broadcast_in_dim3A_0 : vector<16xf32> to vector<1x16xf32>
    tpu.vector_store %arg16[%swap3A_205, %swap3A_206], %swap3A_209 {strides = array<i32>} : memref<64x64xf32, #tpu.memory_space<vmem>>, vector<1x16xf32>,
    %swap3A_210 = arith.constant 8 : i32
    %swap3A_211 = arith.index_cast %swap3A_210 : i32 to index
    %swap3A_212 = arith.constant 48 : index
    %swap3A_213 = tpu.vector_load %arg16[%swap3A_211, %swap3A_212] {strides = array<i32>} : memref<64x64xf32, #tpu.memory_space<vmem>>, vector<1x16xf32>,
    %swap3A_214 = vector.shape_cast %swap3A_213 : vector<1x16xf32> to vector<16xf32>
    %swap3A_215 = vector.shape_cast %broadcast_in_dim3A_0 : vector<16xf32> to vector<1x16xf32>
    tpu.vector_store %arg16[%swap3A_211, %swap3A_212], %swap3A_215 {strides = array<i32>} : memref<64x64xf32, #tpu.memory_space<vmem>>, vector<1x16xf32>,
    %swap3A_216 = arith.constant 9 : i32
    %swap3A_217 = arith.index_cast %swap3A_216 : i32 to index
    %swap3A_218 = arith.constant 0 : index
    %swap3A_219 = tpu.vector_load %arg16[%swap3A_217, %swap3A_218] {strides = array<i32>} : memref<64x64xf32, #tpu.memory_space<vmem>>, vector<1x16xf32>,
    %swap3A_220 = vector.shape_cast %swap3A_219 : vector<1x16xf32> to vector<16xf32>
    %swap3A_221 = vector.shape_cast %broadcast_in_dim3A_0 : vector<16xf32> to vector<1x16xf32>
    tpu.vector_store %arg16[%swap3A_217, %swap3A_218], %swap3A_221 {strides = array<i32>} : memref<64x64xf32, #tpu.memory_space<vmem>>, vector<1x16xf32>,
    %swap3A_222 = arith.constant 9 : i32
    %swap3A_223 = arith.index_cast %swap3A_222 : i32 to index
    %swap3A_224 = arith.constant 16 : index
    %swap3A_225 = tpu.vector_load %arg16[%swap3A_223, %swap3A_224] {strides = array<i32>} : memref<64x64xf32, #tpu.memory_space<vmem>>, vector<1x16xf32>,
    %swap3A_226 = vector.shape_cast %swap3A_225 : vector<1x16xf32> to vector<16xf32>
    %swap3A_227 = vector.shape_cast %broadcast_in_dim3A_0 : vector<16xf32> to vector<1x16xf32>
    tpu.vector_store %arg16[%swap3A_223, %swap3A_224], %swap3A_227 {strides = array<i32>} : memref<64x64xf32, #tpu.memory_space<vmem>>, vector<1x16xf32>,
    %swap3A_228 = arith.constant 9 : i32
    %swap3A_229 = arith.index_cast %swap3A_228 : i32 to index
    %swap3A_230 = arith.constant 32 : index
    %swap3A_231 = tpu.vector_load %arg16[%swap3A_229, %swap3A_230] {strides = array<i32>} : memref<64x64xf32, #tpu.memory_space<vmem>>, vector<1x16xf32>,
    %swap3A_232 = vector.shape_cast %swap3A_231 : vector<1x16xf32> to vector<16xf32>
    %swap3A_233 = vector.shape_cast %broadcast_in_dim3A_0 : vector<16xf32> to vector<1x16xf32>
    tpu.vector_store %arg16[%swap3A_229, %swap3A_230], %swap3A_233 {strides = array<i32>} : memref<64x64xf32, #tpu.memory_space<vmem>>, vector<1x16xf32>,
    %swap3A_234 = arith.constant 9 : i32
    %swap3A_235 = arith.index_cast %swap3A_234 : i32 to index
    %swap3A_236 = arith.constant 48 : index
    %swap3A_237 = tpu.vector_load %arg16[%swap3A_235, %swap3A_236] {strides = array<i32>} : memref<64x64xf32, #tpu.memory_space<vmem>>, vector<1x16xf32>,
    %swap3A_238 = vector.shape_cast %swap3A_237 : vector<1x16xf32> to vector<16xf32>
    %swap3A_239 = vector.shape_cast %broadcast_in_dim3A_0 : vector<16xf32> to vector<1x16xf32>
    tpu.vector_store %arg16[%swap3A_235, %swap3A_236], %swap3A_239 {strides = array<i32>} : memref<64x64xf32, #tpu.memory_space<vmem>>, vector<1x16xf32>,
    %swap3A_240 = arith.constant 10 : i32
    %swap3A_241 = arith.index_cast %swap3A_240 : i32 to index
    %swap3A_242 = arith.constant 0 : index
    %swap3A_243 = tpu.vector_load %arg16[%swap3A_241, %swap3A_242] {strides = array<i32>} : memref<64x64xf32, #tpu.memory_space<vmem>>, vector<1x16xf32>,
    %swap3A_244 = vector.shape_cast %swap3A_243 : vector<1x16xf32> to vector<16xf32>
    %swap3A_245 = vector.shape_cast %broadcast_in_dim3A_0 : vector<16xf32> to vector<1x16xf32>
    tpu.vector_store %arg16[%swap3A_241, %swap3A_242], %swap3A_245 {strides = array<i32>} : memref<64x64xf32, #tpu.memory_space<vmem>>, vector<1x16xf32>,
    %swap3A_246 = arith.constant 10 : i32
    %swap3A_247 = arith.index_cast %swap3A_246 : i32 to index
    %swap3A_248 = arith.constant 16 : index
    %swap3A_249 = tpu.vector_load %arg16[%swap3A_247, %swap3A_248] {strides = array<i32>} : memref<64x64xf32, #tpu.memory_space<vmem>>, vector<1x16xf32>,
    %swap3A_250 = vector.shape_cast %swap3A_249 : vector<1x16xf32> to vector<16xf32>
    %swap3A_251 = vector.shape_cast %broadcast_in_dim3A_0 : vector<16xf32> to vector<1x16xf32>
    tpu.vector_store %arg16[%swap3A_247, %swap3A_248], %swap3A_251 {strides = array<i32>} : memref<64x64xf32, #tpu.memory_space<vmem>>, vector<1x16xf32>,
    %swap3A_252 = arith.constant 10 : i32
    %swap3A_253 = arith.index_cast %swap3A_252 : i32 to index
    %swap3A_254 = arith.constant 32 : index
    %swap3A_255 = tpu.vector_load %arg16[%swap3A_253, %swap3A_254] {strides = array<i32>} : memref<64x64xf32, #tpu.memory_space<vmem>>, vector<1x16xf32>,
    %swap3A_256 = vector.shape_cast %swap3A_255 : vector<1x16xf32> to vector<16xf32>
    %swap3A_257 = vector.shape_cast %broadcast_in_dim3A_0 : vector<16xf32> to vector<1x16xf32>
    tpu.vector_store %arg16[%swap3A_253, %swap3A_254], %swap3A_257 {strides = array<i32>} : memref<64x64xf32, #tpu.memory_space<vmem>>, vector<1x16xf32>,
    %swap3A_258 = arith.constant 10 : i32
    %swap3A_259 = arith.index_cast %swap3A_258 : i32 to index
    %swap3A_260 = arith.constant 48 : index
    %swap3A_261 = tpu.vector_load %arg16[%swap3A_259, %swap3A_260] {strides = array<i32>} : memref<64x64xf32, #tpu.memory_space<vmem>>, vector<1x16xf32>,
    %swap3A_262 = vector.shape_cast %swap3A_261 : vector<1x16xf32> to vector<16xf32>
    %swap3A_263 = vector.shape_cast %broadcast_in_dim3A_0 : vector<16xf32> to vector<1x16xf32>
    tpu.vector_store %arg16[%swap3A_259, %swap3A_260], %swap3A_263 {strides = array<i32>} : memref<64x64xf32, #tpu.memory_space<vmem>>, vector<1x16xf32>,
    %swap3A_264 = arith.constant 11 : i32
    %swap3A_265 = arith.index_cast %swap3A_264 : i32 to index
    %swap3A_266 = arith.constant 0 : index
    %swap3A_267 = tpu.vector_load %arg16[%swap3A_265, %swap3A_266] {strides = array<i32>} : memref<64x64xf32, #tpu.memory_space<vmem>>, vector<1x16xf32>,
    %swap3A_268 = vector.shape_cast %swap3A_267 : vector<1x16xf32> to vector<16xf32>
    %swap3A_269 = vector.shape_cast %broadcast_in_dim3A_0 : vector<16xf32> to vector<1x16xf32>
    tpu.vector_store %arg16[%swap3A_265, %swap3A_266], %swap3A_269 {strides = array<i32>} : memref<64x64xf32, #tpu.memory_space<vmem>>, vector<1x16xf32>,
    %swap3A_270 = arith.constant 11 : i32
    %swap3A_271 = arith.index_cast %swap3A_270 : i32 to index
    %swap3A_272 = arith.constant 16 : index
    %swap3A_273 = tpu.vector_load %arg16[%swap3A_271, %swap3A_272] {strides = array<i32>} : memref<64x64xf32, #tpu.memory_space<vmem>>, vector<1x16xf32>,
    %swap3A_274 = vector.shape_cast %swap3A_273 : vector<1x16xf32> to vector<16xf32>
    %swap3A_275 = vector.shape_cast %broadcast_in_dim3A_0 : vector<16xf32> to vector<1x16xf32>
    tpu.vector_store %arg16[%swap3A_271, %swap3A_272], %swap3A_275 {strides = array<i32>} : memref<64x64xf32, #tpu.memory_space<vmem>>, vector<1x16xf32>,
    %swap3A_276 = arith.constant 11 : i32
    %swap3A_277 = arith.index_cast %swap3A_276 : i32 to index
    %swap3A_278 = arith.constant 32 : index
    %swap3A_279 = tpu.vector_load %arg16[%swap3A_277, %swap3A_278] {strides = array<i32>} : memref<64x64xf32, #tpu.memory_space<vmem>>, vector<1x16xf32>,
    %swap3A_280 = vector.shape_cast %swap3A_279 : vector<1x16xf32> to vector<16xf32>
    %swap3A_281 = vector.shape_cast %broadcast_in_dim3A_0 : vector<16xf32> to vector<1x16xf32>
    tpu.vector_store %arg16[%swap3A_277, %swap3A_278], %swap3A_281 {strides = array<i32>} : memref<64x64xf32, #tpu.memory_space<vmem>>, vector<1x16xf32>,
    %swap3A_282 = arith.constant 11 : i32
    %swap3A_283 = arith.index_cast %swap3A_282 : i32 to index
    %swap3A_284 = arith.constant 48 : index
    %swap3A_285 = tpu.vector_load %arg16[%swap3A_283, %swap3A_284] {strides = array<i32>} : memref<64x64xf32, #tpu.memory_space<vmem>>, vector<1x16xf32>,
    %swap3A_286 = vector.shape_cast %swap3A_285 : vector<1x16xf32> to vector<16xf32>
    %swap3A_287 = vector.shape_cast %broadcast_in_dim3A_0 : vector<16xf32> to vector<1x16xf32>
    tpu.vector_store %arg16[%swap3A_283, %swap3A_284], %swap3A_287 {strides = array<i32>} : memref<64x64xf32, #tpu.memory_space<vmem>>, vector<1x16xf32>,
    %swap3A_288 = arith.constant 12 : i32
    %swap3A_289 = arith.index_cast %swap3A_288 : i32 to index
    %swap3A_290 = arith.constant 0 : index
    %swap3A_291 = tpu.vector_load %arg16[%swap3A_289, %swap3A_290] {strides = array<i32>} : memref<64x64xf32, #tpu.memory_space<vmem>>, vector<1x16xf32>,
    %swap3A_292 = vector.shape_cast %swap3A_291 : vector<1x16xf32> to vector<16xf32>
    %swap3A_293 = vector.shape_cast %broadcast_in_dim3A_0 : vector<16xf32> to vector<1x16xf32>
    tpu.vector_store %arg16[%swap3A_289, %swap3A_290], %swap3A_293 {strides = array<i32>} : memref<64x64xf32, #tpu.memory_space<vmem>>, vector<1x16xf32>,
    %swap3A_294 = arith.constant 12 : i32
    %swap3A_295 = arith.index_cast %swap3A_294 : i32 to index
    %swap3A_296 = arith.constant 16 : index
    %swap3A_297 = tpu.vector_load %arg16[%swap3A_295, %swap3A_296] {strides = array<i32>} : memref<64x64xf32, #tpu.memory_space<vmem>>, vector<1x16xf32>,
    %swap3A_298 = vector.shape_cast %swap3A_297 : vector<1x16xf32> to vector<16xf32>
    %swap3A_299 = vector.shape_cast %broadcast_in_dim3A_0 : vector<16xf32> to vector<1x16xf32>
    tpu.vector_store %arg16[%swap3A_295, %swap3A_296], %swap3A_299 {strides = array<i32>} : memref<64x64xf32, #tpu.memory_space<vmem>>, vector<1x16xf32>,
    %swap3A_300 = arith.constant 12 : i32
    %swap3A_301 = arith.index_cast %swap3A_300 : i32 to index
    %swap3A_302 = arith.constant 32 : index
    %swap3A_303 = tpu.vector_load %arg16[%swap3A_301, %swap3A_302] {strides = array<i32>} : memref<64x64xf32, #tpu.memory_space<vmem>>, vector<1x16xf32>,
    %swap3A_304 = vector.shape_cast %swap3A_303 : vector<1x16xf32> to vector<16xf32>
    %swap3A_305 = vector.shape_cast %broadcast_in_dim3A_0 : vector<16xf32> to vector<1x16xf32>
    tpu.vector_store %arg16[%swap3A_301, %swap3A_302], %swap3A_305 {strides = array<i32>} : memref<64x64xf32, #tpu.memory_space<vmem>>, vector<1x16xf32>,
    %swap3A_306 = arith.constant 12 : i32
    %swap3A_307 = arith.index_cast %swap3A_306 : i32 to index
    %swap3A_308 = arith.constant 48 : index
    %swap3A_309 = tpu.vector_load %arg16[%swap3A_307, %swap3A_308] {strides = array<i32>} : memref<64x64xf32, #tpu.memory_space<vmem>>, vector<1x16xf32>,
    %swap3A_310 = vector.shape_cast %swap3A_309 : vector<1x16xf32> to vector<16xf32>
    %swap3A_311 = vector.shape_cast %broadcast_in_dim3A_0 : vector<16xf32> to vector<1x16xf32>
    tpu.vector_store %arg16[%swap3A_307, %swap3A_308], %swap3A_311 {strides = array<i32>} : memref<64x64xf32, #tpu.memory_space<vmem>>, vector<1x16xf32>,
    %swap3A_312 = arith.constant 13 : i32
    %swap3A_313 = arith.index_cast %swap3A_312 : i32 to index
    %swap3A_314 = arith.constant 0 : index
    %swap3A_315 = tpu.vector_load %arg16[%swap3A_313, %swap3A_314] {strides = array<i32>} : memref<64x64xf32, #tpu.memory_space<vmem>>, vector<1x16xf32>,
    %swap3A_316 = vector.shape_cast %swap3A_315 : vector<1x16xf32> to vector<16xf32>
    %swap3A_317 = vector.shape_cast %broadcast_in_dim3A_0 : vector<16xf32> to vector<1x16xf32>
    tpu.vector_store %arg16[%swap3A_313, %swap3A_314], %swap3A_317 {strides = array<i32>} : memref<64x64xf32, #tpu.memory_space<vmem>>, vector<1x16xf32>,
    %swap3A_318 = arith.constant 13 : i32
    %swap3A_319 = arith.index_cast %swap3A_318 : i32 to index
    %swap3A_320 = arith.constant 16 : index
    %swap3A_321 = tpu.vector_load %arg16[%swap3A_319, %swap3A_320] {strides = array<i32>} : memref<64x64xf32, #tpu.memory_space<vmem>>, vector<1x16xf32>,
    %swap3A_322 = vector.shape_cast %swap3A_321 : vector<1x16xf32> to vector<16xf32>
    %swap3A_323 = vector.shape_cast %broadcast_in_dim3A_0 : vector<16xf32> to vector<1x16xf32>
    tpu.vector_store %arg16[%swap3A_319, %swap3A_320], %swap3A_323 {strides = array<i32>} : memref<64x64xf32, #tpu.memory_space<vmem>>, vector<1x16xf32>,
    %swap3A_324 = arith.constant 13 : i32
    %swap3A_325 = arith.index_cast %swap3A_324 : i32 to index
    %swap3A_326 = arith.constant 32 : index
    %swap3A_327 = tpu.vector_load %arg16[%swap3A_325, %swap3A_326] {strides = array<i32>} : memref<64x64xf32, #tpu.memory_space<vmem>>, vector<1x16xf32>,
    %swap3A_328 = vector.shape_cast %swap3A_327 : vector<1x16xf32> to vector<16xf32>
    %swap3A_329 = vector.shape_cast %broadcast_in_dim3A_0 : vector<16xf32> to vector<1x16xf32>
    tpu.vector_store %arg16[%swap3A_325, %swap3A_326], %swap3A_329 {strides = array<i32>} : memref<64x64xf32, #tpu.memory_space<vmem>>, vector<1x16xf32>,
    %swap3A_330 = arith.constant 13 : i32
    %swap3A_331 = arith.index_cast %swap3A_330 : i32 to index
    %swap3A_332 = arith.constant 48 : index
    %swap3A_333 = tpu.vector_load %arg16[%swap3A_331, %swap3A_332] {strides = array<i32>} : memref<64x64xf32, #tpu.memory_space<vmem>>, vector<1x16xf32>,
    %swap3A_334 = vector.shape_cast %swap3A_333 : vector<1x16xf32> to vector<16xf32>
    %swap3A_335 = vector.shape_cast %broadcast_in_dim3A_0 : vector<16xf32> to vector<1x16xf32>
    tpu.vector_store %arg16[%swap3A_331, %swap3A_332], %swap3A_335 {strides = array<i32>} : memref<64x64xf32, #tpu.memory_space<vmem>>, vector<1x16xf32>,
    %swap3A_336 = arith.constant 14 : i32
    %swap3A_337 = arith.index_cast %swap3A_336 : i32 to index
    %swap3A_338 = arith.constant 0 : index
    %swap3A_339 = tpu.vector_load %arg16[%swap3A_337, %swap3A_338] {strides = array<i32>} : memref<64x64xf32, #tpu.memory_space<vmem>>, vector<1x16xf32>,
    %swap3A_340 = vector.shape_cast %swap3A_339 : vector<1x16xf32> to vector<16xf32>
    %swap3A_341 = vector.shape_cast %broadcast_in_dim3A_0 : vector<16xf32> to vector<1x16xf32>
    tpu.vector_store %arg16[%swap3A_337, %swap3A_338], %swap3A_341 {strides = array<i32>} : memref<64x64xf32, #tpu.memory_space<vmem>>, vector<1x16xf32>,
    %swap3A_342 = arith.constant 14 : i32
    %swap3A_343 = arith.index_cast %swap3A_342 : i32 to index
    %swap3A_344 = arith.constant 16 : index
    %swap3A_345 = tpu.vector_load %arg16[%swap3A_343, %swap3A_344] {strides = array<i32>} : memref<64x64xf32, #tpu.memory_space<vmem>>, vector<1x16xf32>,
    %swap3A_346 = vector.shape_cast %swap3A_345 : vector<1x16xf32> to vector<16xf32>
    %swap3A_347 = vector.shape_cast %broadcast_in_dim3A_0 : vector<16xf32> to vector<1x16xf32>
    tpu.vector_store %arg16[%swap3A_343, %swap3A_344], %swap3A_347 {strides = array<i32>} : memref<64x64xf32, #tpu.memory_space<vmem>>, vector<1x16xf32>,
    %swap3A_348 = arith.constant 14 : i32
    %swap3A_349 = arith.index_cast %swap3A_348 : i32 to index
    %swap3A_350 = arith.constant 32 : index
    %swap3A_351 = tpu.vector_load %arg16[%swap3A_349, %swap3A_350] {strides = array<i32>} : memref<64x64xf32, #tpu.memory_space<vmem>>, vector<1x16xf32>,
    %swap3A_352 = vector.shape_cast %swap3A_351 : vector<1x16xf32> to vector<16xf32>
    %swap3A_353 = vector.shape_cast %broadcast_in_dim3A_0 : vector<16xf32> to vector<1x16xf32>
    tpu.vector_store %arg16[%swap3A_349, %swap3A_350], %swap3A_353 {strides = array<i32>} : memref<64x64xf32, #tpu.memory_space<vmem>>, vector<1x16xf32>,
    %swap3A_354 = arith.constant 14 : i32
    %swap3A_355 = arith.index_cast %swap3A_354 : i32 to index
    %swap3A_356 = arith.constant 48 : index
    %swap3A_357 = tpu.vector_load %arg16[%swap3A_355, %swap3A_356] {strides = array<i32>} : memref<64x64xf32, #tpu.memory_space<vmem>>, vector<1x16xf32>,
    %swap3A_358 = vector.shape_cast %swap3A_357 : vector<1x16xf32> to vector<16xf32>
    %swap3A_359 = vector.shape_cast %broadcast_in_dim3A_0 : vector<16xf32> to vector<1x16xf32>
    tpu.vector_store %arg16[%swap3A_355, %swap3A_356], %swap3A_359 {strides = array<i32>} : memref<64x64xf32, #tpu.memory_space<vmem>>, vector<1x16xf32>,
    %swap3A_360 = arith.constant 15 : i32
    %swap3A_361 = arith.index_cast %swap3A_360 : i32 to index
    %swap3A_362 = arith.constant 0 : index
    %swap3A_363 = tpu.vector_load %arg16[%swap3A_361, %swap3A_362] {strides = array<i32>} : memref<64x64xf32, #tpu.memory_space<vmem>>, vector<1x16xf32>,
    %swap3A_364 = vector.shape_cast %swap3A_363 : vector<1x16xf32> to vector<16xf32>
    %swap3A_365 = vector.shape_cast %broadcast_in_dim3A_0 : vector<16xf32> to vector<1x16xf32>
    tpu.vector_store %arg16[%swap3A_361, %swap3A_362], %swap3A_365 {strides = array<i32>} : memref<64x64xf32, #tpu.memory_space<vmem>>, vector<1x16xf32>,
    %swap3A_366 = arith.constant 15 : i32
    %swap3A_367 = arith.index_cast %swap3A_366 : i32 to index
    %swap3A_368 = arith.constant 16 : index
    %swap3A_369 = tpu.vector_load %arg16[%swap3A_367, %swap3A_368] {strides = array<i32>} : memref<64x64xf32, #tpu.memory_space<vmem>>, vector<1x16xf32>,
    %swap3A_370 = vector.shape_cast %swap3A_369 : vector<1x16xf32> to vector<16xf32>
    %swap3A_371 = vector.shape_cast %broadcast_in_dim3A_0 : vector<16xf32> to vector<1x16xf32>
    tpu.vector_store %arg16[%swap3A_367, %swap3A_368], %swap3A_371 {strides = array<i32>} : memref<64x64xf32, #tpu.memory_space<vmem>>, vector<1x16xf32>,
    %swap3A_372 = arith.constant 15 : i32
    %swap3A_373 = arith.index_cast %swap3A_372 : i32 to index
    %swap3A_374 = arith.constant 32 : index
    %swap3A_375 = tpu.vector_load %arg16[%swap3A_373, %swap3A_374] {strides = array<i32>} : memref<64x64xf32, #tpu.memory_space<vmem>>, vector<1x16xf32>,
    %swap3A_376 = vector.shape_cast %swap3A_375 : vector<1x16xf32> to vector<16xf32>
    %swap3A_377 = vector.shape_cast %broadcast_in_dim3A_0 : vector<16xf32> to vector<1x16xf32>
    tpu.vector_store %arg16[%swap3A_373, %swap3A_374], %swap3A_377 {strides = array<i32>} : memref<64x64xf32, #tpu.memory_space<vmem>>, vector<1x16xf32>,
    %swap3A_378 = arith.constant 15 : i32
    %swap3A_379 = arith.index_cast %swap3A_378 : i32 to index
    %swap3A_380 = arith.constant 48 : index
    %swap3A_381 = tpu.vector_load %arg16[%swap3A_379, %swap3A_380] {strides = array<i32>} : memref<64x64xf32, #tpu.memory_space<vmem>>, vector<1x16xf32>,
    %swap3A_382 = vector.shape_cast %swap3A_381 : vector<1x16xf32> to vector<16xf32>
    %swap3A_383 = vector.shape_cast %broadcast_in_dim3A_0 : vector<16xf32> to vector<1x16xf32>
    tpu.vector_store %arg16[%swap3A_379, %swap3A_380], %swap3A_383 {strides = array<i32>} : memref<64x64xf32, #tpu.memory_space<vmem>>, vector<1x16xf32>,
    %swap3A_384 = arith.constant 16 : i32
    %swap3A_385 = arith.index_cast %swap3A_384 : i32 to index
    %swap3A_386 = arith.constant 0 : index
    %swap3A_387 = tpu.vector_load %arg16[%swap3A_385, %swap3A_386] {strides = array<i32>} : memref<64x64xf32, #tpu.memory_space<vmem>>, vector<1x16xf32>,
    %swap3A_388 = vector.shape_cast %swap3A_387 : vector<1x16xf32> to vector<16xf32>
    %swap3A_389 = vector.shape_cast %broadcast_in_dim3A_0 : vector<16xf32> to vector<1x16xf32>
    tpu.vector_store %arg16[%swap3A_385, %swap3A_386], %swap3A_389 {strides = array<i32>} : memref<64x64xf32, #tpu.memory_space<vmem>>, vector<1x16xf32>,
    %swap3A_390 = arith.constant 16 : i32
    %swap3A_391 = arith.index_cast %swap3A_390 : i32 to index
    %swap3A_392 = arith.constant 16 : index
    %swap3A_393 = tpu.vector_load %arg16[%swap3A_391, %swap3A_392] {strides = array<i32>} : memref<64x64xf32, #tpu.memory_space<vmem>>, vector<1x16xf32>,
    %swap3A_394 = vector.shape_cast %swap3A_393 : vector<1x16xf32> to vector<16xf32>
    %swap3A_395 = vector.shape_cast %broadcast_in_dim3A_0 : vector<16xf32> to vector<1x16xf32>
    tpu.vector_store %arg16[%swap3A_391, %swap3A_392], %swap3A_395 {strides = array<i32>} : memref<64x64xf32, #tpu.memory_space<vmem>>, vector<1x16xf32>,
    %swap3A_396 = arith.constant 16 : i32
    %swap3A_397 = arith.index_cast %swap3A_396 : i32 to index
    %swap3A_398 = arith.constant 32 : index
    %swap3A_399 = tpu.vector_load %arg16[%swap3A_397, %swap3A_398] {strides = array<i32>} : memref<64x64xf32, #tpu.memory_space<vmem>>, vector<1x16xf32>,
    %swap3A_400 = vector.shape_cast %swap3A_399 : vector<1x16xf32> to vector<16xf32>
    %swap3A_401 = vector.shape_cast %broadcast_in_dim3A_0 : vector<16xf32> to vector<1x16xf32>
    tpu.vector_store %arg16[%swap3A_397, %swap3A_398], %swap3A_401 {strides = array<i32>} : memref<64x64xf32, #tpu.memory_space<vmem>>, vector<1x16xf32>,
    %swap3A_402 = arith.constant 16 : i32
    %swap3A_403 = arith.index_cast %swap3A_402 : i32 to index
    %swap3A_404 = arith.constant 48 : index
    %swap3A_405 = tpu.vector_load %arg16[%swap3A_403, %swap3A_404] {strides = array<i32>} : memref<64x64xf32, #tpu.memory_space<vmem>>, vector<1x16xf32>,
    %swap3A_406 = vector.shape_cast %swap3A_405 : vector<1x16xf32> to vector<16xf32>
    %swap3A_407 = vector.shape_cast %broadcast_in_dim3A_0 : vector<16xf32> to vector<1x16xf32>
    tpu.vector_store %arg16[%swap3A_403, %swap3A_404], %swap3A_407 {strides = array<i32>} : memref<64x64xf32, #tpu.memory_space<vmem>>, vector<1x16xf32>,
    %swap3A_408 = arith.constant 17 : i32
    %swap3A_409 = arith.index_cast %swap3A_408 : i32 to index
    %swap3A_410 = arith.constant 0 : index
    %swap3A_411 = tpu.vector_load %arg16[%swap3A_409, %swap3A_410] {strides = array<i32>} : memref<64x64xf32, #tpu.memory_space<vmem>>, vector<1x16xf32>,
    %swap3A_412 = vector.shape_cast %swap3A_411 : vector<1x16xf32> to vector<16xf32>
    %swap3A_413 = vector.shape_cast %broadcast_in_dim3A_0 : vector<16xf32> to vector<1x16xf32>
    tpu.vector_store %arg16[%swap3A_409, %swap3A_410], %swap3A_413 {strides = array<i32>} : memref<64x64xf32, #tpu.memory_space<vmem>>, vector<1x16xf32>,
    %swap3A_414 = arith.constant 17 : i32
    %swap3A_415 = arith.index_cast %swap3A_414 : i32 to index
    %swap3A_416 = arith.constant 16 : index
    %swap3A_417 = tpu.vector_load %arg16[%swap3A_415, %swap3A_416] {strides = array<i32>} : memref<64x64xf32, #tpu.memory_space<vmem>>, vector<1x16xf32>,
    %swap3A_418 = vector.shape_cast %swap3A_417 : vector<1x16xf32> to vector<16xf32>
    %swap3A_419 = vector.shape_cast %broadcast_in_dim3A_0 : vector<16xf32> to vector<1x16xf32>
    tpu.vector_store %arg16[%swap3A_415, %swap3A_416], %swap3A_419 {strides = array<i32>} : memref<64x64xf32, #tpu.memory_space<vmem>>, vector<1x16xf32>,
    %swap3A_420 = arith.constant 17 : i32
    %swap3A_421 = arith.index_cast %swap3A_420 : i32 to index
    %swap3A_422 = arith.constant 32 : index
    %swap3A_423 = tpu.vector_load %arg16[%swap3A_421, %swap3A_422] {strides = array<i32>} : memref<64x64xf32, #tpu.memory_space<vmem>>, vector<1x16xf32>,
    %swap3A_424 = vector.shape_cast %swap3A_423 : vector<1x16xf32> to vector<16xf32>
    %swap3A_425 = vector.shape_cast %broadcast_in_dim3A_0 : vector<16xf32> to vector<1x16xf32>
    tpu.vector_store %arg16[%swap3A_421, %swap3A_422], %swap3A_425 {strides = array<i32>} : memref<64x64xf32, #tpu.memory_space<vmem>>, vector<1x16xf32>,
    %swap3A_426 = arith.constant 17 : i32
    %swap3A_427 = arith.index_cast %swap3A_426 : i32 to index
    %swap3A_428 = arith.constant 48 : index
    %swap3A_429 = tpu.vector_load %arg16[%swap3A_427, %swap3A_428] {strides = array<i32>} : memref<64x64xf32, #tpu.memory_space<vmem>>, vector<1x16xf32>,
    %swap3A_430 = vector.shape_cast %swap3A_429 : vector<1x16xf32> to vector<16xf32>
    %swap3A_431 = vector.shape_cast %broadcast_in_dim3A_0 : vector<16xf32> to vector<1x16xf32>
    tpu.vector_store %arg16[%swap3A_427, %swap3A_428], %swap3A_431 {strides = array<i32>} : memref<64x64xf32, #tpu.memory_space<vmem>>, vector<1x16xf32>,
    %swap3A_432 = arith.constant 18 : i32
    %swap3A_433 = arith.index_cast %swap3A_432 : i32 to index
    %swap3A_434 = arith.constant 0 : index
    %swap3A_435 = tpu.vector_load %arg16[%swap3A_433, %swap3A_434] {strides = array<i32>} : memref<64x64xf32, #tpu.memory_space<vmem>>, vector<1x16xf32>,
    %swap3A_436 = vector.shape_cast %swap3A_435 : vector<1x16xf32> to vector<16xf32>
    %swap3A_437 = vector.shape_cast %broadcast_in_dim3A_0 : vector<16xf32> to vector<1x16xf32>
    tpu.vector_store %arg16[%swap3A_433, %swap3A_434], %swap3A_437 {strides = array<i32>} : memref<64x64xf32, #tpu.memory_space<vmem>>, vector<1x16xf32>,
    %swap3A_438 = arith.constant 18 : i32
    %swap3A_439 = arith.index_cast %swap3A_438 : i32 to index
    %swap3A_440 = arith.constant 16 : index
    %swap3A_441 = tpu.vector_load %arg16[%swap3A_439, %swap3A_440] {strides = array<i32>} : memref<64x64xf32, #tpu.memory_space<vmem>>, vector<1x16xf32>,
    %swap3A_442 = vector.shape_cast %swap3A_441 : vector<1x16xf32> to vector<16xf32>
    %swap3A_443 = vector.shape_cast %broadcast_in_dim3A_0 : vector<16xf32> to vector<1x16xf32>
    tpu.vector_store %arg16[%swap3A_439, %swap3A_440], %swap3A_443 {strides = array<i32>} : memref<64x64xf32, #tpu.memory_space<vmem>>, vector<1x16xf32>,
    %swap3A_444 = arith.constant 18 : i32
    %swap3A_445 = arith.index_cast %swap3A_444 : i32 to index
    %swap3A_446 = arith.constant 32 : index
    %swap3A_447 = tpu.vector_load %arg16[%swap3A_445, %swap3A_446] {strides = array<i32>} : memref<64x64xf32, #tpu.memory_space<vmem>>, vector<1x16xf32>,
    %swap3A_448 = vector.shape_cast %swap3A_447 : vector<1x16xf32> to vector<16xf32>
    %swap3A_449 = vector.shape_cast %broadcast_in_dim3A_0 : vector<16xf32> to vector<1x16xf32>
    tpu.vector_store %arg16[%swap3A_445, %swap3A_446], %swap3A_449 {strides = array<i32>} : memref<64x64xf32, #tpu.memory_space<vmem>>, vector<1x16xf32>,
    %swap3A_450 = arith.constant 18 : i32
    %swap3A_451 = arith.index_cast %swap3A_450 : i32 to index
    %swap3A_452 = arith.constant 48 : index
    %swap3A_453 = tpu.vector_load %arg16[%swap3A_451, %swap3A_452] {strides = array<i32>} : memref<64x64xf32, #tpu.memory_space<vmem>>, vector<1x16xf32>,
    %swap3A_454 = vector.shape_cast %swap3A_453 : vector<1x16xf32> to vector<16xf32>
    %swap3A_455 = vector.shape_cast %broadcast_in_dim3A_0 : vector<16xf32> to vector<1x16xf32>
    tpu.vector_store %arg16[%swap3A_451, %swap3A_452], %swap3A_455 {strides = array<i32>} : memref<64x64xf32, #tpu.memory_space<vmem>>, vector<1x16xf32>,
    %swap3A_456 = arith.constant 19 : i32
    %swap3A_457 = arith.index_cast %swap3A_456 : i32 to index
    %swap3A_458 = arith.constant 0 : index
    %swap3A_459 = tpu.vector_load %arg16[%swap3A_457, %swap3A_458] {strides = array<i32>} : memref<64x64xf32, #tpu.memory_space<vmem>>, vector<1x16xf32>,
    %swap3A_460 = vector.shape_cast %swap3A_459 : vector<1x16xf32> to vector<16xf32>
    %swap3A_461 = vector.shape_cast %broadcast_in_dim3A_0 : vector<16xf32> to vector<1x16xf32>
    tpu.vector_store %arg16[%swap3A_457, %swap3A_458], %swap3A_461 {strides = array<i32>} : memref<64x64xf32, #tpu.memory_space<vmem>>, vector<1x16xf32>,
    %swap3A_462 = arith.constant 19 : i32
    %swap3A_463 = arith.index_cast %swap3A_462 : i32 to index
    %swap3A_464 = arith.constant 16 : index
    %swap3A_465 = tpu.vector_load %arg16[%swap3A_463, %swap3A_464] {strides = array<i32>} : memref<64x64xf32, #tpu.memory_space<vmem>>, vector<1x16xf32>,
    %swap3A_466 = vector.shape_cast %swap3A_465 : vector<1x16xf32> to vector<16xf32>
    %swap3A_467 = vector.shape_cast %broadcast_in_dim3A_0 : vector<16xf32> to vector<1x16xf32>
    tpu.vector_store %arg16[%swap3A_463, %swap3A_464], %swap3A_467 {strides = array<i32>} : memref<64x64xf32, #tpu.memory_space<vmem>>, vector<1x16xf32>,
    %swap3A_468 = arith.constant 19 : i32
    %swap3A_469 = arith.index_cast %swap3A_468 : i32 to index
    %swap3A_470 = arith.constant 32 : index
    %swap3A_471 = tpu.vector_load %arg16[%swap3A_469, %swap3A_470] {strides = array<i32>} : memref<64x64xf32, #tpu.memory_space<vmem>>, vector<1x16xf32>,
    %swap3A_472 = vector.shape_cast %swap3A_471 : vector<1x16xf32> to vector<16xf32>
    %swap3A_473 = vector.shape_cast %broadcast_in_dim3A_0 : vector<16xf32> to vector<1x16xf32>
    tpu.vector_store %arg16[%swap3A_469, %swap3A_470], %swap3A_473 {strides = array<i32>} : memref<64x64xf32, #tpu.memory_space<vmem>>, vector<1x16xf32>,
    %swap3A_474 = arith.constant 19 : i32
    %swap3A_475 = arith.index_cast %swap3A_474 : i32 to index
    %swap3A_476 = arith.constant 48 : index
    %swap3A_477 = tpu.vector_load %arg16[%swap3A_475, %swap3A_476] {strides = array<i32>} : memref<64x64xf32, #tpu.memory_space<vmem>>, vector<1x16xf32>,
    %swap3A_478 = vector.shape_cast %swap3A_477 : vector<1x16xf32> to vector<16xf32>
    %swap3A_479 = vector.shape_cast %broadcast_in_dim3A_0 : vector<16xf32> to vector<1x16xf32>
    tpu.vector_store %arg16[%swap3A_475, %swap3A_476], %swap3A_479 {strides = array<i32>} : memref<64x64xf32, #tpu.memory_space<vmem>>, vector<1x16xf32>,
    %swap3A_480 = arith.constant 20 : i32
    %swap3A_481 = arith.index_cast %swap3A_480 : i32 to index
    %swap3A_482 = arith.constant 0 : index
    %swap3A_483 = tpu.vector_load %arg16[%swap3A_481, %swap3A_482] {strides = array<i32>} : memref<64x64xf32, #tpu.memory_space<vmem>>, vector<1x16xf32>,
    %swap3A_484 = vector.shape_cast %swap3A_483 : vector<1x16xf32> to vector<16xf32>
    %swap3A_485 = vector.shape_cast %broadcast_in_dim3A_0 : vector<16xf32> to vector<1x16xf32>
    tpu.vector_store %arg16[%swap3A_481, %swap3A_482], %swap3A_485 {strides = array<i32>} : memref<64x64xf32, #tpu.memory_space<vmem>>, vector<1x16xf32>,
    %swap3A_486 = arith.constant 20 : i32
    %swap3A_487 = arith.index_cast %swap3A_486 : i32 to index
    %swap3A_488 = arith.constant 16 : index
    %swap3A_489 = tpu.vector_load %arg16[%swap3A_487, %swap3A_488] {strides = array<i32>} : memref<64x64xf32, #tpu.memory_space<vmem>>, vector<1x16xf32>,
    %swap3A_490 = vector.shape_cast %swap3A_489 : vector<1x16xf32> to vector<16xf32>
    %swap3A_491 = vector.shape_cast %broadcast_in_dim3A_0 : vector<16xf32> to vector<1x16xf32>
    tpu.vector_store %arg16[%swap3A_487, %swap3A_488], %swap3A_491 {strides = array<i32>} : memref<64x64xf32, #tpu.memory_space<vmem>>, vector<1x16xf32>,
    %swap3A_492 = arith.constant 20 : i32
    %swap3A_493 = arith.index_cast %swap3A_492 : i32 to index
    %swap3A_494 = arith.constant 32 : index
    %swap3A_495 = tpu.vector_load %arg16[%swap3A_493, %swap3A_494] {strides = array<i32>} : memref<64x64xf32, #tpu.memory_space<vmem>>, vector<1x16xf32>,
    %swap3A_496 = vector.shape_cast %swap3A_495 : vector<1x16xf32> to vector<16xf32>
    %swap3A_497 = vector.shape_cast %broadcast_in_dim3A_0 : vector<16xf32> to vector<1x16xf32>
    tpu.vector_store %arg16[%swap3A_493, %swap3A_494], %swap3A_497 {strides = array<i32>} : memref<64x64xf32, #tpu.memory_space<vmem>>, vector<1x16xf32>,
    %swap3A_498 = arith.constant 20 : i32
    %swap3A_499 = arith.index_cast %swap3A_498 : i32 to index
    %swap3A_500 = arith.constant 48 : index
    %swap3A_501 = tpu.vector_load %arg16[%swap3A_499, %swap3A_500] {strides = array<i32>} : memref<64x64xf32, #tpu.memory_space<vmem>>, vector<1x16xf32>,
    %swap3A_502 = vector.shape_cast %swap3A_501 : vector<1x16xf32> to vector<16xf32>
    %swap3A_503 = vector.shape_cast %broadcast_in_dim3A_0 : vector<16xf32> to vector<1x16xf32>
    tpu.vector_store %arg16[%swap3A_499, %swap3A_500], %swap3A_503 {strides = array<i32>} : memref<64x64xf32, #tpu.memory_space<vmem>>, vector<1x16xf32>,
    %swap3A_504 = arith.constant 21 : i32
    %swap3A_505 = arith.index_cast %swap3A_504 : i32 to index
    %swap3A_506 = arith.constant 0 : index
    %swap3A_507 = tpu.vector_load %arg16[%swap3A_505, %swap3A_506] {strides = array<i32>} : memref<64x64xf32, #tpu.memory_space<vmem>>, vector<1x16xf32>,
    %swap3A_508 = vector.shape_cast %swap3A_507 : vector<1x16xf32> to vector<16xf32>
    %swap3A_509 = vector.shape_cast %broadcast_in_dim3A_0 : vector<16xf32> to vector<1x16xf32>
    tpu.vector_store %arg16[%swap3A_505, %swap3A_506], %swap3A_509 {strides = array<i32>} : memref<64x64xf32, #tpu.memory_space<vmem>>, vector<1x16xf32>,
    %swap3A_510 = arith.constant 21 : i32
    %swap3A_511 = arith.index_cast %swap3A_510 : i32 to index
    %swap3A_512 = arith.constant 16 : index
    %swap3A_513 = tpu.vector_load %arg16[%swap3A_511, %swap3A_512] {strides = array<i32>} : memref<64x64xf32, #tpu.memory_space<vmem>>, vector<1x16xf32>,
    %swap3A_514 = vector.shape_cast %swap3A_513 : vector<1x16xf32> to vector<16xf32>
    %swap3A_515 = vector.shape_cast %broadcast_in_dim3A_0 : vector<16xf32> to vector<1x16xf32>
    tpu.vector_store %arg16[%swap3A_511, %swap3A_512], %swap3A_515 {strides = array<i32>} : memref<64x64xf32, #tpu.memory_space<vmem>>, vector<1x16xf32>,
    %swap3A_516 = arith.constant 21 : i32
    %swap3A_517 = arith.index_cast %swap3A_516 : i32 to index
    %swap3A_518 = arith.constant 32 : index
    %swap3A_519 = tpu.vector_load %arg16[%swap3A_517, %swap3A_518] {strides = array<i32>} : memref<64x64xf32, #tpu.memory_space<vmem>>, vector<1x16xf32>,
    %swap3A_520 = vector.shape_cast %swap3A_519 : vector<1x16xf32> to vector<16xf32>
    %swap3A_521 = vector.shape_cast %broadcast_in_dim3A_0 : vector<16xf32> to vector<1x16xf32>
    tpu.vector_store %arg16[%swap3A_517, %swap3A_518], %swap3A_521 {strides = array<i32>} : memref<64x64xf32, #tpu.memory_space<vmem>>, vector<1x16xf32>,
    %swap3A_522 = arith.constant 21 : i32
    %swap3A_523 = arith.index_cast %swap3A_522 : i32 to index
    %swap3A_524 = arith.constant 48 : index
    %swap3A_525 = tpu.vector_load %arg16[%swap3A_523, %swap3A_524] {strides = array<i32>} : memref<64x64xf32, #tpu.memory_space<vmem>>, vector<1x16xf32>,
    %swap3A_526 = vector.shape_cast %swap3A_525 : vector<1x16xf32> to vector<16xf32>
    %swap3A_527 = vector.shape_cast %broadcast_in_dim3A_0 : vector<16xf32> to vector<1x16xf32>
    tpu.vector_store %arg16[%swap3A_523, %swap3A_524], %swap3A_527 {strides = array<i32>} : memref<64x64xf32, #tpu.memory_space<vmem>>, vector<1x16xf32>,
    %swap3A_528 = arith.constant 22 : i32
    %swap3A_529 = arith.index_cast %swap3A_528 : i32 to index
    %swap3A_530 = arith.constant 0 : index
    %swap3A_531 = tpu.vector_load %arg16[%swap3A_529, %swap3A_530] {strides = array<i32>} : memref<64x64xf32, #tpu.memory_space<vmem>>, vector<1x16xf32>,
    %swap3A_532 = vector.shape_cast %swap3A_531 : vector<1x16xf32> to vector<16xf32>
    %swap3A_533 = vector.shape_cast %broadcast_in_dim3A_0 : vector<16xf32> to vector<1x16xf32>
    tpu.vector_store %arg16[%swap3A_529, %swap3A_530], %swap3A_533 {strides = array<i32>} : memref<64x64xf32, #tpu.memory_space<vmem>>, vector<1x16xf32>,
    %swap3A_534 = arith.constant 22 : i32
    %swap3A_535 = arith.index_cast %swap3A_534 : i32 to index
    %swap3A_536 = arith.constant 16 : index
    %swap3A_537 = tpu.vector_load %arg16[%swap3A_535, %swap3A_536] {strides = array<i32>} : memref<64x64xf32, #tpu.memory_space<vmem>>, vector<1x16xf32>,
    %swap3A_538 = vector.shape_cast %swap3A_537 : vector<1x16xf32> to vector<16xf32>
    %swap3A_539 = vector.shape_cast %broadcast_in_dim3A_0 : vector<16xf32> to vector<1x16xf32>
    tpu.vector_store %arg16[%swap3A_535, %swap3A_536], %swap3A_539 {strides = array<i32>} : memref<64x64xf32, #tpu.memory_space<vmem>>, vector<1x16xf32>,
    %swap3A_540 = arith.constant 22 : i32
    %swap3A_541 = arith.index_cast %swap3A_540 : i32 to index
    %swap3A_542 = arith.constant 32 : index
    %swap3A_543 = tpu.vector_load %arg16[%swap3A_541, %swap3A_542] {strides = array<i32>} : memref<64x64xf32, #tpu.memory_space<vmem>>, vector<1x16xf32>,
    %swap3A_544 = vector.shape_cast %swap3A_543 : vector<1x16xf32> to vector<16xf32>
    %swap3A_545 = vector.shape_cast %broadcast_in_dim3A_0 : vector<16xf32> to vector<1x16xf32>
    tpu.vector_store %arg16[%swap3A_541, %swap3A_542], %swap3A_545 {strides = array<i32>} : memref<64x64xf32, #tpu.memory_space<vmem>>, vector<1x16xf32>,
    %swap3A_546 = arith.constant 22 : i32
    %swap3A_547 = arith.index_cast %swap3A_546 : i32 to index
    %swap3A_548 = arith.constant 48 : index
    %swap3A_549 = tpu.vector_load %arg16[%swap3A_547, %swap3A_548] {strides = array<i32>} : memref<64x64xf32, #tpu.memory_space<vmem>>, vector<1x16xf32>,
    %swap3A_550 = vector.shape_cast %swap3A_549 : vector<1x16xf32> to vector<16xf32>
    %swap3A_551 = vector.shape_cast %broadcast_in_dim3A_0 : vector<16xf32> to vector<1x16xf32>
    tpu.vector_store %arg16[%swap3A_547, %swap3A_548], %swap3A_551 {strides = array<i32>} : memref<64x64xf32, #tpu.memory_space<vmem>>, vector<1x16xf32>,
    %swap3A_552 = arith.constant 23 : i32
    %swap3A_553 = arith.index_cast %swap3A_552 : i32 to index
    %swap3A_554 = arith.constant 0 : index
    %swap3A_555 = tpu.vector_load %arg16[%swap3A_553, %swap3A_554] {strides = array<i32>} : memref<64x64xf32, #tpu.memory_space<vmem>>, vector<1x16xf32>,
    %swap3A_556 = vector.shape_cast %swap3A_555 : vector<1x16xf32> to vector<16xf32>
    %swap3A_557 = vector.shape_cast %broadcast_in_dim3A_0 : vector<16xf32> to vector<1x16xf32>
    tpu.vector_store %arg16[%swap3A_553, %swap3A_554], %swap3A_557 {strides = array<i32>} : memref<64x64xf32, #tpu.memory_space<vmem>>, vector<1x16xf32>,
    %swap3A_558 = arith.constant 23 : i32
    %swap3A_559 = arith.index_cast %swap3A_558 : i32 to index
    %swap3A_560 = arith.constant 16 : index
    %swap3A_561 = tpu.vector_load %arg16[%swap3A_559, %swap3A_560] {strides = array<i32>} : memref<64x64xf32, #tpu.memory_space<vmem>>, vector<1x16xf32>,
    %swap3A_562 = vector.shape_cast %swap3A_561 : vector<1x16xf32> to vector<16xf32>
    %swap3A_563 = vector.shape_cast %broadcast_in_dim3A_0 : vector<16xf32> to vector<1x16xf32>
    tpu.vector_store %arg16[%swap3A_559, %swap3A_560], %swap3A_563 {strides = array<i32>} : memref<64x64xf32, #tpu.memory_space<vmem>>, vector<1x16xf32>,
    %swap3A_564 = arith.constant 23 : i32
    %swap3A_565 = arith.index_cast %swap3A_564 : i32 to index
    %swap3A_566 = arith.constant 32 : index
    %swap3A_567 = tpu.vector_load %arg16[%swap3A_565, %swap3A_566] {strides = array<i32>} : memref<64x64xf32, #tpu.memory_space<vmem>>, vector<1x16xf32>,
    %swap3A_568 = vector.shape_cast %swap3A_567 : vector<1x16xf32> to vector<16xf32>
    %swap3A_569 = vector.shape_cast %broadcast_in_dim3A_0 : vector<16xf32> to vector<1x16xf32>
    tpu.vector_store %arg16[%swap3A_565, %swap3A_566], %swap3A_569 {strides = array<i32>} : memref<64x64xf32, #tpu.memory_space<vmem>>, vector<1x16xf32>,
    %swap3A_570 = arith.constant 23 : i32
    %swap3A_571 = arith.index_cast %swap3A_570 : i32 to index
    %swap3A_572 = arith.constant 48 : index
    %swap3A_573 = tpu.vector_load %arg16[%swap3A_571, %swap3A_572] {strides = array<i32>} : memref<64x64xf32, #tpu.memory_space<vmem>>, vector<1x16xf32>,
    %swap3A_574 = vector.shape_cast %swap3A_573 : vector<1x16xf32> to vector<16xf32>
    %swap3A_575 = vector.shape_cast %broadcast_in_dim3A_0 : vector<16xf32> to vector<1x16xf32>
    tpu.vector_store %arg16[%swap3A_571, %swap3A_572], %swap3A_575 {strides = array<i32>} : memref<64x64xf32, #tpu.memory_space<vmem>>, vector<1x16xf32>,
    %swap3A_576 = arith.constant 24 : i32
    %swap3A_577 = arith.index_cast %swap3A_576 : i32 to index
    %swap3A_578 = arith.constant 0 : index
    %swap3A_579 = tpu.vector_load %arg16[%swap3A_577, %swap3A_578] {strides = array<i32>} : memref<64x64xf32, #tpu.memory_space<vmem>>, vector<1x16xf32>,
    %swap3A_580 = vector.shape_cast %swap3A_579 : vector<1x16xf32> to vector<16xf32>
    %swap3A_581 = vector.shape_cast %broadcast_in_dim3A_0 : vector<16xf32> to vector<1x16xf32>
    tpu.vector_store %arg16[%swap3A_577, %swap3A_578], %swap3A_581 {strides = array<i32>} : memref<64x64xf32, #tpu.memory_space<vmem>>, vector<1x16xf32>,
    %swap3A_582 = arith.constant 24 : i32
    %swap3A_583 = arith.index_cast %swap3A_582 : i32 to index
    %swap3A_584 = arith.constant 16 : index
    %swap3A_585 = tpu.vector_load %arg16[%swap3A_583, %swap3A_584] {strides = array<i32>} : memref<64x64xf32, #tpu.memory_space<vmem>>, vector<1x16xf32>,
    %swap3A_586 = vector.shape_cast %swap3A_585 : vector<1x16xf32> to vector<16xf32>
    %swap3A_587 = vector.shape_cast %broadcast_in_dim3A_0 : vector<16xf32> to vector<1x16xf32>
    tpu.vector_store %arg16[%swap3A_583, %swap3A_584], %swap3A_587 {strides = array<i32>} : memref<64x64xf32, #tpu.memory_space<vmem>>, vector<1x16xf32>,
    %swap3A_588 = arith.constant 24 : i32
    %swap3A_589 = arith.index_cast %swap3A_588 : i32 to index
    %swap3A_590 = arith.constant 32 : index
    %swap3A_591 = tpu.vector_load %arg16[%swap3A_589, %swap3A_590] {strides = array<i32>} : memref<64x64xf32, #tpu.memory_space<vmem>>, vector<1x16xf32>,
    %swap3A_592 = vector.shape_cast %swap3A_591 : vector<1x16xf32> to vector<16xf32>
    %swap3A_593 = vector.shape_cast %broadcast_in_dim3A_0 : vector<16xf32> to vector<1x16xf32>
    tpu.vector_store %arg16[%swap3A_589, %swap3A_590], %swap3A_593 {strides = array<i32>} : memref<64x64xf32, #tpu.memory_space<vmem>>, vector<1x16xf32>,
    %swap3A_594 = arith.constant 24 : i32
    %swap3A_595 = arith.index_cast %swap3A_594 : i32 to index
    %swap3A_596 = arith.constant 48 : index
    %swap3A_597 = tpu.vector_load %arg16[%swap3A_595, %swap3A_596] {strides = array<i32>} : memref<64x64xf32, #tpu.memory_space<vmem>>, vector<1x16xf32>,
    %swap3A_598 = vector.shape_cast %swap3A_597 : vector<1x16xf32> to vector<16xf32>
    %swap3A_599 = vector.shape_cast %broadcast_in_dim3A_0 : vector<16xf32> to vector<1x16xf32>
    tpu.vector_store %arg16[%swap3A_595, %swap3A_596], %swap3A_599 {strides = array<i32>} : memref<64x64xf32, #tpu.memory_space<vmem>>, vector<1x16xf32>,
    %swap3A_600 = arith.constant 25 : i32
    %swap3A_601 = arith.index_cast %swap3A_600 : i32 to index
    %swap3A_602 = arith.constant 0 : index
    %swap3A_603 = tpu.vector_load %arg16[%swap3A_601, %swap3A_602] {strides = array<i32>} : memref<64x64xf32, #tpu.memory_space<vmem>>, vector<1x16xf32>,
    %swap3A_604 = vector.shape_cast %swap3A_603 : vector<1x16xf32> to vector<16xf32>
    %swap3A_605 = vector.shape_cast %broadcast_in_dim3A_0 : vector<16xf32> to vector<1x16xf32>
    tpu.vector_store %arg16[%swap3A_601, %swap3A_602], %swap3A_605 {strides = array<i32>} : memref<64x64xf32, #tpu.memory_space<vmem>>, vector<1x16xf32>,
    %swap3A_606 = arith.constant 25 : i32
    %swap3A_607 = arith.index_cast %swap3A_606 : i32 to index
    %swap3A_608 = arith.constant 16 : index
    %swap3A_609 = tpu.vector_load %arg16[%swap3A_607, %swap3A_608] {strides = array<i32>} : memref<64x64xf32, #tpu.memory_space<vmem>>, vector<1x16xf32>,
    %swap3A_610 = vector.shape_cast %swap3A_609 : vector<1x16xf32> to vector<16xf32>
    %swap3A_611 = vector.shape_cast %broadcast_in_dim3A_0 : vector<16xf32> to vector<1x16xf32>
    tpu.vector_store %arg16[%swap3A_607, %swap3A_608], %swap3A_611 {strides = array<i32>} : memref<64x64xf32, #tpu.memory_space<vmem>>, vector<1x16xf32>,
    %swap3A_612 = arith.constant 25 : i32
    %swap3A_613 = arith.index_cast %swap3A_612 : i32 to index
    %swap3A_614 = arith.constant 32 : index
    %swap3A_615 = tpu.vector_load %arg16[%swap3A_613, %swap3A_614] {strides = array<i32>} : memref<64x64xf32, #tpu.memory_space<vmem>>, vector<1x16xf32>,
    %swap3A_616 = vector.shape_cast %swap3A_615 : vector<1x16xf32> to vector<16xf32>
    %swap3A_617 = vector.shape_cast %broadcast_in_dim3A_0 : vector<16xf32> to vector<1x16xf32>
    tpu.vector_store %arg16[%swap3A_613, %swap3A_614], %swap3A_617 {strides = array<i32>} : memref<64x64xf32, #tpu.memory_space<vmem>>, vector<1x16xf32>,
    %swap3A_618 = arith.constant 25 : i32
    %swap3A_619 = arith.index_cast %swap3A_618 : i32 to index
    %swap3A_620 = arith.constant 48 : index
    %swap3A_621 = tpu.vector_load %arg16[%swap3A_619, %swap3A_620] {strides = array<i32>} : memref<64x64xf32, #tpu.memory_space<vmem>>, vector<1x16xf32>,
    %swap3A_622 = vector.shape_cast %swap3A_621 : vector<1x16xf32> to vector<16xf32>
    %swap3A_623 = vector.shape_cast %broadcast_in_dim3A_0 : vector<16xf32> to vector<1x16xf32>
    tpu.vector_store %arg16[%swap3A_619, %swap3A_620], %swap3A_623 {strides = array<i32>} : memref<64x64xf32, #tpu.memory_space<vmem>>, vector<1x16xf32>,
    %swap3A_624 = arith.constant 26 : i32
    %swap3A_625 = arith.index_cast %swap3A_624 : i32 to index
    %swap3A_626 = arith.constant 0 : index
    %swap3A_627 = tpu.vector_load %arg16[%swap3A_625, %swap3A_626] {strides = array<i32>} : memref<64x64xf32, #tpu.memory_space<vmem>>, vector<1x16xf32>,
    %swap3A_628 = vector.shape_cast %swap3A_627 : vector<1x16xf32> to vector<16xf32>
    %swap3A_629 = vector.shape_cast %broadcast_in_dim3A_0 : vector<16xf32> to vector<1x16xf32>
    tpu.vector_store %arg16[%swap3A_625, %swap3A_626], %swap3A_629 {strides = array<i32>} : memref<64x64xf32, #tpu.memory_space<vmem>>, vector<1x16xf32>,
    %swap3A_630 = arith.constant 26 : i32
    %swap3A_631 = arith.index_cast %swap3A_630 : i32 to index
    %swap3A_632 = arith.constant 16 : index
    %swap3A_633 = tpu.vector_load %arg16[%swap3A_631, %swap3A_632] {strides = array<i32>} : memref<64x64xf32, #tpu.memory_space<vmem>>, vector<1x16xf32>,
    %swap3A_634 = vector.shape_cast %swap3A_633 : vector<1x16xf32> to vector<16xf32>
    %swap3A_635 = vector.shape_cast %broadcast_in_dim3A_0 : vector<16xf32> to vector<1x16xf32>
    tpu.vector_store %arg16[%swap3A_631, %swap3A_632], %swap3A_635 {strides = array<i32>} : memref<64x64xf32, #tpu.memory_space<vmem>>, vector<1x16xf32>,
    %swap3A_636 = arith.constant 26 : i32
    %swap3A_637 = arith.index_cast %swap3A_636 : i32 to index
    %swap3A_638 = arith.constant 32 : index
    %swap3A_639 = tpu.vector_load %arg16[%swap3A_637, %swap3A_638] {strides = array<i32>} : memref<64x64xf32, #tpu.memory_space<vmem>>, vector<1x16xf32>,
    %swap3A_640 = vector.shape_cast %swap3A_639 : vector<1x16xf32> to vector<16xf32>
    %swap3A_641 = vector.shape_cast %broadcast_in_dim3A_0 : vector<16xf32> to vector<1x16xf32>
    tpu.vector_store %arg16[%swap3A_637, %swap3A_638], %swap3A_641 {strides = array<i32>} : memref<64x64xf32, #tpu.memory_space<vmem>>, vector<1x16xf32>,
    %swap3A_642 = arith.constant 26 : i32
    %swap3A_643 = arith.index_cast %swap3A_642 : i32 to index
    %swap3A_644 = arith.constant 48 : index
    %swap3A_645 = tpu.vector_load %arg16[%swap3A_643, %swap3A_644] {strides = array<i32>} : memref<64x64xf32, #tpu.memory_space<vmem>>, vector<1x16xf32>,
    %swap3A_646 = vector.shape_cast %swap3A_645 : vector<1x16xf32> to vector<16xf32>
    %swap3A_647 = vector.shape_cast %broadcast_in_dim3A_0 : vector<16xf32> to vector<1x16xf32>
    tpu.vector_store %arg16[%swap3A_643, %swap3A_644], %swap3A_647 {strides = array<i32>} : memref<64x64xf32, #tpu.memory_space<vmem>>, vector<1x16xf32>,
    %swap3A_648 = arith.constant 27 : i32
    %swap3A_649 = arith.index_cast %swap3A_648 : i32 to index
    %swap3A_650 = arith.constant 0 : index
    %swap3A_651 = tpu.vector_load %arg16[%swap3A_649, %swap3A_650] {strides = array<i32>} : memref<64x64xf32, #tpu.memory_space<vmem>>, vector<1x16xf32>,
    %swap3A_652 = vector.shape_cast %swap3A_651 : vector<1x16xf32> to vector<16xf32>
    %swap3A_653 = vector.shape_cast %broadcast_in_dim3A_0 : vector<16xf32> to vector<1x16xf32>
    tpu.vector_store %arg16[%swap3A_649, %swap3A_650], %swap3A_653 {strides = array<i32>} : memref<64x64xf32, #tpu.memory_space<vmem>>, vector<1x16xf32>,
    %swap3A_654 = arith.constant 27 : i32
    %swap3A_655 = arith.index_cast %swap3A_654 : i32 to index
    %swap3A_656 = arith.constant 16 : index
    %swap3A_657 = tpu.vector_load %arg16[%swap3A_655, %swap3A_656] {strides = array<i32>} : memref<64x64xf32, #tpu.memory_space<vmem>>, vector<1x16xf32>,
    %swap3A_658 = vector.shape_cast %swap3A_657 : vector<1x16xf32> to vector<16xf32>
    %swap3A_659 = vector.shape_cast %broadcast_in_dim3A_0 : vector<16xf32> to vector<1x16xf32>
    tpu.vector_store %arg16[%swap3A_655, %swap3A_656], %swap3A_659 {strides = array<i32>} : memref<64x64xf32, #tpu.memory_space<vmem>>, vector<1x16xf32>,
    %swap3A_660 = arith.constant 27 : i32
    %swap3A_661 = arith.index_cast %swap3A_660 : i32 to index
    %swap3A_662 = arith.constant 32 : index
    %swap3A_663 = tpu.vector_load %arg16[%swap3A_661, %swap3A_662] {strides = array<i32>} : memref<64x64xf32, #tpu.memory_space<vmem>>, vector<1x16xf32>,
    %swap3A_664 = vector.shape_cast %swap3A_663 : vector<1x16xf32> to vector<16xf32>
    %swap3A_665 = vector.shape_cast %broadcast_in_dim3A_0 : vector<16xf32> to vector<1x16xf32>
    tpu.vector_store %arg16[%swap3A_661, %swap3A_662], %swap3A_665 {strides = array<i32>} : memref<64x64xf32, #tpu.memory_space<vmem>>, vector<1x16xf32>,
    %swap3A_666 = arith.constant 27 : i32
    %swap3A_667 = arith.index_cast %swap3A_666 : i32 to index
    %swap3A_668 = arith.constant 48 : index
    %swap3A_669 = tpu.vector_load %arg16[%swap3A_667, %swap3A_668] {strides = array<i32>} : memref<64x64xf32, #tpu.memory_space<vmem>>, vector<1x16xf32>,
    %swap3A_670 = vector.shape_cast %swap3A_669 : vector<1x16xf32> to vector<16xf32>
    %swap3A_671 = vector.shape_cast %broadcast_in_dim3A_0 : vector<16xf32> to vector<1x16xf32>
    tpu.vector_store %arg16[%swap3A_667, %swap3A_668], %swap3A_671 {strides = array<i32>} : memref<64x64xf32, #tpu.memory_space<vmem>>, vector<1x16xf32>,
    %swap3A_672 = arith.constant 28 : i32
    %swap3A_673 = arith.index_cast %swap3A_672 : i32 to index
    %swap3A_674 = arith.constant 0 : index
    %swap3A_675 = tpu.vector_load %arg16[%swap3A_673, %swap3A_674] {strides = array<i32>} : memref<64x64xf32, #tpu.memory_space<vmem>>, vector<1x16xf32>,
    %swap3A_676 = vector.shape_cast %swap3A_675 : vector<1x16xf32> to vector<16xf32>
    %swap3A_677 = vector.shape_cast %broadcast_in_dim3A_0 : vector<16xf32> to vector<1x16xf32>
    tpu.vector_store %arg16[%swap3A_673, %swap3A_674], %swap3A_677 {strides = array<i32>} : memref<64x64xf32, #tpu.memory_space<vmem>>, vector<1x16xf32>,
    %swap3A_678 = arith.constant 28 : i32
    %swap3A_679 = arith.index_cast %swap3A_678 : i32 to index
    %swap3A_680 = arith.constant 16 : index
    %swap3A_681 = tpu.vector_load %arg16[%swap3A_679, %swap3A_680] {strides = array<i32>} : memref<64x64xf32, #tpu.memory_space<vmem>>, vector<1x16xf32>,
    %swap3A_682 = vector.shape_cast %swap3A_681 : vector<1x16xf32> to vector<16xf32>
    %swap3A_683 = vector.shape_cast %broadcast_in_dim3A_0 : vector<16xf32> to vector<1x16xf32>
    tpu.vector_store %arg16[%swap3A_679, %swap3A_680], %swap3A_683 {strides = array<i32>} : memref<64x64xf32, #tpu.memory_space<vmem>>, vector<1x16xf32>,
    %swap3A_684 = arith.constant 28 : i32
    %swap3A_685 = arith.index_cast %swap3A_684 : i32 to index
    %swap3A_686 = arith.constant 32 : index
    %swap3A_687 = tpu.vector_load %arg16[%swap3A_685, %swap3A_686] {strides = array<i32>} : memref<64x64xf32, #tpu.memory_space<vmem>>, vector<1x16xf32>,
    %swap3A_688 = vector.shape_cast %swap3A_687 : vector<1x16xf32> to vector<16xf32>
    %swap3A_689 = vector.shape_cast %broadcast_in_dim3A_0 : vector<16xf32> to vector<1x16xf32>
    tpu.vector_store %arg16[%swap3A_685, %swap3A_686], %swap3A_689 {strides = array<i32>} : memref<64x64xf32, #tpu.memory_space<vmem>>, vector<1x16xf32>,
    %swap3A_690 = arith.constant 28 : i32
    %swap3A_691 = arith.index_cast %swap3A_690 : i32 to index
    %swap3A_692 = arith.constant 48 : index
    %swap3A_693 = tpu.vector_load %arg16[%swap3A_691, %swap3A_692] {strides = array<i32>} : memref<64x64xf32, #tpu.memory_space<vmem>>, vector<1x16xf32>,
    %swap3A_694 = vector.shape_cast %swap3A_693 : vector<1x16xf32> to vector<16xf32>
    %swap3A_695 = vector.shape_cast %broadcast_in_dim3A_0 : vector<16xf32> to vector<1x16xf32>
    tpu.vector_store %arg16[%swap3A_691, %swap3A_692], %swap3A_695 {strides = array<i32>} : memref<64x64xf32, #tpu.memory_space<vmem>>, vector<1x16xf32>,
    %swap3A_696 = arith.constant 29 : i32
    %swap3A_697 = arith.index_cast %swap3A_696 : i32 to index
    %swap3A_698 = arith.constant 0 : index
    %swap3A_699 = tpu.vector_load %arg16[%swap3A_697, %swap3A_698] {strides = array<i32>} : memref<64x64xf32, #tpu.memory_space<vmem>>, vector<1x16xf32>,
    %swap3A_700 = vector.shape_cast %swap3A_699 : vector<1x16xf32> to vector<16xf32>
    %swap3A_701 = vector.shape_cast %broadcast_in_dim3A_0 : vector<16xf32> to vector<1x16xf32>
    tpu.vector_store %arg16[%swap3A_697, %swap3A_698], %swap3A_701 {strides = array<i32>} : memref<64x64xf32, #tpu.memory_space<vmem>>, vector<1x16xf32>,
    %swap3A_702 = arith.constant 29 : i32
    %swap3A_703 = arith.index_cast %swap3A_702 : i32 to index
    %swap3A_704 = arith.constant 16 : index
    %swap3A_705 = tpu.vector_load %arg16[%swap3A_703, %swap3A_704] {strides = array<i32>} : memref<64x64xf32, #tpu.memory_space<vmem>>, vector<1x16xf32>,
    %swap3A_706 = vector.shape_cast %swap3A_705 : vector<1x16xf32> to vector<16xf32>
    %swap3A_707 = vector.shape_cast %broadcast_in_dim3A_0 : vector<16xf32> to vector<1x16xf32>
    tpu.vector_store %arg16[%swap3A_703, %swap3A_704], %swap3A_707 {strides = array<i32>} : memref<64x64xf32, #tpu.memory_space<vmem>>, vector<1x16xf32>,
    %swap3A_708 = arith.constant 29 : i32
    %swap3A_709 = arith.index_cast %swap3A_708 : i32 to index
    %swap3A_710 = arith.constant 32 : index
    %swap3A_711 = tpu.vector_load %arg16[%swap3A_709, %swap3A_710] {strides = array<i32>} : memref<64x64xf32, #tpu.memory_space<vmem>>, vector<1x16xf32>,
    %swap3A_712 = vector.shape_cast %swap3A_711 : vector<1x16xf32> to vector<16xf32>
    %swap3A_713 = vector.shape_cast %broadcast_in_dim3A_0 : vector<16xf32> to vector<1x16xf32>
    tpu.vector_store %arg16[%swap3A_709, %swap3A_710], %swap3A_713 {strides = array<i32>} : memref<64x64xf32, #tpu.memory_space<vmem>>, vector<1x16xf32>,
    %swap3A_714 = arith.constant 29 : i32
    %swap3A_715 = arith.index_cast %swap3A_714 : i32 to index
    %swap3A_716 = arith.constant 48 : index
    %swap3A_717 = tpu.vector_load %arg16[%swap3A_715, %swap3A_716] {strides = array<i32>} : memref<64x64xf32, #tpu.memory_space<vmem>>, vector<1x16xf32>,
    %swap3A_718 = vector.shape_cast %swap3A_717 : vector<1x16xf32> to vector<16xf32>
    %swap3A_719 = vector.shape_cast %broadcast_in_dim3A_0 : vector<16xf32> to vector<1x16xf32>
    tpu.vector_store %arg16[%swap3A_715, %swap3A_716], %swap3A_719 {strides = array<i32>} : memref<64x64xf32, #tpu.memory_space<vmem>>, vector<1x16xf32>,
    %swap3A_720 = arith.constant 30 : i32
    %swap3A_721 = arith.index_cast %swap3A_720 : i32 to index
    %swap3A_722 = arith.constant 0 : index
    %swap3A_723 = tpu.vector_load %arg16[%swap3A_721, %swap3A_722] {strides = array<i32>} : memref<64x64xf32, #tpu.memory_space<vmem>>, vector<1x16xf32>,
    %swap3A_724 = vector.shape_cast %swap3A_723 : vector<1x16xf32> to vector<16xf32>
    %swap3A_725 = vector.shape_cast %broadcast_in_dim3A_0 : vector<16xf32> to vector<1x16xf32>
    tpu.vector_store %arg16[%swap3A_721, %swap3A_722], %swap3A_725 {strides = array<i32>} : memref<64x64xf32, #tpu.memory_space<vmem>>, vector<1x16xf32>,
    %swap3A_726 = arith.constant 30 : i32
    %swap3A_727 = arith.index_cast %swap3A_726 : i32 to index
    %swap3A_728 = arith.constant 16 : index
    %swap3A_729 = tpu.vector_load %arg16[%swap3A_727, %swap3A_728] {strides = array<i32>} : memref<64x64xf32, #tpu.memory_space<vmem>>, vector<1x16xf32>,
    %swap3A_730 = vector.shape_cast %swap3A_729 : vector<1x16xf32> to vector<16xf32>
    %swap3A_731 = vector.shape_cast %broadcast_in_dim3A_0 : vector<16xf32> to vector<1x16xf32>
    tpu.vector_store %arg16[%swap3A_727, %swap3A_728], %swap3A_731 {strides = array<i32>} : memref<64x64xf32, #tpu.memory_space<vmem>>, vector<1x16xf32>,
    %swap3A_732 = arith.constant 30 : i32
    %swap3A_733 = arith.index_cast %swap3A_732 : i32 to index
    %swap3A_734 = arith.constant 32 : index
    %swap3A_735 = tpu.vector_load %arg16[%swap3A_733, %swap3A_734] {strides = array<i32>} : memref<64x64xf32, #tpu.memory_space<vmem>>, vector<1x16xf32>,
    %swap3A_736 = vector.shape_cast %swap3A_735 : vector<1x16xf32> to vector<16xf32>
    %swap3A_737 = vector.shape_cast %broadcast_in_dim3A_0 : vector<16xf32> to vector<1x16xf32>
    tpu.vector_store %arg16[%swap3A_733, %swap3A_734], %swap3A_737 {strides = array<i32>} : memref<64x64xf32, #tpu.memory_space<vmem>>, vector<1x16xf32>,
    %swap3A_738 = arith.constant 30 : i32
    %swap3A_739 = arith.index_cast %swap3A_738 : i32 to index
    %swap3A_740 = arith.constant 48 : index
    %swap3A_741 = tpu.vector_load %arg16[%swap3A_739, %swap3A_740] {strides = array<i32>} : memref<64x64xf32, #tpu.memory_space<vmem>>, vector<1x16xf32>,
    %swap3A_742 = vector.shape_cast %swap3A_741 : vector<1x16xf32> to vector<16xf32>
    %swap3A_743 = vector.shape_cast %broadcast_in_dim3A_0 : vector<16xf32> to vector<1x16xf32>
    tpu.vector_store %arg16[%swap3A_739, %swap3A_740], %swap3A_743 {strides = array<i32>} : memref<64x64xf32, #tpu.memory_space<vmem>>, vector<1x16xf32>,
    %swap3A_744 = arith.constant 31 : i32
    %swap3A_745 = arith.index_cast %swap3A_744 : i32 to index
    %swap3A_746 = arith.constant 0 : index
    %swap3A_747 = tpu.vector_load %arg16[%swap3A_745, %swap3A_746] {strides = array<i32>} : memref<64x64xf32, #tpu.memory_space<vmem>>, vector<1x16xf32>,
    %swap3A_748 = vector.shape_cast %swap3A_747 : vector<1x16xf32> to vector<16xf32>
    %swap3A_749 = vector.shape_cast %broadcast_in_dim3A_0 : vector<16xf32> to vector<1x16xf32>
    tpu.vector_store %arg16[%swap3A_745, %swap3A_746], %swap3A_749 {strides = array<i32>} : memref<64x64xf32, #tpu.memory_space<vmem>>, vector<1x16xf32>,
    %swap3A_750 = arith.constant 31 : i32
    %swap3A_751 = arith.index_cast %swap3A_750 : i32 to index
    %swap3A_752 = arith.constant 16 : index
    %swap3A_753 = tpu.vector_load %arg16[%swap3A_751, %swap3A_752] {strides = array<i32>} : memref<64x64xf32, #tpu.memory_space<vmem>>, vector<1x16xf32>,
    %swap3A_754 = vector.shape_cast %swap3A_753 : vector<1x16xf32> to vector<16xf32>
    %swap3A_755 = vector.shape_cast %broadcast_in_dim3A_0 : vector<16xf32> to vector<1x16xf32>
    tpu.vector_store %arg16[%swap3A_751, %swap3A_752], %swap3A_755 {strides = array<i32>} : memref<64x64xf32, #tpu.memory_space<vmem>>, vector<1x16xf32>,
    %swap3A_756 = arith.constant 31 : i32
    %swap3A_757 = arith.index_cast %swap3A_756 : i32 to index
    %swap3A_758 = arith.constant 32 : index
    %swap3A_759 = tpu.vector_load %arg16[%swap3A_757, %swap3A_758] {strides = array<i32>} : memref<64x64xf32, #tpu.memory_space<vmem>>, vector<1x16xf32>,
    %swap3A_760 = vector.shape_cast %swap3A_759 : vector<1x16xf32> to vector<16xf32>
    %swap3A_761 = vector.shape_cast %broadcast_in_dim3A_0 : vector<16xf32> to vector<1x16xf32>
    tpu.vector_store %arg16[%swap3A_757, %swap3A_758], %swap3A_761 {strides = array<i32>} : memref<64x64xf32, #tpu.memory_space<vmem>>, vector<1x16xf32>,
    %swap3A_762 = arith.constant 31 : i32
    %swap3A_763 = arith.index_cast %swap3A_762 : i32 to index
    %swap3A_764 = arith.constant 48 : index
    %swap3A_765 = tpu.vector_load %arg16[%swap3A_763, %swap3A_764] {strides = array<i32>} : memref<64x64xf32, #tpu.memory_space<vmem>>, vector<1x16xf32>,
    %swap3A_766 = vector.shape_cast %swap3A_765 : vector<1x16xf32> to vector<16xf32>
    %swap3A_767 = vector.shape_cast %broadcast_in_dim3A_0 : vector<16xf32> to vector<1x16xf32>
    tpu.vector_store %arg16[%swap3A_763, %swap3A_764], %swap3A_767 {strides = array<i32>} : memref<64x64xf32, #tpu.memory_space<vmem>>, vector<1x16xf32>,
    %swap3A_768 = arith.constant 32 : i32
    %swap3A_769 = arith.index_cast %swap3A_768 : i32 to index
    %swap3A_770 = arith.constant 0 : index
    %swap3A_771 = tpu.vector_load %arg16[%swap3A_769, %swap3A_770] {strides = array<i32>} : memref<64x64xf32, #tpu.memory_space<vmem>>, vector<1x16xf32>,
    %swap3A_772 = vector.shape_cast %swap3A_771 : vector<1x16xf32> to vector<16xf32>
    %swap3A_773 = vector.shape_cast %broadcast_in_dim3A_0 : vector<16xf32> to vector<1x16xf32>
    tpu.vector_store %arg16[%swap3A_769, %swap3A_770], %swap3A_773 {strides = array<i32>} : memref<64x64xf32, #tpu.memory_space<vmem>>, vector<1x16xf32>,
    %swap3A_774 = arith.constant 32 : i32
    %swap3A_775 = arith.index_cast %swap3A_774 : i32 to index
    %swap3A_776 = arith.constant 16 : index
    %swap3A_777 = tpu.vector_load %arg16[%swap3A_775, %swap3A_776] {strides = array<i32>} : memref<64x64xf32, #tpu.memory_space<vmem>>, vector<1x16xf32>,
    %swap3A_778 = vector.shape_cast %swap3A_777 : vector<1x16xf32> to vector<16xf32>
    %swap3A_779 = vector.shape_cast %broadcast_in_dim3A_0 : vector<16xf32> to vector<1x16xf32>
    tpu.vector_store %arg16[%swap3A_775, %swap3A_776], %swap3A_779 {strides = array<i32>} : memref<64x64xf32, #tpu.memory_space<vmem>>, vector<1x16xf32>,
    %swap3A_780 = arith.constant 32 : i32
    %swap3A_781 = arith.index_cast %swap3A_780 : i32 to index
    %swap3A_782 = arith.constant 32 : index
    %swap3A_783 = tpu.vector_load %arg16[%swap3A_781, %swap3A_782] {strides = array<i32>} : memref<64x64xf32, #tpu.memory_space<vmem>>, vector<1x16xf32>,
    %swap3A_784 = vector.shape_cast %swap3A_783 : vector<1x16xf32> to vector<16xf32>
    %swap3A_785 = vector.shape_cast %broadcast_in_dim3A_0 : vector<16xf32> to vector<1x16xf32>
    tpu.vector_store %arg16[%swap3A_781, %swap3A_782], %swap3A_785 {strides = array<i32>} : memref<64x64xf32, #tpu.memory_space<vmem>>, vector<1x16xf32>,
    %swap3A_786 = arith.constant 32 : i32
    %swap3A_787 = arith.index_cast %swap3A_786 : i32 to index
    %swap3A_788 = arith.constant 48 : index
    %swap3A_789 = tpu.vector_load %arg16[%swap3A_787, %swap3A_788] {strides = array<i32>} : memref<64x64xf32, #tpu.memory_space<vmem>>, vector<1x16xf32>,
    %swap3A_790 = vector.shape_cast %swap3A_789 : vector<1x16xf32> to vector<16xf32>
    %swap3A_791 = vector.shape_cast %broadcast_in_dim3A_0 : vector<16xf32> to vector<1x16xf32>
    tpu.vector_store %arg16[%swap3A_787, %swap3A_788], %swap3A_791 {strides = array<i32>} : memref<64x64xf32, #tpu.memory_space<vmem>>, vector<1x16xf32>,
    %swap3A_792 = arith.constant 33 : i32
    %swap3A_793 = arith.index_cast %swap3A_792 : i32 to index
    %swap3A_794 = arith.constant 0 : index
    %swap3A_795 = tpu.vector_load %arg16[%swap3A_793, %swap3A_794] {strides = array<i32>} : memref<64x64xf32, #tpu.memory_space<vmem>>, vector<1x16xf32>,
    %swap3A_796 = vector.shape_cast %swap3A_795 : vector<1x16xf32> to vector<16xf32>
    %swap3A_797 = vector.shape_cast %broadcast_in_dim3A_0 : vector<16xf32> to vector<1x16xf32>
    tpu.vector_store %arg16[%swap3A_793, %swap3A_794], %swap3A_797 {strides = array<i32>} : memref<64x64xf32, #tpu.memory_space<vmem>>, vector<1x16xf32>,
    %swap3A_798 = arith.constant 33 : i32
    %swap3A_799 = arith.index_cast %swap3A_798 : i32 to index
    %swap3A_800 = arith.constant 16 : index
    %swap3A_801 = tpu.vector_load %arg16[%swap3A_799, %swap3A_800] {strides = array<i32>} : memref<64x64xf32, #tpu.memory_space<vmem>>, vector<1x16xf32>,
    %swap3A_802 = vector.shape_cast %swap3A_801 : vector<1x16xf32> to vector<16xf32>
    %swap3A_803 = vector.shape_cast %broadcast_in_dim3A_0 : vector<16xf32> to vector<1x16xf32>
    tpu.vector_store %arg16[%swap3A_799, %swap3A_800], %swap3A_803 {strides = array<i32>} : memref<64x64xf32, #tpu.memory_space<vmem>>, vector<1x16xf32>,
    %swap3A_804 = arith.constant 33 : i32
    %swap3A_805 = arith.index_cast %swap3A_804 : i32 to index
    %swap3A_806 = arith.constant 32 : index
    %swap3A_807 = tpu.vector_load %arg16[%swap3A_805, %swap3A_806] {strides = array<i32>} : memref<64x64xf32, #tpu.memory_space<vmem>>, vector<1x16xf32>,
    %swap3A_808 = vector.shape_cast %swap3A_807 : vector<1x16xf32> to vector<16xf32>
    %swap3A_809 = vector.shape_cast %broadcast_in_dim3A_0 : vector<16xf32> to vector<1x16xf32>
    tpu.vector_store %arg16[%swap3A_805, %swap3A_806], %swap3A_809 {strides = array<i32>} : memref<64x64xf32, #tpu.memory_space<vmem>>, vector<1x16xf32>,
    %swap3A_810 = arith.constant 33 : i32
    %swap3A_811 = arith.index_cast %swap3A_810 : i32 to index
    %swap3A_812 = arith.constant 48 : index
    %swap3A_813 = tpu.vector_load %arg16[%swap3A_811, %swap3A_812] {strides = array<i32>} : memref<64x64xf32, #tpu.memory_space<vmem>>, vector<1x16xf32>,
    %swap3A_814 = vector.shape_cast %swap3A_813 : vector<1x16xf32> to vector<16xf32>
    %swap3A_815 = vector.shape_cast %broadcast_in_dim3A_0 : vector<16xf32> to vector<1x16xf32>
    tpu.vector_store %arg16[%swap3A_811, %swap3A_812], %swap3A_815 {strides = array<i32>} : memref<64x64xf32, #tpu.memory_space<vmem>>, vector<1x16xf32>,
    %swap3A_816 = arith.constant 34 : i32
    %swap3A_817 = arith.index_cast %swap3A_816 : i32 to index
    %swap3A_818 = arith.constant 0 : index
    %swap3A_819 = tpu.vector_load %arg16[%swap3A_817, %swap3A_818] {strides = array<i32>} : memref<64x64xf32, #tpu.memory_space<vmem>>, vector<1x16xf32>,
    %swap3A_820 = vector.shape_cast %swap3A_819 : vector<1x16xf32> to vector<16xf32>
    %swap3A_821 = vector.shape_cast %broadcast_in_dim3A_0 : vector<16xf32> to vector<1x16xf32>
    tpu.vector_store %arg16[%swap3A_817, %swap3A_818], %swap3A_821 {strides = array<i32>} : memref<64x64xf32, #tpu.memory_space<vmem>>, vector<1x16xf32>,
    %swap3A_822 = arith.constant 34 : i32
    %swap3A_823 = arith.index_cast %swap3A_822 : i32 to index
    %swap3A_824 = arith.constant 16 : index
    %swap3A_825 = tpu.vector_load %arg16[%swap3A_823, %swap3A_824] {strides = array<i32>} : memref<64x64xf32, #tpu.memory_space<vmem>>, vector<1x16xf32>,
    %swap3A_826 = vector.shape_cast %swap3A_825 : vector<1x16xf32> to vector<16xf32>
    %swap3A_827 = vector.shape_cast %broadcast_in_dim3A_0 : vector<16xf32> to vector<1x16xf32>
    tpu.vector_store %arg16[%swap3A_823, %swap3A_824], %swap3A_827 {strides = array<i32>} : memref<64x64xf32, #tpu.memory_space<vmem>>, vector<1x16xf32>,
    %swap3A_828 = arith.constant 34 : i32
    %swap3A_829 = arith.index_cast %swap3A_828 : i32 to index
    %swap3A_830 = arith.constant 32 : index
    %swap3A_831 = tpu.vector_load %arg16[%swap3A_829, %swap3A_830] {strides = array<i32>} : memref<64x64xf32, #tpu.memory_space<vmem>>, vector<1x16xf32>,
    %swap3A_832 = vector.shape_cast %swap3A_831 : vector<1x16xf32> to vector<16xf32>
    %swap3A_833 = vector.shape_cast %broadcast_in_dim3A_0 : vector<16xf32> to vector<1x16xf32>
    tpu.vector_store %arg16[%swap3A_829, %swap3A_830], %swap3A_833 {strides = array<i32>} : memref<64x64xf32, #tpu.memory_space<vmem>>, vector<1x16xf32>,
    %swap3A_834 = arith.constant 34 : i32
    %swap3A_835 = arith.index_cast %swap3A_834 : i32 to index
    %swap3A_836 = arith.constant 48 : index
    %swap3A_837 = tpu.vector_load %arg16[%swap3A_835, %swap3A_836] {strides = array<i32>} : memref<64x64xf32, #tpu.memory_space<vmem>>, vector<1x16xf32>,
    %swap3A_838 = vector.shape_cast %swap3A_837 : vector<1x16xf32> to vector<16xf32>
    %swap3A_839 = vector.shape_cast %broadcast_in_dim3A_0 : vector<16xf32> to vector<1x16xf32>
    tpu.vector_store %arg16[%swap3A_835, %swap3A_836], %swap3A_839 {strides = array<i32>} : memref<64x64xf32, #tpu.memory_space<vmem>>, vector<1x16xf32>,
    %swap3A_840 = arith.constant 35 : i32
    %swap3A_841 = arith.index_cast %swap3A_840 : i32 to index
    %swap3A_842 = arith.constant 0 : index
    %swap3A_843 = tpu.vector_load %arg16[%swap3A_841, %swap3A_842] {strides = array<i32>} : memref<64x64xf32, #tpu.memory_space<vmem>>, vector<1x16xf32>,
    %swap3A_844 = vector.shape_cast %swap3A_843 : vector<1x16xf32> to vector<16xf32>
    %swap3A_845 = vector.shape_cast %broadcast_in_dim3A_0 : vector<16xf32> to vector<1x16xf32>
    tpu.vector_store %arg16[%swap3A_841, %swap3A_842], %swap3A_845 {strides = array<i32>} : memref<64x64xf32, #tpu.memory_space<vmem>>, vector<1x16xf32>,
    %swap3A_846 = arith.constant 35 : i32
    %swap3A_847 = arith.index_cast %swap3A_846 : i32 to index
    %swap3A_848 = arith.constant 16 : index
    %swap3A_849 = tpu.vector_load %arg16[%swap3A_847, %swap3A_848] {strides = array<i32>} : memref<64x64xf32, #tpu.memory_space<vmem>>, vector<1x16xf32>,
    %swap3A_850 = vector.shape_cast %swap3A_849 : vector<1x16xf32> to vector<16xf32>
    %swap3A_851 = vector.shape_cast %broadcast_in_dim3A_0 : vector<16xf32> to vector<1x16xf32>
    tpu.vector_store %arg16[%swap3A_847, %swap3A_848], %swap3A_851 {strides = array<i32>} : memref<64x64xf32, #tpu.memory_space<vmem>>, vector<1x16xf32>,
    %swap3A_852 = arith.constant 35 : i32
    %swap3A_853 = arith.index_cast %swap3A_852 : i32 to index
    %swap3A_854 = arith.constant 32 : index
    %swap3A_855 = tpu.vector_load %arg16[%swap3A_853, %swap3A_854] {strides = array<i32>} : memref<64x64xf32, #tpu.memory_space<vmem>>, vector<1x16xf32>,
    %swap3A_856 = vector.shape_cast %swap3A_855 : vector<1x16xf32> to vector<16xf32>
    %swap3A_857 = vector.shape_cast %broadcast_in_dim3A_0 : vector<16xf32> to vector<1x16xf32>
    tpu.vector_store %arg16[%swap3A_853, %swap3A_854], %swap3A_857 {strides = array<i32>} : memref<64x64xf32, #tpu.memory_space<vmem>>, vector<1x16xf32>,
    %swap3A_858 = arith.constant 35 : i32
    %swap3A_859 = arith.index_cast %swap3A_858 : i32 to index
    %swap3A_860 = arith.constant 48 : index
    %swap3A_861 = tpu.vector_load %arg16[%swap3A_859, %swap3A_860] {strides = array<i32>} : memref<64x64xf32, #tpu.memory_space<vmem>>, vector<1x16xf32>,
    %swap3A_862 = vector.shape_cast %swap3A_861 : vector<1x16xf32> to vector<16xf32>
    %swap3A_863 = vector.shape_cast %broadcast_in_dim3A_0 : vector<16xf32> to vector<1x16xf32>
    tpu.vector_store %arg16[%swap3A_859, %swap3A_860], %swap3A_863 {strides = array<i32>} : memref<64x64xf32, #tpu.memory_space<vmem>>, vector<1x16xf32>,
    %swap3A_864 = arith.constant 36 : i32
    %swap3A_865 = arith.index_cast %swap3A_864 : i32 to index
    %swap3A_866 = arith.constant 0 : index
    %swap3A_867 = tpu.vector_load %arg16[%swap3A_865, %swap3A_866] {strides = array<i32>} : memref<64x64xf32, #tpu.memory_space<vmem>>, vector<1x16xf32>,
    %swap3A_868 = vector.shape_cast %swap3A_867 : vector<1x16xf32> to vector<16xf32>
    %swap3A_869 = vector.shape_cast %broadcast_in_dim3A_0 : vector<16xf32> to vector<1x16xf32>
    tpu.vector_store %arg16[%swap3A_865, %swap3A_866], %swap3A_869 {strides = array<i32>} : memref<64x64xf32, #tpu.memory_space<vmem>>, vector<1x16xf32>,
    %swap3A_870 = arith.constant 36 : i32
    %swap3A_871 = arith.index_cast %swap3A_870 : i32 to index
    %swap3A_872 = arith.constant 16 : index
    %swap3A_873 = tpu.vector_load %arg16[%swap3A_871, %swap3A_872] {strides = array<i32>} : memref<64x64xf32, #tpu.memory_space<vmem>>, vector<1x16xf32>,
    %swap3A_874 = vector.shape_cast %swap3A_873 : vector<1x16xf32> to vector<16xf32>
    %swap3A_875 = vector.shape_cast %broadcast_in_dim3A_0 : vector<16xf32> to vector<1x16xf32>
    tpu.vector_store %arg16[%swap3A_871, %swap3A_872], %swap3A_875 {strides = array<i32>} : memref<64x64xf32, #tpu.memory_space<vmem>>, vector<1x16xf32>,
    %swap3A_876 = arith.constant 36 : i32
    %swap3A_877 = arith.index_cast %swap3A_876 : i32 to index
    %swap3A_878 = arith.constant 32 : index
    %swap3A_879 = tpu.vector_load %arg16[%swap3A_877, %swap3A_878] {strides = array<i32>} : memref<64x64xf32, #tpu.memory_space<vmem>>, vector<1x16xf32>,
    %swap3A_880 = vector.shape_cast %swap3A_879 : vector<1x16xf32> to vector<16xf32>
    %swap3A_881 = vector.shape_cast %broadcast_in_dim3A_0 : vector<16xf32> to vector<1x16xf32>
    tpu.vector_store %arg16[%swap3A_877, %swap3A_878], %swap3A_881 {strides = array<i32>} : memref<64x64xf32, #tpu.memory_space<vmem>>, vector<1x16xf32>,
    %swap3A_882 = arith.constant 36 : i32
    %swap3A_883 = arith.index_cast %swap3A_882 : i32 to index
    %swap3A_884 = arith.constant 48 : index
    %swap3A_885 = tpu.vector_load %arg16[%swap3A_883, %swap3A_884] {strides = array<i32>} : memref<64x64xf32, #tpu.memory_space<vmem>>, vector<1x16xf32>,
    %swap3A_886 = vector.shape_cast %swap3A_885 : vector<1x16xf32> to vector<16xf32>
    %swap3A_887 = vector.shape_cast %broadcast_in_dim3A_0 : vector<16xf32> to vector<1x16xf32>
    tpu.vector_store %arg16[%swap3A_883, %swap3A_884], %swap3A_887 {strides = array<i32>} : memref<64x64xf32, #tpu.memory_space<vmem>>, vector<1x16xf32>,
    %swap3A_888 = arith.constant 37 : i32
    %swap3A_889 = arith.index_cast %swap3A_888 : i32 to index
    %swap3A_890 = arith.constant 0 : index
    %swap3A_891 = tpu.vector_load %arg16[%swap3A_889, %swap3A_890] {strides = array<i32>} : memref<64x64xf32, #tpu.memory_space<vmem>>, vector<1x16xf32>,
    %swap3A_892 = vector.shape_cast %swap3A_891 : vector<1x16xf32> to vector<16xf32>
    %swap3A_893 = vector.shape_cast %broadcast_in_dim3A_0 : vector<16xf32> to vector<1x16xf32>
    tpu.vector_store %arg16[%swap3A_889, %swap3A_890], %swap3A_893 {strides = array<i32>} : memref<64x64xf32, #tpu.memory_space<vmem>>, vector<1x16xf32>,
    %swap3A_894 = arith.constant 37 : i32
    %swap3A_895 = arith.index_cast %swap3A_894 : i32 to index
    %swap3A_896 = arith.constant 16 : index
    %swap3A_897 = tpu.vector_load %arg16[%swap3A_895, %swap3A_896] {strides = array<i32>} : memref<64x64xf32, #tpu.memory_space<vmem>>, vector<1x16xf32>,
    %swap3A_898 = vector.shape_cast %swap3A_897 : vector<1x16xf32> to vector<16xf32>
    %swap3A_899 = vector.shape_cast %broadcast_in_dim3A_0 : vector<16xf32> to vector<1x16xf32>
    tpu.vector_store %arg16[%swap3A_895, %swap3A_896], %swap3A_899 {strides = array<i32>} : memref<64x64xf32, #tpu.memory_space<vmem>>, vector<1x16xf32>,
    %swap3A_900 = arith.constant 37 : i32
    %swap3A_901 = arith.index_cast %swap3A_900 : i32 to index
    %swap3A_902 = arith.constant 32 : index
    %swap3A_903 = tpu.vector_load %arg16[%swap3A_901, %swap3A_902] {strides = array<i32>} : memref<64x64xf32, #tpu.memory_space<vmem>>, vector<1x16xf32>,
    %swap3A_904 = vector.shape_cast %swap3A_903 : vector<1x16xf32> to vector<16xf32>
    %swap3A_905 = vector.shape_cast %broadcast_in_dim3A_0 : vector<16xf32> to vector<1x16xf32>
    tpu.vector_store %arg16[%swap3A_901, %swap3A_902], %swap3A_905 {strides = array<i32>} : memref<64x64xf32, #tpu.memory_space<vmem>>, vector<1x16xf32>,
    %swap3A_906 = arith.constant 37 : i32
    %swap3A_907 = arith.index_cast %swap3A_906 : i32 to index
    %swap3A_908 = arith.constant 48 : index
    %swap3A_909 = tpu.vector_load %arg16[%swap3A_907, %swap3A_908] {strides = array<i32>} : memref<64x64xf32, #tpu.memory_space<vmem>>, vector<1x16xf32>,
    %swap3A_910 = vector.shape_cast %swap3A_909 : vector<1x16xf32> to vector<16xf32>
    %swap3A_911 = vector.shape_cast %broadcast_in_dim3A_0 : vector<16xf32> to vector<1x16xf32>
    tpu.vector_store %arg16[%swap3A_907, %swap3A_908], %swap3A_911 {strides = array<i32>} : memref<64x64xf32, #tpu.memory_space<vmem>>, vector<1x16xf32>,
    %swap3A_912 = arith.constant 38 : i32
    %swap3A_913 = arith.index_cast %swap3A_912 : i32 to index
    %swap3A_914 = arith.constant 0 : index
    %swap3A_915 = tpu.vector_load %arg16[%swap3A_913, %swap3A_914] {strides = array<i32>} : memref<64x64xf32, #tpu.memory_space<vmem>>, vector<1x16xf32>,
    %swap3A_916 = vector.shape_cast %swap3A_915 : vector<1x16xf32> to vector<16xf32>
    %swap3A_917 = vector.shape_cast %broadcast_in_dim3A_0 : vector<16xf32> to vector<1x16xf32>
    tpu.vector_store %arg16[%swap3A_913, %swap3A_914], %swap3A_917 {strides = array<i32>} : memref<64x64xf32, #tpu.memory_space<vmem>>, vector<1x16xf32>,
    %swap3A_918 = arith.constant 38 : i32
    %swap3A_919 = arith.index_cast %swap3A_918 : i32 to index
    %swap3A_920 = arith.constant 16 : index
    %swap3A_921 = tpu.vector_load %arg16[%swap3A_919, %swap3A_920] {strides = array<i32>} : memref<64x64xf32, #tpu.memory_space<vmem>>, vector<1x16xf32>,
    %swap3A_922 = vector.shape_cast %swap3A_921 : vector<1x16xf32> to vector<16xf32>
    %swap3A_923 = vector.shape_cast %broadcast_in_dim3A_0 : vector<16xf32> to vector<1x16xf32>
    tpu.vector_store %arg16[%swap3A_919, %swap3A_920], %swap3A_923 {strides = array<i32>} : memref<64x64xf32, #tpu.memory_space<vmem>>, vector<1x16xf32>,
    %swap3A_924 = arith.constant 38 : i32
    %swap3A_925 = arith.index_cast %swap3A_924 : i32 to index
    %swap3A_926 = arith.constant 32 : index
    %swap3A_927 = tpu.vector_load %arg16[%swap3A_925, %swap3A_926] {strides = array<i32>} : memref<64x64xf32, #tpu.memory_space<vmem>>, vector<1x16xf32>,
    %swap3A_928 = vector.shape_cast %swap3A_927 : vector<1x16xf32> to vector<16xf32>
    %swap3A_929 = vector.shape_cast %broadcast_in_dim3A_0 : vector<16xf32> to vector<1x16xf32>
    tpu.vector_store %arg16[%swap3A_925, %swap3A_926], %swap3A_929 {strides = array<i32>} : memref<64x64xf32, #tpu.memory_space<vmem>>, vector<1x16xf32>,
    %swap3A_930 = arith.constant 38 : i32
    %swap3A_931 = arith.index_cast %swap3A_930 : i32 to index
    %swap3A_932 = arith.constant 48 : index
    %swap3A_933 = tpu.vector_load %arg16[%swap3A_931, %swap3A_932] {strides = array<i32>} : memref<64x64xf32, #tpu.memory_space<vmem>>, vector<1x16xf32>,
    %swap3A_934 = vector.shape_cast %swap3A_933 : vector<1x16xf32> to vector<16xf32>
    %swap3A_935 = vector.shape_cast %broadcast_in_dim3A_0 : vector<16xf32> to vector<1x16xf32>
    tpu.vector_store %arg16[%swap3A_931, %swap3A_932], %swap3A_935 {strides = array<i32>} : memref<64x64xf32, #tpu.memory_space<vmem>>, vector<1x16xf32>,
    %swap3A_936 = arith.constant 39 : i32
    %swap3A_937 = arith.index_cast %swap3A_936 : i32 to index
    %swap3A_938 = arith.constant 0 : index
    %swap3A_939 = tpu.vector_load %arg16[%swap3A_937, %swap3A_938] {strides = array<i32>} : memref<64x64xf32, #tpu.memory_space<vmem>>, vector<1x16xf32>,
    %swap3A_940 = vector.shape_cast %swap3A_939 : vector<1x16xf32> to vector<16xf32>
    %swap3A_941 = vector.shape_cast %broadcast_in_dim3A_0 : vector<16xf32> to vector<1x16xf32>
    tpu.vector_store %arg16[%swap3A_937, %swap3A_938], %swap3A_941 {strides = array<i32>} : memref<64x64xf32, #tpu.memory_space<vmem>>, vector<1x16xf32>,
    %swap3A_942 = arith.constant 39 : i32
    %swap3A_943 = arith.index_cast %swap3A_942 : i32 to index
    %swap3A_944 = arith.constant 16 : index
    %swap3A_945 = tpu.vector_load %arg16[%swap3A_943, %swap3A_944] {strides = array<i32>} : memref<64x64xf32, #tpu.memory_space<vmem>>, vector<1x16xf32>,
    %swap3A_946 = vector.shape_cast %swap3A_945 : vector<1x16xf32> to vector<16xf32>
    %swap3A_947 = vector.shape_cast %broadcast_in_dim3A_0 : vector<16xf32> to vector<1x16xf32>
    tpu.vector_store %arg16[%swap3A_943, %swap3A_944], %swap3A_947 {strides = array<i32>} : memref<64x64xf32, #tpu.memory_space<vmem>>, vector<1x16xf32>,
    %swap3A_948 = arith.constant 39 : i32
    %swap3A_949 = arith.index_cast %swap3A_948 : i32 to index
    %swap3A_950 = arith.constant 32 : index
    %swap3A_951 = tpu.vector_load %arg16[%swap3A_949, %swap3A_950] {strides = array<i32>} : memref<64x64xf32, #tpu.memory_space<vmem>>, vector<1x16xf32>,
    %swap3A_952 = vector.shape_cast %swap3A_951 : vector<1x16xf32> to vector<16xf32>
    %swap3A_953 = vector.shape_cast %broadcast_in_dim3A_0 : vector<16xf32> to vector<1x16xf32>
    tpu.vector_store %arg16[%swap3A_949, %swap3A_950], %swap3A_953 {strides = array<i32>} : memref<64x64xf32, #tpu.memory_space<vmem>>, vector<1x16xf32>,
    %swap3A_954 = arith.constant 39 : i32
    %swap3A_955 = arith.index_cast %swap3A_954 : i32 to index
    %swap3A_956 = arith.constant 48 : index
    %swap3A_957 = tpu.vector_load %arg16[%swap3A_955, %swap3A_956] {strides = array<i32>} : memref<64x64xf32, #tpu.memory_space<vmem>>, vector<1x16xf32>,
    %swap3A_958 = vector.shape_cast %swap3A_957 : vector<1x16xf32> to vector<16xf32>
    %swap3A_959 = vector.shape_cast %broadcast_in_dim3A_0 : vector<16xf32> to vector<1x16xf32>
    tpu.vector_store %arg16[%swap3A_955, %swap3A_956], %swap3A_959 {strides = array<i32>} : memref<64x64xf32, #tpu.memory_space<vmem>>, vector<1x16xf32>,
    %swap3A_960 = arith.constant 40 : i32
    %swap3A_961 = arith.index_cast %swap3A_960 : i32 to index
    %swap3A_962 = arith.constant 0 : index
    %swap3A_963 = tpu.vector_load %arg16[%swap3A_961, %swap3A_962] {strides = array<i32>} : memref<64x64xf32, #tpu.memory_space<vmem>>, vector<1x16xf32>,
    %swap3A_964 = vector.shape_cast %swap3A_963 : vector<1x16xf32> to vector<16xf32>
    %swap3A_965 = vector.shape_cast %broadcast_in_dim3A_0 : vector<16xf32> to vector<1x16xf32>
    tpu.vector_store %arg16[%swap3A_961, %swap3A_962], %swap3A_965 {strides = array<i32>} : memref<64x64xf32, #tpu.memory_space<vmem>>, vector<1x16xf32>,
    %swap3A_966 = arith.constant 40 : i32
    %swap3A_967 = arith.index_cast %swap3A_966 : i32 to index
    %swap3A_968 = arith.constant 16 : index
    %swap3A_969 = tpu.vector_load %arg16[%swap3A_967, %swap3A_968] {strides = array<i32>} : memref<64x64xf32, #tpu.memory_space<vmem>>, vector<1x16xf32>,
    %swap3A_970 = vector.shape_cast %swap3A_969 : vector<1x16xf32> to vector<16xf32>
    %swap3A_971 = vector.shape_cast %broadcast_in_dim3A_0 : vector<16xf32> to vector<1x16xf32>
    tpu.vector_store %arg16[%swap3A_967, %swap3A_968], %swap3A_971 {strides = array<i32>} : memref<64x64xf32, #tpu.memory_space<vmem>>, vector<1x16xf32>,
    %swap3A_972 = arith.constant 40 : i32
    %swap3A_973 = arith.index_cast %swap3A_972 : i32 to index
    %swap3A_974 = arith.constant 32 : index
    %swap3A_975 = tpu.vector_load %arg16[%swap3A_973, %swap3A_974] {strides = array<i32>} : memref<64x64xf32, #tpu.memory_space<vmem>>, vector<1x16xf32>,
    %swap3A_976 = vector.shape_cast %swap3A_975 : vector<1x16xf32> to vector<16xf32>
    %swap3A_977 = vector.shape_cast %broadcast_in_dim3A_0 : vector<16xf32> to vector<1x16xf32>
    tpu.vector_store %arg16[%swap3A_973, %swap3A_974], %swap3A_977 {strides = array<i32>} : memref<64x64xf32, #tpu.memory_space<vmem>>, vector<1x16xf32>,
    %swap3A_978 = arith.constant 40 : i32
    %swap3A_979 = arith.index_cast %swap3A_978 : i32 to index
    %swap3A_980 = arith.constant 48 : index
    %swap3A_981 = tpu.vector_load %arg16[%swap3A_979, %swap3A_980] {strides = array<i32>} : memref<64x64xf32, #tpu.memory_space<vmem>>, vector<1x16xf32>,
    %swap3A_982 = vector.shape_cast %swap3A_981 : vector<1x16xf32> to vector<16xf32>
    %swap3A_983 = vector.shape_cast %broadcast_in_dim3A_0 : vector<16xf32> to vector<1x16xf32>
    tpu.vector_store %arg16[%swap3A_979, %swap3A_980], %swap3A_983 {strides = array<i32>} : memref<64x64xf32, #tpu.memory_space<vmem>>, vector<1x16xf32>,
    %swap3A_984 = arith.constant 41 : i32
    %swap3A_985 = arith.index_cast %swap3A_984 : i32 to index
    %swap3A_986 = arith.constant 0 : index
    %swap3A_987 = tpu.vector_load %arg16[%swap3A_985, %swap3A_986] {strides = array<i32>} : memref<64x64xf32, #tpu.memory_space<vmem>>, vector<1x16xf32>,
    %swap3A_988 = vector.shape_cast %swap3A_987 : vector<1x16xf32> to vector<16xf32>
    %swap3A_989 = vector.shape_cast %broadcast_in_dim3A_0 : vector<16xf32> to vector<1x16xf32>
    tpu.vector_store %arg16[%swap3A_985, %swap3A_986], %swap3A_989 {strides = array<i32>} : memref<64x64xf32, #tpu.memory_space<vmem>>, vector<1x16xf32>,
    %swap3A_990 = arith.constant 41 : i32
    %swap3A_991 = arith.index_cast %swap3A_990 : i32 to index
    %swap3A_992 = arith.constant 16 : index
    %swap3A_993 = tpu.vector_load %arg16[%swap3A_991, %swap3A_992] {strides = array<i32>} : memref<64x64xf32, #tpu.memory_space<vmem>>, vector<1x16xf32>,
    %swap3A_994 = vector.shape_cast %swap3A_993 : vector<1x16xf32> to vector<16xf32>
    %swap3A_995 = vector.shape_cast %broadcast_in_dim3A_0 : vector<16xf32> to vector<1x16xf32>
    tpu.vector_store %arg16[%swap3A_991, %swap3A_992], %swap3A_995 {strides = array<i32>} : memref<64x64xf32, #tpu.memory_space<vmem>>, vector<1x16xf32>,
    %swap3A_996 = arith.constant 41 : i32
    %swap3A_997 = arith.index_cast %swap3A_996 : i32 to index
    %swap3A_998 = arith.constant 32 : index
    %swap3A_999 = tpu.vector_load %arg16[%swap3A_997, %swap3A_998] {strides = array<i32>} : memref<64x64xf32, #tpu.memory_space<vmem>>, vector<1x16xf32>,
    %swap3A_1000 = vector.shape_cast %swap3A_999 : vector<1x16xf32> to vector<16xf32>
    %swap3A_1001 = vector.shape_cast %broadcast_in_dim3A_0 : vector<16xf32> to vector<1x16xf32>
    tpu.vector_store %arg16[%swap3A_997, %swap3A_998], %swap3A_1001 {strides = array<i32>} : memref<64x64xf32, #tpu.memory_space<vmem>>, vector<1x16xf32>,
    %swap3A_1002 = arith.constant 41 : i32
    %swap3A_1003 = arith.index_cast %swap3A_1002 : i32 to index
    %swap3A_1004 = arith.constant 48 : index
    %swap3A_1005 = tpu.vector_load %arg16[%swap3A_1003, %swap3A_1004] {strides = array<i32>} : memref<64x64xf32, #tpu.memory_space<vmem>>, vector<1x16xf32>,
    %swap3A_1006 = vector.shape_cast %swap3A_1005 : vector<1x16xf32> to vector<16xf32>
    %swap3A_1007 = vector.shape_cast %broadcast_in_dim3A_0 : vector<16xf32> to vector<1x16xf32>
    tpu.vector_store %arg16[%swap3A_1003, %swap3A_1004], %swap3A_1007 {strides = array<i32>} : memref<64x64xf32, #tpu.memory_space<vmem>>, vector<1x16xf32>,
    %swap3A_1008 = arith.constant 42 : i32
    %swap3A_1009 = arith.index_cast %swap3A_1008 : i32 to index
    %swap3A_1010 = arith.constant 0 : index
    %swap3A_1011 = tpu.vector_load %arg16[%swap3A_1009, %swap3A_1010] {strides = array<i32>} : memref<64x64xf32, #tpu.memory_space<vmem>>, vector<1x16xf32>,
    %swap3A_1012 = vector.shape_cast %swap3A_1011 : vector<1x16xf32> to vector<16xf32>
    %swap3A_1013 = vector.shape_cast %broadcast_in_dim3A_0 : vector<16xf32> to vector<1x16xf32>
    tpu.vector_store %arg16[%swap3A_1009, %swap3A_1010], %swap3A_1013 {strides = array<i32>} : memref<64x64xf32, #tpu.memory_space<vmem>>, vector<1x16xf32>,
    %swap3A_1014 = arith.constant 42 : i32
    %swap3A_1015 = arith.index_cast %swap3A_1014 : i32 to index
    %swap3A_1016 = arith.constant 16 : index
    %swap3A_1017 = tpu.vector_load %arg16[%swap3A_1015, %swap3A_1016] {strides = array<i32>} : memref<64x64xf32, #tpu.memory_space<vmem>>, vector<1x16xf32>,
    %swap3A_1018 = vector.shape_cast %swap3A_1017 : vector<1x16xf32> to vector<16xf32>
    %swap3A_1019 = vector.shape_cast %broadcast_in_dim3A_0 : vector<16xf32> to vector<1x16xf32>
    tpu.vector_store %arg16[%swap3A_1015, %swap3A_1016], %swap3A_1019 {strides = array<i32>} : memref<64x64xf32, #tpu.memory_space<vmem>>, vector<1x16xf32>,
    %swap3A_1020 = arith.constant 42 : i32
    %swap3A_1021 = arith.index_cast %swap3A_1020 : i32 to index
    %swap3A_1022 = arith.constant 32 : index
    %swap3A_1023 = tpu.vector_load %arg16[%swap3A_1021, %swap3A_1022] {strides = array<i32>} : memref<64x64xf32, #tpu.memory_space<vmem>>, vector<1x16xf32>,
    %swap3A_1024 = vector.shape_cast %swap3A_1023 : vector<1x16xf32> to vector<16xf32>
    %swap3A_1025 = vector.shape_cast %broadcast_in_dim3A_0 : vector<16xf32> to vector<1x16xf32>
    tpu.vector_store %arg16[%swap3A_1021, %swap3A_1022], %swap3A_1025 {strides = array<i32>} : memref<64x64xf32, #tpu.memory_space<vmem>>, vector<1x16xf32>,
    %swap3A_1026 = arith.constant 42 : i32
    %swap3A_1027 = arith.index_cast %swap3A_1026 : i32 to index
    %swap3A_1028 = arith.constant 48 : index
    %swap3A_1029 = tpu.vector_load %arg16[%swap3A_1027, %swap3A_1028] {strides = array<i32>} : memref<64x64xf32, #tpu.memory_space<vmem>>, vector<1x16xf32>,
    %swap3A_1030 = vector.shape_cast %swap3A_1029 : vector<1x16xf32> to vector<16xf32>
    %swap3A_1031 = vector.shape_cast %broadcast_in_dim3A_0 : vector<16xf32> to vector<1x16xf32>
    tpu.vector_store %arg16[%swap3A_1027, %swap3A_1028], %swap3A_1031 {strides = array<i32>} : memref<64x64xf32, #tpu.memory_space<vmem>>, vector<1x16xf32>,
    %swap3A_1032 = arith.constant 43 : i32
    %swap3A_1033 = arith.index_cast %swap3A_1032 : i32 to index
    %swap3A_1034 = arith.constant 0 : index
    %swap3A_1035 = tpu.vector_load %arg16[%swap3A_1033, %swap3A_1034] {strides = array<i32>} : memref<64x64xf32, #tpu.memory_space<vmem>>, vector<1x16xf32>,
    %swap3A_1036 = vector.shape_cast %swap3A_1035 : vector<1x16xf32> to vector<16xf32>
    %swap3A_1037 = vector.shape_cast %broadcast_in_dim3A_0 : vector<16xf32> to vector<1x16xf32>
    tpu.vector_store %arg16[%swap3A_1033, %swap3A_1034], %swap3A_1037 {strides = array<i32>} : memref<64x64xf32, #tpu.memory_space<vmem>>, vector<1x16xf32>,
    %swap3A_1038 = arith.constant 43 : i32
    %swap3A_1039 = arith.index_cast %swap3A_1038 : i32 to index
    %swap3A_1040 = arith.constant 16 : index
    %swap3A_1041 = tpu.vector_load %arg16[%swap3A_1039, %swap3A_1040] {strides = array<i32>} : memref<64x64xf32, #tpu.memory_space<vmem>>, vector<1x16xf32>,
    %swap3A_1042 = vector.shape_cast %swap3A_1041 : vector<1x16xf32> to vector<16xf32>
    %swap3A_1043 = vector.shape_cast %broadcast_in_dim3A_0 : vector<16xf32> to vector<1x16xf32>
    tpu.vector_store %arg16[%swap3A_1039, %swap3A_1040], %swap3A_1043 {strides = array<i32>} : memref<64x64xf32, #tpu.memory_space<vmem>>, vector<1x16xf32>,
    %swap3A_1044 = arith.constant 43 : i32
    %swap3A_1045 = arith.index_cast %swap3A_1044 : i32 to index
    %swap3A_1046 = arith.constant 32 : index
    %swap3A_1047 = tpu.vector_load %arg16[%swap3A_1045, %swap3A_1046] {strides = array<i32>} : memref<64x64xf32, #tpu.memory_space<vmem>>, vector<1x16xf32>,
    %swap3A_1048 = vector.shape_cast %swap3A_1047 : vector<1x16xf32> to vector<16xf32>
    %swap3A_1049 = vector.shape_cast %broadcast_in_dim3A_0 : vector<16xf32> to vector<1x16xf32>
    tpu.vector_store %arg16[%swap3A_1045, %swap3A_1046], %swap3A_1049 {strides = array<i32>} : memref<64x64xf32, #tpu.memory_space<vmem>>, vector<1x16xf32>,
    %swap3A_1050 = arith.constant 43 : i32
    %swap3A_1051 = arith.index_cast %swap3A_1050 : i32 to index
    %swap3A_1052 = arith.constant 48 : index
    %swap3A_1053 = tpu.vector_load %arg16[%swap3A_1051, %swap3A_1052] {strides = array<i32>} : memref<64x64xf32, #tpu.memory_space<vmem>>, vector<1x16xf32>,
    %swap3A_1054 = vector.shape_cast %swap3A_1053 : vector<1x16xf32> to vector<16xf32>
    %swap3A_1055 = vector.shape_cast %broadcast_in_dim3A_0 : vector<16xf32> to vector<1x16xf32>
    tpu.vector_store %arg16[%swap3A_1051, %swap3A_1052], %swap3A_1055 {strides = array<i32>} : memref<64x64xf32, #tpu.memory_space<vmem>>, vector<1x16xf32>,
    %swap3A_1056 = arith.constant 44 : i32
    %swap3A_1057 = arith.index_cast %swap3A_1056 : i32 to index
    %swap3A_1058 = arith.constant 0 : index
    %swap3A_1059 = tpu.vector_load %arg16[%swap3A_1057, %swap3A_1058] {strides = array<i32>} : memref<64x64xf32, #tpu.memory_space<vmem>>, vector<1x16xf32>,
    %swap3A_1060 = vector.shape_cast %swap3A_1059 : vector<1x16xf32> to vector<16xf32>
    %swap3A_1061 = vector.shape_cast %broadcast_in_dim3A_0 : vector<16xf32> to vector<1x16xf32>
    tpu.vector_store %arg16[%swap3A_1057, %swap3A_1058], %swap3A_1061 {strides = array<i32>} : memref<64x64xf32, #tpu.memory_space<vmem>>, vector<1x16xf32>,
    %swap3A_1062 = arith.constant 44 : i32
    %swap3A_1063 = arith.index_cast %swap3A_1062 : i32 to index
    %swap3A_1064 = arith.constant 16 : index
    %swap3A_1065 = tpu.vector_load %arg16[%swap3A_1063, %swap3A_1064] {strides = array<i32>} : memref<64x64xf32, #tpu.memory_space<vmem>>, vector<1x16xf32>,
    %swap3A_1066 = vector.shape_cast %swap3A_1065 : vector<1x16xf32> to vector<16xf32>
    %swap3A_1067 = vector.shape_cast %broadcast_in_dim3A_0 : vector<16xf32> to vector<1x16xf32>
    tpu.vector_store %arg16[%swap3A_1063, %swap3A_1064], %swap3A_1067 {strides = array<i32>} : memref<64x64xf32, #tpu.memory_space<vmem>>, vector<1x16xf32>,
    %swap3A_1068 = arith.constant 44 : i32
    %swap3A_1069 = arith.index_cast %swap3A_1068 : i32 to index
    %swap3A_1070 = arith.constant 32 : index
    %swap3A_1071 = tpu.vector_load %arg16[%swap3A_1069, %swap3A_1070] {strides = array<i32>} : memref<64x64xf32, #tpu.memory_space<vmem>>, vector<1x16xf32>,
    %swap3A_1072 = vector.shape_cast %swap3A_1071 : vector<1x16xf32> to vector<16xf32>
    %swap3A_1073 = vector.shape_cast %broadcast_in_dim3A_0 : vector<16xf32> to vector<1x16xf32>
    tpu.vector_store %arg16[%swap3A_1069, %swap3A_1070], %swap3A_1073 {strides = array<i32>} : memref<64x64xf32, #tpu.memory_space<vmem>>, vector<1x16xf32>,
    %swap3A_1074 = arith.constant 44 : i32
    %swap3A_1075 = arith.index_cast %swap3A_1074 : i32 to index
    %swap3A_1076 = arith.constant 48 : index
    %swap3A_1077 = tpu.vector_load %arg16[%swap3A_1075, %swap3A_1076] {strides = array<i32>} : memref<64x64xf32, #tpu.memory_space<vmem>>, vector<1x16xf32>,
    %swap3A_1078 = vector.shape_cast %swap3A_1077 : vector<1x16xf32> to vector<16xf32>
    %swap3A_1079 = vector.shape_cast %broadcast_in_dim3A_0 : vector<16xf32> to vector<1x16xf32>
    tpu.vector_store %arg16[%swap3A_1075, %swap3A_1076], %swap3A_1079 {strides = array<i32>} : memref<64x64xf32, #tpu.memory_space<vmem>>, vector<1x16xf32>,
    %swap3A_1080 = arith.constant 45 : i32
    %swap3A_1081 = arith.index_cast %swap3A_1080 : i32 to index
    %swap3A_1082 = arith.constant 0 : index
    %swap3A_1083 = tpu.vector_load %arg16[%swap3A_1081, %swap3A_1082] {strides = array<i32>} : memref<64x64xf32, #tpu.memory_space<vmem>>, vector<1x16xf32>,
    %swap3A_1084 = vector.shape_cast %swap3A_1083 : vector<1x16xf32> to vector<16xf32>
    %swap3A_1085 = vector.shape_cast %broadcast_in_dim3A_0 : vector<16xf32> to vector<1x16xf32>
    tpu.vector_store %arg16[%swap3A_1081, %swap3A_1082], %swap3A_1085 {strides = array<i32>} : memref<64x64xf32, #tpu.memory_space<vmem>>, vector<1x16xf32>,
    %swap3A_1086 = arith.constant 45 : i32
    %swap3A_1087 = arith.index_cast %swap3A_1086 : i32 to index
    %swap3A_1088 = arith.constant 16 : index
    %swap3A_1089 = tpu.vector_load %arg16[%swap3A_1087, %swap3A_1088] {strides = array<i32>} : memref<64x64xf32, #tpu.memory_space<vmem>>, vector<1x16xf32>,
    %swap3A_1090 = vector.shape_cast %swap3A_1089 : vector<1x16xf32> to vector<16xf32>
    %swap3A_1091 = vector.shape_cast %broadcast_in_dim3A_0 : vector<16xf32> to vector<1x16xf32>
    tpu.vector_store %arg16[%swap3A_1087, %swap3A_1088], %swap3A_1091 {strides = array<i32>} : memref<64x64xf32, #tpu.memory_space<vmem>>, vector<1x16xf32>,
    %swap3A_1092 = arith.constant 45 : i32
    %swap3A_1093 = arith.index_cast %swap3A_1092 : i32 to index
    %swap3A_1094 = arith.constant 32 : index
    %swap3A_1095 = tpu.vector_load %arg16[%swap3A_1093, %swap3A_1094] {strides = array<i32>} : memref<64x64xf32, #tpu.memory_space<vmem>>, vector<1x16xf32>,
    %swap3A_1096 = vector.shape_cast %swap3A_1095 : vector<1x16xf32> to vector<16xf32>
    %swap3A_1097 = vector.shape_cast %broadcast_in_dim3A_0 : vector<16xf32> to vector<1x16xf32>
    tpu.vector_store %arg16[%swap3A_1093, %swap3A_1094], %swap3A_1097 {strides = array<i32>} : memref<64x64xf32, #tpu.memory_space<vmem>>, vector<1x16xf32>,
    %swap3A_1098 = arith.constant 45 : i32
    %swap3A_1099 = arith.index_cast %swap3A_1098 : i32 to index
    %swap3A_1100 = arith.constant 48 : index
    %swap3A_1101 = tpu.vector_load %arg16[%swap3A_1099, %swap3A_1100] {strides = array<i32>} : memref<64x64xf32, #tpu.memory_space<vmem>>, vector<1x16xf32>,
    %swap3A_1102 = vector.shape_cast %swap3A_1101 : vector<1x16xf32> to vector<16xf32>
    %swap3A_1103 = vector.shape_cast %broadcast_in_dim3A_0 : vector<16xf32> to vector<1x16xf32>
    tpu.vector_store %arg16[%swap3A_1099, %swap3A_1100], %swap3A_1103 {strides = array<i32>} : memref<64x64xf32, #tpu.memory_space<vmem>>, vector<1x16xf32>,
    %swap3A_1104 = arith.constant 46 : i32
    %swap3A_1105 = arith.index_cast %swap3A_1104 : i32 to index
    %swap3A_1106 = arith.constant 0 : index
    %swap3A_1107 = tpu.vector_load %arg16[%swap3A_1105, %swap3A_1106] {strides = array<i32>} : memref<64x64xf32, #tpu.memory_space<vmem>>, vector<1x16xf32>,
    %swap3A_1108 = vector.shape_cast %swap3A_1107 : vector<1x16xf32> to vector<16xf32>
    %swap3A_1109 = vector.shape_cast %broadcast_in_dim3A_0 : vector<16xf32> to vector<1x16xf32>
    tpu.vector_store %arg16[%swap3A_1105, %swap3A_1106], %swap3A_1109 {strides = array<i32>} : memref<64x64xf32, #tpu.memory_space<vmem>>, vector<1x16xf32>,
    %swap3A_1110 = arith.constant 46 : i32
    %swap3A_1111 = arith.index_cast %swap3A_1110 : i32 to index
    %swap3A_1112 = arith.constant 16 : index
    %swap3A_1113 = tpu.vector_load %arg16[%swap3A_1111, %swap3A_1112] {strides = array<i32>} : memref<64x64xf32, #tpu.memory_space<vmem>>, vector<1x16xf32>,
    %swap3A_1114 = vector.shape_cast %swap3A_1113 : vector<1x16xf32> to vector<16xf32>
    %swap3A_1115 = vector.shape_cast %broadcast_in_dim3A_0 : vector<16xf32> to vector<1x16xf32>
    tpu.vector_store %arg16[%swap3A_1111, %swap3A_1112], %swap3A_1115 {strides = array<i32>} : memref<64x64xf32, #tpu.memory_space<vmem>>, vector<1x16xf32>,
    %swap3A_1116 = arith.constant 46 : i32
    %swap3A_1117 = arith.index_cast %swap3A_1116 : i32 to index
    %swap3A_1118 = arith.constant 32 : index
    %swap3A_1119 = tpu.vector_load %arg16[%swap3A_1117, %swap3A_1118] {strides = array<i32>} : memref<64x64xf32, #tpu.memory_space<vmem>>, vector<1x16xf32>,
    %swap3A_1120 = vector.shape_cast %swap3A_1119 : vector<1x16xf32> to vector<16xf32>
    %swap3A_1121 = vector.shape_cast %broadcast_in_dim3A_0 : vector<16xf32> to vector<1x16xf32>
    tpu.vector_store %arg16[%swap3A_1117, %swap3A_1118], %swap3A_1121 {strides = array<i32>} : memref<64x64xf32, #tpu.memory_space<vmem>>, vector<1x16xf32>,
    %swap3A_1122 = arith.constant 46 : i32
    %swap3A_1123 = arith.index_cast %swap3A_1122 : i32 to index
    %swap3A_1124 = arith.constant 48 : index
    %swap3A_1125 = tpu.vector_load %arg16[%swap3A_1123, %swap3A_1124] {strides = array<i32>} : memref<64x64xf32, #tpu.memory_space<vmem>>, vector<1x16xf32>,
    %swap3A_1126 = vector.shape_cast %swap3A_1125 : vector<1x16xf32> to vector<16xf32>
    %swap3A_1127 = vector.shape_cast %broadcast_in_dim3A_0 : vector<16xf32> to vector<1x16xf32>
    tpu.vector_store %arg16[%swap3A_1123, %swap3A_1124], %swap3A_1127 {strides = array<i32>} : memref<64x64xf32, #tpu.memory_space<vmem>>, vector<1x16xf32>,
    %swap3A_1128 = arith.constant 47 : i32
    %swap3A_1129 = arith.index_cast %swap3A_1128 : i32 to index
    %swap3A_1130 = arith.constant 0 : index
    %swap3A_1131 = tpu.vector_load %arg16[%swap3A_1129, %swap3A_1130] {strides = array<i32>} : memref<64x64xf32, #tpu.memory_space<vmem>>, vector<1x16xf32>,
    %swap3A_1132 = vector.shape_cast %swap3A_1131 : vector<1x16xf32> to vector<16xf32>
    %swap3A_1133 = vector.shape_cast %broadcast_in_dim3A_0 : vector<16xf32> to vector<1x16xf32>
    tpu.vector_store %arg16[%swap3A_1129, %swap3A_1130], %swap3A_1133 {strides = array<i32>} : memref<64x64xf32, #tpu.memory_space<vmem>>, vector<1x16xf32>,
    %swap3A_1134 = arith.constant 47 : i32
    %swap3A_1135 = arith.index_cast %swap3A_1134 : i32 to index
    %swap3A_1136 = arith.constant 16 : index
    %swap3A_1137 = tpu.vector_load %arg16[%swap3A_1135, %swap3A_1136] {strides = array<i32>} : memref<64x64xf32, #tpu.memory_space<vmem>>, vector<1x16xf32>,
    %swap3A_1138 = vector.shape_cast %swap3A_1137 : vector<1x16xf32> to vector<16xf32>
    %swap3A_1139 = vector.shape_cast %broadcast_in_dim3A_0 : vector<16xf32> to vector<1x16xf32>
    tpu.vector_store %arg16[%swap3A_1135, %swap3A_1136], %swap3A_1139 {strides = array<i32>} : memref<64x64xf32, #tpu.memory_space<vmem>>, vector<1x16xf32>,
    %swap3A_1140 = arith.constant 47 : i32
    %swap3A_1141 = arith.index_cast %swap3A_1140 : i32 to index
    %swap3A_1142 = arith.constant 32 : index
    %swap3A_1143 = tpu.vector_load %arg16[%swap3A_1141, %swap3A_1142] {strides = array<i32>} : memref<64x64xf32, #tpu.memory_space<vmem>>, vector<1x16xf32>,
    %swap3A_1144 = vector.shape_cast %swap3A_1143 : vector<1x16xf32> to vector<16xf32>
    %swap3A_1145 = vector.shape_cast %broadcast_in_dim3A_0 : vector<16xf32> to vector<1x16xf32>
    tpu.vector_store %arg16[%swap3A_1141, %swap3A_1142], %swap3A_1145 {strides = array<i32>} : memref<64x64xf32, #tpu.memory_space<vmem>>, vector<1x16xf32>,
    %swap3A_1146 = arith.constant 47 : i32
    %swap3A_1147 = arith.index_cast %swap3A_1146 : i32 to index
    %swap3A_1148 = arith.constant 48 : index
    %swap3A_1149 = tpu.vector_load %arg16[%swap3A_1147, %swap3A_1148] {strides = array<i32>} : memref<64x64xf32, #tpu.memory_space<vmem>>, vector<1x16xf32>,
    %swap3A_1150 = vector.shape_cast %swap3A_1149 : vector<1x16xf32> to vector<16xf32>
    %swap3A_1151 = vector.shape_cast %broadcast_in_dim3A_0 : vector<16xf32> to vector<1x16xf32>
    tpu.vector_store %arg16[%swap3A_1147, %swap3A_1148], %swap3A_1151 {strides = array<i32>} : memref<64x64xf32, #tpu.memory_space<vmem>>, vector<1x16xf32>,
    %swap3A_1152 = arith.constant 48 : i32
    %swap3A_1153 = arith.index_cast %swap3A_1152 : i32 to index
    %swap3A_1154 = arith.constant 0 : index
    %swap3A_1155 = tpu.vector_load %arg16[%swap3A_1153, %swap3A_1154] {strides = array<i32>} : memref<64x64xf32, #tpu.memory_space<vmem>>, vector<1x16xf32>,
    %swap3A_1156 = vector.shape_cast %swap3A_1155 : vector<1x16xf32> to vector<16xf32>
    %swap3A_1157 = vector.shape_cast %broadcast_in_dim3A_0 : vector<16xf32> to vector<1x16xf32>
    tpu.vector_store %arg16[%swap3A_1153, %swap3A_1154], %swap3A_1157 {strides = array<i32>} : memref<64x64xf32, #tpu.memory_space<vmem>>, vector<1x16xf32>,
    %swap3A_1158 = arith.constant 48 : i32
    %swap3A_1159 = arith.index_cast %swap3A_1158 : i32 to index
    %swap3A_1160 = arith.constant 16 : index
    %swap3A_1161 = tpu.vector_load %arg16[%swap3A_1159, %swap3A_1160] {strides = array<i32>} : memref<64x64xf32, #tpu.memory_space<vmem>>, vector<1x16xf32>,
    %swap3A_1162 = vector.shape_cast %swap3A_1161 : vector<1x16xf32> to vector<16xf32>
    %swap3A_1163 = vector.shape_cast %broadcast_in_dim3A_0 : vector<16xf32> to vector<1x16xf32>
    tpu.vector_store %arg16[%swap3A_1159, %swap3A_1160], %swap3A_1163 {strides = array<i32>} : memref<64x64xf32, #tpu.memory_space<vmem>>, vector<1x16xf32>,
    %swap3A_1164 = arith.constant 48 : i32
    %swap3A_1165 = arith.index_cast %swap3A_1164 : i32 to index
    %swap3A_1166 = arith.constant 32 : index
    %swap3A_1167 = tpu.vector_load %arg16[%swap3A_1165, %swap3A_1166] {strides = array<i32>} : memref<64x64xf32, #tpu.memory_space<vmem>>, vector<1x16xf32>,
    %swap3A_1168 = vector.shape_cast %swap3A_1167 : vector<1x16xf32> to vector<16xf32>
    %swap3A_1169 = vector.shape_cast %broadcast_in_dim3A_0 : vector<16xf32> to vector<1x16xf32>
    tpu.vector_store %arg16[%swap3A_1165, %swap3A_1166], %swap3A_1169 {strides = array<i32>} : memref<64x64xf32, #tpu.memory_space<vmem>>, vector<1x16xf32>,
    %swap3A_1170 = arith.constant 48 : i32
    %swap3A_1171 = arith.index_cast %swap3A_1170 : i32 to index
    %swap3A_1172 = arith.constant 48 : index
    %swap3A_1173 = tpu.vector_load %arg16[%swap3A_1171, %swap3A_1172] {strides = array<i32>} : memref<64x64xf32, #tpu.memory_space<vmem>>, vector<1x16xf32>,
    %swap3A_1174 = vector.shape_cast %swap3A_1173 : vector<1x16xf32> to vector<16xf32>
    %swap3A_1175 = vector.shape_cast %broadcast_in_dim3A_0 : vector<16xf32> to vector<1x16xf32>
    tpu.vector_store %arg16[%swap3A_1171, %swap3A_1172], %swap3A_1175 {strides = array<i32>} : memref<64x64xf32, #tpu.memory_space<vmem>>, vector<1x16xf32>,
    %swap3A_1176 = arith.constant 49 : i32
    %swap3A_1177 = arith.index_cast %swap3A_1176 : i32 to index
    %swap3A_1178 = arith.constant 0 : index
    %swap3A_1179 = tpu.vector_load %arg16[%swap3A_1177, %swap3A_1178] {strides = array<i32>} : memref<64x64xf32, #tpu.memory_space<vmem>>, vector<1x16xf32>,
    %swap3A_1180 = vector.shape_cast %swap3A_1179 : vector<1x16xf32> to vector<16xf32>
    %swap3A_1181 = vector.shape_cast %broadcast_in_dim3A_0 : vector<16xf32> to vector<1x16xf32>
    tpu.vector_store %arg16[%swap3A_1177, %swap3A_1178], %swap3A_1181 {strides = array<i32>} : memref<64x64xf32, #tpu.memory_space<vmem>>, vector<1x16xf32>,
    %swap3A_1182 = arith.constant 49 : i32
    %swap3A_1183 = arith.index_cast %swap3A_1182 : i32 to index
    %swap3A_1184 = arith.constant 16 : index
    %swap3A_1185 = tpu.vector_load %arg16[%swap3A_1183, %swap3A_1184] {strides = array<i32>} : memref<64x64xf32, #tpu.memory_space<vmem>>, vector<1x16xf32>,
    %swap3A_1186 = vector.shape_cast %swap3A_1185 : vector<1x16xf32> to vector<16xf32>
    %swap3A_1187 = vector.shape_cast %broadcast_in_dim3A_0 : vector<16xf32> to vector<1x16xf32>
    tpu.vector_store %arg16[%swap3A_1183, %swap3A_1184], %swap3A_1187 {strides = array<i32>} : memref<64x64xf32, #tpu.memory_space<vmem>>, vector<1x16xf32>,
    %swap3A_1188 = arith.constant 49 : i32
    %swap3A_1189 = arith.index_cast %swap3A_1188 : i32 to index
    %swap3A_1190 = arith.constant 32 : index
    %swap3A_1191 = tpu.vector_load %arg16[%swap3A_1189, %swap3A_1190] {strides = array<i32>} : memref<64x64xf32, #tpu.memory_space<vmem>>, vector<1x16xf32>,
    %swap3A_1192 = vector.shape_cast %swap3A_1191 : vector<1x16xf32> to vector<16xf32>
    %swap3A_1193 = vector.shape_cast %broadcast_in_dim3A_0 : vector<16xf32> to vector<1x16xf32>
    tpu.vector_store %arg16[%swap3A_1189, %swap3A_1190], %swap3A_1193 {strides = array<i32>} : memref<64x64xf32, #tpu.memory_space<vmem>>, vector<1x16xf32>,
    %swap3A_1194 = arith.constant 49 : i32
    %swap3A_1195 = arith.index_cast %swap3A_1194 : i32 to index
    %swap3A_1196 = arith.constant 48 : index
    %swap3A_1197 = tpu.vector_load %arg16[%swap3A_1195, %swap3A_1196] {strides = array<i32>} : memref<64x64xf32, #tpu.memory_space<vmem>>, vector<1x16xf32>,
    %swap3A_1198 = vector.shape_cast %swap3A_1197 : vector<1x16xf32> to vector<16xf32>
    %swap3A_1199 = vector.shape_cast %broadcast_in_dim3A_0 : vector<16xf32> to vector<1x16xf32>
    tpu.vector_store %arg16[%swap3A_1195, %swap3A_1196], %swap3A_1199 {strides = array<i32>} : memref<64x64xf32, #tpu.memory_space<vmem>>, vector<1x16xf32>,
    %swap3A_1200 = arith.constant 50 : i32
    %swap3A_1201 = arith.index_cast %swap3A_1200 : i32 to index
    %swap3A_1202 = arith.constant 0 : index
    %swap3A_1203 = tpu.vector_load %arg16[%swap3A_1201, %swap3A_1202] {strides = array<i32>} : memref<64x64xf32, #tpu.memory_space<vmem>>, vector<1x16xf32>,
    %swap3A_1204 = vector.shape_cast %swap3A_1203 : vector<1x16xf32> to vector<16xf32>
    %swap3A_1205 = vector.shape_cast %broadcast_in_dim3A_0 : vector<16xf32> to vector<1x16xf32>
    tpu.vector_store %arg16[%swap3A_1201, %swap3A_1202], %swap3A_1205 {strides = array<i32>} : memref<64x64xf32, #tpu.memory_space<vmem>>, vector<1x16xf32>,
    %swap3A_1206 = arith.constant 50 : i32
    %swap3A_1207 = arith.index_cast %swap3A_1206 : i32 to index
    %swap3A_1208 = arith.constant 16 : index
    %swap3A_1209 = tpu.vector_load %arg16[%swap3A_1207, %swap3A_1208] {strides = array<i32>} : memref<64x64xf32, #tpu.memory_space<vmem>>, vector<1x16xf32>,
    %swap3A_1210 = vector.shape_cast %swap3A_1209 : vector<1x16xf32> to vector<16xf32>
    %swap3A_1211 = vector.shape_cast %broadcast_in_dim3A_0 : vector<16xf32> to vector<1x16xf32>
    tpu.vector_store %arg16[%swap3A_1207, %swap3A_1208], %swap3A_1211 {strides = array<i32>} : memref<64x64xf32, #tpu.memory_space<vmem>>, vector<1x16xf32>,
    %swap3A_1212 = arith.constant 50 : i32
    %swap3A_1213 = arith.index_cast %swap3A_1212 : i32 to index
    %swap3A_1214 = arith.constant 32 : index
    %swap3A_1215 = tpu.vector_load %arg16[%swap3A_1213, %swap3A_1214] {strides = array<i32>} : memref<64x64xf32, #tpu.memory_space<vmem>>, vector<1x16xf32>,
    %swap3A_1216 = vector.shape_cast %swap3A_1215 : vector<1x16xf32> to vector<16xf32>
    %swap3A_1217 = vector.shape_cast %broadcast_in_dim3A_0 : vector<16xf32> to vector<1x16xf32>
    tpu.vector_store %arg16[%swap3A_1213, %swap3A_1214], %swap3A_1217 {strides = array<i32>} : memref<64x64xf32, #tpu.memory_space<vmem>>, vector<1x16xf32>,
    %swap3A_1218 = arith.constant 50 : i32
    %swap3A_1219 = arith.index_cast %swap3A_1218 : i32 to index
    %swap3A_1220 = arith.constant 48 : index
    %swap3A_1221 = tpu.vector_load %arg16[%swap3A_1219, %swap3A_1220] {strides = array<i32>} : memref<64x64xf32, #tpu.memory_space<vmem>>, vector<1x16xf32>,
    %swap3A_1222 = vector.shape_cast %swap3A_1221 : vector<1x16xf32> to vector<16xf32>
    %swap3A_1223 = vector.shape_cast %broadcast_in_dim3A_0 : vector<16xf32> to vector<1x16xf32>
    tpu.vector_store %arg16[%swap3A_1219, %swap3A_1220], %swap3A_1223 {strides = array<i32>} : memref<64x64xf32, #tpu.memory_space<vmem>>, vector<1x16xf32>,
    %swap3A_1224 = arith.constant 51 : i32
    %swap3A_1225 = arith.index_cast %swap3A_1224 : i32 to index
    %swap3A_1226 = arith.constant 0 : index
    %swap3A_1227 = tpu.vector_load %arg16[%swap3A_1225, %swap3A_1226] {strides = array<i32>} : memref<64x64xf32, #tpu.memory_space<vmem>>, vector<1x16xf32>,
    %swap3A_1228 = vector.shape_cast %swap3A_1227 : vector<1x16xf32> to vector<16xf32>
    %swap3A_1229 = vector.shape_cast %broadcast_in_dim3A_0 : vector<16xf32> to vector<1x16xf32>
    tpu.vector_store %arg16[%swap3A_1225, %swap3A_1226], %swap3A_1229 {strides = array<i32>} : memref<64x64xf32, #tpu.memory_space<vmem>>, vector<1x16xf32>,
    %swap3A_1230 = arith.constant 51 : i32
    %swap3A_1231 = arith.index_cast %swap3A_1230 : i32 to index
    %swap3A_1232 = arith.constant 16 : index
    %swap3A_1233 = tpu.vector_load %arg16[%swap3A_1231, %swap3A_1232] {strides = array<i32>} : memref<64x64xf32, #tpu.memory_space<vmem>>, vector<1x16xf32>,
    %swap3A_1234 = vector.shape_cast %swap3A_1233 : vector<1x16xf32> to vector<16xf32>
    %swap3A_1235 = vector.shape_cast %broadcast_in_dim3A_0 : vector<16xf32> to vector<1x16xf32>
    tpu.vector_store %arg16[%swap3A_1231, %swap3A_1232], %swap3A_1235 {strides = array<i32>} : memref<64x64xf32, #tpu.memory_space<vmem>>, vector<1x16xf32>,
    %swap3A_1236 = arith.constant 51 : i32
    %swap3A_1237 = arith.index_cast %swap3A_1236 : i32 to index
    %swap3A_1238 = arith.constant 32 : index
    %swap3A_1239 = tpu.vector_load %arg16[%swap3A_1237, %swap3A_1238] {strides = array<i32>} : memref<64x64xf32, #tpu.memory_space<vmem>>, vector<1x16xf32>,
    %swap3A_1240 = vector.shape_cast %swap3A_1239 : vector<1x16xf32> to vector<16xf32>
    %swap3A_1241 = vector.shape_cast %broadcast_in_dim3A_0 : vector<16xf32> to vector<1x16xf32>
    tpu.vector_store %arg16[%swap3A_1237, %swap3A_1238], %swap3A_1241 {strides = array<i32>} : memref<64x64xf32, #tpu.memory_space<vmem>>, vector<1x16xf32>,
    %swap3A_1242 = arith.constant 51 : i32
    %swap3A_1243 = arith.index_cast %swap3A_1242 : i32 to index
    %swap3A_1244 = arith.constant 48 : index
    %swap3A_1245 = tpu.vector_load %arg16[%swap3A_1243, %swap3A_1244] {strides = array<i32>} : memref<64x64xf32, #tpu.memory_space<vmem>>, vector<1x16xf32>,
    %swap3A_1246 = vector.shape_cast %swap3A_1245 : vector<1x16xf32> to vector<16xf32>
    %swap3A_1247 = vector.shape_cast %broadcast_in_dim3A_0 : vector<16xf32> to vector<1x16xf32>
    tpu.vector_store %arg16[%swap3A_1243, %swap3A_1244], %swap3A_1247 {strides = array<i32>} : memref<64x64xf32, #tpu.memory_space<vmem>>, vector<1x16xf32>,
    %swap3A_1248 = arith.constant 52 : i32
    %swap3A_1249 = arith.index_cast %swap3A_1248 : i32 to index
    %swap3A_1250 = arith.constant 0 : index
    %swap3A_1251 = tpu.vector_load %arg16[%swap3A_1249, %swap3A_1250] {strides = array<i32>} : memref<64x64xf32, #tpu.memory_space<vmem>>, vector<1x16xf32>,
    %swap3A_1252 = vector.shape_cast %swap3A_1251 : vector<1x16xf32> to vector<16xf32>
    %swap3A_1253 = vector.shape_cast %broadcast_in_dim3A_0 : vector<16xf32> to vector<1x16xf32>
    tpu.vector_store %arg16[%swap3A_1249, %swap3A_1250], %swap3A_1253 {strides = array<i32>} : memref<64x64xf32, #tpu.memory_space<vmem>>, vector<1x16xf32>,
    %swap3A_1254 = arith.constant 52 : i32
    %swap3A_1255 = arith.index_cast %swap3A_1254 : i32 to index
    %swap3A_1256 = arith.constant 16 : index
    %swap3A_1257 = tpu.vector_load %arg16[%swap3A_1255, %swap3A_1256] {strides = array<i32>} : memref<64x64xf32, #tpu.memory_space<vmem>>, vector<1x16xf32>,
    %swap3A_1258 = vector.shape_cast %swap3A_1257 : vector<1x16xf32> to vector<16xf32>
    %swap3A_1259 = vector.shape_cast %broadcast_in_dim3A_0 : vector<16xf32> to vector<1x16xf32>
    tpu.vector_store %arg16[%swap3A_1255, %swap3A_1256], %swap3A_1259 {strides = array<i32>} : memref<64x64xf32, #tpu.memory_space<vmem>>, vector<1x16xf32>,
    %swap3A_1260 = arith.constant 52 : i32
    %swap3A_1261 = arith.index_cast %swap3A_1260 : i32 to index
    %swap3A_1262 = arith.constant 32 : index
    %swap3A_1263 = tpu.vector_load %arg16[%swap3A_1261, %swap3A_1262] {strides = array<i32>} : memref<64x64xf32, #tpu.memory_space<vmem>>, vector<1x16xf32>,
    %swap3A_1264 = vector.shape_cast %swap3A_1263 : vector<1x16xf32> to vector<16xf32>
    %swap3A_1265 = vector.shape_cast %broadcast_in_dim3A_0 : vector<16xf32> to vector<1x16xf32>
    tpu.vector_store %arg16[%swap3A_1261, %swap3A_1262], %swap3A_1265 {strides = array<i32>} : memref<64x64xf32, #tpu.memory_space<vmem>>, vector<1x16xf32>,
    %swap3A_1266 = arith.constant 52 : i32
    %swap3A_1267 = arith.index_cast %swap3A_1266 : i32 to index
    %swap3A_1268 = arith.constant 48 : index
    %swap3A_1269 = tpu.vector_load %arg16[%swap3A_1267, %swap3A_1268] {strides = array<i32>} : memref<64x64xf32, #tpu.memory_space<vmem>>, vector<1x16xf32>,
    %swap3A_1270 = vector.shape_cast %swap3A_1269 : vector<1x16xf32> to vector<16xf32>
    %swap3A_1271 = vector.shape_cast %broadcast_in_dim3A_0 : vector<16xf32> to vector<1x16xf32>
    tpu.vector_store %arg16[%swap3A_1267, %swap3A_1268], %swap3A_1271 {strides = array<i32>} : memref<64x64xf32, #tpu.memory_space<vmem>>, vector<1x16xf32>,
    %swap3A_1272 = arith.constant 53 : i32
    %swap3A_1273 = arith.index_cast %swap3A_1272 : i32 to index
    %swap3A_1274 = arith.constant 0 : index
    %swap3A_1275 = tpu.vector_load %arg16[%swap3A_1273, %swap3A_1274] {strides = array<i32>} : memref<64x64xf32, #tpu.memory_space<vmem>>, vector<1x16xf32>,
    %swap3A_1276 = vector.shape_cast %swap3A_1275 : vector<1x16xf32> to vector<16xf32>
    %swap3A_1277 = vector.shape_cast %broadcast_in_dim3A_0 : vector<16xf32> to vector<1x16xf32>
    tpu.vector_store %arg16[%swap3A_1273, %swap3A_1274], %swap3A_1277 {strides = array<i32>} : memref<64x64xf32, #tpu.memory_space<vmem>>, vector<1x16xf32>,
    %swap3A_1278 = arith.constant 53 : i32
    %swap3A_1279 = arith.index_cast %swap3A_1278 : i32 to index
    %swap3A_1280 = arith.constant 16 : index
    %swap3A_1281 = tpu.vector_load %arg16[%swap3A_1279, %swap3A_1280] {strides = array<i32>} : memref<64x64xf32, #tpu.memory_space<vmem>>, vector<1x16xf32>,
    %swap3A_1282 = vector.shape_cast %swap3A_1281 : vector<1x16xf32> to vector<16xf32>
    %swap3A_1283 = vector.shape_cast %broadcast_in_dim3A_0 : vector<16xf32> to vector<1x16xf32>
    tpu.vector_store %arg16[%swap3A_1279, %swap3A_1280], %swap3A_1283 {strides = array<i32>} : memref<64x64xf32, #tpu.memory_space<vmem>>, vector<1x16xf32>,
    %swap3A_1284 = arith.constant 53 : i32
    %swap3A_1285 = arith.index_cast %swap3A_1284 : i32 to index
    %swap3A_1286 = arith.constant 32 : index
    %swap3A_1287 = tpu.vector_load %arg16[%swap3A_1285, %swap3A_1286] {strides = array<i32>} : memref<64x64xf32, #tpu.memory_space<vmem>>, vector<1x16xf32>,
    %swap3A_1288 = vector.shape_cast %swap3A_1287 : vector<1x16xf32> to vector<16xf32>
    %swap3A_1289 = vector.shape_cast %broadcast_in_dim3A_0 : vector<16xf32> to vector<1x16xf32>
    tpu.vector_store %arg16[%swap3A_1285, %swap3A_1286], %swap3A_1289 {strides = array<i32>} : memref<64x64xf32, #tpu.memory_space<vmem>>, vector<1x16xf32>,
    %swap3A_1290 = arith.constant 53 : i32
    %swap3A_1291 = arith.index_cast %swap3A_1290 : i32 to index
    %swap3A_1292 = arith.constant 48 : index
    %swap3A_1293 = tpu.vector_load %arg16[%swap3A_1291, %swap3A_1292] {strides = array<i32>} : memref<64x64xf32, #tpu.memory_space<vmem>>, vector<1x16xf32>,
    %swap3A_1294 = vector.shape_cast %swap3A_1293 : vector<1x16xf32> to vector<16xf32>
    %swap3A_1295 = vector.shape_cast %broadcast_in_dim3A_0 : vector<16xf32> to vector<1x16xf32>
    tpu.vector_store %arg16[%swap3A_1291, %swap3A_1292], %swap3A_1295 {strides = array<i32>} : memref<64x64xf32, #tpu.memory_space<vmem>>, vector<1x16xf32>,
    %swap3A_1296 = arith.constant 54 : i32
    %swap3A_1297 = arith.index_cast %swap3A_1296 : i32 to index
    %swap3A_1298 = arith.constant 0 : index
    %swap3A_1299 = tpu.vector_load %arg16[%swap3A_1297, %swap3A_1298] {strides = array<i32>} : memref<64x64xf32, #tpu.memory_space<vmem>>, vector<1x16xf32>,
    %swap3A_1300 = vector.shape_cast %swap3A_1299 : vector<1x16xf32> to vector<16xf32>
    %swap3A_1301 = vector.shape_cast %broadcast_in_dim3A_0 : vector<16xf32> to vector<1x16xf32>
    tpu.vector_store %arg16[%swap3A_1297, %swap3A_1298], %swap3A_1301 {strides = array<i32>} : memref<64x64xf32, #tpu.memory_space<vmem>>, vector<1x16xf32>,
    %swap3A_1302 = arith.constant 54 : i32
    %swap3A_1303 = arith.index_cast %swap3A_1302 : i32 to index
    %swap3A_1304 = arith.constant 16 : index
    %swap3A_1305 = tpu.vector_load %arg16[%swap3A_1303, %swap3A_1304] {strides = array<i32>} : memref<64x64xf32, #tpu.memory_space<vmem>>, vector<1x16xf32>,
    %swap3A_1306 = vector.shape_cast %swap3A_1305 : vector<1x16xf32> to vector<16xf32>
    %swap3A_1307 = vector.shape_cast %broadcast_in_dim3A_0 : vector<16xf32> to vector<1x16xf32>
    tpu.vector_store %arg16[%swap3A_1303, %swap3A_1304], %swap3A_1307 {strides = array<i32>} : memref<64x64xf32, #tpu.memory_space<vmem>>, vector<1x16xf32>,
    %swap3A_1308 = arith.constant 54 : i32
    %swap3A_1309 = arith.index_cast %swap3A_1308 : i32 to index
    %swap3A_1310 = arith.constant 32 : index
    %swap3A_1311 = tpu.vector_load %arg16[%swap3A_1309, %swap3A_1310] {strides = array<i32>} : memref<64x64xf32, #tpu.memory_space<vmem>>, vector<1x16xf32>,
    %swap3A_1312 = vector.shape_cast %swap3A_1311 : vector<1x16xf32> to vector<16xf32>
    %swap3A_1313 = vector.shape_cast %broadcast_in_dim3A_0 : vector<16xf32> to vector<1x16xf32>
    tpu.vector_store %arg16[%swap3A_1309, %swap3A_1310], %swap3A_1313 {strides = array<i32>} : memref<64x64xf32, #tpu.memory_space<vmem>>, vector<1x16xf32>,
    %swap3A_1314 = arith.constant 54 : i32
    %swap3A_1315 = arith.index_cast %swap3A_1314 : i32 to index
    %swap3A_1316 = arith.constant 48 : index
    %swap3A_1317 = tpu.vector_load %arg16[%swap3A_1315, %swap3A_1316] {strides = array<i32>} : memref<64x64xf32, #tpu.memory_space<vmem>>, vector<1x16xf32>,
    %swap3A_1318 = vector.shape_cast %swap3A_1317 : vector<1x16xf32> to vector<16xf32>
    %swap3A_1319 = vector.shape_cast %broadcast_in_dim3A_0 : vector<16xf32> to vector<1x16xf32>
    tpu.vector_store %arg16[%swap3A_1315, %swap3A_1316], %swap3A_1319 {strides = array<i32>} : memref<64x64xf32, #tpu.memory_space<vmem>>, vector<1x16xf32>,
    %swap3A_1320 = arith.constant 55 : i32
    %swap3A_1321 = arith.index_cast %swap3A_1320 : i32 to index
    %swap3A_1322 = arith.constant 0 : index
    %swap3A_1323 = tpu.vector_load %arg16[%swap3A_1321, %swap3A_1322] {strides = array<i32>} : memref<64x64xf32, #tpu.memory_space<vmem>>, vector<1x16xf32>,
    %swap3A_1324 = vector.shape_cast %swap3A_1323 : vector<1x16xf32> to vector<16xf32>
    %swap3A_1325 = vector.shape_cast %broadcast_in_dim3A_0 : vector<16xf32> to vector<1x16xf32>
    tpu.vector_store %arg16[%swap3A_1321, %swap3A_1322], %swap3A_1325 {strides = array<i32>} : memref<64x64xf32, #tpu.memory_space<vmem>>, vector<1x16xf32>,
    %swap3A_1326 = arith.constant 55 : i32
    %swap3A_1327 = arith.index_cast %swap3A_1326 : i32 to index
    %swap3A_1328 = arith.constant 16 : index
    %swap3A_1329 = tpu.vector_load %arg16[%swap3A_1327, %swap3A_1328] {strides = array<i32>} : memref<64x64xf32, #tpu.memory_space<vmem>>, vector<1x16xf32>,
    %swap3A_1330 = vector.shape_cast %swap3A_1329 : vector<1x16xf32> to vector<16xf32>
    %swap3A_1331 = vector.shape_cast %broadcast_in_dim3A_0 : vector<16xf32> to vector<1x16xf32>
    tpu.vector_store %arg16[%swap3A_1327, %swap3A_1328], %swap3A_1331 {strides = array<i32>} : memref<64x64xf32, #tpu.memory_space<vmem>>, vector<1x16xf32>,
    %swap3A_1332 = arith.constant 55 : i32
    %swap3A_1333 = arith.index_cast %swap3A_1332 : i32 to index
    %swap3A_1334 = arith.constant 32 : index
    %swap3A_1335 = tpu.vector_load %arg16[%swap3A_1333, %swap3A_1334] {strides = array<i32>} : memref<64x64xf32, #tpu.memory_space<vmem>>, vector<1x16xf32>,
    %swap3A_1336 = vector.shape_cast %swap3A_1335 : vector<1x16xf32> to vector<16xf32>
    %swap3A_1337 = vector.shape_cast %broadcast_in_dim3A_0 : vector<16xf32> to vector<1x16xf32>
    tpu.vector_store %arg16[%swap3A_1333, %swap3A_1334], %swap3A_1337 {strides = array<i32>} : memref<64x64xf32, #tpu.memory_space<vmem>>, vector<1x16xf32>,
    %swap3A_1338 = arith.constant 55 : i32
    %swap3A_1339 = arith.index_cast %swap3A_1338 : i32 to index
    %swap3A_1340 = arith.constant 48 : index
    %swap3A_1341 = tpu.vector_load %arg16[%swap3A_1339, %swap3A_1340] {strides = array<i32>} : memref<64x64xf32, #tpu.memory_space<vmem>>, vector<1x16xf32>,
    %swap3A_1342 = vector.shape_cast %swap3A_1341 : vector<1x16xf32> to vector<16xf32>
    %swap3A_1343 = vector.shape_cast %broadcast_in_dim3A_0 : vector<16xf32> to vector<1x16xf32>
    tpu.vector_store %arg16[%swap3A_1339, %swap3A_1340], %swap3A_1343 {strides = array<i32>} : memref<64x64xf32, #tpu.memory_space<vmem>>, vector<1x16xf32>,
    %swap3A_1344 = arith.constant 56 : i32
    %swap3A_1345 = arith.index_cast %swap3A_1344 : i32 to index
    %swap3A_1346 = arith.constant 0 : index
    %swap3A_1347 = tpu.vector_load %arg16[%swap3A_1345, %swap3A_1346] {strides = array<i32>} : memref<64x64xf32, #tpu.memory_space<vmem>>, vector<1x16xf32>,
    %swap3A_1348 = vector.shape_cast %swap3A_1347 : vector<1x16xf32> to vector<16xf32>
    %swap3A_1349 = vector.shape_cast %broadcast_in_dim3A_0 : vector<16xf32> to vector<1x16xf32>
    tpu.vector_store %arg16[%swap3A_1345, %swap3A_1346], %swap3A_1349 {strides = array<i32>} : memref<64x64xf32, #tpu.memory_space<vmem>>, vector<1x16xf32>,
    %swap3A_1350 = arith.constant 56 : i32
    %swap3A_1351 = arith.index_cast %swap3A_1350 : i32 to index
    %swap3A_1352 = arith.constant 16 : index
    %swap3A_1353 = tpu.vector_load %arg16[%swap3A_1351, %swap3A_1352] {strides = array<i32>} : memref<64x64xf32, #tpu.memory_space<vmem>>, vector<1x16xf32>,
    %swap3A_1354 = vector.shape_cast %swap3A_1353 : vector<1x16xf32> to vector<16xf32>
    %swap3A_1355 = vector.shape_cast %broadcast_in_dim3A_0 : vector<16xf32> to vector<1x16xf32>
    tpu.vector_store %arg16[%swap3A_1351, %swap3A_1352], %swap3A_1355 {strides = array<i32>} : memref<64x64xf32, #tpu.memory_space<vmem>>, vector<1x16xf32>,
    %swap3A_1356 = arith.constant 56 : i32
    %swap3A_1357 = arith.index_cast %swap3A_1356 : i32 to index
    %swap3A_1358 = arith.constant 32 : index
    %swap3A_1359 = tpu.vector_load %arg16[%swap3A_1357, %swap3A_1358] {strides = array<i32>} : memref<64x64xf32, #tpu.memory_space<vmem>>, vector<1x16xf32>,
    %swap3A_1360 = vector.shape_cast %swap3A_1359 : vector<1x16xf32> to vector<16xf32>
    %swap3A_1361 = vector.shape_cast %broadcast_in_dim3A_0 : vector<16xf32> to vector<1x16xf32>
    tpu.vector_store %arg16[%swap3A_1357, %swap3A_1358], %swap3A_1361 {strides = array<i32>} : memref<64x64xf32, #tpu.memory_space<vmem>>, vector<1x16xf32>,
    %swap3A_1362 = arith.constant 56 : i32
    %swap3A_1363 = arith.index_cast %swap3A_1362 : i32 to index
    %swap3A_1364 = arith.constant 48 : index
    %swap3A_1365 = tpu.vector_load %arg16[%swap3A_1363, %swap3A_1364] {strides = array<i32>} : memref<64x64xf32, #tpu.memory_space<vmem>>, vector<1x16xf32>,
    %swap3A_1366 = vector.shape_cast %swap3A_1365 : vector<1x16xf32> to vector<16xf32>
    %swap3A_1367 = vector.shape_cast %broadcast_in_dim3A_0 : vector<16xf32> to vector<1x16xf32>
    tpu.vector_store %arg16[%swap3A_1363, %swap3A_1364], %swap3A_1367 {strides = array<i32>} : memref<64x64xf32, #tpu.memory_space<vmem>>, vector<1x16xf32>,
    %swap3A_1368 = arith.constant 57 : i32
    %swap3A_1369 = arith.index_cast %swap3A_1368 : i32 to index
    %swap3A_1370 = arith.constant 0 : index
    %swap3A_1371 = tpu.vector_load %arg16[%swap3A_1369, %swap3A_1370] {strides = array<i32>} : memref<64x64xf32, #tpu.memory_space<vmem>>, vector<1x16xf32>,
    %swap3A_1372 = vector.shape_cast %swap3A_1371 : vector<1x16xf32> to vector<16xf32>
    %swap3A_1373 = vector.shape_cast %broadcast_in_dim3A_0 : vector<16xf32> to vector<1x16xf32>
    tpu.vector_store %arg16[%swap3A_1369, %swap3A_1370], %swap3A_1373 {strides = array<i32>} : memref<64x64xf32, #tpu.memory_space<vmem>>, vector<1x16xf32>,
    %swap3A_1374 = arith.constant 57 : i32
    %swap3A_1375 = arith.index_cast %swap3A_1374 : i32 to index
    %swap3A_1376 = arith.constant 16 : index
    %swap3A_1377 = tpu.vector_load %arg16[%swap3A_1375, %swap3A_1376] {strides = array<i32>} : memref<64x64xf32, #tpu.memory_space<vmem>>, vector<1x16xf32>,
    %swap3A_1378 = vector.shape_cast %swap3A_1377 : vector<1x16xf32> to vector<16xf32>
    %swap3A_1379 = vector.shape_cast %broadcast_in_dim3A_0 : vector<16xf32> to vector<1x16xf32>
    tpu.vector_store %arg16[%swap3A_1375, %swap3A_1376], %swap3A_1379 {strides = array<i32>} : memref<64x64xf32, #tpu.memory_space<vmem>>, vector<1x16xf32>,
    %swap3A_1380 = arith.constant 57 : i32
    %swap3A_1381 = arith.index_cast %swap3A_1380 : i32 to index
    %swap3A_1382 = arith.constant 32 : index
    %swap3A_1383 = tpu.vector_load %arg16[%swap3A_1381, %swap3A_1382] {strides = array<i32>} : memref<64x64xf32, #tpu.memory_space<vmem>>, vector<1x16xf32>,
    %swap3A_1384 = vector.shape_cast %swap3A_1383 : vector<1x16xf32> to vector<16xf32>
    %swap3A_1385 = vector.shape_cast %broadcast_in_dim3A_0 : vector<16xf32> to vector<1x16xf32>
    tpu.vector_store %arg16[%swap3A_1381, %swap3A_1382], %swap3A_1385 {strides = array<i32>} : memref<64x64xf32, #tpu.memory_space<vmem>>, vector<1x16xf32>,
    %swap3A_1386 = arith.constant 57 : i32
    %swap3A_1387 = arith.index_cast %swap3A_1386 : i32 to index
    %swap3A_1388 = arith.constant 48 : index
    %swap3A_1389 = tpu.vector_load %arg16[%swap3A_1387, %swap3A_1388] {strides = array<i32>} : memref<64x64xf32, #tpu.memory_space<vmem>>, vector<1x16xf32>,
    %swap3A_1390 = vector.shape_cast %swap3A_1389 : vector<1x16xf32> to vector<16xf32>
    %swap3A_1391 = vector.shape_cast %broadcast_in_dim3A_0 : vector<16xf32> to vector<1x16xf32>
    tpu.vector_store %arg16[%swap3A_1387, %swap3A_1388], %swap3A_1391 {strides = array<i32>} : memref<64x64xf32, #tpu.memory_space<vmem>>, vector<1x16xf32>,
    %swap3A_1392 = arith.constant 58 : i32
    %swap3A_1393 = arith.index_cast %swap3A_1392 : i32 to index
    %swap3A_1394 = arith.constant 0 : index
    %swap3A_1395 = tpu.vector_load %arg16[%swap3A_1393, %swap3A_1394] {strides = array<i32>} : memref<64x64xf32, #tpu.memory_space<vmem>>, vector<1x16xf32>,
    %swap3A_1396 = vector.shape_cast %swap3A_1395 : vector<1x16xf32> to vector<16xf32>
    %swap3A_1397 = vector.shape_cast %broadcast_in_dim3A_0 : vector<16xf32> to vector<1x16xf32>
    tpu.vector_store %arg16[%swap3A_1393, %swap3A_1394], %swap3A_1397 {strides = array<i32>} : memref<64x64xf32, #tpu.memory_space<vmem>>, vector<1x16xf32>,
    %swap3A_1398 = arith.constant 58 : i32
    %swap3A_1399 = arith.index_cast %swap3A_1398 : i32 to index
    %swap3A_1400 = arith.constant 16 : index
    %swap3A_1401 = tpu.vector_load %arg16[%swap3A_1399, %swap3A_1400] {strides = array<i32>} : memref<64x64xf32, #tpu.memory_space<vmem>>, vector<1x16xf32>,
    %swap3A_1402 = vector.shape_cast %swap3A_1401 : vector<1x16xf32> to vector<16xf32>
    %swap3A_1403 = vector.shape_cast %broadcast_in_dim3A_0 : vector<16xf32> to vector<1x16xf32>
    tpu.vector_store %arg16[%swap3A_1399, %swap3A_1400], %swap3A_1403 {strides = array<i32>} : memref<64x64xf32, #tpu.memory_space<vmem>>, vector<1x16xf32>,
    %swap3A_1404 = arith.constant 58 : i32
    %swap3A_1405 = arith.index_cast %swap3A_1404 : i32 to index
    %swap3A_1406 = arith.constant 32 : index
    %swap3A_1407 = tpu.vector_load %arg16[%swap3A_1405, %swap3A_1406] {strides = array<i32>} : memref<64x64xf32, #tpu.memory_space<vmem>>, vector<1x16xf32>,
    %swap3A_1408 = vector.shape_cast %swap3A_1407 : vector<1x16xf32> to vector<16xf32>
    %swap3A_1409 = vector.shape_cast %broadcast_in_dim3A_0 : vector<16xf32> to vector<1x16xf32>
    tpu.vector_store %arg16[%swap3A_1405, %swap3A_1406], %swap3A_1409 {strides = array<i32>} : memref<64x64xf32, #tpu.memory_space<vmem>>, vector<1x16xf32>,
    %swap3A_1410 = arith.constant 58 : i32
    %swap3A_1411 = arith.index_cast %swap3A_1410 : i32 to index
    %swap3A_1412 = arith.constant 48 : index
    %swap3A_1413 = tpu.vector_load %arg16[%swap3A_1411, %swap3A_1412] {strides = array<i32>} : memref<64x64xf32, #tpu.memory_space<vmem>>, vector<1x16xf32>,
    %swap3A_1414 = vector.shape_cast %swap3A_1413 : vector<1x16xf32> to vector<16xf32>
    %swap3A_1415 = vector.shape_cast %broadcast_in_dim3A_0 : vector<16xf32> to vector<1x16xf32>
    tpu.vector_store %arg16[%swap3A_1411, %swap3A_1412], %swap3A_1415 {strides = array<i32>} : memref<64x64xf32, #tpu.memory_space<vmem>>, vector<1x16xf32>,
    %swap3A_1416 = arith.constant 59 : i32
    %swap3A_1417 = arith.index_cast %swap3A_1416 : i32 to index
    %swap3A_1418 = arith.constant 0 : index
    %swap3A_1419 = tpu.vector_load %arg16[%swap3A_1417, %swap3A_1418] {strides = array<i32>} : memref<64x64xf32, #tpu.memory_space<vmem>>, vector<1x16xf32>,
    %swap3A_1420 = vector.shape_cast %swap3A_1419 : vector<1x16xf32> to vector<16xf32>
    %swap3A_1421 = vector.shape_cast %broadcast_in_dim3A_0 : vector<16xf32> to vector<1x16xf32>
    tpu.vector_store %arg16[%swap3A_1417, %swap3A_1418], %swap3A_1421 {strides = array<i32>} : memref<64x64xf32, #tpu.memory_space<vmem>>, vector<1x16xf32>,
    %swap3A_1422 = arith.constant 59 : i32
    %swap3A_1423 = arith.index_cast %swap3A_1422 : i32 to index
    %swap3A_1424 = arith.constant 16 : index
    %swap3A_1425 = tpu.vector_load %arg16[%swap3A_1423, %swap3A_1424] {strides = array<i32>} : memref<64x64xf32, #tpu.memory_space<vmem>>, vector<1x16xf32>,
    %swap3A_1426 = vector.shape_cast %swap3A_1425 : vector<1x16xf32> to vector<16xf32>
    %swap3A_1427 = vector.shape_cast %broadcast_in_dim3A_0 : vector<16xf32> to vector<1x16xf32>
    tpu.vector_store %arg16[%swap3A_1423, %swap3A_1424], %swap3A_1427 {strides = array<i32>} : memref<64x64xf32, #tpu.memory_space<vmem>>, vector<1x16xf32>,
    %swap3A_1428 = arith.constant 59 : i32
    %swap3A_1429 = arith.index_cast %swap3A_1428 : i32 to index
    %swap3A_1430 = arith.constant 32 : index
    %swap3A_1431 = tpu.vector_load %arg16[%swap3A_1429, %swap3A_1430] {strides = array<i32>} : memref<64x64xf32, #tpu.memory_space<vmem>>, vector<1x16xf32>,
    %swap3A_1432 = vector.shape_cast %swap3A_1431 : vector<1x16xf32> to vector<16xf32>
    %swap3A_1433 = vector.shape_cast %broadcast_in_dim3A_0 : vector<16xf32> to vector<1x16xf32>
    tpu.vector_store %arg16[%swap3A_1429, %swap3A_1430], %swap3A_1433 {strides = array<i32>} : memref<64x64xf32, #tpu.memory_space<vmem>>, vector<1x16xf32>,
    %swap3A_1434 = arith.constant 59 : i32
    %swap3A_1435 = arith.index_cast %swap3A_1434 : i32 to index
    %swap3A_1436 = arith.constant 48 : index
    %swap3A_1437 = tpu.vector_load %arg16[%swap3A_1435, %swap3A_1436] {strides = array<i32>} : memref<64x64xf32, #tpu.memory_space<vmem>>, vector<1x16xf32>,
    %swap3A_1438 = vector.shape_cast %swap3A_1437 : vector<1x16xf32> to vector<16xf32>
    %swap3A_1439 = vector.shape_cast %broadcast_in_dim3A_0 : vector<16xf32> to vector<1x16xf32>
    tpu.vector_store %arg16[%swap3A_1435, %swap3A_1436], %swap3A_1439 {strides = array<i32>} : memref<64x64xf32, #tpu.memory_space<vmem>>, vector<1x16xf32>,
    %swap3A_1440 = arith.constant 60 : i32
    %swap3A_1441 = arith.index_cast %swap3A_1440 : i32 to index
    %swap3A_1442 = arith.constant 0 : index
    %swap3A_1443 = tpu.vector_load %arg16[%swap3A_1441, %swap3A_1442] {strides = array<i32>} : memref<64x64xf32, #tpu.memory_space<vmem>>, vector<1x16xf32>,
    %swap3A_1444 = vector.shape_cast %swap3A_1443 : vector<1x16xf32> to vector<16xf32>
    %swap3A_1445 = vector.shape_cast %broadcast_in_dim3A_0 : vector<16xf32> to vector<1x16xf32>
    tpu.vector_store %arg16[%swap3A_1441, %swap3A_1442], %swap3A_1445 {strides = array<i32>} : memref<64x64xf32, #tpu.memory_space<vmem>>, vector<1x16xf32>,
    %swap3A_1446 = arith.constant 60 : i32
    %swap3A_1447 = arith.index_cast %swap3A_1446 : i32 to index
    %swap3A_1448 = arith.constant 16 : index
    %swap3A_1449 = tpu.vector_load %arg16[%swap3A_1447, %swap3A_1448] {strides = array<i32>} : memref<64x64xf32, #tpu.memory_space<vmem>>, vector<1x16xf32>,
    %swap3A_1450 = vector.shape_cast %swap3A_1449 : vector<1x16xf32> to vector<16xf32>
    %swap3A_1451 = vector.shape_cast %broadcast_in_dim3A_0 : vector<16xf32> to vector<1x16xf32>
    tpu.vector_store %arg16[%swap3A_1447, %swap3A_1448], %swap3A_1451 {strides = array<i32>} : memref<64x64xf32, #tpu.memory_space<vmem>>, vector<1x16xf32>,
    %swap3A_1452 = arith.constant 60 : i32
    %swap3A_1453 = arith.index_cast %swap3A_1452 : i32 to index
    %swap3A_1454 = arith.constant 32 : index
    %swap3A_1455 = tpu.vector_load %arg16[%swap3A_1453, %swap3A_1454] {strides = array<i32>} : memref<64x64xf32, #tpu.memory_space<vmem>>, vector<1x16xf32>,
    %swap3A_1456 = vector.shape_cast %swap3A_1455 : vector<1x16xf32> to vector<16xf32>
    %swap3A_1457 = vector.shape_cast %broadcast_in_dim3A_0 : vector<16xf32> to vector<1x16xf32>
    tpu.vector_store %arg16[%swap3A_1453, %swap3A_1454], %swap3A_1457 {strides = array<i32>} : memref<64x64xf32, #tpu.memory_space<vmem>>, vector<1x16xf32>,
    %swap3A_1458 = arith.constant 60 : i32
    %swap3A_1459 = arith.index_cast %swap3A_1458 : i32 to index
    %swap3A_1460 = arith.constant 48 : index
    %swap3A_1461 = tpu.vector_load %arg16[%swap3A_1459, %swap3A_1460] {strides = array<i32>} : memref<64x64xf32, #tpu.memory_space<vmem>>, vector<1x16xf32>,
    %swap3A_1462 = vector.shape_cast %swap3A_1461 : vector<1x16xf32> to vector<16xf32>
    %swap3A_1463 = vector.shape_cast %broadcast_in_dim3A_0 : vector<16xf32> to vector<1x16xf32>
    tpu.vector_store %arg16[%swap3A_1459, %swap3A_1460], %swap3A_1463 {strides = array<i32>} : memref<64x64xf32, #tpu.memory_space<vmem>>, vector<1x16xf32>,
    %swap3A_1464 = arith.constant 61 : i32
    %swap3A_1465 = arith.index_cast %swap3A_1464 : i32 to index
    %swap3A_1466 = arith.constant 0 : index
    %swap3A_1467 = tpu.vector_load %arg16[%swap3A_1465, %swap3A_1466] {strides = array<i32>} : memref<64x64xf32, #tpu.memory_space<vmem>>, vector<1x16xf32>,
    %swap3A_1468 = vector.shape_cast %swap3A_1467 : vector<1x16xf32> to vector<16xf32>
    %swap3A_1469 = vector.shape_cast %broadcast_in_dim3A_0 : vector<16xf32> to vector<1x16xf32>
    tpu.vector_store %arg16[%swap3A_1465, %swap3A_1466], %swap3A_1469 {strides = array<i32>} : memref<64x64xf32, #tpu.memory_space<vmem>>, vector<1x16xf32>,
    %swap3A_1470 = arith.constant 61 : i32
    %swap3A_1471 = arith.index_cast %swap3A_1470 : i32 to index
    %swap3A_1472 = arith.constant 16 : index
    %swap3A_1473 = tpu.vector_load %arg16[%swap3A_1471, %swap3A_1472] {strides = array<i32>} : memref<64x64xf32, #tpu.memory_space<vmem>>, vector<1x16xf32>,
    %swap3A_1474 = vector.shape_cast %swap3A_1473 : vector<1x16xf32> to vector<16xf32>
    %swap3A_1475 = vector.shape_cast %broadcast_in_dim3A_0 : vector<16xf32> to vector<1x16xf32>
    tpu.vector_store %arg16[%swap3A_1471, %swap3A_1472], %swap3A_1475 {strides = array<i32>} : memref<64x64xf32, #tpu.memory_space<vmem>>, vector<1x16xf32>,
    %swap3A_1476 = arith.constant 61 : i32
    %swap3A_1477 = arith.index_cast %swap3A_1476 : i32 to index
    %swap3A_1478 = arith.constant 32 : index
    %swap3A_1479 = tpu.vector_load %arg16[%swap3A_1477, %swap3A_1478] {strides = array<i32>} : memref<64x64xf32, #tpu.memory_space<vmem>>, vector<1x16xf32>,
    %swap3A_1480 = vector.shape_cast %swap3A_1479 : vector<1x16xf32> to vector<16xf32>
    %swap3A_1481 = vector.shape_cast %broadcast_in_dim3A_0 : vector<16xf32> to vector<1x16xf32>
    tpu.vector_store %arg16[%swap3A_1477, %swap3A_1478], %swap3A_1481 {strides = array<i32>} : memref<64x64xf32, #tpu.memory_space<vmem>>, vector<1x16xf32>,
    %swap3A_1482 = arith.constant 61 : i32
    %swap3A_1483 = arith.index_cast %swap3A_1482 : i32 to index
    %swap3A_1484 = arith.constant 48 : index
    %swap3A_1485 = tpu.vector_load %arg16[%swap3A_1483, %swap3A_1484] {strides = array<i32>} : memref<64x64xf32, #tpu.memory_space<vmem>>, vector<1x16xf32>,
    %swap3A_1486 = vector.shape_cast %swap3A_1485 : vector<1x16xf32> to vector<16xf32>
    %swap3A_1487 = vector.shape_cast %broadcast_in_dim3A_0 : vector<16xf32> to vector<1x16xf32>
    tpu.vector_store %arg16[%swap3A_1483, %swap3A_1484], %swap3A_1487 {strides = array<i32>} : memref<64x64xf32, #tpu.memory_space<vmem>>, vector<1x16xf32>,
    %swap3A_1488 = arith.constant 62 : i32
    %swap3A_1489 = arith.index_cast %swap3A_1488 : i32 to index
    %swap3A_1490 = arith.constant 0 : index
    %swap3A_1491 = tpu.vector_load %arg16[%swap3A_1489, %swap3A_1490] {strides = array<i32>} : memref<64x64xf32, #tpu.memory_space<vmem>>, vector<1x16xf32>,
    %swap3A_1492 = vector.shape_cast %swap3A_1491 : vector<1x16xf32> to vector<16xf32>
    %swap3A_1493 = vector.shape_cast %broadcast_in_dim3A_0 : vector<16xf32> to vector<1x16xf32>
    tpu.vector_store %arg16[%swap3A_1489, %swap3A_1490], %swap3A_1493 {strides = array<i32>} : memref<64x64xf32, #tpu.memory_space<vmem>>, vector<1x16xf32>,
    %swap3A_1494 = arith.constant 62 : i32
    %swap3A_1495 = arith.index_cast %swap3A_1494 : i32 to index
    %swap3A_1496 = arith.constant 16 : index
    %swap3A_1497 = tpu.vector_load %arg16[%swap3A_1495, %swap3A_1496] {strides = array<i32>} : memref<64x64xf32, #tpu.memory_space<vmem>>, vector<1x16xf32>,
    %swap3A_1498 = vector.shape_cast %swap3A_1497 : vector<1x16xf32> to vector<16xf32>
    %swap3A_1499 = vector.shape_cast %broadcast_in_dim3A_0 : vector<16xf32> to vector<1x16xf32>
    tpu.vector_store %arg16[%swap3A_1495, %swap3A_1496], %swap3A_1499 {strides = array<i32>} : memref<64x64xf32, #tpu.memory_space<vmem>>, vector<1x16xf32>,
    %swap3A_1500 = arith.constant 62 : i32
    %swap3A_1501 = arith.index_cast %swap3A_1500 : i32 to index
    %swap3A_1502 = arith.constant 32 : index
    %swap3A_1503 = tpu.vector_load %arg16[%swap3A_1501, %swap3A_1502] {strides = array<i32>} : memref<64x64xf32, #tpu.memory_space<vmem>>, vector<1x16xf32>,
    %swap3A_1504 = vector.shape_cast %swap3A_1503 : vector<1x16xf32> to vector<16xf32>
    %swap3A_1505 = vector.shape_cast %broadcast_in_dim3A_0 : vector<16xf32> to vector<1x16xf32>
    tpu.vector_store %arg16[%swap3A_1501, %swap3A_1502], %swap3A_1505 {strides = array<i32>} : memref<64x64xf32, #tpu.memory_space<vmem>>, vector<1x16xf32>,
    %swap3A_1506 = arith.constant 62 : i32
    %swap3A_1507 = arith.index_cast %swap3A_1506 : i32 to index
    %swap3A_1508 = arith.constant 48 : index
    %swap3A_1509 = tpu.vector_load %arg16[%swap3A_1507, %swap3A_1508] {strides = array<i32>} : memref<64x64xf32, #tpu.memory_space<vmem>>, vector<1x16xf32>,
    %swap3A_1510 = vector.shape_cast %swap3A_1509 : vector<1x16xf32> to vector<16xf32>
    %swap3A_1511 = vector.shape_cast %broadcast_in_dim3A_0 : vector<16xf32> to vector<1x16xf32>
    tpu.vector_store %arg16[%swap3A_1507, %swap3A_1508], %swap3A_1511 {strides = array<i32>} : memref<64x64xf32, #tpu.memory_space<vmem>>, vector<1x16xf32>,
    %swap3A_1512 = arith.constant 63 : i32
    %swap3A_1513 = arith.index_cast %swap3A_1512 : i32 to index
    %swap3A_1514 = arith.constant 0 : index
    %swap3A_1515 = tpu.vector_load %arg16[%swap3A_1513, %swap3A_1514] {strides = array<i32>} : memref<64x64xf32, #tpu.memory_space<vmem>>, vector<1x16xf32>,
    %swap3A_1516 = vector.shape_cast %swap3A_1515 : vector<1x16xf32> to vector<16xf32>
    %swap3A_1517 = vector.shape_cast %broadcast_in_dim3A_0 : vector<16xf32> to vector<1x16xf32>
    tpu.vector_store %arg16[%swap3A_1513, %swap3A_1514], %swap3A_1517 {strides = array<i32>} : memref<64x64xf32, #tpu.memory_space<vmem>>, vector<1x16xf32>,
    %swap3A_1518 = arith.constant 63 : i32
    %swap3A_1519 = arith.index_cast %swap3A_1518 : i32 to index
    %swap3A_1520 = arith.constant 16 : index
    %swap3A_1521 = tpu.vector_load %arg16[%swap3A_1519, %swap3A_1520] {strides = array<i32>} : memref<64x64xf32, #tpu.memory_space<vmem>>, vector<1x16xf32>,
    %swap3A_1522 = vector.shape_cast %swap3A_1521 : vector<1x16xf32> to vector<16xf32>
    %swap3A_1523 = vector.shape_cast %broadcast_in_dim3A_0 : vector<16xf32> to vector<1x16xf32>
    tpu.vector_store %arg16[%swap3A_1519, %swap3A_1520], %swap3A_1523 {strides = array<i32>} : memref<64x64xf32, #tpu.memory_space<vmem>>, vector<1x16xf32>,
    %swap3A_1524 = arith.constant 63 : i32
    %swap3A_1525 = arith.index_cast %swap3A_1524 : i32 to index
    %swap3A_1526 = arith.constant 32 : index
    %swap3A_1527 = tpu.vector_load %arg16[%swap3A_1525, %swap3A_1526] {strides = array<i32>} : memref<64x64xf32, #tpu.memory_space<vmem>>, vector<1x16xf32>,
    %swap3A_1528 = vector.shape_cast %swap3A_1527 : vector<1x16xf32> to vector<16xf32>
    %swap3A_1529 = vector.shape_cast %broadcast_in_dim3A_0 : vector<16xf32> to vector<1x16xf32>
    tpu.vector_store %arg16[%swap3A_1525, %swap3A_1526], %swap3A_1529 {strides = array<i32>} : memref<64x64xf32, #tpu.memory_space<vmem>>, vector<1x16xf32>,
    %swap3A_1530 = arith.constant 63 : i32
    %swap3A_1531 = arith.index_cast %swap3A_1530 : i32 to index
    %swap3A_1532 = arith.constant 48 : index
    %swap3A_1533 = tpu.vector_load %arg16[%swap3A_1531, %swap3A_1532] {strides = array<i32>} : memref<64x64xf32, #tpu.memory_space<vmem>>, vector<1x16xf32>,
    %swap3A_1534 = vector.shape_cast %swap3A_1533 : vector<1x16xf32> to vector<16xf32>
    %swap3A_1535 = vector.shape_cast %broadcast_in_dim3A_0 : vector<16xf32> to vector<1x16xf32>
    tpu.vector_store %arg16[%swap3A_1531, %swap3A_1532], %swap3A_1535 {strides = array<i32>} : memref<64x64xf32, #tpu.memory_space<vmem>>, vector<1x16xf32>,
    %mul3A = arith.constant 640 : i32
    %mul3A_1536 = arith.muli %arg1, %mul3A : i32
    %add3A = arith.constant 0 : i32
    %add3A_1537 = arith.addi %mul3A_1536, %add3A : i32
    "tpu.region"() ({
      %run_scoped3A = tpu.sem_alloc : memref<!tpu.dma_semaphore, #tpu.memory_space<semaphore_mem>>
      %dma_start3A_2061 = arith.constant 0 : i32
      %dma_start3A_2062 = tpu.memref_slice %arg17[%add3A_1537, %dma_start3A_2061] : memref<10240x64xf32, #tpu.memory_space<vmem_shared>> -> memref<64x64xf32, #tpu.memory_space<vmem_shared>>
      %dma_start3A_2063 = arith.constant 0 : i32
      %dma_start3A_2064 = tpu.memref_slice %arg17[%add3A_1537, %dma_start3A_2063] : memref<10240x64xf32, #tpu.memory_space<vmem_shared>> -> memref<64x64xf32, #tpu.memory_space<vmem_shared>>
      tpu.enqueue_dma source(%arg16 : memref<64x64xf32, #tpu.memory_space<vmem>>) target(%dma_start3A_2064 : memref<64x64xf32, #tpu.memory_space<vmem_shared>>) target_semaphore(%run_scoped3A : memref<!tpu.dma_semaphore, #tpu.memory_space<semaphore_mem>>)
      %dma_wait3A_2065 = arith.constant 0 : i32
      %dma_wait3A_2066 = tpu.memref_slice %arg17[%add3A_1537, %dma_wait3A_2065] : memref<10240x64xf32, #tpu.memory_space<vmem_shared>> -> memref<64x64xf32, #tpu.memory_space<vmem_shared>>
      %dma_wait3A_2067 = arith.constant 0 : i32
      %dma_wait3A_2068 = tpu.memref_slice %arg17[%add3A_1537, %dma_wait3A_2067] : memref<10240x64xf32, #tpu.memory_space<vmem_shared>> -> memref<64x64xf32, #tpu.memory_space<vmem_shared>>
      tpu.wait_dma2 semaphore(%run_scoped3A : memref<!tpu.dma_semaphore, #tpu.memory_space<semaphore_mem>>) src(%arg16 : memref<64x64xf32, #tpu.memory_space<vmem>>) dst(%dma_wait3A_2068 : memref<64x64xf32, #tpu.memory_space<vmem_shared>>)
      tpu.yield
    }) : () -> ()
    %mul3A_1538 = arith.constant 640 : i32
    %mul3A_1539 = arith.muli %arg1, %mul3A_1538 : i32
    %add3A_1540 = arith.constant 64 : i32
    %add3A_1541 = arith.addi %mul3A_1539, %add3A_1540 : i32
    "tpu.region"() ({
      %run_scoped3A = tpu.sem_alloc : memref<!tpu.dma_semaphore, #tpu.memory_space<semaphore_mem>>
      %dma_start3A_2061 = arith.constant 0 : i32
      %dma_start3A_2062 = tpu.memref_slice %arg17[%add3A_1541, %dma_start3A_2061] : memref<10240x64xf32, #tpu.memory_space<vmem_shared>> -> memref<64x64xf32, #tpu.memory_space<vmem_shared>>
      %dma_start3A_2063 = arith.constant 0 : i32
      %dma_start3A_2064 = tpu.memref_slice %arg17[%add3A_1541, %dma_start3A_2063] : memref<10240x64xf32, #tpu.memory_space<vmem_shared>> -> memref<64x64xf32, #tpu.memory_space<vmem_shared>>
      tpu.enqueue_dma source(%arg16 : memref<64x64xf32, #tpu.memory_space<vmem>>) target(%dma_start3A_2064 : memref<64x64xf32, #tpu.memory_space<vmem_shared>>) target_semaphore(%run_scoped3A : memref<!tpu.dma_semaphore, #tpu.memory_space<semaphore_mem>>)
      %dma_wait3A_2065 = arith.constant 0 : i32
      %dma_wait3A_2066 = tpu.memref_slice %arg17[%add3A_1541, %dma_wait3A_2065] : memref<10240x64xf32, #tpu.memory_space<vmem_shared>> -> memref<64x64xf32, #tpu.memory_space<vmem_shared>>
      %dma_wait3A_2067 = arith.constant 0 : i32
      %dma_wait3A_2068 = tpu.memref_slice %arg17[%add3A_1541, %dma_wait3A_2067] : memref<10240x64xf32, #tpu.memory_space<vmem_shared>> -> memref<64x64xf32, #tpu.memory_space<vmem_shared>>
      tpu.wait_dma2 semaphore(%run_scoped3A : memref<!tpu.dma_semaphore, #tpu.memory_space<semaphore_mem>>) src(%arg16 : memref<64x64xf32, #tpu.memory_space<vmem>>) dst(%dma_wait3A_2068 : memref<64x64xf32, #tpu.memory_space<vmem_shared>>)
      tpu.yield
    }) : () -> ()
    %mul3A_1542 = arith.constant 640 : i32
    %mul3A_1543 = arith.muli %arg1, %mul3A_1542 : i32
    %add3A_1544 = arith.constant 128 : i32
    %add3A_1545 = arith.addi %mul3A_1543, %add3A_1544 : i32
    "tpu.region"() ({
      %run_scoped3A = tpu.sem_alloc : memref<!tpu.dma_semaphore, #tpu.memory_space<semaphore_mem>>
      %dma_start3A_2061 = arith.constant 0 : i32
      %dma_start3A_2062 = tpu.memref_slice %arg17[%add3A_1545, %dma_start3A_2061] : memref<10240x64xf32, #tpu.memory_space<vmem_shared>> -> memref<64x64xf32, #tpu.memory_space<vmem_shared>>
      %dma_start3A_2063 = arith.constant 0 : i32
      %dma_start3A_2064 = tpu.memref_slice %arg17[%add3A_1545, %dma_start3A_2063] : memref<10240x64xf32, #tpu.memory_space<vmem_shared>> -> memref<64x64xf32, #tpu.memory_space<vmem_shared>>
      tpu.enqueue_dma source(%arg16 : memref<64x64xf32, #tpu.memory_space<vmem>>) target(%dma_start3A_2064 : memref<64x64xf32, #tpu.memory_space<vmem_shared>>) target_semaphore(%run_scoped3A : memref<!tpu.dma_semaphore, #tpu.memory_space<semaphore_mem>>)
      %dma_wait3A_2065 = arith.constant 0 : i32
      %dma_wait3A_2066 = tpu.memref_slice %arg17[%add3A_1545, %dma_wait3A_2065] : memref<10240x64xf32, #tpu.memory_space<vmem_shared>> -> memref<64x64xf32, #tpu.memory_space<vmem_shared>>
      %dma_wait3A_2067 = arith.constant 0 : i32
      %dma_wait3A_2068 = tpu.memref_slice %arg17[%add3A_1545, %dma_wait3A_2067] : memref<10240x64xf32, #tpu.memory_space<vmem_shared>> -> memref<64x64xf32, #tpu.memory_space<vmem_shared>>
      tpu.wait_dma2 semaphore(%run_scoped3A : memref<!tpu.dma_semaphore, #tpu.memory_space<semaphore_mem>>) src(%arg16 : memref<64x64xf32, #tpu.memory_space<vmem>>) dst(%dma_wait3A_2068 : memref<64x64xf32, #tpu.memory_space<vmem_shared>>)
      tpu.yield
    }) : () -> ()
    %mul3A_1546 = arith.constant 640 : i32
    %mul3A_1547 = arith.muli %arg1, %mul3A_1546 : i32
    %add3A_1548 = arith.constant 192 : i32
    %add3A_1549 = arith.addi %mul3A_1547, %add3A_1548 : i32
    "tpu.region"() ({
      %run_scoped3A = tpu.sem_alloc : memref<!tpu.dma_semaphore, #tpu.memory_space<semaphore_mem>>
      %dma_start3A_2061 = arith.constant 0 : i32
      %dma_start3A_2062 = tpu.memref_slice %arg17[%add3A_1549, %dma_start3A_2061] : memref<10240x64xf32, #tpu.memory_space<vmem_shared>> -> memref<64x64xf32, #tpu.memory_space<vmem_shared>>
      %dma_start3A_2063 = arith.constant 0 : i32
      %dma_start3A_2064 = tpu.memref_slice %arg17[%add3A_1549, %dma_start3A_2063] : memref<10240x64xf32, #tpu.memory_space<vmem_shared>> -> memref<64x64xf32, #tpu.memory_space<vmem_shared>>
      tpu.enqueue_dma source(%arg16 : memref<64x64xf32, #tpu.memory_space<vmem>>) target(%dma_start3A_2064 : memref<64x64xf32, #tpu.memory_space<vmem_shared>>) target_semaphore(%run_scoped3A : memref<!tpu.dma_semaphore, #tpu.memory_space<semaphore_mem>>)
      %dma_wait3A_2065 = arith.constant 0 : i32
      %dma_wait3A_2066 = tpu.memref_slice %arg17[%add3A_1549, %dma_wait3A_2065] : memref<10240x64xf32, #tpu.memory_space<vmem_shared>> -> memref<64x64xf32, #tpu.memory_space<vmem_shared>>
      %dma_wait3A_2067 = arith.constant 0 : i32
      %dma_wait3A_2068 = tpu.memref_slice %arg17[%add3A_1549, %dma_wait3A_2067] : memref<10240x64xf32, #tpu.memory_space<vmem_shared>> -> memref<64x64xf32, #tpu.memory_space<vmem_shared>>
      tpu.wait_dma2 semaphore(%run_scoped3A : memref<!tpu.dma_semaphore, #tpu.memory_space<semaphore_mem>>) src(%arg16 : memref<64x64xf32, #tpu.memory_space<vmem>>) dst(%dma_wait3A_2068 : memref<64x64xf32, #tpu.memory_space<vmem_shared>>)
      tpu.yield
    }) : () -> ()
    %mul3A_1550 = arith.constant 640 : i32
    %mul3A_1551 = arith.muli %arg1, %mul3A_1550 : i32
    %add3A_1552 = arith.constant 256 : i32
    %add3A_1553 = arith.addi %mul3A_1551, %add3A_1552 : i32
    "tpu.region"() ({
      %run_scoped3A = tpu.sem_alloc : memref<!tpu.dma_semaphore, #tpu.memory_space<semaphore_mem>>
      %dma_start3A_2061 = arith.constant 0 : i32
      %dma_start3A_2062 = tpu.memref_slice %arg17[%add3A_1553, %dma_start3A_2061] : memref<10240x64xf32, #tpu.memory_space<vmem_shared>> -> memref<64x64xf32, #tpu.memory_space<vmem_shared>>
      %dma_start3A_2063 = arith.constant 0 : i32
      %dma_start3A_2064 = tpu.memref_slice %arg17[%add3A_1553, %dma_start3A_2063] : memref<10240x64xf32, #tpu.memory_space<vmem_shared>> -> memref<64x64xf32, #tpu.memory_space<vmem_shared>>
      tpu.enqueue_dma source(%arg16 : memref<64x64xf32, #tpu.memory_space<vmem>>) target(%dma_start3A_2064 : memref<64x64xf32, #tpu.memory_space<vmem_shared>>) target_semaphore(%run_scoped3A : memref<!tpu.dma_semaphore, #tpu.memory_space<semaphore_mem>>)
      %dma_wait3A_2065 = arith.constant 0 : i32
      %dma_wait3A_2066 = tpu.memref_slice %arg17[%add3A_1553, %dma_wait3A_2065] : memref<10240x64xf32, #tpu.memory_space<vmem_shared>> -> memref<64x64xf32, #tpu.memory_space<vmem_shared>>
      %dma_wait3A_2067 = arith.constant 0 : i32
      %dma_wait3A_2068 = tpu.memref_slice %arg17[%add3A_1553, %dma_wait3A_2067] : memref<10240x64xf32, #tpu.memory_space<vmem_shared>> -> memref<64x64xf32, #tpu.memory_space<vmem_shared>>
      tpu.wait_dma2 semaphore(%run_scoped3A : memref<!tpu.dma_semaphore, #tpu.memory_space<semaphore_mem>>) src(%arg16 : memref<64x64xf32, #tpu.memory_space<vmem>>) dst(%dma_wait3A_2068 : memref<64x64xf32, #tpu.memory_space<vmem_shared>>)
      tpu.yield
    }) : () -> ()
    %mul3A_1554 = arith.constant 640 : i32
    %mul3A_1555 = arith.muli %arg1, %mul3A_1554 : i32
    %add3A_1556 = arith.constant 320 : i32
    %add3A_1557 = arith.addi %mul3A_1555, %add3A_1556 : i32
    "tpu.region"() ({
      %run_scoped3A = tpu.sem_alloc : memref<!tpu.dma_semaphore, #tpu.memory_space<semaphore_mem>>
      %dma_start3A_2061 = arith.constant 0 : i32
      %dma_start3A_2062 = tpu.memref_slice %arg17[%add3A_1557, %dma_start3A_2061] : memref<10240x64xf32, #tpu.memory_space<vmem_shared>> -> memref<64x64xf32, #tpu.memory_space<vmem_shared>>
      %dma_start3A_2063 = arith.constant 0 : i32
      %dma_start3A_2064 = tpu.memref_slice %arg17[%add3A_1557, %dma_start3A_2063] : memref<10240x64xf32, #tpu.memory_space<vmem_shared>> -> memref<64x64xf32, #tpu.memory_space<vmem_shared>>
      tpu.enqueue_dma source(%arg16 : memref<64x64xf32, #tpu.memory_space<vmem>>) target(%dma_start3A_2064 : memref<64x64xf32, #tpu.memory_space<vmem_shared>>) target_semaphore(%run_scoped3A : memref<!tpu.dma_semaphore, #tpu.memory_space<semaphore_mem>>)
      %dma_wait3A_2065 = arith.constant 0 : i32
      %dma_wait3A_2066 = tpu.memref_slice %arg17[%add3A_1557, %dma_wait3A_2065] : memref<10240x64xf32, #tpu.memory_space<vmem_shared>> -> memref<64x64xf32, #tpu.memory_space<vmem_shared>>
      %dma_wait3A_2067 = arith.constant 0 : i32
      %dma_wait3A_2068 = tpu.memref_slice %arg17[%add3A_1557, %dma_wait3A_2067] : memref<10240x64xf32, #tpu.memory_space<vmem_shared>> -> memref<64x64xf32, #tpu.memory_space<vmem_shared>>
      tpu.wait_dma2 semaphore(%run_scoped3A : memref<!tpu.dma_semaphore, #tpu.memory_space<semaphore_mem>>) src(%arg16 : memref<64x64xf32, #tpu.memory_space<vmem>>) dst(%dma_wait3A_2068 : memref<64x64xf32, #tpu.memory_space<vmem_shared>>)
      tpu.yield
    }) : () -> ()
    %mul3A_1558 = arith.constant 640 : i32
    %mul3A_1559 = arith.muli %arg1, %mul3A_1558 : i32
    %add3A_1560 = arith.constant 384 : i32
    %add3A_1561 = arith.addi %mul3A_1559, %add3A_1560 : i32
    "tpu.region"() ({
      %run_scoped3A = tpu.sem_alloc : memref<!tpu.dma_semaphore, #tpu.memory_space<semaphore_mem>>
      %dma_start3A_2061 = arith.constant 0 : i32
      %dma_start3A_2062 = tpu.memref_slice %arg17[%add3A_1561, %dma_start3A_2061] : memref<10240x64xf32, #tpu.memory_space<vmem_shared>> -> memref<64x64xf32, #tpu.memory_space<vmem_shared>>
      %dma_start3A_2063 = arith.constant 0 : i32
      %dma_start3A_2064 = tpu.memref_slice %arg17[%add3A_1561, %dma_start3A_2063] : memref<10240x64xf32, #tpu.memory_space<vmem_shared>> -> memref<64x64xf32, #tpu.memory_space<vmem_shared>>
      tpu.enqueue_dma source(%arg16 : memref<64x64xf32, #tpu.memory_space<vmem>>) target(%dma_start3A_2064 : memref<64x64xf32, #tpu.memory_space<vmem_shared>>) target_semaphore(%run_scoped3A : memref<!tpu.dma_semaphore, #tpu.memory_space<semaphore_mem>>)
      %dma_wait3A_2065 = arith.constant 0 : i32
      %dma_wait3A_2066 = tpu.memref_slice %arg17[%add3A_1561, %dma_wait3A_2065] : memref<10240x64xf32, #tpu.memory_space<vmem_shared>> -> memref<64x64xf32, #tpu.memory_space<vmem_shared>>
      %dma_wait3A_2067 = arith.constant 0 : i32
      %dma_wait3A_2068 = tpu.memref_slice %arg17[%add3A_1561, %dma_wait3A_2067] : memref<10240x64xf32, #tpu.memory_space<vmem_shared>> -> memref<64x64xf32, #tpu.memory_space<vmem_shared>>
      tpu.wait_dma2 semaphore(%run_scoped3A : memref<!tpu.dma_semaphore, #tpu.memory_space<semaphore_mem>>) src(%arg16 : memref<64x64xf32, #tpu.memory_space<vmem>>) dst(%dma_wait3A_2068 : memref<64x64xf32, #tpu.memory_space<vmem_shared>>)
      tpu.yield
    }) : () -> ()
    %mul3A_1562 = arith.constant 640 : i32
    %mul3A_1563 = arith.muli %arg1, %mul3A_1562 : i32
    %add3A_1564 = arith.constant 448 : i32
    %add3A_1565 = arith.addi %mul3A_1563, %add3A_1564 : i32
    "tpu.region"() ({
      %run_scoped3A = tpu.sem_alloc : memref<!tpu.dma_semaphore, #tpu.memory_space<semaphore_mem>>
      %dma_start3A_2061 = arith.constant 0 : i32
      %dma_start3A_2062 = tpu.memref_slice %arg17[%add3A_1565, %dma_start3A_2061] : memref<10240x64xf32, #tpu.memory_space<vmem_shared>> -> memref<64x64xf32, #tpu.memory_space<vmem_shared>>
      %dma_start3A_2063 = arith.constant 0 : i32
      %dma_start3A_2064 = tpu.memref_slice %arg17[%add3A_1565, %dma_start3A_2063] : memref<10240x64xf32, #tpu.memory_space<vmem_shared>> -> memref<64x64xf32, #tpu.memory_space<vmem_shared>>
      tpu.enqueue_dma source(%arg16 : memref<64x64xf32, #tpu.memory_space<vmem>>) target(%dma_start3A_2064 : memref<64x64xf32, #tpu.memory_space<vmem_shared>>) target_semaphore(%run_scoped3A : memref<!tpu.dma_semaphore, #tpu.memory_space<semaphore_mem>>)
      %dma_wait3A_2065 = arith.constant 0 : i32
      %dma_wait3A_2066 = tpu.memref_slice %arg17[%add3A_1565, %dma_wait3A_2065] : memref<10240x64xf32, #tpu.memory_space<vmem_shared>> -> memref<64x64xf32, #tpu.memory_space<vmem_shared>>
      %dma_wait3A_2067 = arith.constant 0 : i32
      %dma_wait3A_2068 = tpu.memref_slice %arg17[%add3A_1565, %dma_wait3A_2067] : memref<10240x64xf32, #tpu.memory_space<vmem_shared>> -> memref<64x64xf32, #tpu.memory_space<vmem_shared>>
      tpu.wait_dma2 semaphore(%run_scoped3A : memref<!tpu.dma_semaphore, #tpu.memory_space<semaphore_mem>>) src(%arg16 : memref<64x64xf32, #tpu.memory_space<vmem>>) dst(%dma_wait3A_2068 : memref<64x64xf32, #tpu.memory_space<vmem_shared>>)
      tpu.yield
    }) : () -> ()
    %mul3A_1566 = arith.constant 640 : i32
    %mul3A_1567 = arith.muli %arg1, %mul3A_1566 : i32
    %add3A_1568 = arith.constant 512 : i32
    %add3A_1569 = arith.addi %mul3A_1567, %add3A_1568 : i32
    "tpu.region"() ({
      %run_scoped3A = tpu.sem_alloc : memref<!tpu.dma_semaphore, #tpu.memory_space<semaphore_mem>>
      %dma_start3A_2061 = arith.constant 0 : i32
      %dma_start3A_2062 = tpu.memref_slice %arg17[%add3A_1569, %dma_start3A_2061] : memref<10240x64xf32, #tpu.memory_space<vmem_shared>> -> memref<64x64xf32, #tpu.memory_space<vmem_shared>>
      %dma_start3A_2063 = arith.constant 0 : i32
      %dma_start3A_2064 = tpu.memref_slice %arg17[%add3A_1569, %dma_start3A_2063] : memref<10240x64xf32, #tpu.memory_space<vmem_shared>> -> memref<64x64xf32, #tpu.memory_space<vmem_shared>>
      tpu.enqueue_dma source(%arg16 : memref<64x64xf32, #tpu.memory_space<vmem>>) target(%dma_start3A_2064 : memref<64x64xf32, #tpu.memory_space<vmem_shared>>) target_semaphore(%run_scoped3A : memref<!tpu.dma_semaphore, #tpu.memory_space<semaphore_mem>>)
      %dma_wait3A_2065 = arith.constant 0 : i32
      %dma_wait3A_2066 = tpu.memref_slice %arg17[%add3A_1569, %dma_wait3A_2065] : memref<10240x64xf32, #tpu.memory_space<vmem_shared>> -> memref<64x64xf32, #tpu.memory_space<vmem_shared>>
      %dma_wait3A_2067 = arith.constant 0 : i32
      %dma_wait3A_2068 = tpu.memref_slice %arg17[%add3A_1569, %dma_wait3A_2067] : memref<10240x64xf32, #tpu.memory_space<vmem_shared>> -> memref<64x64xf32, #tpu.memory_space<vmem_shared>>
      tpu.wait_dma2 semaphore(%run_scoped3A : memref<!tpu.dma_semaphore, #tpu.memory_space<semaphore_mem>>) src(%arg16 : memref<64x64xf32, #tpu.memory_space<vmem>>) dst(%dma_wait3A_2068 : memref<64x64xf32, #tpu.memory_space<vmem_shared>>)
      tpu.yield
    }) : () -> ()
    %mul3A_1570 = arith.constant 640 : i32
    %mul3A_1571 = arith.muli %arg1, %mul3A_1570 : i32
    %add3A_1572 = arith.constant 576 : i32
    %add3A_1573 = arith.addi %mul3A_1571, %add3A_1572 : i32
    "tpu.region"() ({
      %run_scoped3A = tpu.sem_alloc : memref<!tpu.dma_semaphore, #tpu.memory_space<semaphore_mem>>
      %dma_start3A_2061 = arith.constant 0 : i32
      %dma_start3A_2062 = tpu.memref_slice %arg17[%add3A_1573, %dma_start3A_2061] : memref<10240x64xf32, #tpu.memory_space<vmem_shared>> -> memref<64x64xf32, #tpu.memory_space<vmem_shared>>
      %dma_start3A_2063 = arith.constant 0 : i32
      %dma_start3A_2064 = tpu.memref_slice %arg17[%add3A_1573, %dma_start3A_2063] : memref<10240x64xf32, #tpu.memory_space<vmem_shared>> -> memref<64x64xf32, #tpu.memory_space<vmem_shared>>
      tpu.enqueue_dma source(%arg16 : memref<64x64xf32, #tpu.memory_space<vmem>>) target(%dma_start3A_2064 : memref<64x64xf32, #tpu.memory_space<vmem_shared>>) target_semaphore(%run_scoped3A : memref<!tpu.dma_semaphore, #tpu.memory_space<semaphore_mem>>)
      %dma_wait3A_2065 = arith.constant 0 : i32
      %dma_wait3A_2066 = tpu.memref_slice %arg17[%add3A_1573, %dma_wait3A_2065] : memref<10240x64xf32, #tpu.memory_space<vmem_shared>> -> memref<64x64xf32, #tpu.memory_space<vmem_shared>>
      %dma_wait3A_2067 = arith.constant 0 : i32
      %dma_wait3A_2068 = tpu.memref_slice %arg17[%add3A_1573, %dma_wait3A_2067] : memref<10240x64xf32, #tpu.memory_space<vmem_shared>> -> memref<64x64xf32, #tpu.memory_space<vmem_shared>>
      tpu.wait_dma2 semaphore(%run_scoped3A : memref<!tpu.dma_semaphore, #tpu.memory_space<semaphore_mem>>) src(%arg16 : memref<64x64xf32, #tpu.memory_space<vmem>>) dst(%dma_wait3A_2068 : memref<64x64xf32, #tpu.memory_space<vmem_shared>>)
      tpu.yield
    }) : () -> ()
    %barrier3A = arith.constant 0 : index
    tpu.barrier barrier_id(%barrier3A)
    %get3A = arith.constant 0 : index
    %get3A_1574 = tpu.vector_load %arg6[%get3A] {strides = array<i32>} : memref<20480xi32, #tpu.memory_space<vmem>>, vector<16xi32>,
    %get3A_1575 = vector.shape_cast %get3A_1574 : vector<16xi32> to vector<16xi32>
    %mul3A_1576 = arith.constant 2 : i32
    %mul3A_1577 = vector.broadcast %mul3A_1576 : i32 to vector<16xi32>
    %mul3A_1578 = arith.muli %get3A_1575, %mul3A_1577 : vector<16xi32>
    %add3A_1579 = vector.broadcast %arg0 : i32 to vector<16xi32>
    %add3A_1580 = arith.addi %mul3A_1578, %add3A_1579 : vector<16xi32>
    %swap3A_1581 = arith.constant 0 : index
    %swap3A_1582 = tpu.vector_load %arg6[%swap3A_1581] {strides = array<i32>} : memref<20480xi32, #tpu.memory_space<vmem>>, vector<16xi32>,
    %swap3A_1583 = vector.shape_cast %swap3A_1582 : vector<16xi32> to vector<16xi32>
    %swap3A_1584 = vector.shape_cast %add3A_1580 : vector<16xi32> to vector<16xi32>
    tpu.vector_store %arg6[%swap3A_1581], %swap3A_1584 {strides = array<i32>} : memref<20480xi32, #tpu.memory_space<vmem>>, vector<16xi32>,
    %get3A_1585 = arith.constant 16 : index
    %get3A_1586 = tpu.vector_load %arg6[%get3A_1585] {strides = array<i32>} : memref<20480xi32, #tpu.memory_space<vmem>>, vector<16xi32>,
    %get3A_1587 = vector.shape_cast %get3A_1586 : vector<16xi32> to vector<16xi32>
    %mul3A_1588 = arith.constant 2 : i32
    %mul3A_1589 = vector.broadcast %mul3A_1588 : i32 to vector<16xi32>
    %mul3A_1590 = arith.muli %get3A_1587, %mul3A_1589 : vector<16xi32>
    %add3A_1591 = vector.broadcast %arg0 : i32 to vector<16xi32>
    %add3A_1592 = arith.addi %mul3A_1590, %add3A_1591 : vector<16xi32>
    %swap3A_1593 = arith.constant 16 : index
    %swap3A_1594 = tpu.vector_load %arg6[%swap3A_1593] {strides = array<i32>} : memref<20480xi32, #tpu.memory_space<vmem>>, vector<16xi32>,
    %swap3A_1595 = vector.shape_cast %swap3A_1594 : vector<16xi32> to vector<16xi32>
    %swap3A_1596 = vector.shape_cast %add3A_1592 : vector<16xi32> to vector<16xi32>
    tpu.vector_store %arg6[%swap3A_1593], %swap3A_1596 {strides = array<i32>} : memref<20480xi32, #tpu.memory_space<vmem>>, vector<16xi32>,
    %get3A_1597 = arith.constant 32 : index
    %get3A_1598 = tpu.vector_load %arg6[%get3A_1597] {strides = array<i32>} : memref<20480xi32, #tpu.memory_space<vmem>>, vector<16xi32>,
    %get3A_1599 = vector.shape_cast %get3A_1598 : vector<16xi32> to vector<16xi32>
    %mul3A_1600 = arith.constant 2 : i32
    %mul3A_1601 = vector.broadcast %mul3A_1600 : i32 to vector<16xi32>
    %mul3A_1602 = arith.muli %get3A_1599, %mul3A_1601 : vector<16xi32>
    %add3A_1603 = vector.broadcast %arg0 : i32 to vector<16xi32>
    %add3A_1604 = arith.addi %mul3A_1602, %add3A_1603 : vector<16xi32>
    %swap3A_1605 = arith.constant 32 : index
    %swap3A_1606 = tpu.vector_load %arg6[%swap3A_1605] {strides = array<i32>} : memref<20480xi32, #tpu.memory_space<vmem>>, vector<16xi32>,
    %swap3A_1607 = vector.shape_cast %swap3A_1606 : vector<16xi32> to vector<16xi32>
    %swap3A_1608 = vector.shape_cast %add3A_1604 : vector<16xi32> to vector<16xi32>
    tpu.vector_store %arg6[%swap3A_1605], %swap3A_1608 {strides = array<i32>} : memref<20480xi32, #tpu.memory_space<vmem>>, vector<16xi32>,
    %get3A_1609 = arith.constant 48 : index
    %get3A_1610 = tpu.vector_load %arg6[%get3A_1609] {strides = array<i32>} : memref<20480xi32, #tpu.memory_space<vmem>>, vector<16xi32>,
    %get3A_1611 = vector.shape_cast %get3A_1610 : vector<16xi32> to vector<16xi32>
    %mul3A_1612 = arith.constant 2 : i32
    %mul3A_1613 = vector.broadcast %mul3A_1612 : i32 to vector<16xi32>
    %mul3A_1614 = arith.muli %get3A_1611, %mul3A_1613 : vector<16xi32>
    %add3A_1615 = vector.broadcast %arg0 : i32 to vector<16xi32>
    %add3A_1616 = arith.addi %mul3A_1614, %add3A_1615 : vector<16xi32>
    %swap3A_1617 = arith.constant 48 : index
    %swap3A_1618 = tpu.vector_load %arg6[%swap3A_1617] {strides = array<i32>} : memref<20480xi32, #tpu.memory_space<vmem>>, vector<16xi32>,
    %swap3A_1619 = vector.shape_cast %swap3A_1618 : vector<16xi32> to vector<16xi32>
    %swap3A_1620 = vector.shape_cast %add3A_1616 : vector<16xi32> to vector<16xi32>
    tpu.vector_store %arg6[%swap3A_1617], %swap3A_1620 {strides = array<i32>} : memref<20480xi32, #tpu.memory_space<vmem>>, vector<16xi32>,
    %dma_start3A = arith.constant 0 : i32
    %dma_start3A_1621 = tpu.memref_slice %arg6[%dma_start3A] : memref<20480xi32, #tpu.memory_space<vmem>> -> memref<64xi32, #tpu.memory_space<vmem>>
    %dma_start3A_1622 = arith.constant 0 : i32
    %dma_start3A_1623 = arith.constant 0 : i32
    %dma_start3A_1624 = tpu.memref_slice %arg2[%dma_start3A_1622, %dma_start3A_1623] : memref<20000x64xf32, #tpu.memory_space<hbm>> -> memref<20000x64xf32, #tpu.memory_space<hbm>>
    tpu.enqueue_indirect_dma source(%dma_start3A_1624 : memref<20000x64xf32, #tpu.memory_space<hbm>>) target(%arg8 : memref<64x64xf32, #tpu.memory_space<vmem>>) offsets(%dma_start3A_1621 : memref<64xi32, #tpu.memory_space<vmem>>) semaphore(%arg18 : memref<!tpu.dma_semaphore, #tpu.memory_space<semaphore_mem>>)
    %get3A_1625 = arith.constant 64 : index
    %get3A_1626 = tpu.vector_load %arg6[%get3A_1625] {strides = array<i32>} : memref<20480xi32, #tpu.memory_space<vmem>>, vector<16xi32>,
    %get3A_1627 = vector.shape_cast %get3A_1626 : vector<16xi32> to vector<16xi32>
    %mul3A_1628 = arith.constant 2 : i32
    %mul3A_1629 = vector.broadcast %mul3A_1628 : i32 to vector<16xi32>
    %mul3A_1630 = arith.muli %get3A_1627, %mul3A_1629 : vector<16xi32>
    %add3A_1631 = vector.broadcast %arg0 : i32 to vector<16xi32>
    %add3A_1632 = arith.addi %mul3A_1630, %add3A_1631 : vector<16xi32>
    %swap3A_1633 = arith.constant 64 : index
    %swap3A_1634 = tpu.vector_load %arg6[%swap3A_1633] {strides = array<i32>} : memref<20480xi32, #tpu.memory_space<vmem>>, vector<16xi32>,
    %swap3A_1635 = vector.shape_cast %swap3A_1634 : vector<16xi32> to vector<16xi32>
    %swap3A_1636 = vector.shape_cast %add3A_1632 : vector<16xi32> to vector<16xi32>
    tpu.vector_store %arg6[%swap3A_1633], %swap3A_1636 {strides = array<i32>} : memref<20480xi32, #tpu.memory_space<vmem>>, vector<16xi32>,
    %get3A_1637 = arith.constant 80 : index
    %get3A_1638 = tpu.vector_load %arg6[%get3A_1637] {strides = array<i32>} : memref<20480xi32, #tpu.memory_space<vmem>>, vector<16xi32>,
    %get3A_1639 = vector.shape_cast %get3A_1638 : vector<16xi32> to vector<16xi32>
    %mul3A_1640 = arith.constant 2 : i32
    %mul3A_1641 = vector.broadcast %mul3A_1640 : i32 to vector<16xi32>
    %mul3A_1642 = arith.muli %get3A_1639, %mul3A_1641 : vector<16xi32>
    %add3A_1643 = vector.broadcast %arg0 : i32 to vector<16xi32>
    %add3A_1644 = arith.addi %mul3A_1642, %add3A_1643 : vector<16xi32>
    %swap3A_1645 = arith.constant 80 : index
    %swap3A_1646 = tpu.vector_load %arg6[%swap3A_1645] {strides = array<i32>} : memref<20480xi32, #tpu.memory_space<vmem>>, vector<16xi32>,
    %swap3A_1647 = vector.shape_cast %swap3A_1646 : vector<16xi32> to vector<16xi32>
    %swap3A_1648 = vector.shape_cast %add3A_1644 : vector<16xi32> to vector<16xi32>
    tpu.vector_store %arg6[%swap3A_1645], %swap3A_1648 {strides = array<i32>} : memref<20480xi32, #tpu.memory_space<vmem>>, vector<16xi32>,
    %get3A_1649 = arith.constant 96 : index
    %get3A_1650 = tpu.vector_load %arg6[%get3A_1649] {strides = array<i32>} : memref<20480xi32, #tpu.memory_space<vmem>>, vector<16xi32>,
    %get3A_1651 = vector.shape_cast %get3A_1650 : vector<16xi32> to vector<16xi32>
    %mul3A_1652 = arith.constant 2 : i32
    %mul3A_1653 = vector.broadcast %mul3A_1652 : i32 to vector<16xi32>
    %mul3A_1654 = arith.muli %get3A_1651, %mul3A_1653 : vector<16xi32>
    %add3A_1655 = vector.broadcast %arg0 : i32 to vector<16xi32>
    %add3A_1656 = arith.addi %mul3A_1654, %add3A_1655 : vector<16xi32>
    %swap3A_1657 = arith.constant 96 : index
    %swap3A_1658 = tpu.vector_load %arg6[%swap3A_1657] {strides = array<i32>} : memref<20480xi32, #tpu.memory_space<vmem>>, vector<16xi32>,
    %swap3A_1659 = vector.shape_cast %swap3A_1658 : vector<16xi32> to vector<16xi32>
    %swap3A_1660 = vector.shape_cast %add3A_1656 : vector<16xi32> to vector<16xi32>
    tpu.vector_store %arg6[%swap3A_1657], %swap3A_1660 {strides = array<i32>} : memref<20480xi32, #tpu.memory_space<vmem>>, vector<16xi32>,
    %get3A_1661 = arith.constant 112 : index
    %get3A_1662 = tpu.vector_load %arg6[%get3A_1661] {strides = array<i32>} : memref<20480xi32, #tpu.memory_space<vmem>>, vector<16xi32>,
    %get3A_1663 = vector.shape_cast %get3A_1662 : vector<16xi32> to vector<16xi32>
    %mul3A_1664 = arith.constant 2 : i32
    %mul3A_1665 = vector.broadcast %mul3A_1664 : i32 to vector<16xi32>
    %mul3A_1666 = arith.muli %get3A_1663, %mul3A_1665 : vector<16xi32>
    %add3A_1667 = vector.broadcast %arg0 : i32 to vector<16xi32>
    %add3A_1668 = arith.addi %mul3A_1666, %add3A_1667 : vector<16xi32>
    %swap3A_1669 = arith.constant 112 : index
    %swap3A_1670 = tpu.vector_load %arg6[%swap3A_1669] {strides = array<i32>} : memref<20480xi32, #tpu.memory_space<vmem>>, vector<16xi32>,
    %swap3A_1671 = vector.shape_cast %swap3A_1670 : vector<16xi32> to vector<16xi32>
    %swap3A_1672 = vector.shape_cast %add3A_1668 : vector<16xi32> to vector<16xi32>
    tpu.vector_store %arg6[%swap3A_1669], %swap3A_1672 {strides = array<i32>} : memref<20480xi32, #tpu.memory_space<vmem>>, vector<16xi32>,
    %dma_start3A_1673 = arith.constant 64 : i32
    %dma_start3A_1674 = tpu.memref_slice %arg6[%dma_start3A_1673] : memref<20480xi32, #tpu.memory_space<vmem>> -> memref<64xi32, #tpu.memory_space<vmem>>
    %dma_start3A_1675 = arith.constant 0 : i32
    %dma_start3A_1676 = arith.constant 0 : i32
    %dma_start3A_1677 = tpu.memref_slice %arg2[%dma_start3A_1675, %dma_start3A_1676] : memref<20000x64xf32, #tpu.memory_space<hbm>> -> memref<20000x64xf32, #tpu.memory_space<hbm>>
    tpu.enqueue_indirect_dma source(%dma_start3A_1677 : memref<20000x64xf32, #tpu.memory_space<hbm>>) target(%arg9 : memref<64x64xf32, #tpu.memory_space<vmem>>) offsets(%dma_start3A_1674 : memref<64xi32, #tpu.memory_space<vmem>>) semaphore(%arg19 : memref<!tpu.dma_semaphore, #tpu.memory_space<semaphore_mem>>)
    %get3A_1678 = arith.constant 128 : index
    %get3A_1679 = tpu.vector_load %arg6[%get3A_1678] {strides = array<i32>} : memref<20480xi32, #tpu.memory_space<vmem>>, vector<16xi32>,
    %get3A_1680 = vector.shape_cast %get3A_1679 : vector<16xi32> to vector<16xi32>
    %mul3A_1681 = arith.constant 2 : i32
    %mul3A_1682 = vector.broadcast %mul3A_1681 : i32 to vector<16xi32>
    %mul3A_1683 = arith.muli %get3A_1680, %mul3A_1682 : vector<16xi32>
    %add3A_1684 = vector.broadcast %arg0 : i32 to vector<16xi32>
    %add3A_1685 = arith.addi %mul3A_1683, %add3A_1684 : vector<16xi32>
    %swap3A_1686 = arith.constant 128 : index
    %swap3A_1687 = tpu.vector_load %arg6[%swap3A_1686] {strides = array<i32>} : memref<20480xi32, #tpu.memory_space<vmem>>, vector<16xi32>,
    %swap3A_1688 = vector.shape_cast %swap3A_1687 : vector<16xi32> to vector<16xi32>
    %swap3A_1689 = vector.shape_cast %add3A_1685 : vector<16xi32> to vector<16xi32>
    tpu.vector_store %arg6[%swap3A_1686], %swap3A_1689 {strides = array<i32>} : memref<20480xi32, #tpu.memory_space<vmem>>, vector<16xi32>,
    %get3A_1690 = arith.constant 144 : index
    %get3A_1691 = tpu.vector_load %arg6[%get3A_1690] {strides = array<i32>} : memref<20480xi32, #tpu.memory_space<vmem>>, vector<16xi32>,
    %get3A_1692 = vector.shape_cast %get3A_1691 : vector<16xi32> to vector<16xi32>
    %mul3A_1693 = arith.constant 2 : i32
    %mul3A_1694 = vector.broadcast %mul3A_1693 : i32 to vector<16xi32>
    %mul3A_1695 = arith.muli %get3A_1692, %mul3A_1694 : vector<16xi32>
    %add3A_1696 = vector.broadcast %arg0 : i32 to vector<16xi32>
    %add3A_1697 = arith.addi %mul3A_1695, %add3A_1696 : vector<16xi32>
    %swap3A_1698 = arith.constant 144 : index
    %swap3A_1699 = tpu.vector_load %arg6[%swap3A_1698] {strides = array<i32>} : memref<20480xi32, #tpu.memory_space<vmem>>, vector<16xi32>,
    %swap3A_1700 = vector.shape_cast %swap3A_1699 : vector<16xi32> to vector<16xi32>
    %swap3A_1701 = vector.shape_cast %add3A_1697 : vector<16xi32> to vector<16xi32>
    tpu.vector_store %arg6[%swap3A_1698], %swap3A_1701 {strides = array<i32>} : memref<20480xi32, #tpu.memory_space<vmem>>, vector<16xi32>,
    %get3A_1702 = arith.constant 160 : index
    %get3A_1703 = tpu.vector_load %arg6[%get3A_1702] {strides = array<i32>} : memref<20480xi32, #tpu.memory_space<vmem>>, vector<16xi32>,
    %get3A_1704 = vector.shape_cast %get3A_1703 : vector<16xi32> to vector<16xi32>
    %mul3A_1705 = arith.constant 2 : i32
    %mul3A_1706 = vector.broadcast %mul3A_1705 : i32 to vector<16xi32>
    %mul3A_1707 = arith.muli %get3A_1704, %mul3A_1706 : vector<16xi32>
    %add3A_1708 = vector.broadcast %arg0 : i32 to vector<16xi32>
    %add3A_1709 = arith.addi %mul3A_1707, %add3A_1708 : vector<16xi32>
    %swap3A_1710 = arith.constant 160 : index
    %swap3A_1711 = tpu.vector_load %arg6[%swap3A_1710] {strides = array<i32>} : memref<20480xi32, #tpu.memory_space<vmem>>, vector<16xi32>,
    %swap3A_1712 = vector.shape_cast %swap3A_1711 : vector<16xi32> to vector<16xi32>
    %swap3A_1713 = vector.shape_cast %add3A_1709 : vector<16xi32> to vector<16xi32>
    tpu.vector_store %arg6[%swap3A_1710], %swap3A_1713 {strides = array<i32>} : memref<20480xi32, #tpu.memory_space<vmem>>, vector<16xi32>,
    %get3A_1714 = arith.constant 176 : index
    %get3A_1715 = tpu.vector_load %arg6[%get3A_1714] {strides = array<i32>} : memref<20480xi32, #tpu.memory_space<vmem>>, vector<16xi32>,
    %get3A_1716 = vector.shape_cast %get3A_1715 : vector<16xi32> to vector<16xi32>
    %mul3A_1717 = arith.constant 2 : i32
    %mul3A_1718 = vector.broadcast %mul3A_1717 : i32 to vector<16xi32>
    %mul3A_1719 = arith.muli %get3A_1716, %mul3A_1718 : vector<16xi32>
    %add3A_1720 = vector.broadcast %arg0 : i32 to vector<16xi32>
    %add3A_1721 = arith.addi %mul3A_1719, %add3A_1720 : vector<16xi32>
    %swap3A_1722 = arith.constant 176 : index
    %swap3A_1723 = tpu.vector_load %arg6[%swap3A_1722] {strides = array<i32>} : memref<20480xi32, #tpu.memory_space<vmem>>, vector<16xi32>,
    %swap3A_1724 = vector.shape_cast %swap3A_1723 : vector<16xi32> to vector<16xi32>
    %swap3A_1725 = vector.shape_cast %add3A_1721 : vector<16xi32> to vector<16xi32>
    tpu.vector_store %arg6[%swap3A_1722], %swap3A_1725 {strides = array<i32>} : memref<20480xi32, #tpu.memory_space<vmem>>, vector<16xi32>,
    %dma_start3A_1726 = arith.constant 128 : i32
    %dma_start3A_1727 = tpu.memref_slice %arg6[%dma_start3A_1726] : memref<20480xi32, #tpu.memory_space<vmem>> -> memref<64xi32, #tpu.memory_space<vmem>>
    %dma_start3A_1728 = arith.constant 0 : i32
    %dma_start3A_1729 = arith.constant 0 : i32
    %dma_start3A_1730 = tpu.memref_slice %arg2[%dma_start3A_1728, %dma_start3A_1729] : memref<20000x64xf32, #tpu.memory_space<hbm>> -> memref<20000x64xf32, #tpu.memory_space<hbm>>
    tpu.enqueue_indirect_dma source(%dma_start3A_1730 : memref<20000x64xf32, #tpu.memory_space<hbm>>) target(%arg10 : memref<64x64xf32, #tpu.memory_space<vmem>>) offsets(%dma_start3A_1727 : memref<64xi32, #tpu.memory_space<vmem>>) semaphore(%arg20 : memref<!tpu.dma_semaphore, #tpu.memory_space<semaphore_mem>>)
    %get3A_1731 = arith.constant 192 : index
    %get3A_1732 = tpu.vector_load %arg6[%get3A_1731] {strides = array<i32>} : memref<20480xi32, #tpu.memory_space<vmem>>, vector<16xi32>,
    %get3A_1733 = vector.shape_cast %get3A_1732 : vector<16xi32> to vector<16xi32>
    %mul3A_1734 = arith.constant 2 : i32
    %mul3A_1735 = vector.broadcast %mul3A_1734 : i32 to vector<16xi32>
    %mul3A_1736 = arith.muli %get3A_1733, %mul3A_1735 : vector<16xi32>
    %add3A_1737 = vector.broadcast %arg0 : i32 to vector<16xi32>
    %add3A_1738 = arith.addi %mul3A_1736, %add3A_1737 : vector<16xi32>
    %swap3A_1739 = arith.constant 192 : index
    %swap3A_1740 = tpu.vector_load %arg6[%swap3A_1739] {strides = array<i32>} : memref<20480xi32, #tpu.memory_space<vmem>>, vector<16xi32>,
    %swap3A_1741 = vector.shape_cast %swap3A_1740 : vector<16xi32> to vector<16xi32>
    %swap3A_1742 = vector.shape_cast %add3A_1738 : vector<16xi32> to vector<16xi32>
    tpu.vector_store %arg6[%swap3A_1739], %swap3A_1742 {strides = array<i32>} : memref<20480xi32, #tpu.memory_space<vmem>>, vector<16xi32>,
    %get3A_1743 = arith.constant 208 : index
    %get3A_1744 = tpu.vector_load %arg6[%get3A_1743] {strides = array<i32>} : memref<20480xi32, #tpu.memory_space<vmem>>, vector<16xi32>,
    %get3A_1745 = vector.shape_cast %get3A_1744 : vector<16xi32> to vector<16xi32>
    %mul3A_1746 = arith.constant 2 : i32
    %mul3A_1747 = vector.broadcast %mul3A_1746 : i32 to vector<16xi32>
    %mul3A_1748 = arith.muli %get3A_1745, %mul3A_1747 : vector<16xi32>
    %add3A_1749 = vector.broadcast %arg0 : i32 to vector<16xi32>
    %add3A_1750 = arith.addi %mul3A_1748, %add3A_1749 : vector<16xi32>
    %swap3A_1751 = arith.constant 208 : index
    %swap3A_1752 = tpu.vector_load %arg6[%swap3A_1751] {strides = array<i32>} : memref<20480xi32, #tpu.memory_space<vmem>>, vector<16xi32>,
    %swap3A_1753 = vector.shape_cast %swap3A_1752 : vector<16xi32> to vector<16xi32>
    %swap3A_1754 = vector.shape_cast %add3A_1750 : vector<16xi32> to vector<16xi32>
    tpu.vector_store %arg6[%swap3A_1751], %swap3A_1754 {strides = array<i32>} : memref<20480xi32, #tpu.memory_space<vmem>>, vector<16xi32>,
    %get3A_1755 = arith.constant 224 : index
    %get3A_1756 = tpu.vector_load %arg6[%get3A_1755] {strides = array<i32>} : memref<20480xi32, #tpu.memory_space<vmem>>, vector<16xi32>,
    %get3A_1757 = vector.shape_cast %get3A_1756 : vector<16xi32> to vector<16xi32>
    %mul3A_1758 = arith.constant 2 : i32
    %mul3A_1759 = vector.broadcast %mul3A_1758 : i32 to vector<16xi32>
    %mul3A_1760 = arith.muli %get3A_1757, %mul3A_1759 : vector<16xi32>
    %add3A_1761 = vector.broadcast %arg0 : i32 to vector<16xi32>
    %add3A_1762 = arith.addi %mul3A_1760, %add3A_1761 : vector<16xi32>
    %swap3A_1763 = arith.constant 224 : index
    %swap3A_1764 = tpu.vector_load %arg6[%swap3A_1763] {strides = array<i32>} : memref<20480xi32, #tpu.memory_space<vmem>>, vector<16xi32>,
    %swap3A_1765 = vector.shape_cast %swap3A_1764 : vector<16xi32> to vector<16xi32>
    %swap3A_1766 = vector.shape_cast %add3A_1762 : vector<16xi32> to vector<16xi32>
    tpu.vector_store %arg6[%swap3A_1763], %swap3A_1766 {strides = array<i32>} : memref<20480xi32, #tpu.memory_space<vmem>>, vector<16xi32>,
    %get3A_1767 = arith.constant 240 : index
    %get3A_1768 = tpu.vector_load %arg6[%get3A_1767] {strides = array<i32>} : memref<20480xi32, #tpu.memory_space<vmem>>, vector<16xi32>,
    %get3A_1769 = vector.shape_cast %get3A_1768 : vector<16xi32> to vector<16xi32>
    %mul3A_1770 = arith.constant 2 : i32
    %mul3A_1771 = vector.broadcast %mul3A_1770 : i32 to vector<16xi32>
    %mul3A_1772 = arith.muli %get3A_1769, %mul3A_1771 : vector<16xi32>
    %add3A_1773 = vector.broadcast %arg0 : i32 to vector<16xi32>
    %add3A_1774 = arith.addi %mul3A_1772, %add3A_1773 : vector<16xi32>
    %swap3A_1775 = arith.constant 240 : index
    %swap3A_1776 = tpu.vector_load %arg6[%swap3A_1775] {strides = array<i32>} : memref<20480xi32, #tpu.memory_space<vmem>>, vector<16xi32>,
    %swap3A_1777 = vector.shape_cast %swap3A_1776 : vector<16xi32> to vector<16xi32>
    %swap3A_1778 = vector.shape_cast %add3A_1774 : vector<16xi32> to vector<16xi32>
    tpu.vector_store %arg6[%swap3A_1775], %swap3A_1778 {strides = array<i32>} : memref<20480xi32, #tpu.memory_space<vmem>>, vector<16xi32>,
    %dma_start3A_1779 = arith.constant 192 : i32
    %dma_start3A_1780 = tpu.memref_slice %arg6[%dma_start3A_1779] : memref<20480xi32, #tpu.memory_space<vmem>> -> memref<64xi32, #tpu.memory_space<vmem>>
    %dma_start3A_1781 = arith.constant 0 : i32
    %dma_start3A_1782 = arith.constant 0 : i32
    %dma_start3A_1783 = tpu.memref_slice %arg2[%dma_start3A_1781, %dma_start3A_1782] : memref<20000x64xf32, #tpu.memory_space<hbm>> -> memref<20000x64xf32, #tpu.memory_space<hbm>>
    tpu.enqueue_indirect_dma source(%dma_start3A_1783 : memref<20000x64xf32, #tpu.memory_space<hbm>>) target(%arg11 : memref<64x64xf32, #tpu.memory_space<vmem>>) offsets(%dma_start3A_1780 : memref<64xi32, #tpu.memory_space<vmem>>) semaphore(%arg21 : memref<!tpu.dma_semaphore, #tpu.memory_space<semaphore_mem>>)
    %get3A_1784 = arith.constant 256 : index
    %get3A_1785 = tpu.vector_load %arg6[%get3A_1784] {strides = array<i32>} : memref<20480xi32, #tpu.memory_space<vmem>>, vector<16xi32>,
    %get3A_1786 = vector.shape_cast %get3A_1785 : vector<16xi32> to vector<16xi32>
    %mul3A_1787 = arith.constant 2 : i32
    %mul3A_1788 = vector.broadcast %mul3A_1787 : i32 to vector<16xi32>
    %mul3A_1789 = arith.muli %get3A_1786, %mul3A_1788 : vector<16xi32>
    %add3A_1790 = vector.broadcast %arg0 : i32 to vector<16xi32>
    %add3A_1791 = arith.addi %mul3A_1789, %add3A_1790 : vector<16xi32>
    %swap3A_1792 = arith.constant 256 : index
    %swap3A_1793 = tpu.vector_load %arg6[%swap3A_1792] {strides = array<i32>} : memref<20480xi32, #tpu.memory_space<vmem>>, vector<16xi32>,
    %swap3A_1794 = vector.shape_cast %swap3A_1793 : vector<16xi32> to vector<16xi32>
    %swap3A_1795 = vector.shape_cast %add3A_1791 : vector<16xi32> to vector<16xi32>
    tpu.vector_store %arg6[%swap3A_1792], %swap3A_1795 {strides = array<i32>} : memref<20480xi32, #tpu.memory_space<vmem>>, vector<16xi32>,
    %get3A_1796 = arith.constant 272 : index
    %get3A_1797 = tpu.vector_load %arg6[%get3A_1796] {strides = array<i32>} : memref<20480xi32, #tpu.memory_space<vmem>>, vector<16xi32>,
    %get3A_1798 = vector.shape_cast %get3A_1797 : vector<16xi32> to vector<16xi32>
    %mul3A_1799 = arith.constant 2 : i32
    %mul3A_1800 = vector.broadcast %mul3A_1799 : i32 to vector<16xi32>
    %mul3A_1801 = arith.muli %get3A_1798, %mul3A_1800 : vector<16xi32>
    %add3A_1802 = vector.broadcast %arg0 : i32 to vector<16xi32>
    %add3A_1803 = arith.addi %mul3A_1801, %add3A_1802 : vector<16xi32>
    %swap3A_1804 = arith.constant 272 : index
    %swap3A_1805 = tpu.vector_load %arg6[%swap3A_1804] {strides = array<i32>} : memref<20480xi32, #tpu.memory_space<vmem>>, vector<16xi32>,
    %swap3A_1806 = vector.shape_cast %swap3A_1805 : vector<16xi32> to vector<16xi32>
    %swap3A_1807 = vector.shape_cast %add3A_1803 : vector<16xi32> to vector<16xi32>
    tpu.vector_store %arg6[%swap3A_1804], %swap3A_1807 {strides = array<i32>} : memref<20480xi32, #tpu.memory_space<vmem>>, vector<16xi32>,
    %get3A_1808 = arith.constant 288 : index
    %get3A_1809 = tpu.vector_load %arg6[%get3A_1808] {strides = array<i32>} : memref<20480xi32, #tpu.memory_space<vmem>>, vector<16xi32>,
    %get3A_1810 = vector.shape_cast %get3A_1809 : vector<16xi32> to vector<16xi32>
    %mul3A_1811 = arith.constant 2 : i32
    %mul3A_1812 = vector.broadcast %mul3A_1811 : i32 to vector<16xi32>
    %mul3A_1813 = arith.muli %get3A_1810, %mul3A_1812 : vector<16xi32>
    %add3A_1814 = vector.broadcast %arg0 : i32 to vector<16xi32>
    %add3A_1815 = arith.addi %mul3A_1813, %add3A_1814 : vector<16xi32>
    %swap3A_1816 = arith.constant 288 : index
    %swap3A_1817 = tpu.vector_load %arg6[%swap3A_1816] {strides = array<i32>} : memref<20480xi32, #tpu.memory_space<vmem>>, vector<16xi32>,
    %swap3A_1818 = vector.shape_cast %swap3A_1817 : vector<16xi32> to vector<16xi32>
    %swap3A_1819 = vector.shape_cast %add3A_1815 : vector<16xi32> to vector<16xi32>
    tpu.vector_store %arg6[%swap3A_1816], %swap3A_1819 {strides = array<i32>} : memref<20480xi32, #tpu.memory_space<vmem>>, vector<16xi32>,
    %get3A_1820 = arith.constant 304 : index
    %get3A_1821 = tpu.vector_load %arg6[%get3A_1820] {strides = array<i32>} : memref<20480xi32, #tpu.memory_space<vmem>>, vector<16xi32>,
    %get3A_1822 = vector.shape_cast %get3A_1821 : vector<16xi32> to vector<16xi32>
    %mul3A_1823 = arith.constant 2 : i32
    %mul3A_1824 = vector.broadcast %mul3A_1823 : i32 to vector<16xi32>
    %mul3A_1825 = arith.muli %get3A_1822, %mul3A_1824 : vector<16xi32>
    %add3A_1826 = vector.broadcast %arg0 : i32 to vector<16xi32>
    %add3A_1827 = arith.addi %mul3A_1825, %add3A_1826 : vector<16xi32>
    %swap3A_1828 = arith.constant 304 : index
    %swap3A_1829 = tpu.vector_load %arg6[%swap3A_1828] {strides = array<i32>} : memref<20480xi32, #tpu.memory_space<vmem>>, vector<16xi32>,
    %swap3A_1830 = vector.shape_cast %swap3A_1829 : vector<16xi32> to vector<16xi32>
    %swap3A_1831 = vector.shape_cast %add3A_1827 : vector<16xi32> to vector<16xi32>
    tpu.vector_store %arg6[%swap3A_1828], %swap3A_1831 {strides = array<i32>} : memref<20480xi32, #tpu.memory_space<vmem>>, vector<16xi32>,
    %dma_start3A_1832 = arith.constant 256 : i32
    %dma_start3A_1833 = tpu.memref_slice %arg6[%dma_start3A_1832] : memref<20480xi32, #tpu.memory_space<vmem>> -> memref<64xi32, #tpu.memory_space<vmem>>
    %dma_start3A_1834 = arith.constant 0 : i32
    %dma_start3A_1835 = arith.constant 0 : i32
    %dma_start3A_1836 = tpu.memref_slice %arg2[%dma_start3A_1834, %dma_start3A_1835] : memref<20000x64xf32, #tpu.memory_space<hbm>> -> memref<20000x64xf32, #tpu.memory_space<hbm>>
    tpu.enqueue_indirect_dma source(%dma_start3A_1836 : memref<20000x64xf32, #tpu.memory_space<hbm>>) target(%arg12 : memref<64x64xf32, #tpu.memory_space<vmem>>) offsets(%dma_start3A_1833 : memref<64xi32, #tpu.memory_space<vmem>>) semaphore(%arg22 : memref<!tpu.dma_semaphore, #tpu.memory_space<semaphore_mem>>)
    %get3A_1837 = arith.constant 320 : index
    %get3A_1838 = tpu.vector_load %arg6[%get3A_1837] {strides = array<i32>} : memref<20480xi32, #tpu.memory_space<vmem>>, vector<16xi32>,
    %get3A_1839 = vector.shape_cast %get3A_1838 : vector<16xi32> to vector<16xi32>
    %mul3A_1840 = arith.constant 2 : i32
    %mul3A_1841 = vector.broadcast %mul3A_1840 : i32 to vector<16xi32>
    %mul3A_1842 = arith.muli %get3A_1839, %mul3A_1841 : vector<16xi32>
    %add3A_1843 = vector.broadcast %arg0 : i32 to vector<16xi32>
    %add3A_1844 = arith.addi %mul3A_1842, %add3A_1843 : vector<16xi32>
    %swap3A_1845 = arith.constant 320 : index
    %swap3A_1846 = tpu.vector_load %arg6[%swap3A_1845] {strides = array<i32>} : memref<20480xi32, #tpu.memory_space<vmem>>, vector<16xi32>,
    %swap3A_1847 = vector.shape_cast %swap3A_1846 : vector<16xi32> to vector<16xi32>
    %swap3A_1848 = vector.shape_cast %add3A_1844 : vector<16xi32> to vector<16xi32>
    tpu.vector_store %arg6[%swap3A_1845], %swap3A_1848 {strides = array<i32>} : memref<20480xi32, #tpu.memory_space<vmem>>, vector<16xi32>,
    %get3A_1849 = arith.constant 336 : index
    %get3A_1850 = tpu.vector_load %arg6[%get3A_1849] {strides = array<i32>} : memref<20480xi32, #tpu.memory_space<vmem>>, vector<16xi32>,
    %get3A_1851 = vector.shape_cast %get3A_1850 : vector<16xi32> to vector<16xi32>
    %mul3A_1852 = arith.constant 2 : i32
    %mul3A_1853 = vector.broadcast %mul3A_1852 : i32 to vector<16xi32>
    %mul3A_1854 = arith.muli %get3A_1851, %mul3A_1853 : vector<16xi32>
    %add3A_1855 = vector.broadcast %arg0 : i32 to vector<16xi32>
    %add3A_1856 = arith.addi %mul3A_1854, %add3A_1855 : vector<16xi32>
    %swap3A_1857 = arith.constant 336 : index
    %swap3A_1858 = tpu.vector_load %arg6[%swap3A_1857] {strides = array<i32>} : memref<20480xi32, #tpu.memory_space<vmem>>, vector<16xi32>,
    %swap3A_1859 = vector.shape_cast %swap3A_1858 : vector<16xi32> to vector<16xi32>
    %swap3A_1860 = vector.shape_cast %add3A_1856 : vector<16xi32> to vector<16xi32>
    tpu.vector_store %arg6[%swap3A_1857], %swap3A_1860 {strides = array<i32>} : memref<20480xi32, #tpu.memory_space<vmem>>, vector<16xi32>,
    %get3A_1861 = arith.constant 352 : index
    %get3A_1862 = tpu.vector_load %arg6[%get3A_1861] {strides = array<i32>} : memref<20480xi32, #tpu.memory_space<vmem>>, vector<16xi32>,
    %get3A_1863 = vector.shape_cast %get3A_1862 : vector<16xi32> to vector<16xi32>
    %mul3A_1864 = arith.constant 2 : i32
    %mul3A_1865 = vector.broadcast %mul3A_1864 : i32 to vector<16xi32>
    %mul3A_1866 = arith.muli %get3A_1863, %mul3A_1865 : vector<16xi32>
    %add3A_1867 = vector.broadcast %arg0 : i32 to vector<16xi32>
    %add3A_1868 = arith.addi %mul3A_1866, %add3A_1867 : vector<16xi32>
    %swap3A_1869 = arith.constant 352 : index
    %swap3A_1870 = tpu.vector_load %arg6[%swap3A_1869] {strides = array<i32>} : memref<20480xi32, #tpu.memory_space<vmem>>, vector<16xi32>,
    %swap3A_1871 = vector.shape_cast %swap3A_1870 : vector<16xi32> to vector<16xi32>
    %swap3A_1872 = vector.shape_cast %add3A_1868 : vector<16xi32> to vector<16xi32>
    tpu.vector_store %arg6[%swap3A_1869], %swap3A_1872 {strides = array<i32>} : memref<20480xi32, #tpu.memory_space<vmem>>, vector<16xi32>,
    %get3A_1873 = arith.constant 368 : index
    %get3A_1874 = tpu.vector_load %arg6[%get3A_1873] {strides = array<i32>} : memref<20480xi32, #tpu.memory_space<vmem>>, vector<16xi32>,
    %get3A_1875 = vector.shape_cast %get3A_1874 : vector<16xi32> to vector<16xi32>
    %mul3A_1876 = arith.constant 2 : i32
    %mul3A_1877 = vector.broadcast %mul3A_1876 : i32 to vector<16xi32>
    %mul3A_1878 = arith.muli %get3A_1875, %mul3A_1877 : vector<16xi32>
    %add3A_1879 = vector.broadcast %arg0 : i32 to vector<16xi32>
    %add3A_1880 = arith.addi %mul3A_1878, %add3A_1879 : vector<16xi32>
    %swap3A_1881 = arith.constant 368 : index
    %swap3A_1882 = tpu.vector_load %arg6[%swap3A_1881] {strides = array<i32>} : memref<20480xi32, #tpu.memory_space<vmem>>, vector<16xi32>,
    %swap3A_1883 = vector.shape_cast %swap3A_1882 : vector<16xi32> to vector<16xi32>
    %swap3A_1884 = vector.shape_cast %add3A_1880 : vector<16xi32> to vector<16xi32>
    tpu.vector_store %arg6[%swap3A_1881], %swap3A_1884 {strides = array<i32>} : memref<20480xi32, #tpu.memory_space<vmem>>, vector<16xi32>,
    %dma_start3A_1885 = arith.constant 320 : i32
    %dma_start3A_1886 = tpu.memref_slice %arg6[%dma_start3A_1885] : memref<20480xi32, #tpu.memory_space<vmem>> -> memref<64xi32, #tpu.memory_space<vmem>>
    %dma_start3A_1887 = arith.constant 0 : i32
    %dma_start3A_1888 = arith.constant 0 : i32
    %dma_start3A_1889 = tpu.memref_slice %arg2[%dma_start3A_1887, %dma_start3A_1888] : memref<20000x64xf32, #tpu.memory_space<hbm>> -> memref<20000x64xf32, #tpu.memory_space<hbm>>
    tpu.enqueue_indirect_dma source(%dma_start3A_1889 : memref<20000x64xf32, #tpu.memory_space<hbm>>) target(%arg13 : memref<64x64xf32, #tpu.memory_space<vmem>>) offsets(%dma_start3A_1886 : memref<64xi32, #tpu.memory_space<vmem>>) semaphore(%arg23 : memref<!tpu.dma_semaphore, #tpu.memory_space<semaphore_mem>>)
    %get3A_1890 = arith.constant 384 : index
    %get3A_1891 = tpu.vector_load %arg6[%get3A_1890] {strides = array<i32>} : memref<20480xi32, #tpu.memory_space<vmem>>, vector<16xi32>,
    %get3A_1892 = vector.shape_cast %get3A_1891 : vector<16xi32> to vector<16xi32>
    %mul3A_1893 = arith.constant 2 : i32
    %mul3A_1894 = vector.broadcast %mul3A_1893 : i32 to vector<16xi32>
    %mul3A_1895 = arith.muli %get3A_1892, %mul3A_1894 : vector<16xi32>
    %add3A_1896 = vector.broadcast %arg0 : i32 to vector<16xi32>
    %add3A_1897 = arith.addi %mul3A_1895, %add3A_1896 : vector<16xi32>
    %swap3A_1898 = arith.constant 384 : index
    %swap3A_1899 = tpu.vector_load %arg6[%swap3A_1898] {strides = array<i32>} : memref<20480xi32, #tpu.memory_space<vmem>>, vector<16xi32>,
    %swap3A_1900 = vector.shape_cast %swap3A_1899 : vector<16xi32> to vector<16xi32>
    %swap3A_1901 = vector.shape_cast %add3A_1897 : vector<16xi32> to vector<16xi32>
    tpu.vector_store %arg6[%swap3A_1898], %swap3A_1901 {strides = array<i32>} : memref<20480xi32, #tpu.memory_space<vmem>>, vector<16xi32>,
    %get3A_1902 = arith.constant 400 : index
    %get3A_1903 = tpu.vector_load %arg6[%get3A_1902] {strides = array<i32>} : memref<20480xi32, #tpu.memory_space<vmem>>, vector<16xi32>,
    %get3A_1904 = vector.shape_cast %get3A_1903 : vector<16xi32> to vector<16xi32>
    %mul3A_1905 = arith.constant 2 : i32
    %mul3A_1906 = vector.broadcast %mul3A_1905 : i32 to vector<16xi32>
    %mul3A_1907 = arith.muli %get3A_1904, %mul3A_1906 : vector<16xi32>
    %add3A_1908 = vector.broadcast %arg0 : i32 to vector<16xi32>
    %add3A_1909 = arith.addi %mul3A_1907, %add3A_1908 : vector<16xi32>
    %swap3A_1910 = arith.constant 400 : index
    %swap3A_1911 = tpu.vector_load %arg6[%swap3A_1910] {strides = array<i32>} : memref<20480xi32, #tpu.memory_space<vmem>>, vector<16xi32>,
    %swap3A_1912 = vector.shape_cast %swap3A_1911 : vector<16xi32> to vector<16xi32>
    %swap3A_1913 = vector.shape_cast %add3A_1909 : vector<16xi32> to vector<16xi32>
    tpu.vector_store %arg6[%swap3A_1910], %swap3A_1913 {strides = array<i32>} : memref<20480xi32, #tpu.memory_space<vmem>>, vector<16xi32>,
    %get3A_1914 = arith.constant 416 : index
    %get3A_1915 = tpu.vector_load %arg6[%get3A_1914] {strides = array<i32>} : memref<20480xi32, #tpu.memory_space<vmem>>, vector<16xi32>,
    %get3A_1916 = vector.shape_cast %get3A_1915 : vector<16xi32> to vector<16xi32>
    %mul3A_1917 = arith.constant 2 : i32
    %mul3A_1918 = vector.broadcast %mul3A_1917 : i32 to vector<16xi32>
    %mul3A_1919 = arith.muli %get3A_1916, %mul3A_1918 : vector<16xi32>
    %add3A_1920 = vector.broadcast %arg0 : i32 to vector<16xi32>
    %add3A_1921 = arith.addi %mul3A_1919, %add3A_1920 : vector<16xi32>
    %swap3A_1922 = arith.constant 416 : index
    %swap3A_1923 = tpu.vector_load %arg6[%swap3A_1922] {strides = array<i32>} : memref<20480xi32, #tpu.memory_space<vmem>>, vector<16xi32>,
    %swap3A_1924 = vector.shape_cast %swap3A_1923 : vector<16xi32> to vector<16xi32>
    %swap3A_1925 = vector.shape_cast %add3A_1921 : vector<16xi32> to vector<16xi32>
    tpu.vector_store %arg6[%swap3A_1922], %swap3A_1925 {strides = array<i32>} : memref<20480xi32, #tpu.memory_space<vmem>>, vector<16xi32>,
    %get3A_1926 = arith.constant 432 : index
    %get3A_1927 = tpu.vector_load %arg6[%get3A_1926] {strides = array<i32>} : memref<20480xi32, #tpu.memory_space<vmem>>, vector<16xi32>,
    %get3A_1928 = vector.shape_cast %get3A_1927 : vector<16xi32> to vector<16xi32>
    %mul3A_1929 = arith.constant 2 : i32
    %mul3A_1930 = vector.broadcast %mul3A_1929 : i32 to vector<16xi32>
    %mul3A_1931 = arith.muli %get3A_1928, %mul3A_1930 : vector<16xi32>
    %add3A_1932 = vector.broadcast %arg0 : i32 to vector<16xi32>
    %add3A_1933 = arith.addi %mul3A_1931, %add3A_1932 : vector<16xi32>
    %swap3A_1934 = arith.constant 432 : index
    %swap3A_1935 = tpu.vector_load %arg6[%swap3A_1934] {strides = array<i32>} : memref<20480xi32, #tpu.memory_space<vmem>>, vector<16xi32>,
    %swap3A_1936 = vector.shape_cast %swap3A_1935 : vector<16xi32> to vector<16xi32>
    %swap3A_1937 = vector.shape_cast %add3A_1933 : vector<16xi32> to vector<16xi32>
    tpu.vector_store %arg6[%swap3A_1934], %swap3A_1937 {strides = array<i32>} : memref<20480xi32, #tpu.memory_space<vmem>>, vector<16xi32>,
    %dma_start3A_1938 = arith.constant 384 : i32
    %dma_start3A_1939 = tpu.memref_slice %arg6[%dma_start3A_1938] : memref<20480xi32, #tpu.memory_space<vmem>> -> memref<64xi32, #tpu.memory_space<vmem>>
    %dma_start3A_1940 = arith.constant 0 : i32
    %dma_start3A_1941 = arith.constant 0 : i32
    %dma_start3A_1942 = tpu.memref_slice %arg2[%dma_start3A_1940, %dma_start3A_1941] : memref<20000x64xf32, #tpu.memory_space<hbm>> -> memref<20000x64xf32, #tpu.memory_space<hbm>>
    tpu.enqueue_indirect_dma source(%dma_start3A_1942 : memref<20000x64xf32, #tpu.memory_space<hbm>>) target(%arg14 : memref<64x64xf32, #tpu.memory_space<vmem>>) offsets(%dma_start3A_1939 : memref<64xi32, #tpu.memory_space<vmem>>) semaphore(%arg24 : memref<!tpu.dma_semaphore, #tpu.memory_space<semaphore_mem>>)
    %get3A_1943 = arith.constant 448 : index
    %get3A_1944 = tpu.vector_load %arg6[%get3A_1943] {strides = array<i32>} : memref<20480xi32, #tpu.memory_space<vmem>>, vector<16xi32>,
    %get3A_1945 = vector.shape_cast %get3A_1944 : vector<16xi32> to vector<16xi32>
    %mul3A_1946 = arith.constant 2 : i32
    %mul3A_1947 = vector.broadcast %mul3A_1946 : i32 to vector<16xi32>
    %mul3A_1948 = arith.muli %get3A_1945, %mul3A_1947 : vector<16xi32>
    %add3A_1949 = vector.broadcast %arg0 : i32 to vector<16xi32>
    %add3A_1950 = arith.addi %mul3A_1948, %add3A_1949 : vector<16xi32>
    %swap3A_1951 = arith.constant 448 : index
    %swap3A_1952 = tpu.vector_load %arg6[%swap3A_1951] {strides = array<i32>} : memref<20480xi32, #tpu.memory_space<vmem>>, vector<16xi32>,
    %swap3A_1953 = vector.shape_cast %swap3A_1952 : vector<16xi32> to vector<16xi32>
    %swap3A_1954 = vector.shape_cast %add3A_1950 : vector<16xi32> to vector<16xi32>
    tpu.vector_store %arg6[%swap3A_1951], %swap3A_1954 {strides = array<i32>} : memref<20480xi32, #tpu.memory_space<vmem>>, vector<16xi32>,
    %get3A_1955 = arith.constant 464 : index
    %get3A_1956 = tpu.vector_load %arg6[%get3A_1955] {strides = array<i32>} : memref<20480xi32, #tpu.memory_space<vmem>>, vector<16xi32>,
    %get3A_1957 = vector.shape_cast %get3A_1956 : vector<16xi32> to vector<16xi32>
    %mul3A_1958 = arith.constant 2 : i32
    %mul3A_1959 = vector.broadcast %mul3A_1958 : i32 to vector<16xi32>
    %mul3A_1960 = arith.muli %get3A_1957, %mul3A_1959 : vector<16xi32>
    %add3A_1961 = vector.broadcast %arg0 : i32 to vector<16xi32>
    %add3A_1962 = arith.addi %mul3A_1960, %add3A_1961 : vector<16xi32>
    %swap3A_1963 = arith.constant 464 : index
    %swap3A_1964 = tpu.vector_load %arg6[%swap3A_1963] {strides = array<i32>} : memref<20480xi32, #tpu.memory_space<vmem>>, vector<16xi32>,
    %swap3A_1965 = vector.shape_cast %swap3A_1964 : vector<16xi32> to vector<16xi32>
    %swap3A_1966 = vector.shape_cast %add3A_1962 : vector<16xi32> to vector<16xi32>
    tpu.vector_store %arg6[%swap3A_1963], %swap3A_1966 {strides = array<i32>} : memref<20480xi32, #tpu.memory_space<vmem>>, vector<16xi32>,
    %get3A_1967 = arith.constant 480 : index
    %get3A_1968 = tpu.vector_load %arg6[%get3A_1967] {strides = array<i32>} : memref<20480xi32, #tpu.memory_space<vmem>>, vector<16xi32>,
    %get3A_1969 = vector.shape_cast %get3A_1968 : vector<16xi32> to vector<16xi32>
    %mul3A_1970 = arith.constant 2 : i32
    %mul3A_1971 = vector.broadcast %mul3A_1970 : i32 to vector<16xi32>
    %mul3A_1972 = arith.muli %get3A_1969, %mul3A_1971 : vector<16xi32>
    %add3A_1973 = vector.broadcast %arg0 : i32 to vector<16xi32>
    %add3A_1974 = arith.addi %mul3A_1972, %add3A_1973 : vector<16xi32>
    %swap3A_1975 = arith.constant 480 : index
    %swap3A_1976 = tpu.vector_load %arg6[%swap3A_1975] {strides = array<i32>} : memref<20480xi32, #tpu.memory_space<vmem>>, vector<16xi32>,
    %swap3A_1977 = vector.shape_cast %swap3A_1976 : vector<16xi32> to vector<16xi32>
    %swap3A_1978 = vector.shape_cast %add3A_1974 : vector<16xi32> to vector<16xi32>
    tpu.vector_store %arg6[%swap3A_1975], %swap3A_1978 {strides = array<i32>} : memref<20480xi32, #tpu.memory_space<vmem>>, vector<16xi32>,
    %get3A_1979 = arith.constant 496 : index
    %get3A_1980 = tpu.vector_load %arg6[%get3A_1979] {strides = array<i32>} : memref<20480xi32, #tpu.memory_space<vmem>>, vector<16xi32>,
    %get3A_1981 = vector.shape_cast %get3A_1980 : vector<16xi32> to vector<16xi32>
    %mul3A_1982 = arith.constant 2 : i32
    %mul3A_1983 = vector.broadcast %mul3A_1982 : i32 to vector<16xi32>
    %mul3A_1984 = arith.muli %get3A_1981, %mul3A_1983 : vector<16xi32>
    %add3A_1985 = vector.broadcast %arg0 : i32 to vector<16xi32>
    %add3A_1986 = arith.addi %mul3A_1984, %add3A_1985 : vector<16xi32>
    %swap3A_1987 = arith.constant 496 : index
    %swap3A_1988 = tpu.vector_load %arg6[%swap3A_1987] {strides = array<i32>} : memref<20480xi32, #tpu.memory_space<vmem>>, vector<16xi32>,
    %swap3A_1989 = vector.shape_cast %swap3A_1988 : vector<16xi32> to vector<16xi32>
    %swap3A_1990 = vector.shape_cast %add3A_1986 : vector<16xi32> to vector<16xi32>
    tpu.vector_store %arg6[%swap3A_1987], %swap3A_1990 {strides = array<i32>} : memref<20480xi32, #tpu.memory_space<vmem>>, vector<16xi32>,
    %dma_start3A_1991 = arith.constant 448 : i32
    %dma_start3A_1992 = tpu.memref_slice %arg6[%dma_start3A_1991] : memref<20480xi32, #tpu.memory_space<vmem>> -> memref<64xi32, #tpu.memory_space<vmem>>
    %dma_start3A_1993 = arith.constant 0 : i32
    %dma_start3A_1994 = arith.constant 0 : i32
    %dma_start3A_1995 = tpu.memref_slice %arg2[%dma_start3A_1993, %dma_start3A_1994] : memref<20000x64xf32, #tpu.memory_space<hbm>> -> memref<20000x64xf32, #tpu.memory_space<hbm>>
    tpu.enqueue_indirect_dma source(%dma_start3A_1995 : memref<20000x64xf32, #tpu.memory_space<hbm>>) target(%arg15 : memref<64x64xf32, #tpu.memory_space<vmem>>) offsets(%dma_start3A_1992 : memref<64xi32, #tpu.memory_space<vmem>>) semaphore(%arg25 : memref<!tpu.dma_semaphore, #tpu.memory_space<semaphore_mem>>)
    %scan3A = arith.constant 0 : i32
    %scan3A_1996 = arith.constant 0 : i32
    %scan3A_1997 = arith.constant 40 : i32
    %scan3A_1998 = arith.addi %scan3A_1996, %scan3A_1997 : i32
    %scan3A_1999 = arith.constant 1 : i32
    scf.for %scan3A_2061 = %scan3A_1996 to %scan3A_1998 step %scan3A_1999  : i32 {
      %mul3A_2062 = arith.constant 8 : i32
      %mul3A_2063 = arith.muli %mul3A_2062, %scan3A_2061 : i32
      %add3A_2064 = arith.constant 0 : i32
      %add3A_2065 = arith.addi %mul3A_2063, %add3A_2064 : i32
      %mul3A_2066 = arith.constant 64 : i32
      %mul3A_2067 = arith.muli %add3A_2065, %mul3A_2066 : i32
      %dma_wait3A_2068 = tpu.memref_slice %arg6[%mul3A_2067] : memref<20480xi32, #tpu.memory_space<vmem>> -> memref<64xi32, #tpu.memory_space<vmem>>
      %dma_wait3A_2069 = arith.constant 0 : i32
      %dma_wait3A_2070 = arith.constant 0 : i32
      %dma_wait3A_2071 = tpu.memref_slice %arg2[%dma_wait3A_2069, %dma_wait3A_2070] : memref<20000x64xf32, #tpu.memory_space<hbm>> -> memref<20000x64xf32, #tpu.memory_space<hbm>>
      tpu.wait_indirect_dma semaphore(%arg18 : memref<!tpu.dma_semaphore, #tpu.memory_space<semaphore_mem>>) src(%dma_wait3A_2071 : memref<20000x64xf32, #tpu.memory_space<hbm>>) dst(%arg8 : memref<64x64xf32, #tpu.memory_space<vmem>>)
      %add3A_2072 = arith.constant 0 : i32
      %add3A_2073 = arith.addi %mul3A_2063, %add3A_2072 : i32
      %dma_start3A_2074 = arith.constant 0 : i32
      %dma_start3A_2075 = tpu.memref_slice %arg7[%add3A_2073, %dma_start3A_2074] : memref<320x64xi32, #tpu.memory_space<vmem>> -> memref<1x64xi32, #tpu.memory_space<vmem>>
      %dma_start3A_2076 = tpu.memref_squeeze %dma_start3A_2075 : memref<1x64xi32, #tpu.memory_space<vmem>> -> memref<64xi32, #tpu.memory_space<vmem>>
      %dma_start3A_2077 = arith.constant 0 : i32
      %dma_start3A_2078 = arith.constant 0 : i32
      %dma_start3A_2079 = tpu.memref_slice %arg17[%dma_start3A_2077, %dma_start3A_2078] : memref<10240x64xf32, #tpu.memory_space<vmem_shared>> -> memref<10240x64xf32, #tpu.memory_space<vmem_shared>>
      tpu.enqueue_indirect_dma source(%arg8 : memref<64x64xf32, #tpu.memory_space<vmem>>) target(%dma_start3A_2079 : memref<10240x64xf32, #tpu.memory_space<vmem_shared>>) offsets(%dma_start3A_2076 : memref<64xi32, #tpu.memory_space<vmem>>) semaphore(%arg26 : memref<!tpu.dma_semaphore, #tpu.memory_space<semaphore_mem>>) {add = true}
      %add3A_2080 = arith.constant 1 : i32
      %add3A_2081 = arith.addi %mul3A_2063, %add3A_2080 : i32
      %mul3A_2082 = arith.constant 64 : i32
      %mul3A_2083 = arith.muli %add3A_2081, %mul3A_2082 : i32
      %dma_wait3A_2084 = tpu.memref_slice %arg6[%mul3A_2083] : memref<20480xi32, #tpu.memory_space<vmem>> -> memref<64xi32, #tpu.memory_space<vmem>>
      %dma_wait3A_2085 = arith.constant 0 : i32
      %dma_wait3A_2086 = arith.constant 0 : i32
      %dma_wait3A_2087 = tpu.memref_slice %arg2[%dma_wait3A_2085, %dma_wait3A_2086] : memref<20000x64xf32, #tpu.memory_space<hbm>> -> memref<20000x64xf32, #tpu.memory_space<hbm>>
      tpu.wait_indirect_dma semaphore(%arg19 : memref<!tpu.dma_semaphore, #tpu.memory_space<semaphore_mem>>) src(%dma_wait3A_2087 : memref<20000x64xf32, #tpu.memory_space<hbm>>) dst(%arg9 : memref<64x64xf32, #tpu.memory_space<vmem>>)
      %add3A_2088 = arith.constant 1 : i32
      %add3A_2089 = arith.addi %mul3A_2063, %add3A_2088 : i32
      %dma_start3A_2090 = arith.constant 0 : i32
      %dma_start3A_2091 = tpu.memref_slice %arg7[%add3A_2089, %dma_start3A_2090] : memref<320x64xi32, #tpu.memory_space<vmem>> -> memref<1x64xi32, #tpu.memory_space<vmem>>
      %dma_start3A_2092 = tpu.memref_squeeze %dma_start3A_2091 : memref<1x64xi32, #tpu.memory_space<vmem>> -> memref<64xi32, #tpu.memory_space<vmem>>
      %dma_start3A_2093 = arith.constant 0 : i32
      %dma_start3A_2094 = arith.constant 0 : i32
      %dma_start3A_2095 = tpu.memref_slice %arg17[%dma_start3A_2093, %dma_start3A_2094] : memref<10240x64xf32, #tpu.memory_space<vmem_shared>> -> memref<10240x64xf32, #tpu.memory_space<vmem_shared>>
      tpu.enqueue_indirect_dma source(%arg9 : memref<64x64xf32, #tpu.memory_space<vmem>>) target(%dma_start3A_2095 : memref<10240x64xf32, #tpu.memory_space<vmem_shared>>) offsets(%dma_start3A_2092 : memref<64xi32, #tpu.memory_space<vmem>>) semaphore(%arg27 : memref<!tpu.dma_semaphore, #tpu.memory_space<semaphore_mem>>) {add = true}
      %add3A_2096 = arith.constant 2 : i32
      %add3A_2097 = arith.addi %mul3A_2063, %add3A_2096 : i32
      %mul3A_2098 = arith.constant 64 : i32
      %mul3A_2099 = arith.muli %add3A_2097, %mul3A_2098 : i32
      %dma_wait3A_2100 = tpu.memref_slice %arg6[%mul3A_2099] : memref<20480xi32, #tpu.memory_space<vmem>> -> memref<64xi32, #tpu.memory_space<vmem>>
      %dma_wait3A_2101 = arith.constant 0 : i32
      %dma_wait3A_2102 = arith.constant 0 : i32
      %dma_wait3A_2103 = tpu.memref_slice %arg2[%dma_wait3A_2101, %dma_wait3A_2102] : memref<20000x64xf32, #tpu.memory_space<hbm>> -> memref<20000x64xf32, #tpu.memory_space<hbm>>
      tpu.wait_indirect_dma semaphore(%arg20 : memref<!tpu.dma_semaphore, #tpu.memory_space<semaphore_mem>>) src(%dma_wait3A_2103 : memref<20000x64xf32, #tpu.memory_space<hbm>>) dst(%arg10 : memref<64x64xf32, #tpu.memory_space<vmem>>)
      %add3A_2104 = arith.constant 2 : i32
      %add3A_2105 = arith.addi %mul3A_2063, %add3A_2104 : i32
      %dma_start3A_2106 = arith.constant 0 : i32
      %dma_start3A_2107 = tpu.memref_slice %arg7[%add3A_2105, %dma_start3A_2106] : memref<320x64xi32, #tpu.memory_space<vmem>> -> memref<1x64xi32, #tpu.memory_space<vmem>>
      %dma_start3A_2108 = tpu.memref_squeeze %dma_start3A_2107 : memref<1x64xi32, #tpu.memory_space<vmem>> -> memref<64xi32, #tpu.memory_space<vmem>>
      %dma_start3A_2109 = arith.constant 0 : i32
      %dma_start3A_2110 = arith.constant 0 : i32
      %dma_start3A_2111 = tpu.memref_slice %arg17[%dma_start3A_2109, %dma_start3A_2110] : memref<10240x64xf32, #tpu.memory_space<vmem_shared>> -> memref<10240x64xf32, #tpu.memory_space<vmem_shared>>
      tpu.enqueue_indirect_dma source(%arg10 : memref<64x64xf32, #tpu.memory_space<vmem>>) target(%dma_start3A_2111 : memref<10240x64xf32, #tpu.memory_space<vmem_shared>>) offsets(%dma_start3A_2108 : memref<64xi32, #tpu.memory_space<vmem>>) semaphore(%arg28 : memref<!tpu.dma_semaphore, #tpu.memory_space<semaphore_mem>>) {add = true}
      %add3A_2112 = arith.constant 3 : i32
      %add3A_2113 = arith.addi %mul3A_2063, %add3A_2112 : i32
      %mul3A_2114 = arith.constant 64 : i32
      %mul3A_2115 = arith.muli %add3A_2113, %mul3A_2114 : i32
      %dma_wait3A_2116 = tpu.memref_slice %arg6[%mul3A_2115] : memref<20480xi32, #tpu.memory_space<vmem>> -> memref<64xi32, #tpu.memory_space<vmem>>
      %dma_wait3A_2117 = arith.constant 0 : i32
      %dma_wait3A_2118 = arith.constant 0 : i32
      %dma_wait3A_2119 = tpu.memref_slice %arg2[%dma_wait3A_2117, %dma_wait3A_2118] : memref<20000x64xf32, #tpu.memory_space<hbm>> -> memref<20000x64xf32, #tpu.memory_space<hbm>>
      tpu.wait_indirect_dma semaphore(%arg21 : memref<!tpu.dma_semaphore, #tpu.memory_space<semaphore_mem>>) src(%dma_wait3A_2119 : memref<20000x64xf32, #tpu.memory_space<hbm>>) dst(%arg11 : memref<64x64xf32, #tpu.memory_space<vmem>>)
      %add3A_2120 = arith.constant 3 : i32
      %add3A_2121 = arith.addi %mul3A_2063, %add3A_2120 : i32
      %dma_start3A_2122 = arith.constant 0 : i32
      %dma_start3A_2123 = tpu.memref_slice %arg7[%add3A_2121, %dma_start3A_2122] : memref<320x64xi32, #tpu.memory_space<vmem>> -> memref<1x64xi32, #tpu.memory_space<vmem>>
      %dma_start3A_2124 = tpu.memref_squeeze %dma_start3A_2123 : memref<1x64xi32, #tpu.memory_space<vmem>> -> memref<64xi32, #tpu.memory_space<vmem>>
      %dma_start3A_2125 = arith.constant 0 : i32
      %dma_start3A_2126 = arith.constant 0 : i32
      %dma_start3A_2127 = tpu.memref_slice %arg17[%dma_start3A_2125, %dma_start3A_2126] : memref<10240x64xf32, #tpu.memory_space<vmem_shared>> -> memref<10240x64xf32, #tpu.memory_space<vmem_shared>>
      tpu.enqueue_indirect_dma source(%arg11 : memref<64x64xf32, #tpu.memory_space<vmem>>) target(%dma_start3A_2127 : memref<10240x64xf32, #tpu.memory_space<vmem_shared>>) offsets(%dma_start3A_2124 : memref<64xi32, #tpu.memory_space<vmem>>) semaphore(%arg29 : memref<!tpu.dma_semaphore, #tpu.memory_space<semaphore_mem>>) {add = true}
      %add3A_2128 = arith.constant 4 : i32
      %add3A_2129 = arith.addi %mul3A_2063, %add3A_2128 : i32
      %mul3A_2130 = arith.constant 64 : i32
      %mul3A_2131 = arith.muli %add3A_2129, %mul3A_2130 : i32
      %dma_wait3A_2132 = tpu.memref_slice %arg6[%mul3A_2131] : memref<20480xi32, #tpu.memory_space<vmem>> -> memref<64xi32, #tpu.memory_space<vmem>>
      %dma_wait3A_2133 = arith.constant 0 : i32
      %dma_wait3A_2134 = arith.constant 0 : i32
      %dma_wait3A_2135 = tpu.memref_slice %arg2[%dma_wait3A_2133, %dma_wait3A_2134] : memref<20000x64xf32, #tpu.memory_space<hbm>> -> memref<20000x64xf32, #tpu.memory_space<hbm>>
      tpu.wait_indirect_dma semaphore(%arg22 : memref<!tpu.dma_semaphore, #tpu.memory_space<semaphore_mem>>) src(%dma_wait3A_2135 : memref<20000x64xf32, #tpu.memory_space<hbm>>) dst(%arg12 : memref<64x64xf32, #tpu.memory_space<vmem>>)
      %add3A_2136 = arith.constant 4 : i32
      %add3A_2137 = arith.addi %mul3A_2063, %add3A_2136 : i32
      %dma_start3A_2138 = arith.constant 0 : i32
      %dma_start3A_2139 = tpu.memref_slice %arg7[%add3A_2137, %dma_start3A_2138] : memref<320x64xi32, #tpu.memory_space<vmem>> -> memref<1x64xi32, #tpu.memory_space<vmem>>
      %dma_start3A_2140 = tpu.memref_squeeze %dma_start3A_2139 : memref<1x64xi32, #tpu.memory_space<vmem>> -> memref<64xi32, #tpu.memory_space<vmem>>
      %dma_start3A_2141 = arith.constant 0 : i32
      %dma_start3A_2142 = arith.constant 0 : i32
      %dma_start3A_2143 = tpu.memref_slice %arg17[%dma_start3A_2141, %dma_start3A_2142] : memref<10240x64xf32, #tpu.memory_space<vmem_shared>> -> memref<10240x64xf32, #tpu.memory_space<vmem_shared>>
      tpu.enqueue_indirect_dma source(%arg12 : memref<64x64xf32, #tpu.memory_space<vmem>>) target(%dma_start3A_2143 : memref<10240x64xf32, #tpu.memory_space<vmem_shared>>) offsets(%dma_start3A_2140 : memref<64xi32, #tpu.memory_space<vmem>>) semaphore(%arg30 : memref<!tpu.dma_semaphore, #tpu.memory_space<semaphore_mem>>) {add = true}
      %add3A_2144 = arith.constant 5 : i32
      %add3A_2145 = arith.addi %mul3A_2063, %add3A_2144 : i32
      %mul3A_2146 = arith.constant 64 : i32
      %mul3A_2147 = arith.muli %add3A_2145, %mul3A_2146 : i32
      %dma_wait3A_2148 = tpu.memref_slice %arg6[%mul3A_2147] : memref<20480xi32, #tpu.memory_space<vmem>> -> memref<64xi32, #tpu.memory_space<vmem>>
      %dma_wait3A_2149 = arith.constant 0 : i32
      %dma_wait3A_2150 = arith.constant 0 : i32
      %dma_wait3A_2151 = tpu.memref_slice %arg2[%dma_wait3A_2149, %dma_wait3A_2150] : memref<20000x64xf32, #tpu.memory_space<hbm>> -> memref<20000x64xf32, #tpu.memory_space<hbm>>
      tpu.wait_indirect_dma semaphore(%arg23 : memref<!tpu.dma_semaphore, #tpu.memory_space<semaphore_mem>>) src(%dma_wait3A_2151 : memref<20000x64xf32, #tpu.memory_space<hbm>>) dst(%arg13 : memref<64x64xf32, #tpu.memory_space<vmem>>)
      %add3A_2152 = arith.constant 5 : i32
      %add3A_2153 = arith.addi %mul3A_2063, %add3A_2152 : i32
      %dma_start3A_2154 = arith.constant 0 : i32
      %dma_start3A_2155 = tpu.memref_slice %arg7[%add3A_2153, %dma_start3A_2154] : memref<320x64xi32, #tpu.memory_space<vmem>> -> memref<1x64xi32, #tpu.memory_space<vmem>>
      %dma_start3A_2156 = tpu.memref_squeeze %dma_start3A_2155 : memref<1x64xi32, #tpu.memory_space<vmem>> -> memref<64xi32, #tpu.memory_space<vmem>>
      %dma_start3A_2157 = arith.constant 0 : i32
      %dma_start3A_2158 = arith.constant 0 : i32
      %dma_start3A_2159 = tpu.memref_slice %arg17[%dma_start3A_2157, %dma_start3A_2158] : memref<10240x64xf32, #tpu.memory_space<vmem_shared>> -> memref<10240x64xf32, #tpu.memory_space<vmem_shared>>
      tpu.enqueue_indirect_dma source(%arg13 : memref<64x64xf32, #tpu.memory_space<vmem>>) target(%dma_start3A_2159 : memref<10240x64xf32, #tpu.memory_space<vmem_shared>>) offsets(%dma_start3A_2156 : memref<64xi32, #tpu.memory_space<vmem>>) semaphore(%arg31 : memref<!tpu.dma_semaphore, #tpu.memory_space<semaphore_mem>>) {add = true}
      %add3A_2160 = arith.constant 6 : i32
      %add3A_2161 = arith.addi %mul3A_2063, %add3A_2160 : i32
      %mul3A_2162 = arith.constant 64 : i32
      %mul3A_2163 = arith.muli %add3A_2161, %mul3A_2162 : i32
      %dma_wait3A_2164 = tpu.memref_slice %arg6[%mul3A_2163] : memref<20480xi32, #tpu.memory_space<vmem>> -> memref<64xi32, #tpu.memory_space<vmem>>
      %dma_wait3A_2165 = arith.constant 0 : i32
      %dma_wait3A_2166 = arith.constant 0 : i32
      %dma_wait3A_2167 = tpu.memref_slice %arg2[%dma_wait3A_2165, %dma_wait3A_2166] : memref<20000x64xf32, #tpu.memory_space<hbm>> -> memref<20000x64xf32, #tpu.memory_space<hbm>>
      tpu.wait_indirect_dma semaphore(%arg24 : memref<!tpu.dma_semaphore, #tpu.memory_space<semaphore_mem>>) src(%dma_wait3A_2167 : memref<20000x64xf32, #tpu.memory_space<hbm>>) dst(%arg14 : memref<64x64xf32, #tpu.memory_space<vmem>>)
      %add3A_2168 = arith.constant 6 : i32
      %add3A_2169 = arith.addi %mul3A_2063, %add3A_2168 : i32
      %dma_start3A_2170 = arith.constant 0 : i32
      %dma_start3A_2171 = tpu.memref_slice %arg7[%add3A_2169, %dma_start3A_2170] : memref<320x64xi32, #tpu.memory_space<vmem>> -> memref<1x64xi32, #tpu.memory_space<vmem>>
      %dma_start3A_2172 = tpu.memref_squeeze %dma_start3A_2171 : memref<1x64xi32, #tpu.memory_space<vmem>> -> memref<64xi32, #tpu.memory_space<vmem>>
      %dma_start3A_2173 = arith.constant 0 : i32
      %dma_start3A_2174 = arith.constant 0 : i32
      %dma_start3A_2175 = tpu.memref_slice %arg17[%dma_start3A_2173, %dma_start3A_2174] : memref<10240x64xf32, #tpu.memory_space<vmem_shared>> -> memref<10240x64xf32, #tpu.memory_space<vmem_shared>>
      tpu.enqueue_indirect_dma source(%arg14 : memref<64x64xf32, #tpu.memory_space<vmem>>) target(%dma_start3A_2175 : memref<10240x64xf32, #tpu.memory_space<vmem_shared>>) offsets(%dma_start3A_2172 : memref<64xi32, #tpu.memory_space<vmem>>) semaphore(%arg32 : memref<!tpu.dma_semaphore, #tpu.memory_space<semaphore_mem>>) {add = true}
      %add3A_2176 = arith.constant 7 : i32
      %add3A_2177 = arith.addi %mul3A_2063, %add3A_2176 : i32
      %mul3A_2178 = arith.constant 64 : i32
      %mul3A_2179 = arith.muli %add3A_2177, %mul3A_2178 : i32
      %dma_wait3A_2180 = tpu.memref_slice %arg6[%mul3A_2179] : memref<20480xi32, #tpu.memory_space<vmem>> -> memref<64xi32, #tpu.memory_space<vmem>>
      %dma_wait3A_2181 = arith.constant 0 : i32
      %dma_wait3A_2182 = arith.constant 0 : i32
      %dma_wait3A_2183 = tpu.memref_slice %arg2[%dma_wait3A_2181, %dma_wait3A_2182] : memref<20000x64xf32, #tpu.memory_space<hbm>> -> memref<20000x64xf32, #tpu.memory_space<hbm>>
      tpu.wait_indirect_dma semaphore(%arg25 : memref<!tpu.dma_semaphore, #tpu.memory_space<semaphore_mem>>) src(%dma_wait3A_2183 : memref<20000x64xf32, #tpu.memory_space<hbm>>) dst(%arg15 : memref<64x64xf32, #tpu.memory_space<vmem>>)
      %add3A_2184 = arith.constant 7 : i32
      %add3A_2185 = arith.addi %mul3A_2063, %add3A_2184 : i32
      %dma_start3A_2186 = arith.constant 0 : i32
      %dma_start3A_2187 = tpu.memref_slice %arg7[%add3A_2185, %dma_start3A_2186] : memref<320x64xi32, #tpu.memory_space<vmem>> -> memref<1x64xi32, #tpu.memory_space<vmem>>
      %dma_start3A_2188 = tpu.memref_squeeze %dma_start3A_2187 : memref<1x64xi32, #tpu.memory_space<vmem>> -> memref<64xi32, #tpu.memory_space<vmem>>
      %dma_start3A_2189 = arith.constant 0 : i32
      %dma_start3A_2190 = arith.constant 0 : i32
      %dma_start3A_2191 = tpu.memref_slice %arg17[%dma_start3A_2189, %dma_start3A_2190] : memref<10240x64xf32, #tpu.memory_space<vmem_shared>> -> memref<10240x64xf32, #tpu.memory_space<vmem_shared>>
      tpu.enqueue_indirect_dma source(%arg15 : memref<64x64xf32, #tpu.memory_space<vmem>>) target(%dma_start3A_2191 : memref<10240x64xf32, #tpu.memory_space<vmem_shared>>) offsets(%dma_start3A_2188 : memref<64xi32, #tpu.memory_space<vmem>>) semaphore(%arg33 : memref<!tpu.dma_semaphore, #tpu.memory_space<semaphore_mem>>) {add = true}
      %add3A_2192 = arith.constant 0 : i32
      %add3A_2193 = arith.addi %mul3A_2063, %add3A_2192 : i32
      %add3A_2194 = arith.constant 8 : i32
      %add3A_2195 = arith.addi %add3A_2193, %add3A_2194 : i32
      %lt3A = arith.constant 320 : i32
      %lt3A_2196 = arith.cmpi slt, %add3A_2195, %lt3A : i32
      %convert_element_type3A = arith.extui %lt3A_2196 : i1 to i32
      %cond3A = arith.constant 0 : i32
      %cond3A_2197 = arith.cmpi ne, %convert_element_type3A, %cond3A : i32
      scf.if %cond3A_2197 {
        %add3A_2261 = arith.constant 0 : i32
        %add3A_2262 = arith.addi %mul3A_2063, %add3A_2261 : i32
        %dma_wait3A_2263 = arith.constant 0 : i32
        %dma_wait3A_2264 = tpu.memref_slice %arg7[%add3A_2262, %dma_wait3A_2263] : memref<320x64xi32, #tpu.memory_space<vmem>> -> memref<1x64xi32, #tpu.memory_space<vmem>>
        %dma_wait3A_2265 = tpu.memref_squeeze %dma_wait3A_2264 : memref<1x64xi32, #tpu.memory_space<vmem>> -> memref<64xi32, #tpu.memory_space<vmem>>
        %dma_wait3A_2266 = arith.constant 0 : i32
        %dma_wait3A_2267 = arith.constant 0 : i32
        %dma_wait3A_2268 = tpu.memref_slice %arg17[%dma_wait3A_2266, %dma_wait3A_2267] : memref<10240x64xf32, #tpu.memory_space<vmem_shared>> -> memref<10240x64xf32, #tpu.memory_space<vmem_shared>>
        tpu.wait_indirect_dma semaphore(%arg26 : memref<!tpu.dma_semaphore, #tpu.memory_space<semaphore_mem>>) src(%arg8 : memref<64x64xf32, #tpu.memory_space<vmem>>) dst(%dma_wait3A_2268 : memref<10240x64xf32, #tpu.memory_space<vmem_shared>>)
        %add3A_2269 = arith.constant 0 : i32
        %add3A_2270 = arith.addi %mul3A_2063, %add3A_2269 : i32
        %add3A_2271 = arith.constant 8 : i32
        %add3A_2272 = arith.addi %add3A_2270, %add3A_2271 : i32
        %mul3A_2273 = arith.constant 64 : i32
        %mul3A_2274 = arith.muli %add3A_2272, %mul3A_2273 : i32
        %add3A_2275 = arith.constant 0 : i32
        %add3A_2276 = arith.addi %mul3A_2274, %add3A_2275 : i32
        %get3A_2277 = arith.index_cast %add3A_2276 : i32 to index
        %get3A_2278 = tpu.vector_load %arg6[%get3A_2277] {strides = array<i32>} : memref<20480xi32, #tpu.memory_space<vmem>>, vector<16xi32>,
        %get3A_2279 = vector.shape_cast %get3A_2278 : vector<16xi32> to vector<16xi32>
        %mul3A_2280 = arith.constant 2 : i32
        %mul3A_2281 = vector.broadcast %mul3A_2280 : i32 to vector<16xi32>
        %mul3A_2282 = arith.muli %get3A_2279, %mul3A_2281 : vector<16xi32>
        %add3A_2283 = vector.broadcast %arg0 : i32 to vector<16xi32>
        %add3A_2284 = arith.addi %mul3A_2282, %add3A_2283 : vector<16xi32>
        %swap3A_2285 = arith.index_cast %add3A_2276 : i32 to index
        %swap3A_2286 = tpu.vector_load %arg6[%swap3A_2285] {strides = array<i32>} : memref<20480xi32, #tpu.memory_space<vmem>>, vector<16xi32>,
        %swap3A_2287 = vector.shape_cast %swap3A_2286 : vector<16xi32> to vector<16xi32>
        %swap3A_2288 = vector.shape_cast %add3A_2284 : vector<16xi32> to vector<16xi32>
        tpu.vector_store %arg6[%swap3A_2285], %swap3A_2288 {strides = array<i32>} : memref<20480xi32, #tpu.memory_space<vmem>>, vector<16xi32>,
        %add3A_2289 = arith.constant 16 : i32
        %add3A_2290 = arith.addi %mul3A_2274, %add3A_2289 : i32
        %get3A_2291 = arith.index_cast %add3A_2290 : i32 to index
        %get3A_2292 = tpu.vector_load %arg6[%get3A_2291] {strides = array<i32>} : memref<20480xi32, #tpu.memory_space<vmem>>, vector<16xi32>,
        %get3A_2293 = vector.shape_cast %get3A_2292 : vector<16xi32> to vector<16xi32>
        %mul3A_2294 = arith.constant 2 : i32
        %mul3A_2295 = vector.broadcast %mul3A_2294 : i32 to vector<16xi32>
        %mul3A_2296 = arith.muli %get3A_2293, %mul3A_2295 : vector<16xi32>
        %add3A_2297 = vector.broadcast %arg0 : i32 to vector<16xi32>
        %add3A_2298 = arith.addi %mul3A_2296, %add3A_2297 : vector<16xi32>
        %swap3A_2299 = arith.index_cast %add3A_2290 : i32 to index
        %swap3A_2300 = tpu.vector_load %arg6[%swap3A_2299] {strides = array<i32>} : memref<20480xi32, #tpu.memory_space<vmem>>, vector<16xi32>,
        %swap3A_2301 = vector.shape_cast %swap3A_2300 : vector<16xi32> to vector<16xi32>
        %swap3A_2302 = vector.shape_cast %add3A_2298 : vector<16xi32> to vector<16xi32>
        tpu.vector_store %arg6[%swap3A_2299], %swap3A_2302 {strides = array<i32>} : memref<20480xi32, #tpu.memory_space<vmem>>, vector<16xi32>,
        %add3A_2303 = arith.constant 32 : i32
        %add3A_2304 = arith.addi %mul3A_2274, %add3A_2303 : i32
        %get3A_2305 = arith.index_cast %add3A_2304 : i32 to index
        %get3A_2306 = tpu.vector_load %arg6[%get3A_2305] {strides = array<i32>} : memref<20480xi32, #tpu.memory_space<vmem>>, vector<16xi32>,
        %get3A_2307 = vector.shape_cast %get3A_2306 : vector<16xi32> to vector<16xi32>
        %mul3A_2308 = arith.constant 2 : i32
        %mul3A_2309 = vector.broadcast %mul3A_2308 : i32 to vector<16xi32>
        %mul3A_2310 = arith.muli %get3A_2307, %mul3A_2309 : vector<16xi32>
        %add3A_2311 = vector.broadcast %arg0 : i32 to vector<16xi32>
        %add3A_2312 = arith.addi %mul3A_2310, %add3A_2311 : vector<16xi32>
        %swap3A_2313 = arith.index_cast %add3A_2304 : i32 to index
        %swap3A_2314 = tpu.vector_load %arg6[%swap3A_2313] {strides = array<i32>} : memref<20480xi32, #tpu.memory_space<vmem>>, vector<16xi32>,
        %swap3A_2315 = vector.shape_cast %swap3A_2314 : vector<16xi32> to vector<16xi32>
        %swap3A_2316 = vector.shape_cast %add3A_2312 : vector<16xi32> to vector<16xi32>
        tpu.vector_store %arg6[%swap3A_2313], %swap3A_2316 {strides = array<i32>} : memref<20480xi32, #tpu.memory_space<vmem>>, vector<16xi32>,
        %add3A_2317 = arith.constant 48 : i32
        %add3A_2318 = arith.addi %mul3A_2274, %add3A_2317 : i32
        %get3A_2319 = arith.index_cast %add3A_2318 : i32 to index
        %get3A_2320 = tpu.vector_load %arg6[%get3A_2319] {strides = array<i32>} : memref<20480xi32, #tpu.memory_space<vmem>>, vector<16xi32>,
        %get3A_2321 = vector.shape_cast %get3A_2320 : vector<16xi32> to vector<16xi32>
        %mul3A_2322 = arith.constant 2 : i32
        %mul3A_2323 = vector.broadcast %mul3A_2322 : i32 to vector<16xi32>
        %mul3A_2324 = arith.muli %get3A_2321, %mul3A_2323 : vector<16xi32>
        %add3A_2325 = vector.broadcast %arg0 : i32 to vector<16xi32>
        %add3A_2326 = arith.addi %mul3A_2324, %add3A_2325 : vector<16xi32>
        %swap3A_2327 = arith.index_cast %add3A_2318 : i32 to index
        %swap3A_2328 = tpu.vector_load %arg6[%swap3A_2327] {strides = array<i32>} : memref<20480xi32, #tpu.memory_space<vmem>>, vector<16xi32>,
        %swap3A_2329 = vector.shape_cast %swap3A_2328 : vector<16xi32> to vector<16xi32>
        %swap3A_2330 = vector.shape_cast %add3A_2326 : vector<16xi32> to vector<16xi32>
        tpu.vector_store %arg6[%swap3A_2327], %swap3A_2330 {strides = array<i32>} : memref<20480xi32, #tpu.memory_space<vmem>>, vector<16xi32>,
        %add3A_2331 = arith.constant 0 : i32
        %add3A_2332 = arith.addi %mul3A_2063, %add3A_2331 : i32
        %add3A_2333 = arith.constant 8 : i32
        %add3A_2334 = arith.addi %add3A_2332, %add3A_2333 : i32
        %mul3A_2335 = arith.constant 64 : i32
        %mul3A_2336 = arith.muli %add3A_2334, %mul3A_2335 : i32
        %dma_start3A_2337 = tpu.memref_slice %arg6[%mul3A_2336] : memref<20480xi32, #tpu.memory_space<vmem>> -> memref<64xi32, #tpu.memory_space<vmem>>
        %dma_start3A_2338 = arith.constant 0 : i32
        %dma_start3A_2339 = arith.constant 0 : i32
        %dma_start3A_2340 = tpu.memref_slice %arg2[%dma_start3A_2338, %dma_start3A_2339] : memref<20000x64xf32, #tpu.memory_space<hbm>> -> memref<20000x64xf32, #tpu.memory_space<hbm>>
        tpu.enqueue_indirect_dma source(%dma_start3A_2340 : memref<20000x64xf32, #tpu.memory_space<hbm>>) target(%arg8 : memref<64x64xf32, #tpu.memory_space<vmem>>) offsets(%dma_start3A_2337 : memref<64xi32, #tpu.memory_space<vmem>>) semaphore(%arg18 : memref<!tpu.dma_semaphore, #tpu.memory_space<semaphore_mem>>)
      } else {
      }
      %add3A_2198 = arith.constant 1 : i32
      %add3A_2199 = arith.addi %mul3A_2063, %add3A_2198 : i32
      %add3A_2200 = arith.constant 8 : i32
      %add3A_2201 = arith.addi %add3A_2199, %add3A_2200 : i32
      %lt3A_2202 = arith.constant 320 : i32
      %lt3A_2203 = arith.cmpi slt, %add3A_2201, %lt3A_2202 : i32
      %convert_element_type3A_2204 = arith.extui %lt3A_2203 : i1 to i32
      %cond3A_2205 = arith.constant 0 : i32
      %cond3A_2206 = arith.cmpi ne, %convert_element_type3A_2204, %cond3A_2205 : i32
      scf.if %cond3A_2206 {
        %add3A_2261 = arith.constant 1 : i32
        %add3A_2262 = arith.addi %mul3A_2063, %add3A_2261 : i32
        %dma_wait3A_2263 = arith.constant 0 : i32
        %dma_wait3A_2264 = tpu.memref_slice %arg7[%add3A_2262, %dma_wait3A_2263] : memref<320x64xi32, #tpu.memory_space<vmem>> -> memref<1x64xi32, #tpu.memory_space<vmem>>
        %dma_wait3A_2265 = tpu.memref_squeeze %dma_wait3A_2264 : memref<1x64xi32, #tpu.memory_space<vmem>> -> memref<64xi32, #tpu.memory_space<vmem>>
        %dma_wait3A_2266 = arith.constant 0 : i32
        %dma_wait3A_2267 = arith.constant 0 : i32
        %dma_wait3A_2268 = tpu.memref_slice %arg17[%dma_wait3A_2266, %dma_wait3A_2267] : memref<10240x64xf32, #tpu.memory_space<vmem_shared>> -> memref<10240x64xf32, #tpu.memory_space<vmem_shared>>
        tpu.wait_indirect_dma semaphore(%arg27 : memref<!tpu.dma_semaphore, #tpu.memory_space<semaphore_mem>>) src(%arg9 : memref<64x64xf32, #tpu.memory_space<vmem>>) dst(%dma_wait3A_2268 : memref<10240x64xf32, #tpu.memory_space<vmem_shared>>)
        %add3A_2269 = arith.constant 1 : i32
        %add3A_2270 = arith.addi %mul3A_2063, %add3A_2269 : i32
        %add3A_2271 = arith.constant 8 : i32
        %add3A_2272 = arith.addi %add3A_2270, %add3A_2271 : i32
        %mul3A_2273 = arith.constant 64 : i32
        %mul3A_2274 = arith.muli %add3A_2272, %mul3A_2273 : i32
        %add3A_2275 = arith.constant 0 : i32
        %add3A_2276 = arith.addi %mul3A_2274, %add3A_2275 : i32
        %get3A_2277 = arith.index_cast %add3A_2276 : i32 to index
        %get3A_2278 = tpu.vector_load %arg6[%get3A_2277] {strides = array<i32>} : memref<20480xi32, #tpu.memory_space<vmem>>, vector<16xi32>,
        %get3A_2279 = vector.shape_cast %get3A_2278 : vector<16xi32> to vector<16xi32>
        %mul3A_2280 = arith.constant 2 : i32
        %mul3A_2281 = vector.broadcast %mul3A_2280 : i32 to vector<16xi32>
        %mul3A_2282 = arith.muli %get3A_2279, %mul3A_2281 : vector<16xi32>
        %add3A_2283 = vector.broadcast %arg0 : i32 to vector<16xi32>
        %add3A_2284 = arith.addi %mul3A_2282, %add3A_2283 : vector<16xi32>
        %swap3A_2285 = arith.index_cast %add3A_2276 : i32 to index
        %swap3A_2286 = tpu.vector_load %arg6[%swap3A_2285] {strides = array<i32>} : memref<20480xi32, #tpu.memory_space<vmem>>, vector<16xi32>,
        %swap3A_2287 = vector.shape_cast %swap3A_2286 : vector<16xi32> to vector<16xi32>
        %swap3A_2288 = vector.shape_cast %add3A_2284 : vector<16xi32> to vector<16xi32>
        tpu.vector_store %arg6[%swap3A_2285], %swap3A_2288 {strides = array<i32>} : memref<20480xi32, #tpu.memory_space<vmem>>, vector<16xi32>,
        %add3A_2289 = arith.constant 16 : i32
        %add3A_2290 = arith.addi %mul3A_2274, %add3A_2289 : i32
        %get3A_2291 = arith.index_cast %add3A_2290 : i32 to index
        %get3A_2292 = tpu.vector_load %arg6[%get3A_2291] {strides = array<i32>} : memref<20480xi32, #tpu.memory_space<vmem>>, vector<16xi32>,
        %get3A_2293 = vector.shape_cast %get3A_2292 : vector<16xi32> to vector<16xi32>
        %mul3A_2294 = arith.constant 2 : i32
        %mul3A_2295 = vector.broadcast %mul3A_2294 : i32 to vector<16xi32>
        %mul3A_2296 = arith.muli %get3A_2293, %mul3A_2295 : vector<16xi32>
        %add3A_2297 = vector.broadcast %arg0 : i32 to vector<16xi32>
        %add3A_2298 = arith.addi %mul3A_2296, %add3A_2297 : vector<16xi32>
        %swap3A_2299 = arith.index_cast %add3A_2290 : i32 to index
        %swap3A_2300 = tpu.vector_load %arg6[%swap3A_2299] {strides = array<i32>} : memref<20480xi32, #tpu.memory_space<vmem>>, vector<16xi32>,
        %swap3A_2301 = vector.shape_cast %swap3A_2300 : vector<16xi32> to vector<16xi32>
        %swap3A_2302 = vector.shape_cast %add3A_2298 : vector<16xi32> to vector<16xi32>
        tpu.vector_store %arg6[%swap3A_2299], %swap3A_2302 {strides = array<i32>} : memref<20480xi32, #tpu.memory_space<vmem>>, vector<16xi32>,
        %add3A_2303 = arith.constant 32 : i32
        %add3A_2304 = arith.addi %mul3A_2274, %add3A_2303 : i32
        %get3A_2305 = arith.index_cast %add3A_2304 : i32 to index
        %get3A_2306 = tpu.vector_load %arg6[%get3A_2305] {strides = array<i32>} : memref<20480xi32, #tpu.memory_space<vmem>>, vector<16xi32>,
        %get3A_2307 = vector.shape_cast %get3A_2306 : vector<16xi32> to vector<16xi32>
        %mul3A_2308 = arith.constant 2 : i32
        %mul3A_2309 = vector.broadcast %mul3A_2308 : i32 to vector<16xi32>
        %mul3A_2310 = arith.muli %get3A_2307, %mul3A_2309 : vector<16xi32>
        %add3A_2311 = vector.broadcast %arg0 : i32 to vector<16xi32>
        %add3A_2312 = arith.addi %mul3A_2310, %add3A_2311 : vector<16xi32>
        %swap3A_2313 = arith.index_cast %add3A_2304 : i32 to index
        %swap3A_2314 = tpu.vector_load %arg6[%swap3A_2313] {strides = array<i32>} : memref<20480xi32, #tpu.memory_space<vmem>>, vector<16xi32>,
        %swap3A_2315 = vector.shape_cast %swap3A_2314 : vector<16xi32> to vector<16xi32>
        %swap3A_2316 = vector.shape_cast %add3A_2312 : vector<16xi32> to vector<16xi32>
        tpu.vector_store %arg6[%swap3A_2313], %swap3A_2316 {strides = array<i32>} : memref<20480xi32, #tpu.memory_space<vmem>>, vector<16xi32>,
        %add3A_2317 = arith.constant 48 : i32
        %add3A_2318 = arith.addi %mul3A_2274, %add3A_2317 : i32
        %get3A_2319 = arith.index_cast %add3A_2318 : i32 to index
        %get3A_2320 = tpu.vector_load %arg6[%get3A_2319] {strides = array<i32>} : memref<20480xi32, #tpu.memory_space<vmem>>, vector<16xi32>,
        %get3A_2321 = vector.shape_cast %get3A_2320 : vector<16xi32> to vector<16xi32>
        %mul3A_2322 = arith.constant 2 : i32
        %mul3A_2323 = vector.broadcast %mul3A_2322 : i32 to vector<16xi32>
        %mul3A_2324 = arith.muli %get3A_2321, %mul3A_2323 : vector<16xi32>
        %add3A_2325 = vector.broadcast %arg0 : i32 to vector<16xi32>
        %add3A_2326 = arith.addi %mul3A_2324, %add3A_2325 : vector<16xi32>
        %swap3A_2327 = arith.index_cast %add3A_2318 : i32 to index
        %swap3A_2328 = tpu.vector_load %arg6[%swap3A_2327] {strides = array<i32>} : memref<20480xi32, #tpu.memory_space<vmem>>, vector<16xi32>,
        %swap3A_2329 = vector.shape_cast %swap3A_2328 : vector<16xi32> to vector<16xi32>
        %swap3A_2330 = vector.shape_cast %add3A_2326 : vector<16xi32> to vector<16xi32>
        tpu.vector_store %arg6[%swap3A_2327], %swap3A_2330 {strides = array<i32>} : memref<20480xi32, #tpu.memory_space<vmem>>, vector<16xi32>,
        %add3A_2331 = arith.constant 1 : i32
        %add3A_2332 = arith.addi %mul3A_2063, %add3A_2331 : i32
        %add3A_2333 = arith.constant 8 : i32
        %add3A_2334 = arith.addi %add3A_2332, %add3A_2333 : i32
        %mul3A_2335 = arith.constant 64 : i32
        %mul3A_2336 = arith.muli %add3A_2334, %mul3A_2335 : i32
        %dma_start3A_2337 = tpu.memref_slice %arg6[%mul3A_2336] : memref<20480xi32, #tpu.memory_space<vmem>> -> memref<64xi32, #tpu.memory_space<vmem>>
        %dma_start3A_2338 = arith.constant 0 : i32
        %dma_start3A_2339 = arith.constant 0 : i32
        %dma_start3A_2340 = tpu.memref_slice %arg2[%dma_start3A_2338, %dma_start3A_2339] : memref<20000x64xf32, #tpu.memory_space<hbm>> -> memref<20000x64xf32, #tpu.memory_space<hbm>>
        tpu.enqueue_indirect_dma source(%dma_start3A_2340 : memref<20000x64xf32, #tpu.memory_space<hbm>>) target(%arg9 : memref<64x64xf32, #tpu.memory_space<vmem>>) offsets(%dma_start3A_2337 : memref<64xi32, #tpu.memory_space<vmem>>) semaphore(%arg19 : memref<!tpu.dma_semaphore, #tpu.memory_space<semaphore_mem>>)
      } else {
      }
      %add3A_2207 = arith.constant 2 : i32
      %add3A_2208 = arith.addi %mul3A_2063, %add3A_2207 : i32
      %add3A_2209 = arith.constant 8 : i32
      %add3A_2210 = arith.addi %add3A_2208, %add3A_2209 : i32
      %lt3A_2211 = arith.constant 320 : i32
      %lt3A_2212 = arith.cmpi slt, %add3A_2210, %lt3A_2211 : i32
      %convert_element_type3A_2213 = arith.extui %lt3A_2212 : i1 to i32
      %cond3A_2214 = arith.constant 0 : i32
      %cond3A_2215 = arith.cmpi ne, %convert_element_type3A_2213, %cond3A_2214 : i32
      scf.if %cond3A_2215 {
        %add3A_2261 = arith.constant 2 : i32
        %add3A_2262 = arith.addi %mul3A_2063, %add3A_2261 : i32
        %dma_wait3A_2263 = arith.constant 0 : i32
        %dma_wait3A_2264 = tpu.memref_slice %arg7[%add3A_2262, %dma_wait3A_2263] : memref<320x64xi32, #tpu.memory_space<vmem>> -> memref<1x64xi32, #tpu.memory_space<vmem>>
        %dma_wait3A_2265 = tpu.memref_squeeze %dma_wait3A_2264 : memref<1x64xi32, #tpu.memory_space<vmem>> -> memref<64xi32, #tpu.memory_space<vmem>>
        %dma_wait3A_2266 = arith.constant 0 : i32
        %dma_wait3A_2267 = arith.constant 0 : i32
        %dma_wait3A_2268 = tpu.memref_slice %arg17[%dma_wait3A_2266, %dma_wait3A_2267] : memref<10240x64xf32, #tpu.memory_space<vmem_shared>> -> memref<10240x64xf32, #tpu.memory_space<vmem_shared>>
        tpu.wait_indirect_dma semaphore(%arg28 : memref<!tpu.dma_semaphore, #tpu.memory_space<semaphore_mem>>) src(%arg10 : memref<64x64xf32, #tpu.memory_space<vmem>>) dst(%dma_wait3A_2268 : memref<10240x64xf32, #tpu.memory_space<vmem_shared>>)
        %add3A_2269 = arith.constant 2 : i32
        %add3A_2270 = arith.addi %mul3A_2063, %add3A_2269 : i32
        %add3A_2271 = arith.constant 8 : i32
        %add3A_2272 = arith.addi %add3A_2270, %add3A_2271 : i32
        %mul3A_2273 = arith.constant 64 : i32
        %mul3A_2274 = arith.muli %add3A_2272, %mul3A_2273 : i32
        %add3A_2275 = arith.constant 0 : i32
        %add3A_2276 = arith.addi %mul3A_2274, %add3A_2275 : i32
        %get3A_2277 = arith.index_cast %add3A_2276 : i32 to index
        %get3A_2278 = tpu.vector_load %arg6[%get3A_2277] {strides = array<i32>} : memref<20480xi32, #tpu.memory_space<vmem>>, vector<16xi32>,
        %get3A_2279 = vector.shape_cast %get3A_2278 : vector<16xi32> to vector<16xi32>
        %mul3A_2280 = arith.constant 2 : i32
        %mul3A_2281 = vector.broadcast %mul3A_2280 : i32 to vector<16xi32>
        %mul3A_2282 = arith.muli %get3A_2279, %mul3A_2281 : vector<16xi32>
        %add3A_2283 = vector.broadcast %arg0 : i32 to vector<16xi32>
        %add3A_2284 = arith.addi %mul3A_2282, %add3A_2283 : vector<16xi32>
        %swap3A_2285 = arith.index_cast %add3A_2276 : i32 to index
        %swap3A_2286 = tpu.vector_load %arg6[%swap3A_2285] {strides = array<i32>} : memref<20480xi32, #tpu.memory_space<vmem>>, vector<16xi32>,
        %swap3A_2287 = vector.shape_cast %swap3A_2286 : vector<16xi32> to vector<16xi32>
        %swap3A_2288 = vector.shape_cast %add3A_2284 : vector<16xi32> to vector<16xi32>
        tpu.vector_store %arg6[%swap3A_2285], %swap3A_2288 {strides = array<i32>} : memref<20480xi32, #tpu.memory_space<vmem>>, vector<16xi32>,
        %add3A_2289 = arith.constant 16 : i32
        %add3A_2290 = arith.addi %mul3A_2274, %add3A_2289 : i32
        %get3A_2291 = arith.index_cast %add3A_2290 : i32 to index
        %get3A_2292 = tpu.vector_load %arg6[%get3A_2291] {strides = array<i32>} : memref<20480xi32, #tpu.memory_space<vmem>>, vector<16xi32>,
        %get3A_2293 = vector.shape_cast %get3A_2292 : vector<16xi32> to vector<16xi32>
        %mul3A_2294 = arith.constant 2 : i32
        %mul3A_2295 = vector.broadcast %mul3A_2294 : i32 to vector<16xi32>
        %mul3A_2296 = arith.muli %get3A_2293, %mul3A_2295 : vector<16xi32>
        %add3A_2297 = vector.broadcast %arg0 : i32 to vector<16xi32>
        %add3A_2298 = arith.addi %mul3A_2296, %add3A_2297 : vector<16xi32>
        %swap3A_2299 = arith.index_cast %add3A_2290 : i32 to index
        %swap3A_2300 = tpu.vector_load %arg6[%swap3A_2299] {strides = array<i32>} : memref<20480xi32, #tpu.memory_space<vmem>>, vector<16xi32>,
        %swap3A_2301 = vector.shape_cast %swap3A_2300 : vector<16xi32> to vector<16xi32>
        %swap3A_2302 = vector.shape_cast %add3A_2298 : vector<16xi32> to vector<16xi32>
        tpu.vector_store %arg6[%swap3A_2299], %swap3A_2302 {strides = array<i32>} : memref<20480xi32, #tpu.memory_space<vmem>>, vector<16xi32>,
        %add3A_2303 = arith.constant 32 : i32
        %add3A_2304 = arith.addi %mul3A_2274, %add3A_2303 : i32
        %get3A_2305 = arith.index_cast %add3A_2304 : i32 to index
        %get3A_2306 = tpu.vector_load %arg6[%get3A_2305] {strides = array<i32>} : memref<20480xi32, #tpu.memory_space<vmem>>, vector<16xi32>,
        %get3A_2307 = vector.shape_cast %get3A_2306 : vector<16xi32> to vector<16xi32>
        %mul3A_2308 = arith.constant 2 : i32
        %mul3A_2309 = vector.broadcast %mul3A_2308 : i32 to vector<16xi32>
        %mul3A_2310 = arith.muli %get3A_2307, %mul3A_2309 : vector<16xi32>
        %add3A_2311 = vector.broadcast %arg0 : i32 to vector<16xi32>
        %add3A_2312 = arith.addi %mul3A_2310, %add3A_2311 : vector<16xi32>
        %swap3A_2313 = arith.index_cast %add3A_2304 : i32 to index
        %swap3A_2314 = tpu.vector_load %arg6[%swap3A_2313] {strides = array<i32>} : memref<20480xi32, #tpu.memory_space<vmem>>, vector<16xi32>,
        %swap3A_2315 = vector.shape_cast %swap3A_2314 : vector<16xi32> to vector<16xi32>
        %swap3A_2316 = vector.shape_cast %add3A_2312 : vector<16xi32> to vector<16xi32>
        tpu.vector_store %arg6[%swap3A_2313], %swap3A_2316 {strides = array<i32>} : memref<20480xi32, #tpu.memory_space<vmem>>, vector<16xi32>,
        %add3A_2317 = arith.constant 48 : i32
        %add3A_2318 = arith.addi %mul3A_2274, %add3A_2317 : i32
        %get3A_2319 = arith.index_cast %add3A_2318 : i32 to index
        %get3A_2320 = tpu.vector_load %arg6[%get3A_2319] {strides = array<i32>} : memref<20480xi32, #tpu.memory_space<vmem>>, vector<16xi32>,
        %get3A_2321 = vector.shape_cast %get3A_2320 : vector<16xi32> to vector<16xi32>
        %mul3A_2322 = arith.constant 2 : i32
        %mul3A_2323 = vector.broadcast %mul3A_2322 : i32 to vector<16xi32>
        %mul3A_2324 = arith.muli %get3A_2321, %mul3A_2323 : vector<16xi32>
        %add3A_2325 = vector.broadcast %arg0 : i32 to vector<16xi32>
        %add3A_2326 = arith.addi %mul3A_2324, %add3A_2325 : vector<16xi32>
        %swap3A_2327 = arith.index_cast %add3A_2318 : i32 to index
        %swap3A_2328 = tpu.vector_load %arg6[%swap3A_2327] {strides = array<i32>} : memref<20480xi32, #tpu.memory_space<vmem>>, vector<16xi32>,
        %swap3A_2329 = vector.shape_cast %swap3A_2328 : vector<16xi32> to vector<16xi32>
        %swap3A_2330 = vector.shape_cast %add3A_2326 : vector<16xi32> to vector<16xi32>
        tpu.vector_store %arg6[%swap3A_2327], %swap3A_2330 {strides = array<i32>} : memref<20480xi32, #tpu.memory_space<vmem>>, vector<16xi32>,
        %add3A_2331 = arith.constant 2 : i32
        %add3A_2332 = arith.addi %mul3A_2063, %add3A_2331 : i32
        %add3A_2333 = arith.constant 8 : i32
        %add3A_2334 = arith.addi %add3A_2332, %add3A_2333 : i32
        %mul3A_2335 = arith.constant 64 : i32
        %mul3A_2336 = arith.muli %add3A_2334, %mul3A_2335 : i32
        %dma_start3A_2337 = tpu.memref_slice %arg6[%mul3A_2336] : memref<20480xi32, #tpu.memory_space<vmem>> -> memref<64xi32, #tpu.memory_space<vmem>>
        %dma_start3A_2338 = arith.constant 0 : i32
        %dma_start3A_2339 = arith.constant 0 : i32
        %dma_start3A_2340 = tpu.memref_slice %arg2[%dma_start3A_2338, %dma_start3A_2339] : memref<20000x64xf32, #tpu.memory_space<hbm>> -> memref<20000x64xf32, #tpu.memory_space<hbm>>
        tpu.enqueue_indirect_dma source(%dma_start3A_2340 : memref<20000x64xf32, #tpu.memory_space<hbm>>) target(%arg10 : memref<64x64xf32, #tpu.memory_space<vmem>>) offsets(%dma_start3A_2337 : memref<64xi32, #tpu.memory_space<vmem>>) semaphore(%arg20 : memref<!tpu.dma_semaphore, #tpu.memory_space<semaphore_mem>>)
      } else {
      }
      %add3A_2216 = arith.constant 3 : i32
      %add3A_2217 = arith.addi %mul3A_2063, %add3A_2216 : i32
      %add3A_2218 = arith.constant 8 : i32
      %add3A_2219 = arith.addi %add3A_2217, %add3A_2218 : i32
      %lt3A_2220 = arith.constant 320 : i32
      %lt3A_2221 = arith.cmpi slt, %add3A_2219, %lt3A_2220 : i32
      %convert_element_type3A_2222 = arith.extui %lt3A_2221 : i1 to i32
      %cond3A_2223 = arith.constant 0 : i32
      %cond3A_2224 = arith.cmpi ne, %convert_element_type3A_2222, %cond3A_2223 : i32
      scf.if %cond3A_2224 {
        %add3A_2261 = arith.constant 3 : i32
        %add3A_2262 = arith.addi %mul3A_2063, %add3A_2261 : i32
        %dma_wait3A_2263 = arith.constant 0 : i32
        %dma_wait3A_2264 = tpu.memref_slice %arg7[%add3A_2262, %dma_wait3A_2263] : memref<320x64xi32, #tpu.memory_space<vmem>> -> memref<1x64xi32, #tpu.memory_space<vmem>>
        %dma_wait3A_2265 = tpu.memref_squeeze %dma_wait3A_2264 : memref<1x64xi32, #tpu.memory_space<vmem>> -> memref<64xi32, #tpu.memory_space<vmem>>
        %dma_wait3A_2266 = arith.constant 0 : i32
        %dma_wait3A_2267 = arith.constant 0 : i32
        %dma_wait3A_2268 = tpu.memref_slice %arg17[%dma_wait3A_2266, %dma_wait3A_2267] : memref<10240x64xf32, #tpu.memory_space<vmem_shared>> -> memref<10240x64xf32, #tpu.memory_space<vmem_shared>>
        tpu.wait_indirect_dma semaphore(%arg29 : memref<!tpu.dma_semaphore, #tpu.memory_space<semaphore_mem>>) src(%arg11 : memref<64x64xf32, #tpu.memory_space<vmem>>) dst(%dma_wait3A_2268 : memref<10240x64xf32, #tpu.memory_space<vmem_shared>>)
        %add3A_2269 = arith.constant 3 : i32
        %add3A_2270 = arith.addi %mul3A_2063, %add3A_2269 : i32
        %add3A_2271 = arith.constant 8 : i32
        %add3A_2272 = arith.addi %add3A_2270, %add3A_2271 : i32
        %mul3A_2273 = arith.constant 64 : i32
        %mul3A_2274 = arith.muli %add3A_2272, %mul3A_2273 : i32
        %add3A_2275 = arith.constant 0 : i32
        %add3A_2276 = arith.addi %mul3A_2274, %add3A_2275 : i32
        %get3A_2277 = arith.index_cast %add3A_2276 : i32 to index
        %get3A_2278 = tpu.vector_load %arg6[%get3A_2277] {strides = array<i32>} : memref<20480xi32, #tpu.memory_space<vmem>>, vector<16xi32>,
        %get3A_2279 = vector.shape_cast %get3A_2278 : vector<16xi32> to vector<16xi32>
        %mul3A_2280 = arith.constant 2 : i32
        %mul3A_2281 = vector.broadcast %mul3A_2280 : i32 to vector<16xi32>
        %mul3A_2282 = arith.muli %get3A_2279, %mul3A_2281 : vector<16xi32>
        %add3A_2283 = vector.broadcast %arg0 : i32 to vector<16xi32>
        %add3A_2284 = arith.addi %mul3A_2282, %add3A_2283 : vector<16xi32>
        %swap3A_2285 = arith.index_cast %add3A_2276 : i32 to index
        %swap3A_2286 = tpu.vector_load %arg6[%swap3A_2285] {strides = array<i32>} : memref<20480xi32, #tpu.memory_space<vmem>>, vector<16xi32>,
        %swap3A_2287 = vector.shape_cast %swap3A_2286 : vector<16xi32> to vector<16xi32>
        %swap3A_2288 = vector.shape_cast %add3A_2284 : vector<16xi32> to vector<16xi32>
        tpu.vector_store %arg6[%swap3A_2285], %swap3A_2288 {strides = array<i32>} : memref<20480xi32, #tpu.memory_space<vmem>>, vector<16xi32>,
        %add3A_2289 = arith.constant 16 : i32
        %add3A_2290 = arith.addi %mul3A_2274, %add3A_2289 : i32
        %get3A_2291 = arith.index_cast %add3A_2290 : i32 to index
        %get3A_2292 = tpu.vector_load %arg6[%get3A_2291] {strides = array<i32>} : memref<20480xi32, #tpu.memory_space<vmem>>, vector<16xi32>,
        %get3A_2293 = vector.shape_cast %get3A_2292 : vector<16xi32> to vector<16xi32>
        %mul3A_2294 = arith.constant 2 : i32
        %mul3A_2295 = vector.broadcast %mul3A_2294 : i32 to vector<16xi32>
        %mul3A_2296 = arith.muli %get3A_2293, %mul3A_2295 : vector<16xi32>
        %add3A_2297 = vector.broadcast %arg0 : i32 to vector<16xi32>
        %add3A_2298 = arith.addi %mul3A_2296, %add3A_2297 : vector<16xi32>
        %swap3A_2299 = arith.index_cast %add3A_2290 : i32 to index
        %swap3A_2300 = tpu.vector_load %arg6[%swap3A_2299] {strides = array<i32>} : memref<20480xi32, #tpu.memory_space<vmem>>, vector<16xi32>,
        %swap3A_2301 = vector.shape_cast %swap3A_2300 : vector<16xi32> to vector<16xi32>
        %swap3A_2302 = vector.shape_cast %add3A_2298 : vector<16xi32> to vector<16xi32>
        tpu.vector_store %arg6[%swap3A_2299], %swap3A_2302 {strides = array<i32>} : memref<20480xi32, #tpu.memory_space<vmem>>, vector<16xi32>,
        %add3A_2303 = arith.constant 32 : i32
        %add3A_2304 = arith.addi %mul3A_2274, %add3A_2303 : i32
        %get3A_2305 = arith.index_cast %add3A_2304 : i32 to index
        %get3A_2306 = tpu.vector_load %arg6[%get3A_2305] {strides = array<i32>} : memref<20480xi32, #tpu.memory_space<vmem>>, vector<16xi32>,
        %get3A_2307 = vector.shape_cast %get3A_2306 : vector<16xi32> to vector<16xi32>
        %mul3A_2308 = arith.constant 2 : i32
        %mul3A_2309 = vector.broadcast %mul3A_2308 : i32 to vector<16xi32>
        %mul3A_2310 = arith.muli %get3A_2307, %mul3A_2309 : vector<16xi32>
        %add3A_2311 = vector.broadcast %arg0 : i32 to vector<16xi32>
        %add3A_2312 = arith.addi %mul3A_2310, %add3A_2311 : vector<16xi32>
        %swap3A_2313 = arith.index_cast %add3A_2304 : i32 to index
        %swap3A_2314 = tpu.vector_load %arg6[%swap3A_2313] {strides = array<i32>} : memref<20480xi32, #tpu.memory_space<vmem>>, vector<16xi32>,
        %swap3A_2315 = vector.shape_cast %swap3A_2314 : vector<16xi32> to vector<16xi32>
        %swap3A_2316 = vector.shape_cast %add3A_2312 : vector<16xi32> to vector<16xi32>
        tpu.vector_store %arg6[%swap3A_2313], %swap3A_2316 {strides = array<i32>} : memref<20480xi32, #tpu.memory_space<vmem>>, vector<16xi32>,
        %add3A_2317 = arith.constant 48 : i32
        %add3A_2318 = arith.addi %mul3A_2274, %add3A_2317 : i32
        %get3A_2319 = arith.index_cast %add3A_2318 : i32 to index
        %get3A_2320 = tpu.vector_load %arg6[%get3A_2319] {strides = array<i32>} : memref<20480xi32, #tpu.memory_space<vmem>>, vector<16xi32>,
        %get3A_2321 = vector.shape_cast %get3A_2320 : vector<16xi32> to vector<16xi32>
        %mul3A_2322 = arith.constant 2 : i32
        %mul3A_2323 = vector.broadcast %mul3A_2322 : i32 to vector<16xi32>
        %mul3A_2324 = arith.muli %get3A_2321, %mul3A_2323 : vector<16xi32>
        %add3A_2325 = vector.broadcast %arg0 : i32 to vector<16xi32>
        %add3A_2326 = arith.addi %mul3A_2324, %add3A_2325 : vector<16xi32>
        %swap3A_2327 = arith.index_cast %add3A_2318 : i32 to index
        %swap3A_2328 = tpu.vector_load %arg6[%swap3A_2327] {strides = array<i32>} : memref<20480xi32, #tpu.memory_space<vmem>>, vector<16xi32>,
        %swap3A_2329 = vector.shape_cast %swap3A_2328 : vector<16xi32> to vector<16xi32>
        %swap3A_2330 = vector.shape_cast %add3A_2326 : vector<16xi32> to vector<16xi32>
        tpu.vector_store %arg6[%swap3A_2327], %swap3A_2330 {strides = array<i32>} : memref<20480xi32, #tpu.memory_space<vmem>>, vector<16xi32>,
        %add3A_2331 = arith.constant 3 : i32
        %add3A_2332 = arith.addi %mul3A_2063, %add3A_2331 : i32
        %add3A_2333 = arith.constant 8 : i32
        %add3A_2334 = arith.addi %add3A_2332, %add3A_2333 : i32
        %mul3A_2335 = arith.constant 64 : i32
        %mul3A_2336 = arith.muli %add3A_2334, %mul3A_2335 : i32
        %dma_start3A_2337 = tpu.memref_slice %arg6[%mul3A_2336] : memref<20480xi32, #tpu.memory_space<vmem>> -> memref<64xi32, #tpu.memory_space<vmem>>
        %dma_start3A_2338 = arith.constant 0 : i32
        %dma_start3A_2339 = arith.constant 0 : i32
        %dma_start3A_2340 = tpu.memref_slice %arg2[%dma_start3A_2338, %dma_start3A_2339] : memref<20000x64xf32, #tpu.memory_space<hbm>> -> memref<20000x64xf32, #tpu.memory_space<hbm>>
        tpu.enqueue_indirect_dma source(%dma_start3A_2340 : memref<20000x64xf32, #tpu.memory_space<hbm>>) target(%arg11 : memref<64x64xf32, #tpu.memory_space<vmem>>) offsets(%dma_start3A_2337 : memref<64xi32, #tpu.memory_space<vmem>>) semaphore(%arg21 : memref<!tpu.dma_semaphore, #tpu.memory_space<semaphore_mem>>)
      } else {
      }
      %add3A_2225 = arith.constant 4 : i32
      %add3A_2226 = arith.addi %mul3A_2063, %add3A_2225 : i32
      %add3A_2227 = arith.constant 8 : i32
      %add3A_2228 = arith.addi %add3A_2226, %add3A_2227 : i32
      %lt3A_2229 = arith.constant 320 : i32
      %lt3A_2230 = arith.cmpi slt, %add3A_2228, %lt3A_2229 : i32
      %convert_element_type3A_2231 = arith.extui %lt3A_2230 : i1 to i32
      %cond3A_2232 = arith.constant 0 : i32
      %cond3A_2233 = arith.cmpi ne, %convert_element_type3A_2231, %cond3A_2232 : i32
      scf.if %cond3A_2233 {
        %add3A_2261 = arith.constant 4 : i32
        %add3A_2262 = arith.addi %mul3A_2063, %add3A_2261 : i32
        %dma_wait3A_2263 = arith.constant 0 : i32
        %dma_wait3A_2264 = tpu.memref_slice %arg7[%add3A_2262, %dma_wait3A_2263] : memref<320x64xi32, #tpu.memory_space<vmem>> -> memref<1x64xi32, #tpu.memory_space<vmem>>
        %dma_wait3A_2265 = tpu.memref_squeeze %dma_wait3A_2264 : memref<1x64xi32, #tpu.memory_space<vmem>> -> memref<64xi32, #tpu.memory_space<vmem>>
        %dma_wait3A_2266 = arith.constant 0 : i32
        %dma_wait3A_2267 = arith.constant 0 : i32
        %dma_wait3A_2268 = tpu.memref_slice %arg17[%dma_wait3A_2266, %dma_wait3A_2267] : memref<10240x64xf32, #tpu.memory_space<vmem_shared>> -> memref<10240x64xf32, #tpu.memory_space<vmem_shared>>
        tpu.wait_indirect_dma semaphore(%arg30 : memref<!tpu.dma_semaphore, #tpu.memory_space<semaphore_mem>>) src(%arg12 : memref<64x64xf32, #tpu.memory_space<vmem>>) dst(%dma_wait3A_2268 : memref<10240x64xf32, #tpu.memory_space<vmem_shared>>)
        %add3A_2269 = arith.constant 4 : i32
        %add3A_2270 = arith.addi %mul3A_2063, %add3A_2269 : i32
        %add3A_2271 = arith.constant 8 : i32
        %add3A_2272 = arith.addi %add3A_2270, %add3A_2271 : i32
        %mul3A_2273 = arith.constant 64 : i32
        %mul3A_2274 = arith.muli %add3A_2272, %mul3A_2273 : i32
        %add3A_2275 = arith.constant 0 : i32
        %add3A_2276 = arith.addi %mul3A_2274, %add3A_2275 : i32
        %get3A_2277 = arith.index_cast %add3A_2276 : i32 to index
        %get3A_2278 = tpu.vector_load %arg6[%get3A_2277] {strides = array<i32>} : memref<20480xi32, #tpu.memory_space<vmem>>, vector<16xi32>,
        %get3A_2279 = vector.shape_cast %get3A_2278 : vector<16xi32> to vector<16xi32>
        %mul3A_2280 = arith.constant 2 : i32
        %mul3A_2281 = vector.broadcast %mul3A_2280 : i32 to vector<16xi32>
        %mul3A_2282 = arith.muli %get3A_2279, %mul3A_2281 : vector<16xi32>
        %add3A_2283 = vector.broadcast %arg0 : i32 to vector<16xi32>
        %add3A_2284 = arith.addi %mul3A_2282, %add3A_2283 : vector<16xi32>
        %swap3A_2285 = arith.index_cast %add3A_2276 : i32 to index
        %swap3A_2286 = tpu.vector_load %arg6[%swap3A_2285] {strides = array<i32>} : memref<20480xi32, #tpu.memory_space<vmem>>, vector<16xi32>,
        %swap3A_2287 = vector.shape_cast %swap3A_2286 : vector<16xi32> to vector<16xi32>
        %swap3A_2288 = vector.shape_cast %add3A_2284 : vector<16xi32> to vector<16xi32>
        tpu.vector_store %arg6[%swap3A_2285], %swap3A_2288 {strides = array<i32>} : memref<20480xi32, #tpu.memory_space<vmem>>, vector<16xi32>,
        %add3A_2289 = arith.constant 16 : i32
        %add3A_2290 = arith.addi %mul3A_2274, %add3A_2289 : i32
        %get3A_2291 = arith.index_cast %add3A_2290 : i32 to index
        %get3A_2292 = tpu.vector_load %arg6[%get3A_2291] {strides = array<i32>} : memref<20480xi32, #tpu.memory_space<vmem>>, vector<16xi32>,
        %get3A_2293 = vector.shape_cast %get3A_2292 : vector<16xi32> to vector<16xi32>
        %mul3A_2294 = arith.constant 2 : i32
        %mul3A_2295 = vector.broadcast %mul3A_2294 : i32 to vector<16xi32>
        %mul3A_2296 = arith.muli %get3A_2293, %mul3A_2295 : vector<16xi32>
        %add3A_2297 = vector.broadcast %arg0 : i32 to vector<16xi32>
        %add3A_2298 = arith.addi %mul3A_2296, %add3A_2297 : vector<16xi32>
        %swap3A_2299 = arith.index_cast %add3A_2290 : i32 to index
        %swap3A_2300 = tpu.vector_load %arg6[%swap3A_2299] {strides = array<i32>} : memref<20480xi32, #tpu.memory_space<vmem>>, vector<16xi32>,
        %swap3A_2301 = vector.shape_cast %swap3A_2300 : vector<16xi32> to vector<16xi32>
        %swap3A_2302 = vector.shape_cast %add3A_2298 : vector<16xi32> to vector<16xi32>
        tpu.vector_store %arg6[%swap3A_2299], %swap3A_2302 {strides = array<i32>} : memref<20480xi32, #tpu.memory_space<vmem>>, vector<16xi32>,
        %add3A_2303 = arith.constant 32 : i32
        %add3A_2304 = arith.addi %mul3A_2274, %add3A_2303 : i32
        %get3A_2305 = arith.index_cast %add3A_2304 : i32 to index
        %get3A_2306 = tpu.vector_load %arg6[%get3A_2305] {strides = array<i32>} : memref<20480xi32, #tpu.memory_space<vmem>>, vector<16xi32>,
        %get3A_2307 = vector.shape_cast %get3A_2306 : vector<16xi32> to vector<16xi32>
        %mul3A_2308 = arith.constant 2 : i32
        %mul3A_2309 = vector.broadcast %mul3A_2308 : i32 to vector<16xi32>
        %mul3A_2310 = arith.muli %get3A_2307, %mul3A_2309 : vector<16xi32>
        %add3A_2311 = vector.broadcast %arg0 : i32 to vector<16xi32>
        %add3A_2312 = arith.addi %mul3A_2310, %add3A_2311 : vector<16xi32>
        %swap3A_2313 = arith.index_cast %add3A_2304 : i32 to index
        %swap3A_2314 = tpu.vector_load %arg6[%swap3A_2313] {strides = array<i32>} : memref<20480xi32, #tpu.memory_space<vmem>>, vector<16xi32>,
        %swap3A_2315 = vector.shape_cast %swap3A_2314 : vector<16xi32> to vector<16xi32>
        %swap3A_2316 = vector.shape_cast %add3A_2312 : vector<16xi32> to vector<16xi32>
        tpu.vector_store %arg6[%swap3A_2313], %swap3A_2316 {strides = array<i32>} : memref<20480xi32, #tpu.memory_space<vmem>>, vector<16xi32>,
        %add3A_2317 = arith.constant 48 : i32
        %add3A_2318 = arith.addi %mul3A_2274, %add3A_2317 : i32
        %get3A_2319 = arith.index_cast %add3A_2318 : i32 to index
        %get3A_2320 = tpu.vector_load %arg6[%get3A_2319] {strides = array<i32>} : memref<20480xi32, #tpu.memory_space<vmem>>, vector<16xi32>,
        %get3A_2321 = vector.shape_cast %get3A_2320 : vector<16xi32> to vector<16xi32>
        %mul3A_2322 = arith.constant 2 : i32
        %mul3A_2323 = vector.broadcast %mul3A_2322 : i32 to vector<16xi32>
        %mul3A_2324 = arith.muli %get3A_2321, %mul3A_2323 : vector<16xi32>
        %add3A_2325 = vector.broadcast %arg0 : i32 to vector<16xi32>
        %add3A_2326 = arith.addi %mul3A_2324, %add3A_2325 : vector<16xi32>
        %swap3A_2327 = arith.index_cast %add3A_2318 : i32 to index
        %swap3A_2328 = tpu.vector_load %arg6[%swap3A_2327] {strides = array<i32>} : memref<20480xi32, #tpu.memory_space<vmem>>, vector<16xi32>,
        %swap3A_2329 = vector.shape_cast %swap3A_2328 : vector<16xi32> to vector<16xi32>
        %swap3A_2330 = vector.shape_cast %add3A_2326 : vector<16xi32> to vector<16xi32>
        tpu.vector_store %arg6[%swap3A_2327], %swap3A_2330 {strides = array<i32>} : memref<20480xi32, #tpu.memory_space<vmem>>, vector<16xi32>,
        %add3A_2331 = arith.constant 4 : i32
        %add3A_2332 = arith.addi %mul3A_2063, %add3A_2331 : i32
        %add3A_2333 = arith.constant 8 : i32
        %add3A_2334 = arith.addi %add3A_2332, %add3A_2333 : i32
        %mul3A_2335 = arith.constant 64 : i32
        %mul3A_2336 = arith.muli %add3A_2334, %mul3A_2335 : i32
        %dma_start3A_2337 = tpu.memref_slice %arg6[%mul3A_2336] : memref<20480xi32, #tpu.memory_space<vmem>> -> memref<64xi32, #tpu.memory_space<vmem>>
        %dma_start3A_2338 = arith.constant 0 : i32
        %dma_start3A_2339 = arith.constant 0 : i32
        %dma_start3A_2340 = tpu.memref_slice %arg2[%dma_start3A_2338, %dma_start3A_2339] : memref<20000x64xf32, #tpu.memory_space<hbm>> -> memref<20000x64xf32, #tpu.memory_space<hbm>>
        tpu.enqueue_indirect_dma source(%dma_start3A_2340 : memref<20000x64xf32, #tpu.memory_space<hbm>>) target(%arg12 : memref<64x64xf32, #tpu.memory_space<vmem>>) offsets(%dma_start3A_2337 : memref<64xi32, #tpu.memory_space<vmem>>) semaphore(%arg22 : memref<!tpu.dma_semaphore, #tpu.memory_space<semaphore_mem>>)
      } else {
      }
      %add3A_2234 = arith.constant 5 : i32
      %add3A_2235 = arith.addi %mul3A_2063, %add3A_2234 : i32
      %add3A_2236 = arith.constant 8 : i32
      %add3A_2237 = arith.addi %add3A_2235, %add3A_2236 : i32
      %lt3A_2238 = arith.constant 320 : i32
      %lt3A_2239 = arith.cmpi slt, %add3A_2237, %lt3A_2238 : i32
      %convert_element_type3A_2240 = arith.extui %lt3A_2239 : i1 to i32
      %cond3A_2241 = arith.constant 0 : i32
      %cond3A_2242 = arith.cmpi ne, %convert_element_type3A_2240, %cond3A_2241 : i32
      scf.if %cond3A_2242 {
        %add3A_2261 = arith.constant 5 : i32
        %add3A_2262 = arith.addi %mul3A_2063, %add3A_2261 : i32
        %dma_wait3A_2263 = arith.constant 0 : i32
        %dma_wait3A_2264 = tpu.memref_slice %arg7[%add3A_2262, %dma_wait3A_2263] : memref<320x64xi32, #tpu.memory_space<vmem>> -> memref<1x64xi32, #tpu.memory_space<vmem>>
        %dma_wait3A_2265 = tpu.memref_squeeze %dma_wait3A_2264 : memref<1x64xi32, #tpu.memory_space<vmem>> -> memref<64xi32, #tpu.memory_space<vmem>>
        %dma_wait3A_2266 = arith.constant 0 : i32
        %dma_wait3A_2267 = arith.constant 0 : i32
        %dma_wait3A_2268 = tpu.memref_slice %arg17[%dma_wait3A_2266, %dma_wait3A_2267] : memref<10240x64xf32, #tpu.memory_space<vmem_shared>> -> memref<10240x64xf32, #tpu.memory_space<vmem_shared>>
        tpu.wait_indirect_dma semaphore(%arg31 : memref<!tpu.dma_semaphore, #tpu.memory_space<semaphore_mem>>) src(%arg13 : memref<64x64xf32, #tpu.memory_space<vmem>>) dst(%dma_wait3A_2268 : memref<10240x64xf32, #tpu.memory_space<vmem_shared>>)
        %add3A_2269 = arith.constant 5 : i32
        %add3A_2270 = arith.addi %mul3A_2063, %add3A_2269 : i32
        %add3A_2271 = arith.constant 8 : i32
        %add3A_2272 = arith.addi %add3A_2270, %add3A_2271 : i32
        %mul3A_2273 = arith.constant 64 : i32
        %mul3A_2274 = arith.muli %add3A_2272, %mul3A_2273 : i32
        %add3A_2275 = arith.constant 0 : i32
        %add3A_2276 = arith.addi %mul3A_2274, %add3A_2275 : i32
        %get3A_2277 = arith.index_cast %add3A_2276 : i32 to index
        %get3A_2278 = tpu.vector_load %arg6[%get3A_2277] {strides = array<i32>} : memref<20480xi32, #tpu.memory_space<vmem>>, vector<16xi32>,
        %get3A_2279 = vector.shape_cast %get3A_2278 : vector<16xi32> to vector<16xi32>
        %mul3A_2280 = arith.constant 2 : i32
        %mul3A_2281 = vector.broadcast %mul3A_2280 : i32 to vector<16xi32>
        %mul3A_2282 = arith.muli %get3A_2279, %mul3A_2281 : vector<16xi32>
        %add3A_2283 = vector.broadcast %arg0 : i32 to vector<16xi32>
        %add3A_2284 = arith.addi %mul3A_2282, %add3A_2283 : vector<16xi32>
        %swap3A_2285 = arith.index_cast %add3A_2276 : i32 to index
        %swap3A_2286 = tpu.vector_load %arg6[%swap3A_2285] {strides = array<i32>} : memref<20480xi32, #tpu.memory_space<vmem>>, vector<16xi32>,
        %swap3A_2287 = vector.shape_cast %swap3A_2286 : vector<16xi32> to vector<16xi32>
        %swap3A_2288 = vector.shape_cast %add3A_2284 : vector<16xi32> to vector<16xi32>
        tpu.vector_store %arg6[%swap3A_2285], %swap3A_2288 {strides = array<i32>} : memref<20480xi32, #tpu.memory_space<vmem>>, vector<16xi32>,
        %add3A_2289 = arith.constant 16 : i32
        %add3A_2290 = arith.addi %mul3A_2274, %add3A_2289 : i32
        %get3A_2291 = arith.index_cast %add3A_2290 : i32 to index
        %get3A_2292 = tpu.vector_load %arg6[%get3A_2291] {strides = array<i32>} : memref<20480xi32, #tpu.memory_space<vmem>>, vector<16xi32>,
        %get3A_2293 = vector.shape_cast %get3A_2292 : vector<16xi32> to vector<16xi32>
        %mul3A_2294 = arith.constant 2 : i32
        %mul3A_2295 = vector.broadcast %mul3A_2294 : i32 to vector<16xi32>
        %mul3A_2296 = arith.muli %get3A_2293, %mul3A_2295 : vector<16xi32>
        %add3A_2297 = vector.broadcast %arg0 : i32 to vector<16xi32>
        %add3A_2298 = arith.addi %mul3A_2296, %add3A_2297 : vector<16xi32>
        %swap3A_2299 = arith.index_cast %add3A_2290 : i32 to index
        %swap3A_2300 = tpu.vector_load %arg6[%swap3A_2299] {strides = array<i32>} : memref<20480xi32, #tpu.memory_space<vmem>>, vector<16xi32>,
        %swap3A_2301 = vector.shape_cast %swap3A_2300 : vector<16xi32> to vector<16xi32>
        %swap3A_2302 = vector.shape_cast %add3A_2298 : vector<16xi32> to vector<16xi32>
        tpu.vector_store %arg6[%swap3A_2299], %swap3A_2302 {strides = array<i32>} : memref<20480xi32, #tpu.memory_space<vmem>>, vector<16xi32>,
        %add3A_2303 = arith.constant 32 : i32
        %add3A_2304 = arith.addi %mul3A_2274, %add3A_2303 : i32
        %get3A_2305 = arith.index_cast %add3A_2304 : i32 to index
        %get3A_2306 = tpu.vector_load %arg6[%get3A_2305] {strides = array<i32>} : memref<20480xi32, #tpu.memory_space<vmem>>, vector<16xi32>,
        %get3A_2307 = vector.shape_cast %get3A_2306 : vector<16xi32> to vector<16xi32>
        %mul3A_2308 = arith.constant 2 : i32
        %mul3A_2309 = vector.broadcast %mul3A_2308 : i32 to vector<16xi32>
        %mul3A_2310 = arith.muli %get3A_2307, %mul3A_2309 : vector<16xi32>
        %add3A_2311 = vector.broadcast %arg0 : i32 to vector<16xi32>
        %add3A_2312 = arith.addi %mul3A_2310, %add3A_2311 : vector<16xi32>
        %swap3A_2313 = arith.index_cast %add3A_2304 : i32 to index
        %swap3A_2314 = tpu.vector_load %arg6[%swap3A_2313] {strides = array<i32>} : memref<20480xi32, #tpu.memory_space<vmem>>, vector<16xi32>,
        %swap3A_2315 = vector.shape_cast %swap3A_2314 : vector<16xi32> to vector<16xi32>
        %swap3A_2316 = vector.shape_cast %add3A_2312 : vector<16xi32> to vector<16xi32>
        tpu.vector_store %arg6[%swap3A_2313], %swap3A_2316 {strides = array<i32>} : memref<20480xi32, #tpu.memory_space<vmem>>, vector<16xi32>,
        %add3A_2317 = arith.constant 48 : i32
        %add3A_2318 = arith.addi %mul3A_2274, %add3A_2317 : i32
        %get3A_2319 = arith.index_cast %add3A_2318 : i32 to index
        %get3A_2320 = tpu.vector_load %arg6[%get3A_2319] {strides = array<i32>} : memref<20480xi32, #tpu.memory_space<vmem>>, vector<16xi32>,
        %get3A_2321 = vector.shape_cast %get3A_2320 : vector<16xi32> to vector<16xi32>
        %mul3A_2322 = arith.constant 2 : i32
        %mul3A_2323 = vector.broadcast %mul3A_2322 : i32 to vector<16xi32>
        %mul3A_2324 = arith.muli %get3A_2321, %mul3A_2323 : vector<16xi32>
        %add3A_2325 = vector.broadcast %arg0 : i32 to vector<16xi32>
        %add3A_2326 = arith.addi %mul3A_2324, %add3A_2325 : vector<16xi32>
        %swap3A_2327 = arith.index_cast %add3A_2318 : i32 to index
        %swap3A_2328 = tpu.vector_load %arg6[%swap3A_2327] {strides = array<i32>} : memref<20480xi32, #tpu.memory_space<vmem>>, vector<16xi32>,
        %swap3A_2329 = vector.shape_cast %swap3A_2328 : vector<16xi32> to vector<16xi32>
        %swap3A_2330 = vector.shape_cast %add3A_2326 : vector<16xi32> to vector<16xi32>
        tpu.vector_store %arg6[%swap3A_2327], %swap3A_2330 {strides = array<i32>} : memref<20480xi32, #tpu.memory_space<vmem>>, vector<16xi32>,
        %add3A_2331 = arith.constant 5 : i32
        %add3A_2332 = arith.addi %mul3A_2063, %add3A_2331 : i32
        %add3A_2333 = arith.constant 8 : i32
        %add3A_2334 = arith.addi %add3A_2332, %add3A_2333 : i32
        %mul3A_2335 = arith.constant 64 : i32
        %mul3A_2336 = arith.muli %add3A_2334, %mul3A_2335 : i32
        %dma_start3A_2337 = tpu.memref_slice %arg6[%mul3A_2336] : memref<20480xi32, #tpu.memory_space<vmem>> -> memref<64xi32, #tpu.memory_space<vmem>>
        %dma_start3A_2338 = arith.constant 0 : i32
        %dma_start3A_2339 = arith.constant 0 : i32
        %dma_start3A_2340 = tpu.memref_slice %arg2[%dma_start3A_2338, %dma_start3A_2339] : memref<20000x64xf32, #tpu.memory_space<hbm>> -> memref<20000x64xf32, #tpu.memory_space<hbm>>
        tpu.enqueue_indirect_dma source(%dma_start3A_2340 : memref<20000x64xf32, #tpu.memory_space<hbm>>) target(%arg13 : memref<64x64xf32, #tpu.memory_space<vmem>>) offsets(%dma_start3A_2337 : memref<64xi32, #tpu.memory_space<vmem>>) semaphore(%arg23 : memref<!tpu.dma_semaphore, #tpu.memory_space<semaphore_mem>>)
      } else {
      }
      %add3A_2243 = arith.constant 6 : i32
      %add3A_2244 = arith.addi %mul3A_2063, %add3A_2243 : i32
      %add3A_2245 = arith.constant 8 : i32
      %add3A_2246 = arith.addi %add3A_2244, %add3A_2245 : i32
      %lt3A_2247 = arith.constant 320 : i32
      %lt3A_2248 = arith.cmpi slt, %add3A_2246, %lt3A_2247 : i32
      %convert_element_type3A_2249 = arith.extui %lt3A_2248 : i1 to i32
      %cond3A_2250 = arith.constant 0 : i32
      %cond3A_2251 = arith.cmpi ne, %convert_element_type3A_2249, %cond3A_2250 : i32
      scf.if %cond3A_2251 {
        %add3A_2261 = arith.constant 6 : i32
        %add3A_2262 = arith.addi %mul3A_2063, %add3A_2261 : i32
        %dma_wait3A_2263 = arith.constant 0 : i32
        %dma_wait3A_2264 = tpu.memref_slice %arg7[%add3A_2262, %dma_wait3A_2263] : memref<320x64xi32, #tpu.memory_space<vmem>> -> memref<1x64xi32, #tpu.memory_space<vmem>>
        %dma_wait3A_2265 = tpu.memref_squeeze %dma_wait3A_2264 : memref<1x64xi32, #tpu.memory_space<vmem>> -> memref<64xi32, #tpu.memory_space<vmem>>
        %dma_wait3A_2266 = arith.constant 0 : i32
        %dma_wait3A_2267 = arith.constant 0 : i32
        %dma_wait3A_2268 = tpu.memref_slice %arg17[%dma_wait3A_2266, %dma_wait3A_2267] : memref<10240x64xf32, #tpu.memory_space<vmem_shared>> -> memref<10240x64xf32, #tpu.memory_space<vmem_shared>>
        tpu.wait_indirect_dma semaphore(%arg32 : memref<!tpu.dma_semaphore, #tpu.memory_space<semaphore_mem>>) src(%arg14 : memref<64x64xf32, #tpu.memory_space<vmem>>) dst(%dma_wait3A_2268 : memref<10240x64xf32, #tpu.memory_space<vmem_shared>>)
        %add3A_2269 = arith.constant 6 : i32
        %add3A_2270 = arith.addi %mul3A_2063, %add3A_2269 : i32
        %add3A_2271 = arith.constant 8 : i32
        %add3A_2272 = arith.addi %add3A_2270, %add3A_2271 : i32
        %mul3A_2273 = arith.constant 64 : i32
        %mul3A_2274 = arith.muli %add3A_2272, %mul3A_2273 : i32
        %add3A_2275 = arith.constant 0 : i32
        %add3A_2276 = arith.addi %mul3A_2274, %add3A_2275 : i32
        %get3A_2277 = arith.index_cast %add3A_2276 : i32 to index
        %get3A_2278 = tpu.vector_load %arg6[%get3A_2277] {strides = array<i32>} : memref<20480xi32, #tpu.memory_space<vmem>>, vector<16xi32>,
        %get3A_2279 = vector.shape_cast %get3A_2278 : vector<16xi32> to vector<16xi32>
        %mul3A_2280 = arith.constant 2 : i32
        %mul3A_2281 = vector.broadcast %mul3A_2280 : i32 to vector<16xi32>
        %mul3A_2282 = arith.muli %get3A_2279, %mul3A_2281 : vector<16xi32>
        %add3A_2283 = vector.broadcast %arg0 : i32 to vector<16xi32>
        %add3A_2284 = arith.addi %mul3A_2282, %add3A_2283 : vector<16xi32>
        %swap3A_2285 = arith.index_cast %add3A_2276 : i32 to index
        %swap3A_2286 = tpu.vector_load %arg6[%swap3A_2285] {strides = array<i32>} : memref<20480xi32, #tpu.memory_space<vmem>>, vector<16xi32>,
        %swap3A_2287 = vector.shape_cast %swap3A_2286 : vector<16xi32> to vector<16xi32>
        %swap3A_2288 = vector.shape_cast %add3A_2284 : vector<16xi32> to vector<16xi32>
        tpu.vector_store %arg6[%swap3A_2285], %swap3A_2288 {strides = array<i32>} : memref<20480xi32, #tpu.memory_space<vmem>>, vector<16xi32>,
        %add3A_2289 = arith.constant 16 : i32
        %add3A_2290 = arith.addi %mul3A_2274, %add3A_2289 : i32
        %get3A_2291 = arith.index_cast %add3A_2290 : i32 to index
        %get3A_2292 = tpu.vector_load %arg6[%get3A_2291] {strides = array<i32>} : memref<20480xi32, #tpu.memory_space<vmem>>, vector<16xi32>,
        %get3A_2293 = vector.shape_cast %get3A_2292 : vector<16xi32> to vector<16xi32>
        %mul3A_2294 = arith.constant 2 : i32
        %mul3A_2295 = vector.broadcast %mul3A_2294 : i32 to vector<16xi32>
        %mul3A_2296 = arith.muli %get3A_2293, %mul3A_2295 : vector<16xi32>
        %add3A_2297 = vector.broadcast %arg0 : i32 to vector<16xi32>
        %add3A_2298 = arith.addi %mul3A_2296, %add3A_2297 : vector<16xi32>
        %swap3A_2299 = arith.index_cast %add3A_2290 : i32 to index
        %swap3A_2300 = tpu.vector_load %arg6[%swap3A_2299] {strides = array<i32>} : memref<20480xi32, #tpu.memory_space<vmem>>, vector<16xi32>,
        %swap3A_2301 = vector.shape_cast %swap3A_2300 : vector<16xi32> to vector<16xi32>
        %swap3A_2302 = vector.shape_cast %add3A_2298 : vector<16xi32> to vector<16xi32>
        tpu.vector_store %arg6[%swap3A_2299], %swap3A_2302 {strides = array<i32>} : memref<20480xi32, #tpu.memory_space<vmem>>, vector<16xi32>,
        %add3A_2303 = arith.constant 32 : i32
        %add3A_2304 = arith.addi %mul3A_2274, %add3A_2303 : i32
        %get3A_2305 = arith.index_cast %add3A_2304 : i32 to index
        %get3A_2306 = tpu.vector_load %arg6[%get3A_2305] {strides = array<i32>} : memref<20480xi32, #tpu.memory_space<vmem>>, vector<16xi32>,
        %get3A_2307 = vector.shape_cast %get3A_2306 : vector<16xi32> to vector<16xi32>
        %mul3A_2308 = arith.constant 2 : i32
        %mul3A_2309 = vector.broadcast %mul3A_2308 : i32 to vector<16xi32>
        %mul3A_2310 = arith.muli %get3A_2307, %mul3A_2309 : vector<16xi32>
        %add3A_2311 = vector.broadcast %arg0 : i32 to vector<16xi32>
        %add3A_2312 = arith.addi %mul3A_2310, %add3A_2311 : vector<16xi32>
        %swap3A_2313 = arith.index_cast %add3A_2304 : i32 to index
        %swap3A_2314 = tpu.vector_load %arg6[%swap3A_2313] {strides = array<i32>} : memref<20480xi32, #tpu.memory_space<vmem>>, vector<16xi32>,
        %swap3A_2315 = vector.shape_cast %swap3A_2314 : vector<16xi32> to vector<16xi32>
        %swap3A_2316 = vector.shape_cast %add3A_2312 : vector<16xi32> to vector<16xi32>
        tpu.vector_store %arg6[%swap3A_2313], %swap3A_2316 {strides = array<i32>} : memref<20480xi32, #tpu.memory_space<vmem>>, vector<16xi32>,
        %add3A_2317 = arith.constant 48 : i32
        %add3A_2318 = arith.addi %mul3A_2274, %add3A_2317 : i32
        %get3A_2319 = arith.index_cast %add3A_2318 : i32 to index
        %get3A_2320 = tpu.vector_load %arg6[%get3A_2319] {strides = array<i32>} : memref<20480xi32, #tpu.memory_space<vmem>>, vector<16xi32>,
        %get3A_2321 = vector.shape_cast %get3A_2320 : vector<16xi32> to vector<16xi32>
        %mul3A_2322 = arith.constant 2 : i32
        %mul3A_2323 = vector.broadcast %mul3A_2322 : i32 to vector<16xi32>
        %mul3A_2324 = arith.muli %get3A_2321, %mul3A_2323 : vector<16xi32>
        %add3A_2325 = vector.broadcast %arg0 : i32 to vector<16xi32>
        %add3A_2326 = arith.addi %mul3A_2324, %add3A_2325 : vector<16xi32>
        %swap3A_2327 = arith.index_cast %add3A_2318 : i32 to index
        %swap3A_2328 = tpu.vector_load %arg6[%swap3A_2327] {strides = array<i32>} : memref<20480xi32, #tpu.memory_space<vmem>>, vector<16xi32>,
        %swap3A_2329 = vector.shape_cast %swap3A_2328 : vector<16xi32> to vector<16xi32>
        %swap3A_2330 = vector.shape_cast %add3A_2326 : vector<16xi32> to vector<16xi32>
        tpu.vector_store %arg6[%swap3A_2327], %swap3A_2330 {strides = array<i32>} : memref<20480xi32, #tpu.memory_space<vmem>>, vector<16xi32>,
        %add3A_2331 = arith.constant 6 : i32
        %add3A_2332 = arith.addi %mul3A_2063, %add3A_2331 : i32
        %add3A_2333 = arith.constant 8 : i32
        %add3A_2334 = arith.addi %add3A_2332, %add3A_2333 : i32
        %mul3A_2335 = arith.constant 64 : i32
        %mul3A_2336 = arith.muli %add3A_2334, %mul3A_2335 : i32
        %dma_start3A_2337 = tpu.memref_slice %arg6[%mul3A_2336] : memref<20480xi32, #tpu.memory_space<vmem>> -> memref<64xi32, #tpu.memory_space<vmem>>
        %dma_start3A_2338 = arith.constant 0 : i32
        %dma_start3A_2339 = arith.constant 0 : i32
        %dma_start3A_2340 = tpu.memref_slice %arg2[%dma_start3A_2338, %dma_start3A_2339] : memref<20000x64xf32, #tpu.memory_space<hbm>> -> memref<20000x64xf32, #tpu.memory_space<hbm>>
        tpu.enqueue_indirect_dma source(%dma_start3A_2340 : memref<20000x64xf32, #tpu.memory_space<hbm>>) target(%arg14 : memref<64x64xf32, #tpu.memory_space<vmem>>) offsets(%dma_start3A_2337 : memref<64xi32, #tpu.memory_space<vmem>>) semaphore(%arg24 : memref<!tpu.dma_semaphore, #tpu.memory_space<semaphore_mem>>)
      } else {
      }
      %add3A_2252 = arith.constant 7 : i32
      %add3A_2253 = arith.addi %mul3A_2063, %add3A_2252 : i32
      %add3A_2254 = arith.constant 8 : i32
      %add3A_2255 = arith.addi %add3A_2253, %add3A_2254 : i32
      %lt3A_2256 = arith.constant 320 : i32
      %lt3A_2257 = arith.cmpi slt, %add3A_2255, %lt3A_2256 : i32
      %convert_element_type3A_2258 = arith.extui %lt3A_2257 : i1 to i32
      %cond3A_2259 = arith.constant 0 : i32
      %cond3A_2260 = arith.cmpi ne, %convert_element_type3A_2258, %cond3A_2259 : i32
      scf.if %cond3A_2260 {
        %add3A_2261 = arith.constant 7 : i32
        %add3A_2262 = arith.addi %mul3A_2063, %add3A_2261 : i32
        %dma_wait3A_2263 = arith.constant 0 : i32
        %dma_wait3A_2264 = tpu.memref_slice %arg7[%add3A_2262, %dma_wait3A_2263] : memref<320x64xi32, #tpu.memory_space<vmem>> -> memref<1x64xi32, #tpu.memory_space<vmem>>
        %dma_wait3A_2265 = tpu.memref_squeeze %dma_wait3A_2264 : memref<1x64xi32, #tpu.memory_space<vmem>> -> memref<64xi32, #tpu.memory_space<vmem>>
        %dma_wait3A_2266 = arith.constant 0 : i32
        %dma_wait3A_2267 = arith.constant 0 : i32
        %dma_wait3A_2268 = tpu.memref_slice %arg17[%dma_wait3A_2266, %dma_wait3A_2267] : memref<10240x64xf32, #tpu.memory_space<vmem_shared>> -> memref<10240x64xf32, #tpu.memory_space<vmem_shared>>
        tpu.wait_indirect_dma semaphore(%arg33 : memref<!tpu.dma_semaphore, #tpu.memory_space<semaphore_mem>>) src(%arg15 : memref<64x64xf32, #tpu.memory_space<vmem>>) dst(%dma_wait3A_2268 : memref<10240x64xf32, #tpu.memory_space<vmem_shared>>)
        %add3A_2269 = arith.constant 7 : i32
        %add3A_2270 = arith.addi %mul3A_2063, %add3A_2269 : i32
        %add3A_2271 = arith.constant 8 : i32
        %add3A_2272 = arith.addi %add3A_2270, %add3A_2271 : i32
        %mul3A_2273 = arith.constant 64 : i32
        %mul3A_2274 = arith.muli %add3A_2272, %mul3A_2273 : i32
        %add3A_2275 = arith.constant 0 : i32
        %add3A_2276 = arith.addi %mul3A_2274, %add3A_2275 : i32
        %get3A_2277 = arith.index_cast %add3A_2276 : i32 to index
        %get3A_2278 = tpu.vector_load %arg6[%get3A_2277] {strides = array<i32>} : memref<20480xi32, #tpu.memory_space<vmem>>, vector<16xi32>,
        %get3A_2279 = vector.shape_cast %get3A_2278 : vector<16xi32> to vector<16xi32>
        %mul3A_2280 = arith.constant 2 : i32
        %mul3A_2281 = vector.broadcast %mul3A_2280 : i32 to vector<16xi32>
        %mul3A_2282 = arith.muli %get3A_2279, %mul3A_2281 : vector<16xi32>
        %add3A_2283 = vector.broadcast %arg0 : i32 to vector<16xi32>
        %add3A_2284 = arith.addi %mul3A_2282, %add3A_2283 : vector<16xi32>
        %swap3A_2285 = arith.index_cast %add3A_2276 : i32 to index
        %swap3A_2286 = tpu.vector_load %arg6[%swap3A_2285] {strides = array<i32>} : memref<20480xi32, #tpu.memory_space<vmem>>, vector<16xi32>,
        %swap3A_2287 = vector.shape_cast %swap3A_2286 : vector<16xi32> to vector<16xi32>
        %swap3A_2288 = vector.shape_cast %add3A_2284 : vector<16xi32> to vector<16xi32>
        tpu.vector_store %arg6[%swap3A_2285], %swap3A_2288 {strides = array<i32>} : memref<20480xi32, #tpu.memory_space<vmem>>, vector<16xi32>,
        %add3A_2289 = arith.constant 16 : i32
        %add3A_2290 = arith.addi %mul3A_2274, %add3A_2289 : i32
        %get3A_2291 = arith.index_cast %add3A_2290 : i32 to index
        %get3A_2292 = tpu.vector_load %arg6[%get3A_2291] {strides = array<i32>} : memref<20480xi32, #tpu.memory_space<vmem>>, vector<16xi32>,
        %get3A_2293 = vector.shape_cast %get3A_2292 : vector<16xi32> to vector<16xi32>
        %mul3A_2294 = arith.constant 2 : i32
        %mul3A_2295 = vector.broadcast %mul3A_2294 : i32 to vector<16xi32>
        %mul3A_2296 = arith.muli %get3A_2293, %mul3A_2295 : vector<16xi32>
        %add3A_2297 = vector.broadcast %arg0 : i32 to vector<16xi32>
        %add3A_2298 = arith.addi %mul3A_2296, %add3A_2297 : vector<16xi32>
        %swap3A_2299 = arith.index_cast %add3A_2290 : i32 to index
        %swap3A_2300 = tpu.vector_load %arg6[%swap3A_2299] {strides = array<i32>} : memref<20480xi32, #tpu.memory_space<vmem>>, vector<16xi32>,
        %swap3A_2301 = vector.shape_cast %swap3A_2300 : vector<16xi32> to vector<16xi32>
        %swap3A_2302 = vector.shape_cast %add3A_2298 : vector<16xi32> to vector<16xi32>
        tpu.vector_store %arg6[%swap3A_2299], %swap3A_2302 {strides = array<i32>} : memref<20480xi32, #tpu.memory_space<vmem>>, vector<16xi32>,
        %add3A_2303 = arith.constant 32 : i32
        %add3A_2304 = arith.addi %mul3A_2274, %add3A_2303 : i32
        %get3A_2305 = arith.index_cast %add3A_2304 : i32 to index
        %get3A_2306 = tpu.vector_load %arg6[%get3A_2305] {strides = array<i32>} : memref<20480xi32, #tpu.memory_space<vmem>>, vector<16xi32>,
        %get3A_2307 = vector.shape_cast %get3A_2306 : vector<16xi32> to vector<16xi32>
        %mul3A_2308 = arith.constant 2 : i32
        %mul3A_2309 = vector.broadcast %mul3A_2308 : i32 to vector<16xi32>
        %mul3A_2310 = arith.muli %get3A_2307, %mul3A_2309 : vector<16xi32>
        %add3A_2311 = vector.broadcast %arg0 : i32 to vector<16xi32>
        %add3A_2312 = arith.addi %mul3A_2310, %add3A_2311 : vector<16xi32>
        %swap3A_2313 = arith.index_cast %add3A_2304 : i32 to index
        %swap3A_2314 = tpu.vector_load %arg6[%swap3A_2313] {strides = array<i32>} : memref<20480xi32, #tpu.memory_space<vmem>>, vector<16xi32>,
        %swap3A_2315 = vector.shape_cast %swap3A_2314 : vector<16xi32> to vector<16xi32>
        %swap3A_2316 = vector.shape_cast %add3A_2312 : vector<16xi32> to vector<16xi32>
        tpu.vector_store %arg6[%swap3A_2313], %swap3A_2316 {strides = array<i32>} : memref<20480xi32, #tpu.memory_space<vmem>>, vector<16xi32>,
        %add3A_2317 = arith.constant 48 : i32
        %add3A_2318 = arith.addi %mul3A_2274, %add3A_2317 : i32
        %get3A_2319 = arith.index_cast %add3A_2318 : i32 to index
        %get3A_2320 = tpu.vector_load %arg6[%get3A_2319] {strides = array<i32>} : memref<20480xi32, #tpu.memory_space<vmem>>, vector<16xi32>,
        %get3A_2321 = vector.shape_cast %get3A_2320 : vector<16xi32> to vector<16xi32>
        %mul3A_2322 = arith.constant 2 : i32
        %mul3A_2323 = vector.broadcast %mul3A_2322 : i32 to vector<16xi32>
        %mul3A_2324 = arith.muli %get3A_2321, %mul3A_2323 : vector<16xi32>
        %add3A_2325 = vector.broadcast %arg0 : i32 to vector<16xi32>
        %add3A_2326 = arith.addi %mul3A_2324, %add3A_2325 : vector<16xi32>
        %swap3A_2327 = arith.index_cast %add3A_2318 : i32 to index
        %swap3A_2328 = tpu.vector_load %arg6[%swap3A_2327] {strides = array<i32>} : memref<20480xi32, #tpu.memory_space<vmem>>, vector<16xi32>,
        %swap3A_2329 = vector.shape_cast %swap3A_2328 : vector<16xi32> to vector<16xi32>
        %swap3A_2330 = vector.shape_cast %add3A_2326 : vector<16xi32> to vector<16xi32>
        tpu.vector_store %arg6[%swap3A_2327], %swap3A_2330 {strides = array<i32>} : memref<20480xi32, #tpu.memory_space<vmem>>, vector<16xi32>,
        %add3A_2331 = arith.constant 7 : i32
        %add3A_2332 = arith.addi %mul3A_2063, %add3A_2331 : i32
        %add3A_2333 = arith.constant 8 : i32
        %add3A_2334 = arith.addi %add3A_2332, %add3A_2333 : i32
        %mul3A_2335 = arith.constant 64 : i32
        %mul3A_2336 = arith.muli %add3A_2334, %mul3A_2335 : i32
        %dma_start3A_2337 = tpu.memref_slice %arg6[%mul3A_2336] : memref<20480xi32, #tpu.memory_space<vmem>> -> memref<64xi32, #tpu.memory_space<vmem>>
        %dma_start3A_2338 = arith.constant 0 : i32
        %dma_start3A_2339 = arith.constant 0 : i32
        %dma_start3A_2340 = tpu.memref_slice %arg2[%dma_start3A_2338, %dma_start3A_2339] : memref<20000x64xf32, #tpu.memory_space<hbm>> -> memref<20000x64xf32, #tpu.memory_space<hbm>>
        tpu.enqueue_indirect_dma source(%dma_start3A_2340 : memref<20000x64xf32, #tpu.memory_space<hbm>>) target(%arg15 : memref<64x64xf32, #tpu.memory_space<vmem>>) offsets(%dma_start3A_2337 : memref<64xi32, #tpu.memory_space<vmem>>) semaphore(%arg25 : memref<!tpu.dma_semaphore, #tpu.memory_space<semaphore_mem>>)
      } else {
      }
    }
    %scan3A_2000 = arith.constant 40 : i32
    %dma_wait3A = arith.constant 312 : i32
    %dma_wait3A_2001 = arith.constant 0 : i32
    %dma_wait3A_2002 = tpu.memref_slice %arg7[%dma_wait3A, %dma_wait3A_2001] : memref<320x64xi32, #tpu.memory_space<vmem>> -> memref<1x64xi32, #tpu.memory_space<vmem>>
    %dma_wait3A_2003 = tpu.memref_squeeze %dma_wait3A_2002 : memref<1x64xi32, #tpu.memory_space<vmem>> -> memref<64xi32, #tpu.memory_space<vmem>>
    %dma_wait3A_2004 = arith.constant 0 : i32
    %dma_wait3A_2005 = arith.constant 0 : i32
    %dma_wait3A_2006 = tpu.memref_slice %arg17[%dma_wait3A_2004, %dma_wait3A_2005] : memref<10240x64xf32, #tpu.memory_space<vmem_shared>> -> memref<10240x64xf32, #tpu.memory_space<vmem_shared>>
    tpu.wait_indirect_dma semaphore(%arg26 : memref<!tpu.dma_semaphore, #tpu.memory_space<semaphore_mem>>) src(%arg8 : memref<64x64xf32, #tpu.memory_space<vmem>>) dst(%dma_wait3A_2006 : memref<10240x64xf32, #tpu.memory_space<vmem_shared>>)
    %dma_wait3A_2007 = arith.constant 313 : i32
    %dma_wait3A_2008 = arith.constant 0 : i32
    %dma_wait3A_2009 = tpu.memref_slice %arg7[%dma_wait3A_2007, %dma_wait3A_2008] : memref<320x64xi32, #tpu.memory_space<vmem>> -> memref<1x64xi32, #tpu.memory_space<vmem>>
    %dma_wait3A_2010 = tpu.memref_squeeze %dma_wait3A_2009 : memref<1x64xi32, #tpu.memory_space<vmem>> -> memref<64xi32, #tpu.memory_space<vmem>>
    %dma_wait3A_2011 = arith.constant 0 : i32
    %dma_wait3A_2012 = arith.constant 0 : i32
    %dma_wait3A_2013 = tpu.memref_slice %arg17[%dma_wait3A_2011, %dma_wait3A_2012] : memref<10240x64xf32, #tpu.memory_space<vmem_shared>> -> memref<10240x64xf32, #tpu.memory_space<vmem_shared>>
    tpu.wait_indirect_dma semaphore(%arg27 : memref<!tpu.dma_semaphore, #tpu.memory_space<semaphore_mem>>) src(%arg9 : memref<64x64xf32, #tpu.memory_space<vmem>>) dst(%dma_wait3A_2013 : memref<10240x64xf32, #tpu.memory_space<vmem_shared>>)
    %dma_wait3A_2014 = arith.constant 314 : i32
    %dma_wait3A_2015 = arith.constant 0 : i32
    %dma_wait3A_2016 = tpu.memref_slice %arg7[%dma_wait3A_2014, %dma_wait3A_2015] : memref<320x64xi32, #tpu.memory_space<vmem>> -> memref<1x64xi32, #tpu.memory_space<vmem>>
    %dma_wait3A_2017 = tpu.memref_squeeze %dma_wait3A_2016 : memref<1x64xi32, #tpu.memory_space<vmem>> -> memref<64xi32, #tpu.memory_space<vmem>>
    %dma_wait3A_2018 = arith.constant 0 : i32
    %dma_wait3A_2019 = arith.constant 0 : i32
    %dma_wait3A_2020 = tpu.memref_slice %arg17[%dma_wait3A_2018, %dma_wait3A_2019] : memref<10240x64xf32, #tpu.memory_space<vmem_shared>> -> memref<10240x64xf32, #tpu.memory_space<vmem_shared>>
    tpu.wait_indirect_dma semaphore(%arg28 : memref<!tpu.dma_semaphore, #tpu.memory_space<semaphore_mem>>) src(%arg10 : memref<64x64xf32, #tpu.memory_space<vmem>>) dst(%dma_wait3A_2020 : memref<10240x64xf32, #tpu.memory_space<vmem_shared>>)
    %dma_wait3A_2021 = arith.constant 315 : i32
    %dma_wait3A_2022 = arith.constant 0 : i32
    %dma_wait3A_2023 = tpu.memref_slice %arg7[%dma_wait3A_2021, %dma_wait3A_2022] : memref<320x64xi32, #tpu.memory_space<vmem>> -> memref<1x64xi32, #tpu.memory_space<vmem>>
    %dma_wait3A_2024 = tpu.memref_squeeze %dma_wait3A_2023 : memref<1x64xi32, #tpu.memory_space<vmem>> -> memref<64xi32, #tpu.memory_space<vmem>>
    %dma_wait3A_2025 = arith.constant 0 : i32
    %dma_wait3A_2026 = arith.constant 0 : i32
    %dma_wait3A_2027 = tpu.memref_slice %arg17[%dma_wait3A_2025, %dma_wait3A_2026] : memref<10240x64xf32, #tpu.memory_space<vmem_shared>> -> memref<10240x64xf32, #tpu.memory_space<vmem_shared>>
    tpu.wait_indirect_dma semaphore(%arg29 : memref<!tpu.dma_semaphore, #tpu.memory_space<semaphore_mem>>) src(%arg11 : memref<64x64xf32, #tpu.memory_space<vmem>>) dst(%dma_wait3A_2027 : memref<10240x64xf32, #tpu.memory_space<vmem_shared>>)
    %dma_wait3A_2028 = arith.constant 316 : i32
    %dma_wait3A_2029 = arith.constant 0 : i32
    %dma_wait3A_2030 = tpu.memref_slice %arg7[%dma_wait3A_2028, %dma_wait3A_2029] : memref<320x64xi32, #tpu.memory_space<vmem>> -> memref<1x64xi32, #tpu.memory_space<vmem>>
    %dma_wait3A_2031 = tpu.memref_squeeze %dma_wait3A_2030 : memref<1x64xi32, #tpu.memory_space<vmem>> -> memref<64xi32, #tpu.memory_space<vmem>>
    %dma_wait3A_2032 = arith.constant 0 : i32
    %dma_wait3A_2033 = arith.constant 0 : i32
    %dma_wait3A_2034 = tpu.memref_slice %arg17[%dma_wait3A_2032, %dma_wait3A_2033] : memref<10240x64xf32, #tpu.memory_space<vmem_shared>> -> memref<10240x64xf32, #tpu.memory_space<vmem_shared>>
    tpu.wait_indirect_dma semaphore(%arg30 : memref<!tpu.dma_semaphore, #tpu.memory_space<semaphore_mem>>) src(%arg12 : memref<64x64xf32, #tpu.memory_space<vmem>>) dst(%dma_wait3A_2034 : memref<10240x64xf32, #tpu.memory_space<vmem_shared>>)
    %dma_wait3A_2035 = arith.constant 317 : i32
    %dma_wait3A_2036 = arith.constant 0 : i32
    %dma_wait3A_2037 = tpu.memref_slice %arg7[%dma_wait3A_2035, %dma_wait3A_2036] : memref<320x64xi32, #tpu.memory_space<vmem>> -> memref<1x64xi32, #tpu.memory_space<vmem>>
    %dma_wait3A_2038 = tpu.memref_squeeze %dma_wait3A_2037 : memref<1x64xi32, #tpu.memory_space<vmem>> -> memref<64xi32, #tpu.memory_space<vmem>>
    %dma_wait3A_2039 = arith.constant 0 : i32
    %dma_wait3A_2040 = arith.constant 0 : i32
    %dma_wait3A_2041 = tpu.memref_slice %arg17[%dma_wait3A_2039, %dma_wait3A_2040] : memref<10240x64xf32, #tpu.memory_space<vmem_shared>> -> memref<10240x64xf32, #tpu.memory_space<vmem_shared>>
    tpu.wait_indirect_dma semaphore(%arg31 : memref<!tpu.dma_semaphore, #tpu.memory_space<semaphore_mem>>) src(%arg13 : memref<64x64xf32, #tpu.memory_space<vmem>>) dst(%dma_wait3A_2041 : memref<10240x64xf32, #tpu.memory_space<vmem_shared>>)
    %dma_wait3A_2042 = arith.constant 318 : i32
    %dma_wait3A_2043 = arith.constant 0 : i32
    %dma_wait3A_2044 = tpu.memref_slice %arg7[%dma_wait3A_2042, %dma_wait3A_2043] : memref<320x64xi32, #tpu.memory_space<vmem>> -> memref<1x64xi32, #tpu.memory_space<vmem>>
    %dma_wait3A_2045 = tpu.memref_squeeze %dma_wait3A_2044 : memref<1x64xi32, #tpu.memory_space<vmem>> -> memref<64xi32, #tpu.memory_space<vmem>>
    %dma_wait3A_2046 = arith.constant 0 : i32
    %dma_wait3A_2047 = arith.constant 0 : i32
    %dma_wait3A_2048 = tpu.memref_slice %arg17[%dma_wait3A_2046, %dma_wait3A_2047] : memref<10240x64xf32, #tpu.memory_space<vmem_shared>> -> memref<10240x64xf32, #tpu.memory_space<vmem_shared>>
    tpu.wait_indirect_dma semaphore(%arg32 : memref<!tpu.dma_semaphore, #tpu.memory_space<semaphore_mem>>) src(%arg14 : memref<64x64xf32, #tpu.memory_space<vmem>>) dst(%dma_wait3A_2048 : memref<10240x64xf32, #tpu.memory_space<vmem_shared>>)
    %dma_wait3A_2049 = arith.constant 319 : i32
    %dma_wait3A_2050 = arith.constant 0 : i32
    %dma_wait3A_2051 = tpu.memref_slice %arg7[%dma_wait3A_2049, %dma_wait3A_2050] : memref<320x64xi32, #tpu.memory_space<vmem>> -> memref<1x64xi32, #tpu.memory_space<vmem>>
    %dma_wait3A_2052 = tpu.memref_squeeze %dma_wait3A_2051 : memref<1x64xi32, #tpu.memory_space<vmem>> -> memref<64xi32, #tpu.memory_space<vmem>>
    %dma_wait3A_2053 = arith.constant 0 : i32
    %dma_wait3A_2054 = arith.constant 0 : i32
    %dma_wait3A_2055 = tpu.memref_slice %arg17[%dma_wait3A_2053, %dma_wait3A_2054] : memref<10240x64xf32, #tpu.memory_space<vmem_shared>> -> memref<10240x64xf32, #tpu.memory_space<vmem_shared>>
    tpu.wait_indirect_dma semaphore(%arg33 : memref<!tpu.dma_semaphore, #tpu.memory_space<semaphore_mem>>) src(%arg15 : memref<64x64xf32, #tpu.memory_space<vmem>>) dst(%dma_wait3A_2055 : memref<10240x64xf32, #tpu.memory_space<vmem_shared>>)
    %barrier3A_2056 = arith.constant 0 : index
    tpu.barrier barrier_id(%barrier3A_2056)
    %mul3A_2057 = arith.constant 640 : i32
    %mul3A_2058 = arith.muli %arg1, %mul3A_2057 : i32
    %mul3A_2059 = arith.constant 640 : i32
    %mul3A_2060 = arith.muli %arg1, %mul3A_2059 : i32
    "tpu.region"() ({
      %run_scoped3A = tpu.sem_alloc : memref<!tpu.dma_semaphore, #tpu.memory_space<semaphore_mem>>
      %dma_start3A_2061 = arith.constant 0 : i32
      %dma_start3A_2062 = tpu.memref_slice %arg5[%arg0, %mul3A_2060, %dma_start3A_2061] : memref<2x10240x64xf32, #tpu.memory_space<hbm>> -> memref<1x640x64xf32, #tpu.memory_space<hbm>>
      %dma_start3A_2063 = tpu.memref_squeeze %dma_start3A_2062 : memref<1x640x64xf32, #tpu.memory_space<hbm>> -> memref<640x64xf32, #tpu.memory_space<hbm>>
      %dma_start3A_2064 = arith.constant 0 : i32
      %dma_start3A_2065 = tpu.memref_slice %arg17[%mul3A_2058, %dma_start3A_2064] : memref<10240x64xf32, #tpu.memory_space<vmem_shared>> -> memref<640x64xf32, #tpu.memory_space<vmem_shared>>
      tpu.enqueue_dma source(%dma_start3A_2065 : memref<640x64xf32, #tpu.memory_space<vmem_shared>>) target(%dma_start3A_2063 : memref<640x64xf32, #tpu.memory_space<hbm>>) target_semaphore(%run_scoped3A : memref<!tpu.dma_semaphore, #tpu.memory_space<semaphore_mem>>)
      %dma_wait3A_2066 = arith.constant 0 : i32
      %dma_wait3A_2067 = tpu.memref_slice %arg5[%arg0, %mul3A_2060, %dma_wait3A_2066] : memref<2x10240x64xf32, #tpu.memory_space<hbm>> -> memref<1x640x64xf32, #tpu.memory_space<hbm>>
      %dma_wait3A_2068 = tpu.memref_squeeze %dma_wait3A_2067 : memref<1x640x64xf32, #tpu.memory_space<hbm>> -> memref<640x64xf32, #tpu.memory_space<hbm>>
      %dma_wait3A_2069 = arith.constant 0 : i32
      %dma_wait3A_2070 = tpu.memref_slice %arg17[%mul3A_2058, %dma_wait3A_2069] : memref<10240x64xf32, #tpu.memory_space<vmem_shared>> -> memref<640x64xf32, #tpu.memory_space<vmem_shared>>
      tpu.wait_dma2 semaphore(%run_scoped3A : memref<!tpu.dma_semaphore, #tpu.memory_space<semaphore_mem>>) src(%dma_wait3A_2070 : memref<640x64xf32, #tpu.memory_space<vmem_shared>>) dst(%dma_wait3A_2068 : memref<640x64xf32, #tpu.memory_space<hbm>>)
      tpu.yield
    }) : () -> ()
    return
  }
}

module attributes {stable_mosaic.version = 14 : i64} {
  func.func @body(%arg0: i32, %arg1: memref<2x2000x64xf32, #tpu.memory_space<vmem>>, %arg2: memref<128x128xf32, #tpu.memory_space<vmem>>, %arg3: memref<2000x128xf32, #tpu.memory_space<vmem>>) attributes {dimension_semantics = [#tpu.dimension_semantics<arbitrary>], iteration_bounds = array<i64: 5>, scalar_prefetch = 0 : i64, scratch_operands = 0 : i64, tpu.core_type = #tpu.core_type<tc>, window_params = [{transform_indices = @transform_0, window_bounds = array<i64: 2, 2000, 64>}, {pipeline_mode = #tpu.pipeline_mode<synchronous>, transform_indices = @transform_1, window_bounds = array<i64: 128, 128>}, {transform_indices = @transform_2, window_bounds = array<i64: 2000, 128>}]} {
    %get3A = arith.constant 0 : index
    %get3A_0 = arith.constant 0 : index
    %get3A_1 = arith.constant 0 : index
    %get3A_2 = vector.load %arg1[%get3A, %get3A_0, %get3A_1] : memref<2x2000x64xf32, #tpu.memory_space<vmem>>, vector<1x2000x64xf32>
    %get3A_3 = vector.shape_cast %get3A_2 : vector<1x2000x64xf32> to vector<2000x64xf32>
    %get3A_4 = arith.constant 1 : index
    %get3A_5 = arith.constant 0 : index
    %get3A_6 = arith.constant 0 : index
    %get3A_7 = vector.load %arg1[%get3A_4, %get3A_5, %get3A_6] : memref<2x2000x64xf32, #tpu.memory_space<vmem>>, vector<1x2000x64xf32>
    %get3A_8 = vector.shape_cast %get3A_7 : vector<1x2000x64xf32> to vector<2000x64xf32>
    %concatenate3A = tpu.concatenate %get3A_3, %get3A_8 in 1 : vector<2000x64xf32>, vector<2000x64xf32> -> vector<2000x128xf32>
    %get3A_9 = arith.constant 0 : index
    %get3A_10 = arith.constant 0 : index
    %get3A_11 = vector.load %arg2[%get3A_9, %get3A_10] : memref<128x128xf32, #tpu.memory_space<vmem>>, vector<128x128xf32>
    %dot_general3A = arith.constant dense<0.000000e+00> : vector<2000x128xf32>
    %dot_general3A_12 = tpu.matmul %concatenate3A, %get3A_11, %dot_general3A {dimension_numbers = #tpu.dot_dimension_numbers<[1], [1], [0], [0], [0, 0, 1, 0], [], []>, precision = #tpu.contract_precision<fp32>, transpose_lhs_hint = false} : vector<2000x128xf32>, vector<128x128xf32>, vector<2000x128xf32> -> vector<2000x128xf32>
    %max3A = arith.constant 0.000000e+00 : f32
    %max3A_13 = vector.broadcast %max3A : f32 to vector<2000x128xf32>
    %max3A_14 = arith.maximumf %dot_general3A_12, %max3A_13 : vector<2000x128xf32>
    %swap3A = arith.constant 0 : index
    %swap3A_15 = arith.constant 0 : index
    %swap3A_16 = vector.load %arg3[%swap3A, %swap3A_15] : memref<2000x128xf32, #tpu.memory_space<vmem>>, vector<2000x128xf32>
    tpu.vector_store %arg3[%swap3A, %swap3A_15], %max3A_14 {strides = array<i32>} : memref<2000x128xf32, #tpu.memory_space<vmem>>, vector<2000x128xf32>,
    return
  }
  func.func @transform_0(%arg0: i32) -> (i32, i32, i32) {
    %c0_i32 = arith.constant 0 : i32
    %c0_i32_0 = arith.constant 0 : i32
    %c0_i32_1 = arith.constant 0 : i32
    return %c0_i32, %arg0, %c0_i32_0 : i32, i32, i32
  }
  func.func @transform_1(%arg0: i32) -> (i32, i32) {
    %c0_i32 = arith.constant 0 : i32
    %c0_i32_0 = arith.constant 0 : i32
    %c0_i32_1 = arith.constant 0 : i32
    return %c0_i32, %c0_i32_0 : i32, i32
  }
  func.func @transform_2(%arg0: i32) -> (i32, i32) {
    %c0_i32 = arith.constant 0 : i32
    %c0_i32_0 = arith.constant 0 : i32
    return %arg0, %c0_i32 : i32, i32
  }
}

</mosaic_0001>

<sc_bundles>
// kernel: kernel.4.cloned.1.call-start
scs
__scs_entry_jumppad:
0x0: {  	(pc) =	sbr.rel $0x88, $3  }
0x1: {  	(tag) =	ssettag $0x0;
	lr =	simm.s32 $0x1  }
0x2: {  	[smem:$0x3F9E] =	sst lr;
	_ =	strace $0xD0000000  }
0x3: {  	_ = 	snop  }
0x4: {  	_ = 	snop  }
0x5: {  	_ = 	snop  }
0x6: {  	_ = 	snop  }
0x7: {  	_ = 	snop  }
__scs_overlays_trampoline_lowered:
0x8: {  	[smem:$0x3FAD] =	sst s0  }
0x9: {  	[smem:$0x3FAE] =	sst s1  }
0xa: {  	[smem:$0x3FAF] =	sst s2  }
0xb: {  	[smem:$0x3FB0] =	sst s3  }
0xc: {  	[smem:$0x3FB1] =	sst s4  }
0xd: {  	[smem:$0x3FB2] =	sst s5  }
0xe: {  	[smem:$0x3FB3] =	sst s6  }
0xf: {  	[smem:$0x3FB4] =	sst s7  }
0x10: {  	[smem:$0x3FB5] =	sst s8  }
0x11: {  	[smem:$0x3FB6] =	sst s9;
	s0 =	simm.s32 @!p0 $0x0  }
0x12: {  	s1 =	sld [smem:$0x3F9C];
	s0 =	simm.s32 @p0 $0x1  }
0x13: {  	[smem:$0x3FB7] =	sst s0;
	s0 =	simm.s32 @!p1 $0x0  }
0x14: {  	s2 =	sld [smem:$0x3F9B];
	s0 =	simm.s32 @p1 $0x1  }
0x15: {  	[smem:$0x3FB8] =	sst s0;
	s0 =	simm.s32 @!p2 $0x0  }
0x16: {  	s3 =	sld [smem:$0x3FDB];
	s0 =	simm.s32 @p2 $0x1  }
0x17: {  	s4 =	simm.s32 $0x1BF5;
	[smem:$0x3FBA] =	sst s0  }
0x18: {  	s0 =	sld [smem:$0x3F9D];
	_ =	swait.ge [sflag:s4], $0x0  }
0x19: {  	s7 =	sld [smem:$0x3F9E]  }
0x1a: {  	s8 =	sadd.s32 $0xFFFFE003, lr  }
0x1b: {  	s9 =	sadd.s32 $0xFFFFFEF7, lr;
	s5 =	simm.s32 $0xFFFFFFFF;
	p2 =	slt.u32 s8, $0xFFFFF086  }
0x1c: {  	p1 =	slt.u32 s9, $0xF7A;
	s5 =	simm.s32 @!p2 $0x0  }
0x1d: {  	s5 =	simm.s32 @p1 $0x1;
	p0 =	seq.s32 s7, s2  }
0x1e: {  	s7 =	smul.u32 @!p0 $0xF7A, s2;
	p2 =	seq.s32 @!p0 s5, $0x0  }
0x1f: {  	s9 =	smul.u32 $0xF7A, s1;
	s8 =	simm.s32 @!p0 $0x1BF5;
	p2 =	por !p2, p0  }
0x20: {  	[sflag:s8] =	ssyncset.s32 @!p0 $0xFFFFF086;
	s6 =	sadd.s32 @!p0 s3, s7;
	s7 =	simm.s32 @!p0 $0x108  }
0x21: {  	s3 =	sadd.s32 s3, s9;
	s6 =	sadd.s32 @!p0 $0x88, s6;
	s7 =	simm.s32 @p2 $0x1082  }
0x22: {  	[simem:s7], [sflag:s8] =	dma.local @!p0 [hbm:s6], $0xF7A  }
0x23: {  	s9 =	sor.u32 $0xD0000000, s2;
	s6 =	simm.s32 $0x108;
	_ =	swait.ge @!p0 [sflag:s8], $0x0  }
0x24: {  	s3 =	sadd.s32 $0x88, s3;
	s6 =	simm.s32 @!p1 $0x1082;
	[sflag:s4] =	ssyncset.s32 $0xFFFFF086  }
0x25: {  	[simem:s6], [sflag:s4] =	dma.local [hbm:s3], $0xF7A  }
0x26: {  	[smem:$0x3F9E] =	sst s1;
	(tag) =	ssettag s2;
	_ =	strace s9  }
0x27: {  	s1 =	sld [smem:$0x3FAE]  }
0x28: {  	s2 =	sld [smem:$0x3FAF]  }
0x29: {  	s4 =	sld [smem:$0x3FB1]  }
0x2a: {  	p0 =	seq.s32 s5, $0x0;
	s5 =	sld [smem:$0x3FB2]  }
0x2b: {  	s6 =	sld [smem:$0x3FB3]  }
0x2c: {  	s7 =	sld [smem:$0x3FB4]  }
0x2d: {  	s3 =	simm.s32 $0x108;
	s8 =	sld [smem:$0x3FB5]  }
0x2e: {  	s3 =	simm.s32 @!p0 $0x1082;
	s9 =	sld [smem:$0x3FB6]  }
0x2f: {  	lr =	sadd.s32 s0, s3;
	s0 =	sld [smem:$0x3FAD]  }
0x30: {  	s3 =	sld [smem:$0x3FB0]  }
0x31: {  	[smem:$0x3FB9] =	sst s10  }
0x32: {  	s10 =	sld [smem:$0x3FB7];
	_ =	sdelay $0x3  }
0x33: {  	p0 =	seq.s32 s10, $0x1;
	s10 =	sld [smem:$0x3FB9];
	_ =	sdelay $0x3  }
0x34: {  	[smem:$0x3FB9] =	sst s10  }
0x35: {  	s10 =	sld [smem:$0x3FB8];
	_ =	sdelay $0x3  }
0x36: {  	p1 =	seq.s32 s10, $0x1;
	s10 =	sld [smem:$0x3FB9];
	_ =	sdelay $0x3  }
0x37: {  	[smem:$0x3FB9] =	sst s10  }
0x38: {  	s10 =	sld [smem:$0x3FBA]  }
0x39: {  	_ = 	snop;
	(pc) =	sbr.ind lr, $3  }
0x3a: {  	_ = 	snop  }
0x3b: {  	_ = 	snop  }
0x3c: {  	p2 =	seq.s32 s10, $0x1;
	s10 =	sld [smem:$0x3FB9]  }
0x3d: {  	_ =	shalt  }
0x3e: {  	_ =	shalt  }
0x3f: {  	_ =	shalt  }
0x40: {  	_ =	shalt  }
0x41: {  	_ =	shalt  }
0x42: {  	_ =	shalt  }
0x43: {  	_ =	shalt  }
0x44: {  	_ =	shalt  }
0x45: {  	_ =	shalt  }
0x46: {  	_ =	shalt  }
0x47: {  	_ =	shalt  }
0x48: {  	_ =	shalt  }
0x49: {  	_ =	shalt  }
0x4a: {  	_ =	shalt  }
0x4b: {  	_ =	shalt  }
0x4c: {  	_ =	shalt  }
0x4d: {  	_ =	shalt  }
0x4e: {  	_ =	shalt  }
0x4f: {  	_ =	shalt  }
0x50: {  	_ =	shalt  }
0x51: {  	_ =	shalt  }
0x52: {  	_ =	shalt  }
0x53: {  	_ =	shalt  }
0x54: {  	_ =	shalt  }
0x55: {  	_ =	shalt  }
0x56: {  	_ =	shalt  }
0x57: {  	_ =	shalt  }
0x58: {  	_ =	shalt  }
0x59: {  	_ =	shalt  }
0x5a: {  	_ =	shalt  }
0x5b: {  	_ =	shalt  }
0x5c: {  	_ =	shalt  }
0x5d: {  	_ =	shalt  }
0x5e: {  	_ =	shalt  }
0x5f: {  	_ =	shalt  }
0x60: {  	_ =	shalt  }
0x61: {  	_ =	shalt  }
0x62: {  	_ =	shalt  }
0x63: {  	_ =	shalt  }
0x64: {  	_ =	shalt  }
0x65: {  	_ =	shalt  }
0x66: {  	_ =	shalt  }
0x67: {  	_ =	shalt  }
0x68: {  	_ =	shalt  }
0x69: {  	_ =	shalt  }
0x6a: {  	_ =	shalt  }
0x6b: {  	_ =	shalt  }
0x6c: {  	_ =	shalt  }
0x6d: {  	_ =	shalt  }
0x6e: {  	_ =	shalt  }
0x6f: {  	_ =	shalt  }
0x70: {  	_ =	shalt  }
0x71: {  	_ =	shalt  }
0x72: {  	_ =	shalt  }
0x73: {  	_ =	shalt  }
0x74: {  	_ =	shalt  }
0x75: {  	_ =	shalt  }
0x76: {  	_ =	shalt  }
0x77: {  	_ =	shalt  }
0x78: {  	_ =	shalt  }
0x79: {  	_ =	shalt  }
0x7a: {  	_ =	shalt  }
0x7b: {  	_ =	shalt  }
0x7c: {  	_ =	shalt  }
0x7d: {  	_ =	shalt  }
0x7e: {  	_ =	shalt  }
0x7f: {  	_ =	shalt  }
0x80: {  	_ =	shalt  }
0x81: {  	_ =	shalt  }
0x82: {  	_ =	shalt  }
0x83: {  	_ =	shalt  }
0x84: {  	_ =	shalt  }
0x85: {  	_ =	shalt  }
0x86: {  	_ =	shalt  }
0x87: {  	_ =	shalt  }
.Lfunc_end0:
.L_simem_size_0:
called_computation_lowered:
.L_overlay_start_0:
0x88: {  	s2 =	sld [smem:$0x3FD9]  }
0x89: {  	s3 =	sld [smem:$0x3FFE];
	_ =	sdelay $0x1  }
0x8a: {  	s1 =	srdreg.scid  }
0x8b: {  	s0 =	sand.u32 $0x1, s1  }
0x8c: {  	s17 =	sshll.u32 s0, $0xA;
	s2 =	sadd.s32 s3, s2  }
0x8d: {  	s2 =	sadd.s32 s2, s17  }
0x8e: {  	[smem:$0x3FC5] =	sst s2  }
0x8f: {  	_ = 	snop  }
0x90: {  	s2 =	sld [smem:$0x3FC9]  }
0x91: {  	s18 =	sld [smem:$0x3FD0];
	(tm) =	ssettm $0x1  }
0x92: {  	s4 =	sld [smem:$0x3FFB];
	_ =	sdelay $0x3  }
0x93: {  	_ =	strace s4  }
0x94: {  	s4 =	sld [smem:$0x3FFC];
	_ =	sdelay $0x3  }
0x95: {  	_ =	strace s4  }
0x96: {  	s4 =	sld [smem:$0x3FFD];
	_ =	sdelay $0x3  }
0x97: {  	_ =	strace s4  }
0x98: {  	_ =	strace $0x8FFFFFFF  }
0x99: {  	s19 =	sld [smem:$0x3FDB];
	_ =	sdelay $0x1  }
0x9a: {  	s5 =	simm.s32 $_scs_section_size  }
0x9b: {  	s6 =	simm.s32 $_size__tile_overlayer_lowered;
	s7 =	simm.s32 $_tile_overlayer_lowered  }
0x9c: {  	s22 =	simm.s32 $0x1BFF;
	s21 =	sshll.u32 s7, $0x1;
	s4 =	sadd.s32 s5, s19  }
0x9d: {  	s8 =	simm.s32 $0x0;
	s20 =	sshll.u32 s6, $0x1;
	s6 =	sadd.s32 s21, s4  }
0x9e: {  	[timem:s8], [sflag:s22] =	dma.local [hbm:s6], s20  }
0x9f: {  	_ =	swait.ge [sflag:s22], s20  }
0xa0: {  	s5 =	ssub.s32 $0x0, s20;
	[sflag:s22] =	ssyncset.done $0x0  }
0xa1: {  	[sflag:s22] =	ssyncadd.s32 s5;
	_ =	sdelay $0x1  }
0xa2: {  	s23 =	simm.s32 $0x1B8B  }
0xa3: {  	_ =	swait.ge [sflag:s23], $0x1  }
0xa4: {  	[sflag:s23] =	ssyncset.done $0x0  }
0xa5: {  	s25 =	simm.s32 $0x1B8E;
	s24 =	sld [smem:$0x3FFE];
	[sflag:s23] =	ssyncadd.s32 $0xFFFFFFFF  }
0xa6: {  	s26 =	simm.s32 $execute0_lowered;
	[smem:$0x3FD2] =	sst s25  }
0xa7: {  	s6 =	sshll.u32 s26, $0x1;
	_ =	strace $0x80000046;
	[dreg:$0x1] =	wrdreg $0xFFFFFFFF  }
0xa8: {  	s28 =	simm.s32 $_size_execute0_lowered;
	s4 =	sadd.s32 s4, s6;
	[dreg:$0x0] =	wrdreg $0x0  }
0xa9: {  	s6 =	sshll.u32 s28, $0x1;
	[dreg:$0x2] =	wrdreg s4  }
0xaa: {  	[dreg:$0x3] =	wrdreg s6  }
0xab: {  	[dreg:$0x4] =	wrdreg $0xC0  }
0xac: {  	_ =	task [dreg:s8], $0x5FFFF  }
0xad: {  	[dreg:$0x1] =	wrdreg $0xFFFFFFFF  }
0xae: {  	[dreg:$0x0] =	wrdreg $0x60  }
0xaf: {  	[dreg:$0x2] =	wrdreg s2  }
0xb0: {  	[dreg:$0x3] =	wrdreg s18  }
0xb1: {  	[dreg:$0x4] =	wrdreg s24  }
0xb2: {  	[dreg:$0x5] =	wrdreg $0x130000  }
0xb3: {  	[dreg:$0x6] =	wrdreg $0x9  }
0xb4: {  	_ =	task.clear_ibuf [dreg:s8], $0x7FFFF;
	_ =	strace $0x90000046  }
0xb5: {  	s29 =	simm.s32 $0x9;
	_ =	strace $0x80000048  }
0xb6: {  	_ =	swait.ge [sflag:s29], $0x1  }
0xb7: {  	[sflag:s29] =	ssyncadd.s32 $0xFFFFFFFF  }
0xb8: {  	_ =	strace $0x90000048  }
0xb9: {  	_ =	sfence  }
0xba: {  	s30 =	sld [smem:$0x0];
	_ =	sdelay $0x2  }
0xbb: {  	s31 =	sshll.u32 s1, $0xD;
	s1 =	sshrl.u32 s1, $0x2  }
0xbc: {  	s3 =	sand.u32 $0x4000, s31;
	s1 =	sadd.s32 s1, s30  }
0xbd: {  	s0 =	sor.u32 s3, s0;
	s1 =	sshll.u32 s1, $0x11  }
0xbe: {  	s0 =	sor.u32 s1, s0  }
0xbf: {  	s0 =	sadd.s32 $0x8F2B, s0  }
0xc0: {  	[sflag:s0] =	ssyncadd.remote.s32 $0x1  }
0xc1: {  	_ =	sfence.sel $0xFFFF  }
0xc2: {  	[dreg:$0x0] =	wrdreg $0xFFFFFFFF;
	(pc) =	sbr.abs _section_cstart, $3  }
0xc3: {  	[dreg:$0x1] =	wrdreg $0xFFFFFFFF  }
0xc4: {  	_ =	task.clear_ibuf [dreg:s8], $0x2FFFF;
	_ =	strace $0x9FFFFFFF  }
0xc5: {  	(tm) =	ssettm $0x7FFFFFFF  }
tec
execute0_lowered:
.L_overlay_start_1:
0x0: {  	(tag) =	ssettag $0x1  }
0x1: {  	s1 =	rddreg [dreg:$0x0]  }
0x2: {  	s0 =	rddreg [dreg:$0x1]  }
0x3: {  	s2 =	rddreg [dreg:$0x2];
	s4 =	srdreg.scid  }
0x4: {  	s9 =	stileid.u32;
	s3 =	rddreg [dreg:$0x3]  }
0x5: {  	s7 =	simm.s32 $0x0;
	s29 =	simm.s32 $0xD000;
	s31 =	simm.s32 $0xE000  }
0x6: {  	s28 =	simm.s32 $0x10000;
	s30 =	simm.s32 $0x2;
	s5 =	smul.u32 $0xA000, s9  }
0x7: {  	s11 =	simm.s32 $0x9;
	s12 =	simm.s32 $0xA;
	s14 =	smul.u32 $0x28000, s9  }
0x8: {  	s13 =	simm.s32 $0xB;
	s4 =	sand.u32 $0x1, s4;
	s9 =	smul.u32 $0xA00, s9  }
0x9: {  	[smem:$0x7FF] =	sst s7;
	s6 =	smul.u32 $0xA0000, s4;
	s8 =	ssub.s32 $0x2, s4  }
0xa: {  	_ =	strace $0x80000047;
	s10 =	sshrl.u32 s8, $0x1;
	s7 =	sshrl.u32 s14, $0x2  }
0xb: {  	s0 =	sadd.s32 s0, s9;
	s16 =	sadd.s32 s5, s3;
	s14 =	simm.s32 $0xC  }
0xc: {  	s6 =	sadd.s32 s5, s6;
	[dreg:$0x5] =	wrdreg s0;
	s15 =	sadd.s32 s7, s3  }
0xd: {  	s8 =	ssub.s32 s8, s10;
	[dreg:$0x7] =	wrdreg s16;
	s17 =	sadd.s32 $0x1000, s15  }
0xe: {  	s5 =	simm.s32 $0x4;
	s18 =	sadd.s32 $0x2000, s15;
	[dreg:$0x8] =	wrdreg s17  }
0xf: {  	s10 =	simm.s32 $0x8;
	s19 =	sadd.s32 $0x3000, s15;
	[dreg:$0x9] =	wrdreg s18  }
0x10: {  	s16 =	simm.s32 $0xE;
	s20 =	sadd.s32 $0x4000, s15;
	[dreg:$0xa] =	wrdreg s19  }
0x11: {  	s7 =	simm.s32 $0x0;
	s21 =	sadd.s32 $0x5000, s15;
	[dreg:$0xb] =	wrdreg s20  }
0x12: {  	s6 =	sshrl.u32 s6, $0x3;
	s22 =	sadd.s32 $0x6000, s15;
	[dreg:$0xc] =	wrdreg s21  }
0x13: {  	s23 =	sadd.s32 $0x7000, s15;
	s24 =	sadd.s32 $0x8000, s15;
	[dreg:$0xd] =	wrdreg s22  }
0x14: {  	s0 =	sadd.s32 $0x9000, s15;
	s26 =	smax.u32 s8, $0x1;
	[dreg:$0xe] =	wrdreg s23  }
0x15: {  	s8 =	simm.s32 $0x6;
	s15 =	simm.s32 $0xD;
	[dreg:$0xf] =	wrdreg s24  }
0x16: {  	s6 =	sadd.s32 s6, s2;
	s2 =	sadd.s32 s2, s9;
	[dreg:$0x10] =	wrdreg s0  }
0x17: {  	[dreg:$0x12] =	wrdreg s26;
	s19 =	simm.s32 $0x11;
	s22 =	simm.s32 $0x40  }
.Ltmp0:
0x18: {  	s23 =	simm.s32 $0xA000;
	s24 =	simm.s32 $0xB000;
	(pc) =	sbr.rel .LBB2_1-.Ltmp0, $4  }
0x19: {  	s26 =	simm.s32 $0xC000;
	s20 =	simm.s32 $0xF000;
	s0 =	simm.s32 $0x3  }
0x1a: {  	s9 =	simm.s32 $0x7;
	s17 =	simm.s32 $0xF;
	s18 =	simm.s32 $0x10  }
0x1b: {  	[dreg:$0x6] =	wrdreg s2;
	s25 =	sadd.s32 $0xA000, s6;
	s2 =	simm.s32 $0x11000  }
0x1c: {  	v1 =	vimm.f32 $0.0e+00;
	v0 =	vmov s4;
	s6 =	simm.s32 $0x5;
	[dreg:$0x11] =	wrdreg s25;
	s25 =	simm.s32 $0x1  }
.LBB2_4:
0x1d: {  	_ =	swait.ge [sflag:s12], $0x1000  }
0x1e: {  	[sflag:s12] =	ssyncset.done $0x0  }
0x1f: {  	[sflag:s12] =	ssyncadd.s32 $0xFFFFF000  }
0x20: {  	_ =	swait.ge [sflag:s13], $0x1000  }
0x21: {  	[sflag:s13] =	ssyncset.done $0x0  }
0x22: {  	[sflag:s13] =	ssyncadd.s32 $0xFFFFF000  }
0x23: {  	_ =	swait.ge [sflag:s14], $0x1000  }
0x24: {  	[sflag:s14] =	ssyncset.done $0x0  }
0x25: {  	[sflag:s14] =	ssyncadd.s32 $0xFFFFF000  }
0x26: {  	_ =	swait.ge [sflag:s15], $0x1000  }
0x27: {  	[sflag:s15] =	ssyncset.done $0x0  }
0x28: {  	[sflag:s15] =	ssyncadd.s32 $0xFFFFF000  }
0x29: {  	_ =	swait.ge [sflag:s16], $0x1000  }
0x2a: {  	[sflag:s16] =	ssyncset.done $0x0  }
0x2b: {  	[sflag:s16] =	ssyncadd.s32 $0xFFFFF000  }
0x2c: {  	_ =	swait.ge [sflag:s17], $0x1000  }
0x2d: {  	[sflag:s17] =	ssyncset.done $0x0  }
0x2e: {  	[sflag:s17] =	ssyncadd.s32 $0xFFFFF000  }
0x2f: {  	_ =	swait.ge [sflag:s18], $0x1000  }
0x30: {  	[sflag:s18] =	ssyncset.done $0x0  }
0x31: {  	[sflag:s18] =	ssyncadd.s32 $0xFFFFF000  }
0x32: {  	s4 =	stileid.u32;
	[bflag:$0x0] =	sbarrier.arrive $0xFFFF  }
0x33: {  	s4 =	sshll.u32 s4, $0x6;
	s7 =	rddreg [dreg:$0x7]  }
0x34: {  	s4 =	sor.u32 $0x1C11, s4;
	s21 =	rddreg [dreg:$0x11];
	s7 =	sshrl.u32 s7, $0x3  }
0x35: {  	[hbm:s21], [sflag:s4] =	dma.local [spmem:s7], $0x1400  }
0x36: {  	_ =	swait.ge [sflag:s19], $0x1400  }
0x37: {  	s4 =	rddreg [dreg:$0x13]  }
0x38: {  	s21 =	rddreg [dreg:$0x12];
	s7 =	sadd.s32 $0x1, s4  }
0x39: {  	p0 =	sne.s32 s7, s21  }
.Ltmp1:
0x3a: {  	_ = 	snop;
	(pc) =	sbr.rel @!p0 .LBB2_5-.Ltmp1, $3  }
0x3b: {  	_ =	sdelay $0x1  }
0x3c: {  	[sflag:s19] =	ssyncset.done $0x0  }
0x3d: {  	[sflag:s19] =	ssyncadd.s32 $0xFFFFEC00  }
.LBB2_1:
0x3e: {  	[dreg:$0x13] =	wrdreg s7  }
0x3f: {  	s4 =	simm.s32 $0x0;
	s21 =	rddreg [dreg:$0x5]  }
0x40: {  	[tilespmem:s4], [sflag:$0x11] =	stream.linear.gather [hbm4b:s21+s4], $0x5000, $0x38;
	[tilespmem:$0x1D000] =	vst v63  }
0x41: {  	_ =	swait.ge [sflag:s19], $0x5000  }
0x42: {  	[sflag:s19] =	ssyncset.done $0x0  }
0x43: {  	s21 =	simm.s32 $0x5000;
	s7 =	rddreg [dreg:$0x6];
	[sflag:s19] =	ssyncadd.s32 $0xFFFFB000  }
0x44: {  	[tilespmem:s21], [sflag:$0x11] =	stream.linear.gather [hbm4b:s7+s4], $0x5000, $0x38;
	[tilespmem:$0x1D000] =	vst v63  }
0x45: {  	_ =	swait.ge [sflag:s19], $0x5000  }
0x46: {  	[sflag:s19] =	ssyncset.done $0x0  }
0x47: {  	[sflag:s19] =	ssyncadd.s32 $0xFFFFB000  }
0x48: {  	[tilespmem:$0x12000] =	vst v1  }
0x49: {  	[tilespmem:$0x12010] =	vst v1  }
0x4a: {  	[tilespmem:$0x12020] =	vst v1  }
0x4b: {  	[tilespmem:$0x12030] =	vst v1  }
0x4c: {  	[tilespmem:$0x12040] =	vst v1  }
0x4d: {  	[tilespmem:$0x12050] =	vst v1  }
0x4e: {  	[tilespmem:$0x12060] =	vst v1  }
0x4f: {  	[tilespmem:$0x12070] =	vst v1  }
0x50: {  	[tilespmem:$0x12080] =	vst v1  }
0x51: {  	[tilespmem:$0x12090] =	vst v1  }
0x52: {  	[tilespmem:$0x120A0] =	vst v1  }
0x53: {  	[tilespmem:$0x120B0] =	vst v1  }
0x54: {  	[tilespmem:$0x120C0] =	vst v1  }
0x55: {  	[tilespmem:$0x120D0] =	vst v1  }
0x56: {  	[tilespmem:$0x120E0] =	vst v1  }
0x57: {  	[tilespmem:$0x120F0] =	vst v1  }
0x58: {  	[tilespmem:$0x12100] =	vst v1  }
0x59: {  	[tilespmem:$0x12110] =	vst v1  }
0x5a: {  	[tilespmem:$0x12120] =	vst v1  }
0x5b: {  	[tilespmem:$0x12130] =	vst v1  }
0x5c: {  	[tilespmem:$0x12140] =	vst v1  }
0x5d: {  	[tilespmem:$0x12150] =	vst v1  }
0x5e: {  	[tilespmem:$0x12160] =	vst v1  }
0x5f: {  	[tilespmem:$0x12170] =	vst v1  }
0x60: {  	[tilespmem:$0x12180] =	vst v1  }
0x61: {  	[tilespmem:$0x12190] =	vst v1  }
0x62: {  	[tilespmem:$0x121A0] =	vst v1  }
0x63: {  	[tilespmem:$0x121B0] =	vst v1  }
0x64: {  	[tilespmem:$0x121C0] =	vst v1  }
0x65: {  	[tilespmem:$0x121D0] =	vst v1  }
0x66: {  	[tilespmem:$0x121E0] =	vst v1  }
0x67: {  	[tilespmem:$0x121F0] =	vst v1  }
0x68: {  	[tilespmem:$0x12200] =	vst v1  }
0x69: {  	[tilespmem:$0x12210] =	vst v1  }
0x6a: {  	[tilespmem:$0x12220] =	vst v1  }
0x6b: {  	[tilespmem:$0x12230] =	vst v1  }
0x6c: {  	[tilespmem:$0x12240] =	vst v1  }
0x6d: {  	[tilespmem:$0x12250] =	vst v1  }
0x6e: {  	[tilespmem:$0x12260] =	vst v1  }
0x6f: {  	[tilespmem:$0x12270] =	vst v1  }
0x70: {  	[tilespmem:$0x12280] =	vst v1  }
0x71: {  	[tilespmem:$0x12290] =	vst v1  }
0x72: {  	[tilespmem:$0x122A0] =	vst v1  }
0x73: {  	[tilespmem:$0x122B0] =	vst v1  }
0x74: {  	[tilespmem:$0x122C0] =	vst v1  }
0x75: {  	[tilespmem:$0x122D0] =	vst v1  }
0x76: {  	[tilespmem:$0x122E0] =	vst v1  }
0x77: {  	[tilespmem:$0x122F0] =	vst v1  }
0x78: {  	[tilespmem:$0x12300] =	vst v1  }
0x79: {  	[tilespmem:$0x12310] =	vst v1  }
0x7a: {  	[tilespmem:$0x12320] =	vst v1  }
0x7b: {  	[tilespmem:$0x12330] =	vst v1  }
0x7c: {  	[tilespmem:$0x12340] =	vst v1  }
0x7d: {  	[tilespmem:$0x12350] =	vst v1  }
0x7e: {  	[tilespmem:$0x12360] =	vst v1  }
0x7f: {  	[tilespmem:$0x12370] =	vst v1  }
0x80: {  	[tilespmem:$0x12380] =	vst v1  }
0x81: {  	[tilespmem:$0x12390] =	vst v1  }
0x82: {  	[tilespmem:$0x123A0] =	vst v1  }
0x83: {  	[tilespmem:$0x123B0] =	vst v1  }
0x84: {  	[tilespmem:$0x123C0] =	vst v1  }
0x85: {  	[tilespmem:$0x123D0] =	vst v1  }
0x86: {  	[tilespmem:$0x123E0] =	vst v1  }
0x87: {  	[tilespmem:$0x123F0] =	vst v1  }
0x88: {  	[tilespmem:$0x12400] =	vst v1  }
0x89: {  	[tilespmem:$0x12410] =	vst v1  }
0x8a: {  	[tilespmem:$0x12420] =	vst v1  }
0x8b: {  	[tilespmem:$0x12430] =	vst v1  }
0x8c: {  	[tilespmem:$0x12440] =	vst v1  }
0x8d: {  	[tilespmem:$0x12450] =	vst v1  }
0x8e: {  	[tilespmem:$0x12460] =	vst v1  }
0x8f: {  	[tilespmem:$0x12470] =	vst v1  }
0x90: {  	[tilespmem:$0x12480] =	vst v1  }
0x91: {  	[tilespmem:$0x12490] =	vst v1  }
0x92: {  	[tilespmem:$0x124A0] =	vst v1  }
0x93: {  	[tilespmem:$0x124B0] =	vst v1  }
0x94: {  	[tilespmem:$0x124C0] =	vst v1  }
0x95: {  	[tilespmem:$0x124D0] =	vst v1  }
0x96: {  	[tilespmem:$0x124E0] =	vst v1  }
0x97: {  	[tilespmem:$0x124F0] =	vst v1  }
0x98: {  	[tilespmem:$0x12500] =	vst v1  }
0x99: {  	[tilespmem:$0x12510] =	vst v1  }
0x9a: {  	[tilespmem:$0x12520] =	vst v1  }
0x9b: {  	[tilespmem:$0x12530] =	vst v1  }
0x9c: {  	[tilespmem:$0x12540] =	vst v1  }
0x9d: {  	[tilespmem:$0x12550] =	vst v1  }
0x9e: {  	[tilespmem:$0x12560] =	vst v1  }
0x9f: {  	[tilespmem:$0x12570] =	vst v1  }
0xa0: {  	[tilespmem:$0x12580] =	vst v1  }
0xa1: {  	[tilespmem:$0x12590] =	vst v1  }
0xa2: {  	[tilespmem:$0x125A0] =	vst v1  }
0xa3: {  	[tilespmem:$0x125B0] =	vst v1  }
0xa4: {  	[tilespmem:$0x125C0] =	vst v1  }
0xa5: {  	[tilespmem:$0x125D0] =	vst v1  }
0xa6: {  	[tilespmem:$0x125E0] =	vst v1  }
0xa7: {  	[tilespmem:$0x125F0] =	vst v1  }
0xa8: {  	[tilespmem:$0x12600] =	vst v1  }
0xa9: {  	[tilespmem:$0x12610] =	vst v1  }
0xaa: {  	[tilespmem:$0x12620] =	vst v1  }
0xab: {  	[tilespmem:$0x12630] =	vst v1  }
0xac: {  	[tilespmem:$0x12640] =	vst v1  }
0xad: {  	[tilespmem:$0x12650] =	vst v1  }
0xae: {  	[tilespmem:$0x12660] =	vst v1  }
0xaf: {  	[tilespmem:$0x12670] =	vst v1  }
0xb0: {  	[tilespmem:$0x12680] =	vst v1  }
0xb1: {  	[tilespmem:$0x12690] =	vst v1  }
0xb2: {  	[tilespmem:$0x126A0] =	vst v1  }
0xb3: {  	[tilespmem:$0x126B0] =	vst v1  }
0xb4: {  	[tilespmem:$0x126C0] =	vst v1  }
0xb5: {  	[tilespmem:$0x126D0] =	vst v1  }
0xb6: {  	[tilespmem:$0x126E0] =	vst v1  }
0xb7: {  	[tilespmem:$0x126F0] =	vst v1  }
0xb8: {  	[tilespmem:$0x12700] =	vst v1  }
0xb9: {  	[tilespmem:$0x12710] =	vst v1  }
0xba: {  	[tilespmem:$0x12720] =	vst v1  }
0xbb: {  	[tilespmem:$0x12730] =	vst v1  }
0xbc: {  	[tilespmem:$0x12740] =	vst v1  }
0xbd: {  	[tilespmem:$0x12750] =	vst v1  }
0xbe: {  	[tilespmem:$0x12760] =	vst v1  }
0xbf: {  	[tilespmem:$0x12770] =	vst v1  }
0xc0: {  	[tilespmem:$0x12780] =	vst v1  }
0xc1: {  	[tilespmem:$0x12790] =	vst v1  }
0xc2: {  	[tilespmem:$0x127A0] =	vst v1  }
0xc3: {  	[tilespmem:$0x127B0] =	vst v1  }
0xc4: {  	[tilespmem:$0x127C0] =	vst v1  }
0xc5: {  	[tilespmem:$0x127D0] =	vst v1  }
0xc6: {  	[tilespmem:$0x127E0] =	vst v1  }
0xc7: {  	[tilespmem:$0x127F0] =	vst v1  }
0xc8: {  	[tilespmem:$0x12800] =	vst v1  }
0xc9: {  	[tilespmem:$0x12810] =	vst v1  }
0xca: {  	[tilespmem:$0x12820] =	vst v1  }
0xcb: {  	[tilespmem:$0x12830] =	vst v1  }
0xcc: {  	[tilespmem:$0x12840] =	vst v1  }
0xcd: {  	[tilespmem:$0x12850] =	vst v1  }
0xce: {  	[tilespmem:$0x12860] =	vst v1  }
0xcf: {  	[tilespmem:$0x12870] =	vst v1  }
0xd0: {  	[tilespmem:$0x12880] =	vst v1  }
0xd1: {  	[tilespmem:$0x12890] =	vst v1  }
0xd2: {  	[tilespmem:$0x128A0] =	vst v1  }
0xd3: {  	[tilespmem:$0x128B0] =	vst v1  }
0xd4: {  	[tilespmem:$0x128C0] =	vst v1  }
0xd5: {  	[tilespmem:$0x128D0] =	vst v1  }
0xd6: {  	[tilespmem:$0x128E0] =	vst v1  }
0xd7: {  	[tilespmem:$0x128F0] =	vst v1  }
0xd8: {  	[tilespmem:$0x12900] =	vst v1  }
0xd9: {  	[tilespmem:$0x12910] =	vst v1  }
0xda: {  	[tilespmem:$0x12920] =	vst v1  }
0xdb: {  	[tilespmem:$0x12930] =	vst v1  }
0xdc: {  	[tilespmem:$0x12940] =	vst v1  }
0xdd: {  	[tilespmem:$0x12950] =	vst v1  }
0xde: {  	[tilespmem:$0x12960] =	vst v1  }
0xdf: {  	[tilespmem:$0x12970] =	vst v1  }
0xe0: {  	[tilespmem:$0x12980] =	vst v1  }
0xe1: {  	[tilespmem:$0x12990] =	vst v1  }
0xe2: {  	[tilespmem:$0x129A0] =	vst v1  }
0xe3: {  	[tilespmem:$0x129B0] =	vst v1  }
0xe4: {  	[tilespmem:$0x129C0] =	vst v1  }
0xe5: {  	[tilespmem:$0x129D0] =	vst v1  }
0xe6: {  	[tilespmem:$0x129E0] =	vst v1  }
0xe7: {  	[tilespmem:$0x129F0] =	vst v1  }
0xe8: {  	[tilespmem:$0x12A00] =	vst v1  }
0xe9: {  	[tilespmem:$0x12A10] =	vst v1  }
0xea: {  	[tilespmem:$0x12A20] =	vst v1  }
0xeb: {  	[tilespmem:$0x12A30] =	vst v1  }
0xec: {  	[tilespmem:$0x12A40] =	vst v1  }
0xed: {  	[tilespmem:$0x12A50] =	vst v1  }
0xee: {  	[tilespmem:$0x12A60] =	vst v1  }
0xef: {  	[tilespmem:$0x12A70] =	vst v1  }
0xf0: {  	[tilespmem:$0x12A80] =	vst v1  }
0xf1: {  	[tilespmem:$0x12A90] =	vst v1  }
0xf2: {  	[tilespmem:$0x12AA0] =	vst v1  }
0xf3: {  	[tilespmem:$0x12AB0] =	vst v1  }
0xf4: {  	[tilespmem:$0x12AC0] =	vst v1  }
0xf5: {  	[tilespmem:$0x12AD0] =	vst v1  }
0xf6: {  	[tilespmem:$0x12AE0] =	vst v1  }
0xf7: {  	[tilespmem:$0x12AF0] =	vst v1  }
0xf8: {  	[tilespmem:$0x12B00] =	vst v1  }
0xf9: {  	[tilespmem:$0x12B10] =	vst v1  }
0xfa: {  	[tilespmem:$0x12B20] =	vst v1  }
0xfb: {  	[tilespmem:$0x12B30] =	vst v1  }
0xfc: {  	[tilespmem:$0x12B40] =	vst v1  }
0xfd: {  	[tilespmem:$0x12B50] =	vst v1  }
0xfe: {  	[tilespmem:$0x12B60] =	vst v1  }
0xff: {  	[tilespmem:$0x12B70] =	vst v1  }
0x100: {  	[tilespmem:$0x12B80] =	vst v1  }
0x101: {  	[tilespmem:$0x12B90] =	vst v1  }
0x102: {  	[tilespmem:$0x12BA0] =	vst v1  }
0x103: {  	[tilespmem:$0x12BB0] =	vst v1  }
0x104: {  	[tilespmem:$0x12BC0] =	vst v1  }
0x105: {  	[tilespmem:$0x12BD0] =	vst v1  }
0x106: {  	[tilespmem:$0x12BE0] =	vst v1  }
0x107: {  	[tilespmem:$0x12BF0] =	vst v1  }
0x108: {  	[tilespmem:$0x12C00] =	vst v1  }
0x109: {  	[tilespmem:$0x12C10] =	vst v1  }
0x10a: {  	[tilespmem:$0x12C20] =	vst v1  }
0x10b: {  	[tilespmem:$0x12C30] =	vst v1  }
0x10c: {  	[tilespmem:$0x12C40] =	vst v1  }
0x10d: {  	[tilespmem:$0x12C50] =	vst v1  }
0x10e: {  	[tilespmem:$0x12C60] =	vst v1  }
0x10f: {  	[tilespmem:$0x12C70] =	vst v1  }
0x110: {  	[tilespmem:$0x12C80] =	vst v1  }
0x111: {  	[tilespmem:$0x12C90] =	vst v1  }
0x112: {  	[tilespmem:$0x12CA0] =	vst v1  }
0x113: {  	[tilespmem:$0x12CB0] =	vst v1  }
0x114: {  	[tilespmem:$0x12CC0] =	vst v1  }
0x115: {  	[tilespmem:$0x12CD0] =	vst v1  }
0x116: {  	[tilespmem:$0x12CE0] =	vst v1  }
0x117: {  	[tilespmem:$0x12CF0] =	vst v1  }
0x118: {  	[tilespmem:$0x12D00] =	vst v1  }
0x119: {  	[tilespmem:$0x12D10] =	vst v1  }
0x11a: {  	[tilespmem:$0x12D20] =	vst v1  }
0x11b: {  	[tilespmem:$0x12D30] =	vst v1  }
0x11c: {  	[tilespmem:$0x12D40] =	vst v1  }
0x11d: {  	[tilespmem:$0x12D50] =	vst v1  }
0x11e: {  	[tilespmem:$0x12D60] =	vst v1  }
0x11f: {  	[tilespmem:$0x12D70] =	vst v1  }
0x120: {  	[tilespmem:$0x12D80] =	vst v1  }
0x121: {  	[tilespmem:$0x12D90] =	vst v1  }
0x122: {  	[tilespmem:$0x12DA0] =	vst v1  }
0x123: {  	[tilespmem:$0x12DB0] =	vst v1  }
0x124: {  	[tilespmem:$0x12DC0] =	vst v1  }
0x125: {  	[tilespmem:$0x12DD0] =	vst v1  }
0x126: {  	[tilespmem:$0x12DE0] =	vst v1  }
0x127: {  	[tilespmem:$0x12DF0] =	vst v1  }
0x128: {  	[tilespmem:$0x12E00] =	vst v1  }
0x129: {  	[tilespmem:$0x12E10] =	vst v1  }
0x12a: {  	[tilespmem:$0x12E20] =	vst v1  }
0x12b: {  	[tilespmem:$0x12E30] =	vst v1  }
0x12c: {  	[tilespmem:$0x12E40] =	vst v1  }
0x12d: {  	[tilespmem:$0x12E50] =	vst v1  }
0x12e: {  	[tilespmem:$0x12E60] =	vst v1  }
0x12f: {  	[tilespmem:$0x12E70] =	vst v1  }
0x130: {  	[tilespmem:$0x12E80] =	vst v1  }
0x131: {  	[tilespmem:$0x12E90] =	vst v1  }
0x132: {  	[tilespmem:$0x12EA0] =	vst v1  }
0x133: {  	[tilespmem:$0x12EB0] =	vst v1  }
0x134: {  	[tilespmem:$0x12EC0] =	vst v1  }
0x135: {  	[tilespmem:$0x12ED0] =	vst v1  }
0x136: {  	[tilespmem:$0x12EE0] =	vst v1  }
0x137: {  	[tilespmem:$0x12EF0] =	vst v1  }
0x138: {  	[tilespmem:$0x12F00] =	vst v1  }
0x139: {  	[tilespmem:$0x12F10] =	vst v1  }
0x13a: {  	[tilespmem:$0x12F20] =	vst v1  }
0x13b: {  	[tilespmem:$0x12F30] =	vst v1  }
0x13c: {  	[tilespmem:$0x12F40] =	vst v1  }
0x13d: {  	[tilespmem:$0x12F50] =	vst v1  }
0x13e: {  	[tilespmem:$0x12F60] =	vst v1  }
0x13f: {  	[tilespmem:$0x12F70] =	vst v1  }
0x140: {  	[tilespmem:$0x12F80] =	vst v1  }
0x141: {  	[tilespmem:$0x12F90] =	vst v1  }
0x142: {  	[tilespmem:$0x12FA0] =	vst v1  }
0x143: {  	[tilespmem:$0x12FB0] =	vst v1  }
0x144: {  	[tilespmem:$0x12FC0] =	vst v1  }
0x145: {  	[tilespmem:$0x12FD0] =	vst v1  }
0x146: {  	[tilespmem:$0x12FF0] =	vst v1  }
0x147: {  	s21 =	simm.s32 $0x12000;
	s7 =	rddreg [dreg:$0x7];
	[tilespmem:$0x12FE0] =	vst v1  }
0x148: {  	[spmem:s7] =	stream.linear.scatter [tilespmem:s21], [sflag:$0x11], $0x1000, $0x38;
	[tilespmem:$0x1D000] =	vst v63  }
0x149: {  	_ =	swait.ge [sflag:s19], $0x1000  }
0x14a: {  	[sflag:s19] =	ssyncset.done $0x0  }
0x14b: {  	s7 =	rddreg [dreg:$0x8];
	[sflag:s19] =	ssyncadd.s32 $0xFFFFF000  }
0x14c: {  	[spmem:s7] =	stream.linear.scatter [tilespmem:s21], [sflag:$0x11], $0x1000, $0x38;
	[tilespmem:$0x1D000] =	vst v63  }
0x14d: {  	_ =	swait.ge [sflag:s19], $0x1000  }
0x14e: {  	[sflag:s19] =	ssyncset.done $0x0  }
0x14f: {  	s7 =	rddreg [dreg:$0x9];
	[sflag:s19] =	ssyncadd.s32 $0xFFFFF000  }
0x150: {  	[spmem:s7] =	stream.linear.scatter [tilespmem:s21], [sflag:$0x11], $0x1000, $0x38;
	[tilespmem:$0x1D000] =	vst v63  }
0x151: {  	_ =	swait.ge [sflag:s19], $0x1000  }
0x152: {  	[sflag:s19] =	ssyncset.done $0x0  }
0x153: {  	s7 =	rddreg [dreg:$0xa];
	[sflag:s19] =	ssyncadd.s32 $0xFFFFF000  }
0x154: {  	[spmem:s7] =	stream.linear.scatter [tilespmem:s21], [sflag:$0x11], $0x1000, $0x38;
	[tilespmem:$0x1D000] =	vst v63  }
0x155: {  	_ =	swait.ge [sflag:s19], $0x1000  }
0x156: {  	[sflag:s19] =	ssyncset.done $0x0  }
0x157: {  	s7 =	rddreg [dreg:$0xb];
	[sflag:s19] =	ssyncadd.s32 $0xFFFFF000  }
0x158: {  	[spmem:s7] =	stream.linear.scatter [tilespmem:s21], [sflag:$0x11], $0x1000, $0x38;
	[tilespmem:$0x1D000] =	vst v63  }
0x159: {  	_ =	swait.ge [sflag:s19], $0x1000  }
0x15a: {  	[sflag:s19] =	ssyncset.done $0x0  }
0x15b: {  	s7 =	rddreg [dreg:$0xc];
	[sflag:s19] =	ssyncadd.s32 $0xFFFFF000  }
0x15c: {  	[spmem:s7] =	stream.linear.scatter [tilespmem:s21], [sflag:$0x11], $0x1000, $0x38;
	[tilespmem:$0x1D000] =	vst v63  }
0x15d: {  	_ =	swait.ge [sflag:s19], $0x1000  }
0x15e: {  	[sflag:s19] =	ssyncset.done $0x0  }
0x15f: {  	s7 =	rddreg [dreg:$0xd];
	[sflag:s19] =	ssyncadd.s32 $0xFFFFF000  }
0x160: {  	[spmem:s7] =	stream.linear.scatter [tilespmem:s21], [sflag:$0x11], $0x1000, $0x38;
	[tilespmem:$0x1D000] =	vst v63  }
0x161: {  	_ =	swait.ge [sflag:s19], $0x1000  }
0x162: {  	[sflag:s19] =	ssyncset.done $0x0  }
0x163: {  	s7 =	rddreg [dreg:$0xe];
	[sflag:s19] =	ssyncadd.s32 $0xFFFFF000  }
0x164: {  	[spmem:s7] =	stream.linear.scatter [tilespmem:s21], [sflag:$0x11], $0x1000, $0x38;
	[tilespmem:$0x1D000] =	vst v63  }
0x165: {  	_ =	swait.ge [sflag:s19], $0x1000  }
0x166: {  	[sflag:s19] =	ssyncset.done $0x0  }
0x167: {  	s7 =	rddreg [dreg:$0xf];
	[sflag:s19] =	ssyncadd.s32 $0xFFFFF000  }
0x168: {  	[spmem:s7] =	stream.linear.scatter [tilespmem:s21], [sflag:$0x11], $0x1000, $0x38;
	[tilespmem:$0x1D000] =	vst v63  }
0x169: {  	_ =	swait.ge [sflag:s19], $0x1000  }
0x16a: {  	[sflag:s19] =	ssyncset.done $0x0  }
0x16b: {  	s7 =	rddreg [dreg:$0x10];
	[sflag:s19] =	ssyncadd.s32 $0xFFFFF000  }
0x16c: {  	[spmem:s7] =	stream.linear.scatter [tilespmem:s21], [sflag:$0x11], $0x1000, $0x38;
	[tilespmem:$0x1D000] =	vst v63  }
0x16d: {  	_ =	swait.ge [sflag:s19], $0x1000  }
0x16e: {  	[sflag:s19] =	ssyncset.done $0x0  }
0x16f: {  	[sflag:s19] =	ssyncadd.s32 $0xFFFFF000  }
0x170: {  	[bflag:$0x0] =	sbarrier.arrive $0xFFFF  }
0x171: {  	v2 =	vld [tilespmem:$0x0]  }
0x172: {  	v3 =	vld [tilespmem:$0x10]  }
0x173: {  	v4 =	vld [tilespmem:$0x20]  }
0x174: {  	v5 =	vld [tilespmem:$0x30];
	_ =	sdelay $0x1  }
0x175: {  	v2 =	vshll.u32 v2, $0x1  }
0x176: {  	v3 =	vshll.u32 v3, $0x1;
	v2 =	vor.u32 v0, v2  }
0x177: {  	[tilespmem:$0x0] =	vst v2;
	v2 =	vor.u32 v0, v3;
	v3 =	vshll.u32 v4, $0x1  }
0x178: {  	[tilespmem:$0x10] =	vst v2;
	v2 =	vor.u32 v0, v3;
	v3 =	vshll.u32 v5, $0x1  }
0x179: {  	[tilespmem:$0x20] =	vst v2;
	v2 =	vor.u32 v0, v3  }
0x17a: {  	[tilespmem:$0x30] =	vst v2  }
0x17b: {  	[tilespmem:s23], [sflag:$0x1] =	stream.indirect.gather [hbm4b:s1+s22], $0x40, s4, s22, $0xb8;
	[tilespmem:$0x1D000] =	vst v63  }
0x17c: {  	v2 =	vld [tilespmem:$0x40]  }
0x17d: {  	v3 =	vld [tilespmem:$0x50]  }
0x17e: {  	v50 =	vld [tilespmem:$0x60]  }
0x17f: {  	v51 =	vld [tilespmem:$0x70];
	_ =	sdelay $0x1  }
0x180: {  	v2 =	vshll.u32 v2, $0x1  }
0x181: {  	v3 =	vshll.u32 v3, $0x1;
	v2 =	vor.u32 v0, v2  }
0x182: {  	[tilespmem:$0x40] =	vst v2;
	v2 =	vor.u32 v0, v3;
	v3 =	vshll.u32 v50, $0x1  }
0x183: {  	[tilespmem:$0x50] =	vst v2;
	v2 =	vor.u32 v0, v3;
	v3 =	vshll.u32 v51, $0x1  }
0x184: {  	[tilespmem:$0x60] =	vst v2;
	v2 =	vor.u32 v0, v3  }
0x185: {  	[tilespmem:$0x70] =	vst v2  }
0x186: {  	[tilespmem:s24], [sflag:$0x2] =	stream.indirect.gather [hbm4b:s1+s22], $0x40, s22, s22, $0xb8;
	[tilespmem:$0x1D000] =	vst v63  }
0x187: {  	v2 =	vld [tilespmem:$0x80]  }
0x188: {  	v3 =	vld [tilespmem:$0x90]  }
0x189: {  	v52 =	vld [tilespmem:$0xA0]  }
0x18a: {  	v53 =	vld [tilespmem:$0xB0];
	_ =	sdelay $0x1  }
0x18b: {  	v2 =	vshll.u32 v2, $0x1  }
0x18c: {  	v3 =	vshll.u32 v3, $0x1;
	v2 =	vor.u32 v0, v2  }
0x18d: {  	[tilespmem:$0x80] =	vst v2;
	v2 =	vor.u32 v0, v3;
	v3 =	vshll.u32 v52, $0x1  }
0x18e: {  	[tilespmem:$0x90] =	vst v2;
	v2 =	vor.u32 v0, v3;
	v3 =	vshll.u32 v53, $0x1  }
0x18f: {  	[tilespmem:$0xA0] =	vst v2;
	v2 =	vor.u32 v0, v3  }
0x190: {  	s7 =	simm.s32 $0x80;
	[tilespmem:$0xB0] =	vst v2  }
0x191: {  	[tilespmem:s26], [sflag:$0x3] =	stream.indirect.gather [hbm4b:s1+s22], $0x40, s7, s22, $0xb8;
	[tilespmem:$0x1D000] =	vst v63  }
0x192: {  	v2 =	vld [tilespmem:$0xC0]  }
0x193: {  	v3 =	vld [tilespmem:$0xD0]  }
0x194: {  	v54 =	vld [tilespmem:$0xE0]  }
0x195: {  	v55 =	vld [tilespmem:$0xF0];
	_ =	sdelay $0x1  }
0x196: {  	v2 =	vshll.u32 v2, $0x1  }
0x197: {  	v3 =	vshll.u32 v3, $0x1;
	v2 =	vor.u32 v0, v2  }
0x198: {  	[tilespmem:$0xC0] =	vst v2;
	v2 =	vor.u32 v0, v3;
	v3 =	vshll.u32 v54, $0x1  }
0x199: {  	[tilespmem:$0xD0] =	vst v2;
	v2 =	vor.u32 v0, v3;
	v3 =	vshll.u32 v55, $0x1  }
0x19a: {  	[tilespmem:$0xE0] =	vst v2;
	v2 =	vor.u32 v0, v3  }
0x19b: {  	s21 =	simm.s32 $0xC0;
	[tilespmem:$0xF0] =	vst v2  }
0x19c: {  	[tilespmem:s29], [sflag:$0x4] =	stream.indirect.gather [hbm4b:s1+s22], $0x40, s21, s22, $0xb8;
	[tilespmem:$0x1D000] =	vst v63  }
0x19d: {  	v2 =	vld [tilespmem:$0x100]  }
0x19e: {  	v3 =	vld [tilespmem:$0x110]  }
0x19f: {  	v56 =	vld [tilespmem:$0x120]  }
0x1a0: {  	v57 =	vld [tilespmem:$0x130];
	_ =	sdelay $0x1  }
0x1a1: {  	v2 =	vshll.u32 v2, $0x1  }
0x1a2: {  	v3 =	vshll.u32 v3, $0x1;
	v2 =	vor.u32 v0, v2  }
0x1a3: {  	[tilespmem:$0x100] =	vst v2;
	v2 =	vor.u32 v0, v3;
	v3 =	vshll.u32 v56, $0x1  }
0x1a4: {  	[tilespmem:$0x110] =	vst v2;
	v2 =	vor.u32 v0, v3;
	v3 =	vshll.u32 v57, $0x1  }
0x1a5: {  	[tilespmem:$0x120] =	vst v2;
	v2 =	vor.u32 v0, v3  }
0x1a6: {  	s7 =	simm.s32 $0x100;
	[tilespmem:$0x130] =	vst v2  }
0x1a7: {  	[tilespmem:s31], [sflag:$0x5] =	stream.indirect.gather [hbm4b:s1+s22], $0x40, s7, s22, $0xb8;
	[tilespmem:$0x1D000] =	vst v63  }
0x1a8: {  	v2 =	vld [tilespmem:$0x140]  }
0x1a9: {  	v3 =	vld [tilespmem:$0x150]  }
0x1aa: {  	v58 =	vld [tilespmem:$0x160]  }
0x1ab: {  	v59 =	vld [tilespmem:$0x170];
	_ =	sdelay $0x1  }
0x1ac: {  	v2 =	vshll.u32 v2, $0x1  }
0x1ad: {  	v3 =	vshll.u32 v3, $0x1;
	v2 =	vor.u32 v0, v2  }
0x1ae: {  	[tilespmem:$0x140] =	vst v2;
	v2 =	vor.u32 v0, v3;
	v3 =	vshll.u32 v58, $0x1  }
0x1af: {  	[tilespmem:$0x150] =	vst v2;
	v2 =	vor.u32 v0, v3;
	v3 =	vshll.u32 v59, $0x1  }
0x1b0: {  	[tilespmem:$0x160] =	vst v2;
	v2 =	vor.u32 v0, v3  }
0x1b1: {  	s21 =	simm.s32 $0x140;
	[tilespmem:$0x170] =	vst v2  }
0x1b2: {  	[tilespmem:s20], [sflag:$0x6] =	stream.indirect.gather [hbm4b:s1+s22], $0x40, s21, s22, $0xb8;
	[tilespmem:$0x1D000] =	vst v63  }
0x1b3: {  	v2 =	vld [tilespmem:$0x180]  }
0x1b4: {  	v3 =	vld [tilespmem:$0x190]  }
0x1b5: {  	v60 =	vld [tilespmem:$0x1A0]  }
0x1b6: {  	v61 =	vld [tilespmem:$0x1B0];
	_ =	sdelay $0x1  }
0x1b7: {  	v2 =	vshll.u32 v2, $0x1  }
0x1b8: {  	v3 =	vshll.u32 v3, $0x1;
	v2 =	vor.u32 v0, v2  }
0x1b9: {  	[tilespmem:$0x180] =	vst v2;
	v2 =	vor.u32 v0, v3;
	v3 =	vshll.u32 v60, $0x1  }
0x1ba: {  	[tilespmem:$0x190] =	vst v2;
	v2 =	vor.u32 v0, v3;
	v3 =	vshll.u32 v61, $0x1  }
0x1bb: {  	[tilespmem:$0x1A0] =	vst v2;
	v2 =	vor.u32 v0, v3  }
0x1bc: {  	s7 =	simm.s32 $0x180;
	[tilespmem:$0x1B0] =	vst v2  }
0x1bd: {  	[tilespmem:s28], [sflag:$0x7] =	stream.indirect.gather [hbm4b:s1+s22], $0x40, s7, s22, $0xb8;
	[tilespmem:$0x1D000] =	vst v63  }
0x1be: {  	v2 =	vld [tilespmem:$0x1C0]  }
0x1bf: {  	v3 =	vld [tilespmem:$0x1D0]  }
0x1c0: {  	v62 =	vld [tilespmem:$0x1E0]  }
0x1c1: {  	v63 =	vld [tilespmem:$0x1F0];
	_ =	sdelay $0x1  }
0x1c2: {  	v2 =	vshll.u32 v2, $0x1  }
0x1c3: {  	v3 =	vshll.u32 v3, $0x1;
	v2 =	vor.u32 v0, v2  }
0x1c4: {  	[tilespmem:$0x1C0] =	vst v2;
	v2 =	vor.u32 v0, v3;
	v3 =	vshll.u32 v62, $0x1  }
0x1c5: {  	[tilespmem:$0x1D0] =	vst v2;
	v2 =	vor.u32 v0, v3;
	v3 =	vshll.u32 v63, $0x1  }
0x1c6: {  	[tilespmem:$0x1E0] =	vst v2;
	v2 =	vor.u32 v0, v3  }
0x1c7: {  	s21 =	simm.s32 $0x1C0;
	s7 =	simm.s32 $0x0;
	[tilespmem:$0x1F0] =	vst v2  }
0x1c8: {  	[tilespmem:s2], [sflag:$0x8] =	stream.indirect.gather [hbm4b:s1+s22], $0x40, s21, s22, $0xb8;
	[tilespmem:$0x1D000] =	vst v63  }
.LBB2_2:
0x1c9: {  	_ =	swait.ge [sflag:s25], $0x1000  }
0x1ca: {  	s21 =	sshra.s32 s7, $0x2;
	[sflag:s25] =	ssyncset.done $0x0  }
0x1cb: {  	s4 =	sadd.s32 $0x5000, s21;
	[sflag:s25] =	ssyncadd.s32 $0xFFFFF000  }
0x1cc: {  	[spmem:s3] =	stream.indirect.scatter.add.f32 [tilespmem:s23], [sflag:$0x9], $0x40, s4, s22, $0xb8;
	[tilespmem:$0x1D000] =	vst v63  }
0x1cd: {  	_ =	swait.ge [sflag:s30], $0x1000  }
0x1ce: {  	[sflag:s30] =	ssyncset.done $0x0  }
0x1cf: {  	s4 =	sadd.s32 $0x5040, s21;
	[sflag:s30] =	ssyncadd.s32 $0xFFFFF000  }
0x1d0: {  	[spmem:s3] =	stream.indirect.scatter.add.f32 [tilespmem:s24], [sflag:$0xA], $0x40, s4, s22, $0xb8;
	[tilespmem:$0x1D000] =	vst v63  }
0x1d1: {  	_ =	swait.ge [sflag:s0], $0x1000  }
0x1d2: {  	[sflag:s0] =	ssyncset.done $0x0  }
0x1d3: {  	s4 =	sadd.s32 $0x5080, s21;
	[sflag:s0] =	ssyncadd.s32 $0xFFFFF000  }
0x1d4: {  	[spmem:s3] =	stream.indirect.scatter.add.f32 [tilespmem:s26], [sflag:$0xB], $0x40, s4, s22, $0xb8;
	[tilespmem:$0x1D000] =	vst v63  }
0x1d5: {  	_ =	swait.ge [sflag:s5], $0x1000  }
0x1d6: {  	[sflag:s5] =	ssyncset.done $0x0  }
0x1d7: {  	s4 =	sadd.s32 $0x50C0, s21;
	[sflag:s5] =	ssyncadd.s32 $0xFFFFF000  }
0x1d8: {  	[spmem:s3] =	stream.indirect.scatter.add.f32 [tilespmem:s29], [sflag:$0xC], $0x40, s4, s22, $0xb8;
	[tilespmem:$0x1D000] =	vst v63  }
0x1d9: {  	_ =	swait.ge [sflag:s6], $0x1000  }
0x1da: {  	[sflag:s6] =	ssyncset.done $0x0  }
0x1db: {  	s4 =	sadd.s32 $0x5100, s21;
	[sflag:s6] =	ssyncadd.s32 $0xFFFFF000  }
0x1dc: {  	[spmem:s3] =	stream.indirect.scatter.add.f32 [tilespmem:s31], [sflag:$0xD], $0x40, s4, s22, $0xb8;
	[tilespmem:$0x1D000] =	vst v63  }
0x1dd: {  	_ =	swait.ge [sflag:s8], $0x1000  }
0x1de: {  	[sflag:s8] =	ssyncset.done $0x0  }
0x1df: {  	s4 =	sadd.s32 $0x5140, s21;
	[sflag:s8] =	ssyncadd.s32 $0xFFFFF000  }
0x1e0: {  	[spmem:s3] =	stream.indirect.scatter.add.f32 [tilespmem:s20], [sflag:$0xE], $0x40, s4, s22, $0xb8;
	[tilespmem:$0x1D000] =	vst v63  }
0x1e1: {  	_ =	swait.ge [sflag:s9], $0x1000  }
0x1e2: {  	[sflag:s9] =	ssyncset.done $0x0  }
0x1e3: {  	s4 =	sadd.s32 $0x5180, s21;
	[sflag:s9] =	ssyncadd.s32 $0xFFFFF000  }
0x1e4: {  	[spmem:s3] =	stream.indirect.scatter.add.f32 [tilespmem:s28], [sflag:$0xF], $0x40, s4, s22, $0xb8;
	[tilespmem:$0x1D000] =	vst v63  }
0x1e5: {  	_ =	swait.ge [sflag:s10], $0x1000  }
0x1e6: {  	p0 =	seq.s32 s7, $0x13800;
	[sflag:s10] =	ssyncset.done $0x0  }
.Ltmp2:
0x1e7: {  	s4 =	sadd.s32 $0x51C0, s21;
	[sflag:s10] =	ssyncadd.s32 $0xFFFFF000;
	(pc) =	sbr.rel @p0 .LBB2_4-.Ltmp2, $4  }
0x1e8: {  	[spmem:s3] =	stream.indirect.scatter.add.f32 [tilespmem:s2], [sflag:$0x10], $0x40, s4, s22, $0xb8;
	[tilespmem:$0x1D000] =	vst v63  }
0x1e9: {  	_ =	swait.ge [sflag:s11], $0x1000  }
0x1ea: {  	[sflag:s11] =	ssyncset.done $0x0  }
0x1eb: {  	[sflag:s11] =	ssyncadd.s32 $0xFFFFF000  }
0x1ec: {  	v2 =	vld [tilespmem:s21+$0x200]  }
0x1ed: {  	v3 =	vld [tilespmem:s21+$0x210]  }
0x1ee: {  	v4 =	vld [tilespmem:s21+$0x220]  }
0x1ef: {  	v5 =	vld [tilespmem:s21+$0x230];
	_ =	sdelay $0x1  }
0x1f0: {  	v2 =	vshll.u32 v2, $0x1  }
0x1f1: {  	v3 =	vshll.u32 v3, $0x1;
	v2 =	vor.u32 v0, v2  }
0x1f2: {  	[tilespmem:s21+$0x200] =	vst v2;
	v2 =	vor.u32 v0, v3;
	v3 =	vshll.u32 v4, $0x1  }
0x1f3: {  	[tilespmem:s21+$0x210] =	vst v2;
	v2 =	vor.u32 v0, v3;
	v3 =	vshll.u32 v5, $0x1  }
0x1f4: {  	[tilespmem:s21+$0x220] =	vst v2;
	v2 =	vor.u32 v0, v3  }
0x1f5: {  	s4 =	sadd.s32 $0x200, s21;
	[tilespmem:s21+$0x230] =	vst v2  }
0x1f6: {  	[tilespmem:s23], [sflag:$0x1] =	stream.indirect.gather [hbm4b:s1+s22], $0x40, s4, s22, $0xb8;
	[tilespmem:$0x1D000] =	vst v63  }
0x1f7: {  	_ =	swait.ge [sflag:s12], $0x1000  }
0x1f8: {  	[sflag:s12] =	ssyncset.done $0x0  }
0x1f9: {  	[sflag:s12] =	ssyncadd.s32 $0xFFFFF000  }
0x1fa: {  	v2 =	vld [tilespmem:s21+$0x240]  }
0x1fb: {  	v3 =	vld [tilespmem:s21+$0x250]  }
0x1fc: {  	v50 =	vld [tilespmem:s21+$0x260]  }
0x1fd: {  	v51 =	vld [tilespmem:s21+$0x270];
	_ =	sdelay $0x1  }
0x1fe: {  	v2 =	vshll.u32 v2, $0x1  }
0x1ff: {  	v3 =	vshll.u32 v3, $0x1;
	v2 =	vor.u32 v0, v2  }
0x200: {  	[tilespmem:s21+$0x240] =	vst v2;
	v2 =	vor.u32 v0, v3;
	v3 =	vshll.u32 v50, $0x1  }
0x201: {  	[tilespmem:s21+$0x250] =	vst v2;
	v2 =	vor.u32 v0, v3;
	v3 =	vshll.u32 v51, $0x1  }
0x202: {  	[tilespmem:s21+$0x260] =	vst v2;
	v2 =	vor.u32 v0, v3  }
0x203: {  	s4 =	sadd.s32 $0x240, s21;
	[tilespmem:s21+$0x270] =	vst v2  }
0x204: {  	[tilespmem:s24], [sflag:$0x2] =	stream.indirect.gather [hbm4b:s1+s22], $0x40, s4, s22, $0xb8;
	[tilespmem:$0x1D000] =	vst v63  }
0x205: {  	_ =	swait.ge [sflag:s13], $0x1000  }
0x206: {  	[sflag:s13] =	ssyncset.done $0x0  }
0x207: {  	[sflag:s13] =	ssyncadd.s32 $0xFFFFF000  }
0x208: {  	v2 =	vld [tilespmem:s21+$0x280]  }
0x209: {  	v3 =	vld [tilespmem:s21+$0x290]  }
0x20a: {  	v52 =	vld [tilespmem:s21+$0x2A0]  }
0x20b: {  	v53 =	vld [tilespmem:s21+$0x2B0];
	_ =	sdelay $0x1  }
0x20c: {  	v2 =	vshll.u32 v2, $0x1  }
0x20d: {  	v3 =	vshll.u32 v3, $0x1;
	v2 =	vor.u32 v0, v2  }
0x20e: {  	[tilespmem:s21+$0x280] =	vst v2;
	v2 =	vor.u32 v0, v3;
	v3 =	vshll.u32 v52, $0x1  }
0x20f: {  	[tilespmem:s21+$0x290] =	vst v2;
	v2 =	vor.u32 v0, v3;
	v3 =	vshll.u32 v53, $0x1  }
0x210: {  	[tilespmem:s21+$0x2A0] =	vst v2;
	v2 =	vor.u32 v0, v3  }
0x211: {  	s4 =	sadd.s32 $0x280, s21;
	[tilespmem:s21+$0x2B0] =	vst v2  }
0x212: {  	[tilespmem:s26], [sflag:$0x3] =	stream.indirect.gather [hbm4b:s1+s22], $0x40, s4, s22, $0xb8;
	[tilespmem:$0x1D000] =	vst v63  }
0x213: {  	_ =	swait.ge [sflag:s14], $0x1000  }
0x214: {  	[sflag:s14] =	ssyncset.done $0x0  }
0x215: {  	[sflag:s14] =	ssyncadd.s32 $0xFFFFF000  }
0x216: {  	v2 =	vld [tilespmem:s21+$0x2C0]  }
0x217: {  	v3 =	vld [tilespmem:s21+$0x2D0]  }
0x218: {  	v54 =	vld [tilespmem:s21+$0x2E0]  }
0x219: {  	v55 =	vld [tilespmem:s21+$0x2F0];
	_ =	sdelay $0x1  }
0x21a: {  	v2 =	vshll.u32 v2, $0x1  }
0x21b: {  	v3 =	vshll.u32 v3, $0x1;
	v2 =	vor.u32 v0, v2  }
0x21c: {  	[tilespmem:s21+$0x2C0] =	vst v2;
	v2 =	vor.u32 v0, v3;
	v3 =	vshll.u32 v54, $0x1  }
0x21d: {  	[tilespmem:s21+$0x2D0] =	vst v2;
	v2 =	vor.u32 v0, v3;
	v3 =	vshll.u32 v55, $0x1  }
0x21e: {  	[tilespmem:s21+$0x2E0] =	vst v2;
	v2 =	vor.u32 v0, v3  }
0x21f: {  	s4 =	sadd.s32 $0x2C0, s21;
	[tilespmem:s21+$0x2F0] =	vst v2  }
0x220: {  	[tilespmem:s29], [sflag:$0x4] =	stream.indirect.gather [hbm4b:s1+s22], $0x40, s4, s22, $0xb8;
	[tilespmem:$0x1D000] =	vst v63  }
0x221: {  	_ =	swait.ge [sflag:s15], $0x1000  }
0x222: {  	[sflag:s15] =	ssyncset.done $0x0  }
0x223: {  	[sflag:s15] =	ssyncadd.s32 $0xFFFFF000  }
0x224: {  	v2 =	vld [tilespmem:s21+$0x300]  }
0x225: {  	v3 =	vld [tilespmem:s21+$0x310]  }
0x226: {  	v56 =	vld [tilespmem:s21+$0x320]  }
0x227: {  	v57 =	vld [tilespmem:s21+$0x330];
	_ =	sdelay $0x1  }
0x228: {  	v2 =	vshll.u32 v2, $0x1  }
0x229: {  	v3 =	vshll.u32 v3, $0x1;
	v2 =	vor.u32 v0, v2  }
0x22a: {  	[tilespmem:s21+$0x300] =	vst v2;
	v2 =	vor.u32 v0, v3;
	v3 =	vshll.u32 v56, $0x1  }
0x22b: {  	[tilespmem:s21+$0x310] =	vst v2;
	v2 =	vor.u32 v0, v3;
	v3 =	vshll.u32 v57, $0x1  }
0x22c: {  	[tilespmem:s21+$0x320] =	vst v2;
	v2 =	vor.u32 v0, v3  }
0x22d: {  	s4 =	sadd.s32 $0x300, s21;
	[tilespmem:s21+$0x330] =	vst v2  }
0x22e: {  	[tilespmem:s31], [sflag:$0x5] =	stream.indirect.gather [hbm4b:s1+s22], $0x40, s4, s22, $0xb8;
	[tilespmem:$0x1D000] =	vst v63  }
0x22f: {  	_ =	swait.ge [sflag:s16], $0x1000  }
0x230: {  	[sflag:s16] =	ssyncset.done $0x0  }
0x231: {  	[sflag:s16] =	ssyncadd.s32 $0xFFFFF000  }
0x232: {  	v2 =	vld [tilespmem:s21+$0x340]  }
0x233: {  	v3 =	vld [tilespmem:s21+$0x350]  }
0x234: {  	v58 =	vld [tilespmem:s21+$0x360]  }
0x235: {  	v59 =	vld [tilespmem:s21+$0x370];
	_ =	sdelay $0x1  }
0x236: {  	v2 =	vshll.u32 v2, $0x1  }
0x237: {  	v3 =	vshll.u32 v3, $0x1;
	v2 =	vor.u32 v0, v2  }
0x238: {  	[tilespmem:s21+$0x340] =	vst v2;
	v2 =	vor.u32 v0, v3;
	v3 =	vshll.u32 v58, $0x1  }
0x239: {  	[tilespmem:s21+$0x350] =	vst v2;
	v2 =	vor.u32 v0, v3;
	v3 =	vshll.u32 v59, $0x1  }
0x23a: {  	[tilespmem:s21+$0x360] =	vst v2;
	v2 =	vor.u32 v0, v3  }
0x23b: {  	s4 =	sadd.s32 $0x340, s21;
	[tilespmem:s21+$0x370] =	vst v2  }
0x23c: {  	[tilespmem:s20], [sflag:$0x6] =	stream.indirect.gather [hbm4b:s1+s22], $0x40, s4, s22, $0xb8;
	[tilespmem:$0x1D000] =	vst v63  }
0x23d: {  	_ =	swait.ge [sflag:s17], $0x1000  }
0x23e: {  	[sflag:s17] =	ssyncset.done $0x0  }
0x23f: {  	[sflag:s17] =	ssyncadd.s32 $0xFFFFF000  }
0x240: {  	v2 =	vld [tilespmem:s21+$0x380]  }
0x241: {  	v3 =	vld [tilespmem:s21+$0x390]  }
0x242: {  	v60 =	vld [tilespmem:s21+$0x3A0]  }
0x243: {  	v61 =	vld [tilespmem:s21+$0x3B0];
	_ =	sdelay $0x1  }
0x244: {  	v2 =	vshll.u32 v2, $0x1  }
0x245: {  	v3 =	vshll.u32 v3, $0x1;
	v2 =	vor.u32 v0, v2  }
0x246: {  	[tilespmem:s21+$0x380] =	vst v2;
	v2 =	vor.u32 v0, v3;
	v3 =	vshll.u32 v60, $0x1  }
0x247: {  	[tilespmem:s21+$0x390] =	vst v2;
	v2 =	vor.u32 v0, v3;
	v3 =	vshll.u32 v61, $0x1  }
0x248: {  	[tilespmem:s21+$0x3A0] =	vst v2;
	v2 =	vor.u32 v0, v3  }
0x249: {  	s4 =	sadd.s32 $0x380, s21;
	[tilespmem:s21+$0x3B0] =	vst v2  }
0x24a: {  	[tilespmem:s28], [sflag:$0x7] =	stream.indirect.gather [hbm4b:s1+s22], $0x40, s4, s22, $0xb8;
	[tilespmem:$0x1D000] =	vst v63  }
0x24b: {  	_ =	swait.ge [sflag:s18], $0x1000  }
0x24c: {  	[sflag:s18] =	ssyncset.done $0x0  }
0x24d: {  	[sflag:s18] =	ssyncadd.s32 $0xFFFFF000  }
0x24e: {  	v2 =	vld [tilespmem:s21+$0x3C0]  }
0x24f: {  	v3 =	vld [tilespmem:s21+$0x3D0]  }
0x250: {  	v62 =	vld [tilespmem:s21+$0x3E0]  }
0x251: {  	v63 =	vld [tilespmem:s21+$0x3F0];
	_ =	sdelay $0x1  }
0x252: {  	v2 =	vshll.u32 v2, $0x1  }
0x253: {  	v3 =	vshll.u32 v3, $0x1;
	v2 =	vor.u32 v0, v2  }
.Ltmp3:
0x254: {  	[tilespmem:s21+$0x3C0] =	vst v2;
	v2 =	vor.u32 v0, v3;
	v3 =	vshll.u32 v62, $0x1;
	(pc) =	sbr.rel .LBB2_2-.Ltmp3, $4  }
0x255: {  	[tilespmem:s21+$0x3D0] =	vst v2;
	v2 =	vor.u32 v0, v3;
	v3 =	vshll.u32 v63, $0x1  }
0x256: {  	[tilespmem:s21+$0x3E0] =	vst v2;
	v2 =	vor.u32 v0, v3  }
0x257: {  	s7 =	sadd.s32 $0x800, s7;
	s4 =	sadd.s32 $0x3C0, s21;
	[tilespmem:s21+$0x3F0] =	vst v2  }
0x258: {  	[tilespmem:s2], [sflag:$0x8] =	stream.indirect.gather [hbm4b:s1+s22], $0x40, s4, s22, $0xb8;
	[tilespmem:$0x1D000] =	vst v63  }
.LBB2_5:
0x259: {  	_ =	sfence.sel $0x180000  }
0x25a: {  	[bflag:$0x0] =	sbarrier.arrive $0xFFFF  }
0x25b: {  	_ =	strace $0x90000047  }
0x25c: {  	s0 =	stileid.u32;
	[bflag:$0x2] =	sbarrier.arrive $0xFFFF  }
0x25d: {  	p0 =	sne.s32 s0, $0x0;
	s0 =	rddreg [dreg:$0x4]  }
0x25e: {  	s0 =	sadd.s32 @!p0 $0x100000, s0  }
0x25f: {  	[sflag:s0] =	ssyncadd.tile.s32 @!p0 $0x1;
	_ =	shalt  }
.Lfunc_end2:
_tile_overlayer_lowered:
.L_overlay_start_2:
0x260: {  	(tag) =	ssettag $0x2  }
0x261: {  	s0 =	rddreg [dreg:$0x0];
	s2 =	stileid.u32  }
0x262: {  	s1 =	rddreg [dreg:$0x1];
	p0 =	sne.s32 s2, $0x0  }
0x263: {  	s3 =	rddreg [dreg:$0x2];
	[bflag:$0x3] =	sbarrier.arrive $0xFFFF;
	s2 =	simm.s32 @!p0 $0x1C11  }
0x264: {  	[timem:s3], [sflag:s2] =	dma.local @!p0 [hbm:s0], s1  }
0x265: {  	s0 =	simm.s32 @!p0 $0x11  }
0x266: {  	_ =	swait.ge @!p0 [sflag:s0], s1  }
0x267: {  	s1 =	ssub.s32 @!p0 $0x0, s1;
	[sflag:s0] =	ssyncset.done @!p0 $0x0  }
0x268: {  	[sflag:s0] =	ssyncadd.s32 @!p0 s1  }
0x269: {  	[bflag:$0x3] =	sbarrier.arrive $0xFFFF  }
0x26a: {  	_ =	shalt  }

</sc_bundles>
